<compile_context>
chip_gen: v7x
topology: tpu7x:2x2x1
jax: 0.10.2.dev20260603
libtpu: 0.0.44.dev20260713+nightly
codegen_flags: <defaults>
</compile_context>

<pallas_src>
import math

import jax
import jax.numpy as jnp
from jax import lax
from jax.experimental import pallas as pl
from jax.experimental.pallas import tpu as pltpu
from jax.experimental.pallas import tpu_sc as plsc

NUM_CORES = 2
NUM_SUBCORES = 16
LANES = 16
NW = NUM_CORES * NUM_SUBCORES

BATCH = 16384
HIDDEN = 64
NROWS = 1000000
PAIR_BS = 4096
PROWS = PAIR_BS * math.ceil(NROWS / (4 * PAIR_BS))
PAIR_SH = PAIR_BS.bit_length() - 1
PAIR_NBLK = math.ceil(NROWS / PAIR_BS)
B_PER_W = BATCH // NW
CHUNK = 128
NCHUNKS = B_PER_W // CHUNK
RS_BLK = 32768


def _pack4(x0, x1, x2, x3):
    def two(a, b):
        t = jnp.concatenate([a, b], axis=0).T
        w = lax.bitcast_convert_type(
            t.astype(jnp.bfloat16), jnp.uint16)
        return (w[:, :HIDDEN].astype(jnp.uint32)
                | (w[:, HIDDEN:].astype(jnp.uint32) << 16))
    q = jnp.concatenate([two(x0, x1), two(x2, x3)], axis=1)
    return lax.bitcast_convert_type(q, jnp.int32)


def _prep_body(u0, u1, u2, u3, i0, i1, i2, i3, b0, b1, b2, b3,
               c0, c1, c2, c3, ou_ref, oi_ref, obu_ref, obi_ref):
    ou_ref[...] = _pack4(u0[...], u1[...], u2[...], u3[...])
    oi_ref[...] = _pack4(i0[...], i1[...], i2[...], i3[...])
    obu_ref[...] = jnp.concatenate(
        [jnp.sum(b0[...], axis=0), jnp.sum(b1[...], axis=0),
         jnp.sum(b2[...], axis=0), jnp.sum(b3[...], axis=0)])
    obi_ref[...] = jnp.concatenate(
        [jnp.sum(c0[...], axis=0), jnp.sum(c1[...], axis=0),
         jnp.sum(c2[...], axis=0), jnp.sum(c3[...], axis=0)])


def _prep(uf_cols, if_cols, ub_cols, ib_cols):
    grid = (math.ceil(NROWS / (4 * PAIR_BS)),)
    nb = PAIR_NBLK

    def blk(k):
        return pl.BlockSpec(
            (HIDDEN, PAIR_BS), lambda i, k=k: (0, jnp.minimum(4 * i + k,
                                                              nb - 1)))

    return pl.pallas_call(
        _prep_body,
        grid=grid,
        in_specs=[blk(0), blk(1), blk(2), blk(3)] * 4,
        out_specs=(
            pl.BlockSpec((PAIR_BS, 2 * HIDDEN), lambda i: (i, 0)),
            pl.BlockSpec((PAIR_BS, 2 * HIDDEN), lambda i: (i, 0)),
            pl.BlockSpec((4 * PAIR_BS,), lambda i: (i,)),
            pl.BlockSpec((4 * PAIR_BS,), lambda i: (i,)),
        ),
        out_shape=(
            jax.ShapeDtypeStruct((PROWS, 2 * HIDDEN), jnp.int32),
            jax.ShapeDtypeStruct((PROWS, 2 * HIDDEN), jnp.int32),
            jax.ShapeDtypeStruct((NROWS,), jnp.float32),
            jax.ShapeDtypeStruct((NROWS,), jnp.float32),
        ),
    )(uf_cols, uf_cols, uf_cols, uf_cols,
      if_cols, if_cols, if_cols, if_cols,
      ub_cols, ub_cols, ub_cols, ub_cols,
      ib_cols, ib_cols, ib_cols, ib_cols)


def _sc_body(users_hbm, items_hbm, fu_hbm, fi_hbm, bu_hbm, bi_hbm, out_hbm,
             raw_u, raw_i, pid_u, pid_i, fub, fib, bub, bib, out_buf, sem):
    wid = lax.axis_index("s") * NUM_CORES + lax.axis_index("c")
    base = wid * NCHUNKS

    pltpu.sync_copy(users_hbm.at[pl.ds(base, NCHUNKS)], raw_u)
    pltpu.sync_copy(items_hbm.at[pl.ds(base, NCHUNKS)], raw_i)

    lane = jnp.arange(LANES, dtype=jnp.int32)

    for c in range(NCHUNKS):
        for g in range(CHUNK // LANES):
            s = pl.ds(g * LANES, LANES)
            u = raw_u.at[c][s]
            v = raw_i.at[c][s]
            pid_u.at[c][s] = (
                ((u >> (PAIR_SH + 2)) << PAIR_SH) | (u & (PAIR_BS - 1)))
            pid_i.at[c][s] = (
                ((v >> (PAIR_SH + 2)) << PAIR_SH) | (v & (PAIR_BS - 1)))

    for c in range(NCHUNKS):
        cps = [
            pltpu.async_copy(fu_hbm.at[pid_u.at[c]], fub, sem),
            pltpu.async_copy(fi_hbm.at[pid_i.at[c]], fib, sem),
            pltpu.async_copy(bu_hbm.at[raw_u.at[c]], bub, sem),
            pltpu.async_copy(bi_hbm.at[raw_i.at[c]], bib, sem),
        ]
        for cp in cps:
            cp.wait()

        for g in range(CHUNK // LANES):
            s = pl.ds(g * LANES, LANES)
            row = g * LANES + lane
            ru = raw_u.at[c][s]
            ri = raw_i.at[c][s]
            cu0 = ((ru >> (PAIR_SH + 1)) & 1) << 6
            ci0 = ((ri >> (PAIR_SH + 1)) & 1) << 6
            usel = ((ru >> PAIR_SH) & 1) == 1
            isel = ((ri >> PAIR_SH) & 1) == 1
            acc0 = bub[s] + bib[s]

            def h_step(h, acc):
                uw = plsc.load_gather(fub, [row, cu0 + h])
                vw = plsc.load_gather(fib, [row, ci0 + h])
                ulo, uhi = plsc.unpack(
                    plsc.bitcast(uw, jnp.bfloat16),
                    format=plsc.PackFormat.INTERLEAVED,
                    preferred_element_type=jnp.float32)
                vlo, vhi = plsc.unpack(
                    plsc.bitcast(vw, jnp.bfloat16),
                    format=plsc.PackFormat.INTERLEAVED,
                    preferred_element_type=jnp.float32)
                uu = jnp.where(usel, uhi, ulo)
                vv = jnp.where(isel, vhi, vlo)
                return acc + uu * vv

            acc = lax.fori_loop(0, HIDDEN, h_step, acc0)
            out_buf[pl.ds(c * CHUNK + g * LANES, LANES)] = acc

    pltpu.sync_copy(out_buf, out_hbm.at[pl.ds(wid * B_PER_W, B_PER_W)])


@jax.jit
def _run(users2d, items2d, fu_p, fi_p, bu_sum, bi_sum):
    mesh = plsc.VectorSubcoreMesh(
        core_axis_name="c", subcore_axis_name="s",
        num_cores=NUM_CORES, num_subcores=NUM_SUBCORES)
    return pl.kernel(
        _sc_body,
        out_type=jax.ShapeDtypeStruct((BATCH,), jnp.float32),
        mesh=mesh,
        compiler_params=pltpu.CompilerParams(
            needs_layout_passes=False, use_tc_tiling_on_sc=True),
        scratch_types=[
            pltpu.VMEM((NCHUNKS, CHUNK), jnp.int32),
            pltpu.VMEM((NCHUNKS, CHUNK), jnp.int32),
            pltpu.VMEM((NCHUNKS, CHUNK), jnp.int32),
            pltpu.VMEM((NCHUNKS, CHUNK), jnp.int32),
            pltpu.VMEM((CHUNK, 2 * HIDDEN), jnp.int32),
            pltpu.VMEM((CHUNK, 2 * HIDDEN), jnp.int32),
            pltpu.VMEM((CHUNK,), jnp.float32),
            pltpu.VMEM((CHUNK,), jnp.float32),
            pltpu.VMEM((B_PER_W,), jnp.float32),
            pltpu.SemaphoreType.DMA,
        ],
    )(users2d, items2d, fu_p, fi_p, bu_sum, bi_sum)


def kernel(users, items, user_factors, item_factors, user_biases,
           item_biases):
    grid = (NW * NCHUNKS, CHUNK)
    users2d = users.reshape(grid)
    items2d = items.reshape(grid)
    fu_p, fi_p, bu_sum, bi_sum = _prep(
        jnp.swapaxes(user_factors, 0, 1),
        jnp.swapaxes(item_factors, 0, 1),
        jnp.swapaxes(user_biases, 0, 1),
        jnp.swapaxes(item_biases, 0, 1))
    out = _run(users2d, items2d, fu_p, fi_p, bu_sum, bi_sum)
    return out.reshape(BATCH, 1)

# --- scband reference (transcript-rebuilt; emitter-appended) ---
"""Pipeline reference for scband-mfwith-bias-model-17463337026180 (READ-ONLY COPY).

The authoritative reference and input builder live on the scoring server;
editing this copy changes nothing except your own understanding.
"""

import jax, jax.numpy as jnp
import numpy as np

NUSERS = 1000000
NITEMS = 1000000
HIDDEN = 64
BATCH = 16384

def setup_inputs(seed: int = 0) -> dict:
    key = jax.random.key(seed)
    k1, k2, k3, k4, k5, k6 = jax.random.split(key, 6)
    users = jax.random.randint(k1, (BATCH,), 0, NUSERS, dtype=jnp.int64 if jax.config.jax_enable_x64 else jnp.int32).astype(jnp.int32)
    items = jax.random.randint(k2, (BATCH,), 0, NITEMS, dtype=jnp.int32)
    user_factors = jax.random.normal(k3, (NUSERS, HIDDEN), dtype=jnp.float32)
    item_factors = jax.random.normal(k4, (NITEMS, HIDDEN), dtype=jnp.float32)
    user_biases = jax.random.normal(k5, (NUSERS, HIDDEN), dtype=jnp.float32)
    item_biases = jax.random.normal(k6, (NITEMS, HIDDEN), dtype=jnp.float32)
    return {
        "users": users,
        "items": items,
        "user_factors": user_factors,
        "item_factors": item_factors,
        "user_biases": user_biases,
        "item_biases": item_biases,
    }

def reference(users, items, user_factors, item_factors, user_biases, item_biases):
    bias_sum = jnp.take(user_biases, users, axis=0) + jnp.take(item_biases, items, axis=0)
    user_emb = jnp.take(user_factors, users, axis=0)
    item_emb = jnp.take(item_factors, items, axis=0)
    product_with_bias = user_emb * item_emb + bias_sum
    return jnp.sum(product_with_bias, axis=1, keepdims=True)

if __name__ == "__main__":
    import jax
    _d = setup_inputs()
    print(jax.jit(kernel)(*tuple(_d.values())))

</pallas_src>

<mosaic_0001>
#map = affine_map<(d0, d1) -> (0, 0)>
#map1 = affine_map<(d0, d1) -> (0)>
module attributes {stable_mosaic.version = 14 : i64} {
  func.func @_sc_body(%arg0: i32, %arg1: i32, %arg2: memref<128x128xi32, #tpu.memory_space<hbm>>, %arg3: memref<128x128xi32, #tpu.memory_space<hbm>>, %arg4: memref<253952x128xi32, #tpu.memory_space<hbm>>, %arg5: memref<253952x128xi32, #tpu.memory_space<hbm>>, %arg6: memref<1000000xf32, #tpu.memory_space<hbm>>, %arg7: memref<1000000xf32, #tpu.memory_space<hbm>>, %arg8: memref<16384xf32, #tpu.memory_space<hbm>>, %arg9: memref<4x128xi32, #tpu.memory_space<vmem>>, %arg10: memref<4x128xi32, #tpu.memory_space<vmem>>, %arg11: memref<4x128xi32, #tpu.memory_space<vmem>>, %arg12: memref<4x128xi32, #tpu.memory_space<vmem>>, %arg13: memref<128x128xi32, #tpu.memory_space<vmem>>, %arg14: memref<128x128xi32, #tpu.memory_space<vmem>>, %arg15: memref<128xf32, #tpu.memory_space<vmem>>, %arg16: memref<128xf32, #tpu.memory_space<vmem>>, %arg17: memref<512xf32, #tpu.memory_space<vmem>>, %arg18: memref<!tpu.dma_semaphore, #tpu.memory_space<semaphore_mem>>) attributes {dimension_semantics = [#tpu.dimension_semantics<core_parallel>, #tpu.dimension_semantics<subcore_parallel>], iteration_bounds = array<i64: 2, 16>, scalar_prefetch = 0 : i64, scratch_operands = 10 : i64, tpu.core_type = #tpu.core_type<sc_vector_subcore>, window_params = [{transform_indices = #map}, {transform_indices = #map}, {transform_indices = #map}, {transform_indices = #map}, {transform_indices = #map1}, {transform_indices = #map1}, {transform_indices = #map1}]} {
    %mul3A = arith.constant 2 : i32
    %mul3A_0 = arith.muli %arg1, %mul3A : i32
    %add3A = arith.addi %mul3A_0, %arg0 : i32
    %mul3A_1 = arith.constant 4 : i32
    %mul3A_2 = arith.muli %add3A, %mul3A_1 : i32
    "tpu.region"() ({
      %run_scoped3A = tpu.sem_alloc : memref<!tpu.dma_semaphore, #tpu.memory_space<semaphore_mem>>
      %dma_start3A_3659 = arith.constant 0 : i32
      %dma_start3A_3660 = tpu.memref_slice %arg2[%mul3A_2, %dma_start3A_3659] : memref<128x128xi32, #tpu.memory_space<hbm>> -> memref<4x128xi32, #tpu.memory_space<hbm>>
      %dma_start3A_3661 = arith.constant 0 : i32
      %dma_start3A_3662 = tpu.memref_slice %arg2[%mul3A_2, %dma_start3A_3661] : memref<128x128xi32, #tpu.memory_space<hbm>> -> memref<4x128xi32, #tpu.memory_space<hbm>>
      tpu.enqueue_dma source(%dma_start3A_3662 : memref<4x128xi32, #tpu.memory_space<hbm>>) target(%arg9 : memref<4x128xi32, #tpu.memory_space<vmem>>) target_semaphore(%run_scoped3A : memref<!tpu.dma_semaphore, #tpu.memory_space<semaphore_mem>>)
      %dma_wait3A_3663 = arith.constant 0 : i32
      %dma_wait3A_3664 = tpu.memref_slice %arg2[%mul3A_2, %dma_wait3A_3663] : memref<128x128xi32, #tpu.memory_space<hbm>> -> memref<4x128xi32, #tpu.memory_space<hbm>>
      %dma_wait3A_3665 = arith.constant 0 : i32
      %dma_wait3A_3666 = tpu.memref_slice %arg2[%mul3A_2, %dma_wait3A_3665] : memref<128x128xi32, #tpu.memory_space<hbm>> -> memref<4x128xi32, #tpu.memory_space<hbm>>
      tpu.wait_dma2 semaphore(%run_scoped3A : memref<!tpu.dma_semaphore, #tpu.memory_space<semaphore_mem>>) src(%dma_wait3A_3666 : memref<4x128xi32, #tpu.memory_space<hbm>>) dst(%arg9 : memref<4x128xi32, #tpu.memory_space<vmem>>)
      tpu.yield
    }) : () -> ()
    "tpu.region"() ({
      %run_scoped3A = tpu.sem_alloc : memref<!tpu.dma_semaphore, #tpu.memory_space<semaphore_mem>>
      %dma_start3A_3659 = arith.constant 0 : i32
      %dma_start3A_3660 = tpu.memref_slice %arg3[%mul3A_2, %dma_start3A_3659] : memref<128x128xi32, #tpu.memory_space<hbm>> -> memref<4x128xi32, #tpu.memory_space<hbm>>
      %dma_start3A_3661 = arith.constant 0 : i32
      %dma_start3A_3662 = tpu.memref_slice %arg3[%mul3A_2, %dma_start3A_3661] : memref<128x128xi32, #tpu.memory_space<hbm>> -> memref<4x128xi32, #tpu.memory_space<hbm>>
      tpu.enqueue_dma source(%dma_start3A_3662 : memref<4x128xi32, #tpu.memory_space<hbm>>) target(%arg10 : memref<4x128xi32, #tpu.memory_space<vmem>>) target_semaphore(%run_scoped3A : memref<!tpu.dma_semaphore, #tpu.memory_space<semaphore_mem>>)
      %dma_wait3A_3663 = arith.constant 0 : i32
      %dma_wait3A_3664 = tpu.memref_slice %arg3[%mul3A_2, %dma_wait3A_3663] : memref<128x128xi32, #tpu.memory_space<hbm>> -> memref<4x128xi32, #tpu.memory_space<hbm>>
      %dma_wait3A_3665 = arith.constant 0 : i32
      %dma_wait3A_3666 = tpu.memref_slice %arg3[%mul3A_2, %dma_wait3A_3665] : memref<128x128xi32, #tpu.memory_space<hbm>> -> memref<4x128xi32, #tpu.memory_space<hbm>>
      tpu.wait_dma2 semaphore(%run_scoped3A : memref<!tpu.dma_semaphore, #tpu.memory_space<semaphore_mem>>) src(%dma_wait3A_3666 : memref<4x128xi32, #tpu.memory_space<hbm>>) dst(%arg10 : memref<4x128xi32, #tpu.memory_space<vmem>>)
      tpu.yield
    }) : () -> ()
    %iota3A = tpu.iota {dimensions = array<i32: 0>} : vector<16xi32>
    %get3A = arith.constant 0 : i32
    %get3A_3 = arith.constant 0 : i32
    %get3A_4 = tpu.memref_slice %arg9[%get3A, %get3A_3] : memref<4x128xi32, #tpu.memory_space<vmem>> -> memref<1x128xi32, #tpu.memory_space<vmem>>
    %get3A_5 = tpu.memref_squeeze %get3A_4 : memref<1x128xi32, #tpu.memory_space<vmem>> -> memref<128xi32, #tpu.memory_space<vmem>>
    %get3A_6 = arith.constant 0 : index
    %get3A_7 = tpu.vector_load %get3A_5[%get3A_6] {strides = array<i32>} : memref<128xi32, #tpu.memory_space<vmem>>, vector<16xi32>,
    %get3A_8 = arith.constant 0 : i32
    %get3A_9 = arith.constant 0 : i32
    %get3A_10 = tpu.memref_slice %arg10[%get3A_8, %get3A_9] : memref<4x128xi32, #tpu.memory_space<vmem>> -> memref<1x128xi32, #tpu.memory_space<vmem>>
    %get3A_11 = tpu.memref_squeeze %get3A_10 : memref<1x128xi32, #tpu.memory_space<vmem>> -> memref<128xi32, #tpu.memory_space<vmem>>
    %get3A_12 = arith.constant 0 : index
    %get3A_13 = tpu.vector_load %get3A_11[%get3A_12] {strides = array<i32>} : memref<128xi32, #tpu.memory_space<vmem>>, vector<16xi32>,
    %shift_right_arithmetic3A = arith.constant 14 : i32
    %shift_right_arithmetic3A_14 = vector.broadcast %shift_right_arithmetic3A : i32 to vector<16xi32>
    %shift_right_arithmetic3A_15 = arith.shrsi %get3A_7, %shift_right_arithmetic3A_14 : vector<16xi32>
    %shift_left3A = arith.constant 12 : i32
    %shift_left3A_16 = vector.broadcast %shift_left3A : i32 to vector<16xi32>
    %shift_left3A_17 = arith.shli %shift_right_arithmetic3A_15, %shift_left3A_16 : vector<16xi32>
    %and3A = arith.constant 4095 : i32
    %and3A_18 = vector.broadcast %and3A : i32 to vector<16xi32>
    %and3A_19 = arith.andi %get3A_7, %and3A_18 : vector<16xi32>
    %or3A = arith.ori %shift_left3A_17, %and3A_19 : vector<16xi32>
    %swap3A = arith.constant 0 : i32
    %swap3A_20 = arith.constant 0 : i32
    %swap3A_21 = tpu.memref_slice %arg11[%swap3A, %swap3A_20] : memref<4x128xi32, #tpu.memory_space<vmem>> -> memref<1x128xi32, #tpu.memory_space<vmem>>
    %swap3A_22 = tpu.memref_squeeze %swap3A_21 : memref<1x128xi32, #tpu.memory_space<vmem>> -> memref<128xi32, #tpu.memory_space<vmem>>
    %swap3A_23 = arith.constant 0 : index
    %swap3A_24 = tpu.vector_load %swap3A_22[%swap3A_23] {strides = array<i32>} : memref<128xi32, #tpu.memory_space<vmem>>, vector<16xi32>,
    tpu.vector_store %swap3A_22[%swap3A_23], %or3A {strides = array<i32>} : memref<128xi32, #tpu.memory_space<vmem>>, vector<16xi32>,
    %shift_right_arithmetic3A_25 = arith.constant 14 : i32
    %shift_right_arithmetic3A_26 = vector.broadcast %shift_right_arithmetic3A_25 : i32 to vector<16xi32>
    %shift_right_arithmetic3A_27 = arith.shrsi %get3A_13, %shift_right_arithmetic3A_26 : vector<16xi32>
    %shift_left3A_28 = arith.constant 12 : i32
    %shift_left3A_29 = vector.broadcast %shift_left3A_28 : i32 to vector<16xi32>
    %shift_left3A_30 = arith.shli %shift_right_arithmetic3A_27, %shift_left3A_29 : vector<16xi32>
    %and3A_31 = arith.constant 4095 : i32
    %and3A_32 = vector.broadcast %and3A_31 : i32 to vector<16xi32>
    %and3A_33 = arith.andi %get3A_13, %and3A_32 : vector<16xi32>
    %or3A_34 = arith.ori %shift_left3A_30, %and3A_33 : vector<16xi32>
    %swap3A_35 = arith.constant 0 : i32
    %swap3A_36 = arith.constant 0 : i32
    %swap3A_37 = tpu.memref_slice %arg12[%swap3A_35, %swap3A_36] : memref<4x128xi32, #tpu.memory_space<vmem>> -> memref<1x128xi32, #tpu.memory_space<vmem>>
    %swap3A_38 = tpu.memref_squeeze %swap3A_37 : memref<1x128xi32, #tpu.memory_space<vmem>> -> memref<128xi32, #tpu.memory_space<vmem>>
    %swap3A_39 = arith.constant 0 : index
    %swap3A_40 = tpu.vector_load %swap3A_38[%swap3A_39] {strides = array<i32>} : memref<128xi32, #tpu.memory_space<vmem>>, vector<16xi32>,
    tpu.vector_store %swap3A_38[%swap3A_39], %or3A_34 {strides = array<i32>} : memref<128xi32, #tpu.memory_space<vmem>>, vector<16xi32>,
    %get3A_41 = arith.constant 0 : i32
    %get3A_42 = arith.constant 0 : i32
    %get3A_43 = tpu.memref_slice %arg9[%get3A_41, %get3A_42] : memref<4x128xi32, #tpu.memory_space<vmem>> -> memref<1x128xi32, #tpu.memory_space<vmem>>
    %get3A_44 = tpu.memref_squeeze %get3A_43 : memref<1x128xi32, #tpu.memory_space<vmem>> -> memref<128xi32, #tpu.memory_space<vmem>>
    %get3A_45 = arith.constant 16 : index
    %get3A_46 = tpu.vector_load %get3A_44[%get3A_45] {strides = array<i32>} : memref<128xi32, #tpu.memory_space<vmem>>, vector<16xi32>,
    %get3A_47 = arith.constant 0 : i32
    %get3A_48 = arith.constant 0 : i32
    %get3A_49 = tpu.memref_slice %arg10[%get3A_47, %get3A_48] : memref<4x128xi32, #tpu.memory_space<vmem>> -> memref<1x128xi32, #tpu.memory_space<vmem>>
    %get3A_50 = tpu.memref_squeeze %get3A_49 : memref<1x128xi32, #tpu.memory_space<vmem>> -> memref<128xi32, #tpu.memory_space<vmem>>
    %get3A_51 = arith.constant 16 : index
    %get3A_52 = tpu.vector_load %get3A_50[%get3A_51] {strides = array<i32>} : memref<128xi32, #tpu.memory_space<vmem>>, vector<16xi32>,
    %shift_right_arithmetic3A_53 = arith.constant 14 : i32
    %shift_right_arithmetic3A_54 = vector.broadcast %shift_right_arithmetic3A_53 : i32 to vector<16xi32>
    %shift_right_arithmetic3A_55 = arith.shrsi %get3A_46, %shift_right_arithmetic3A_54 : vector<16xi32>
    %shift_left3A_56 = arith.constant 12 : i32
    %shift_left3A_57 = vector.broadcast %shift_left3A_56 : i32 to vector<16xi32>
    %shift_left3A_58 = arith.shli %shift_right_arithmetic3A_55, %shift_left3A_57 : vector<16xi32>
    %and3A_59 = arith.constant 4095 : i32
    %and3A_60 = vector.broadcast %and3A_59 : i32 to vector<16xi32>
    %and3A_61 = arith.andi %get3A_46, %and3A_60 : vector<16xi32>
    %or3A_62 = arith.ori %shift_left3A_58, %and3A_61 : vector<16xi32>
    %swap3A_63 = arith.constant 0 : i32
    %swap3A_64 = arith.constant 0 : i32
    %swap3A_65 = tpu.memref_slice %arg11[%swap3A_63, %swap3A_64] : memref<4x128xi32, #tpu.memory_space<vmem>> -> memref<1x128xi32, #tpu.memory_space<vmem>>
    %swap3A_66 = tpu.memref_squeeze %swap3A_65 : memref<1x128xi32, #tpu.memory_space<vmem>> -> memref<128xi32, #tpu.memory_space<vmem>>
    %swap3A_67 = arith.constant 16 : index
    %swap3A_68 = tpu.vector_load %swap3A_66[%swap3A_67] {strides = array<i32>} : memref<128xi32, #tpu.memory_space<vmem>>, vector<16xi32>,
    tpu.vector_store %swap3A_66[%swap3A_67], %or3A_62 {strides = array<i32>} : memref<128xi32, #tpu.memory_space<vmem>>, vector<16xi32>,
    %shift_right_arithmetic3A_69 = arith.constant 14 : i32
    %shift_right_arithmetic3A_70 = vector.broadcast %shift_right_arithmetic3A_69 : i32 to vector<16xi32>
    %shift_right_arithmetic3A_71 = arith.shrsi %get3A_52, %shift_right_arithmetic3A_70 : vector<16xi32>
    %shift_left3A_72 = arith.constant 12 : i32
    %shift_left3A_73 = vector.broadcast %shift_left3A_72 : i32 to vector<16xi32>
    %shift_left3A_74 = arith.shli %shift_right_arithmetic3A_71, %shift_left3A_73 : vector<16xi32>
    %and3A_75 = arith.constant 4095 : i32
    %and3A_76 = vector.broadcast %and3A_75 : i32 to vector<16xi32>
    %and3A_77 = arith.andi %get3A_52, %and3A_76 : vector<16xi32>
    %or3A_78 = arith.ori %shift_left3A_74, %and3A_77 : vector<16xi32>
    %swap3A_79 = arith.constant 0 : i32
    %swap3A_80 = arith.constant 0 : i32
    %swap3A_81 = tpu.memref_slice %arg12[%swap3A_79, %swap3A_80] : memref<4x128xi32, #tpu.memory_space<vmem>> -> memref<1x128xi32, #tpu.memory_space<vmem>>
    %swap3A_82 = tpu.memref_squeeze %swap3A_81 : memref<1x128xi32, #tpu.memory_space<vmem>> -> memref<128xi32, #tpu.memory_space<vmem>>
    %swap3A_83 = arith.constant 16 : index
    %swap3A_84 = tpu.vector_load %swap3A_82[%swap3A_83] {strides = array<i32>} : memref<128xi32, #tpu.memory_space<vmem>>, vector<16xi32>,
    tpu.vector_store %swap3A_82[%swap3A_83], %or3A_78 {strides = array<i32>} : memref<128xi32, #tpu.memory_space<vmem>>, vector<16xi32>,
    %get3A_85 = arith.constant 0 : i32
    %get3A_86 = arith.constant 0 : i32
    %get3A_87 = tpu.memref_slice %arg9[%get3A_85, %get3A_86] : memref<4x128xi32, #tpu.memory_space<vmem>> -> memref<1x128xi32, #tpu.memory_space<vmem>>
    %get3A_88 = tpu.memref_squeeze %get3A_87 : memref<1x128xi32, #tpu.memory_space<vmem>> -> memref<128xi32, #tpu.memory_space<vmem>>
    %get3A_89 = arith.constant 32 : index
    %get3A_90 = tpu.vector_load %get3A_88[%get3A_89] {strides = array<i32>} : memref<128xi32, #tpu.memory_space<vmem>>, vector<16xi32>,
    %get3A_91 = arith.constant 0 : i32
    %get3A_92 = arith.constant 0 : i32
    %get3A_93 = tpu.memref_slice %arg10[%get3A_91, %get3A_92] : memref<4x128xi32, #tpu.memory_space<vmem>> -> memref<1x128xi32, #tpu.memory_space<vmem>>
    %get3A_94 = tpu.memref_squeeze %get3A_93 : memref<1x128xi32, #tpu.memory_space<vmem>> -> memref<128xi32, #tpu.memory_space<vmem>>
    %get3A_95 = arith.constant 32 : index
    %get3A_96 = tpu.vector_load %get3A_94[%get3A_95] {strides = array<i32>} : memref<128xi32, #tpu.memory_space<vmem>>, vector<16xi32>,
    %shift_right_arithmetic3A_97 = arith.constant 14 : i32
    %shift_right_arithmetic3A_98 = vector.broadcast %shift_right_arithmetic3A_97 : i32 to vector<16xi32>
    %shift_right_arithmetic3A_99 = arith.shrsi %get3A_90, %shift_right_arithmetic3A_98 : vector<16xi32>
    %shift_left3A_100 = arith.constant 12 : i32
    %shift_left3A_101 = vector.broadcast %shift_left3A_100 : i32 to vector<16xi32>
    %shift_left3A_102 = arith.shli %shift_right_arithmetic3A_99, %shift_left3A_101 : vector<16xi32>
    %and3A_103 = arith.constant 4095 : i32
    %and3A_104 = vector.broadcast %and3A_103 : i32 to vector<16xi32>
    %and3A_105 = arith.andi %get3A_90, %and3A_104 : vector<16xi32>
    %or3A_106 = arith.ori %shift_left3A_102, %and3A_105 : vector<16xi32>
    %swap3A_107 = arith.constant 0 : i32
    %swap3A_108 = arith.constant 0 : i32
    %swap3A_109 = tpu.memref_slice %arg11[%swap3A_107, %swap3A_108] : memref<4x128xi32, #tpu.memory_space<vmem>> -> memref<1x128xi32, #tpu.memory_space<vmem>>
    %swap3A_110 = tpu.memref_squeeze %swap3A_109 : memref<1x128xi32, #tpu.memory_space<vmem>> -> memref<128xi32, #tpu.memory_space<vmem>>
    %swap3A_111 = arith.constant 32 : index
    %swap3A_112 = tpu.vector_load %swap3A_110[%swap3A_111] {strides = array<i32>} : memref<128xi32, #tpu.memory_space<vmem>>, vector<16xi32>,
    tpu.vector_store %swap3A_110[%swap3A_111], %or3A_106 {strides = array<i32>} : memref<128xi32, #tpu.memory_space<vmem>>, vector<16xi32>,
    %shift_right_arithmetic3A_113 = arith.constant 14 : i32
    %shift_right_arithmetic3A_114 = vector.broadcast %shift_right_arithmetic3A_113 : i32 to vector<16xi32>
    %shift_right_arithmetic3A_115 = arith.shrsi %get3A_96, %shift_right_arithmetic3A_114 : vector<16xi32>
    %shift_left3A_116 = arith.constant 12 : i32
    %shift_left3A_117 = vector.broadcast %shift_left3A_116 : i32 to vector<16xi32>
    %shift_left3A_118 = arith.shli %shift_right_arithmetic3A_115, %shift_left3A_117 : vector<16xi32>
    %and3A_119 = arith.constant 4095 : i32
    %and3A_120 = vector.broadcast %and3A_119 : i32 to vector<16xi32>
    %and3A_121 = arith.andi %get3A_96, %and3A_120 : vector<16xi32>
    %or3A_122 = arith.ori %shift_left3A_118, %and3A_121 : vector<16xi32>
    %swap3A_123 = arith.constant 0 : i32
    %swap3A_124 = arith.constant 0 : i32
    %swap3A_125 = tpu.memref_slice %arg12[%swap3A_123, %swap3A_124] : memref<4x128xi32, #tpu.memory_space<vmem>> -> memref<1x128xi32, #tpu.memory_space<vmem>>
    %swap3A_126 = tpu.memref_squeeze %swap3A_125 : memref<1x128xi32, #tpu.memory_space<vmem>> -> memref<128xi32, #tpu.memory_space<vmem>>
    %swap3A_127 = arith.constant 32 : index
    %swap3A_128 = tpu.vector_load %swap3A_126[%swap3A_127] {strides = array<i32>} : memref<128xi32, #tpu.memory_space<vmem>>, vector<16xi32>,
    tpu.vector_store %swap3A_126[%swap3A_127], %or3A_122 {strides = array<i32>} : memref<128xi32, #tpu.memory_space<vmem>>, vector<16xi32>,
    %get3A_129 = arith.constant 0 : i32
    %get3A_130 = arith.constant 0 : i32
    %get3A_131 = tpu.memref_slice %arg9[%get3A_129, %get3A_130] : memref<4x128xi32, #tpu.memory_space<vmem>> -> memref<1x128xi32, #tpu.memory_space<vmem>>
    %get3A_132 = tpu.memref_squeeze %get3A_131 : memref<1x128xi32, #tpu.memory_space<vmem>> -> memref<128xi32, #tpu.memory_space<vmem>>
    %get3A_133 = arith.constant 48 : index
    %get3A_134 = tpu.vector_load %get3A_132[%get3A_133] {strides = array<i32>} : memref<128xi32, #tpu.memory_space<vmem>>, vector<16xi32>,
    %get3A_135 = arith.constant 0 : i32
    %get3A_136 = arith.constant 0 : i32
    %get3A_137 = tpu.memref_slice %arg10[%get3A_135, %get3A_136] : memref<4x128xi32, #tpu.memory_space<vmem>> -> memref<1x128xi32, #tpu.memory_space<vmem>>
    %get3A_138 = tpu.memref_squeeze %get3A_137 : memref<1x128xi32, #tpu.memory_space<vmem>> -> memref<128xi32, #tpu.memory_space<vmem>>
    %get3A_139 = arith.constant 48 : index
    %get3A_140 = tpu.vector_load %get3A_138[%get3A_139] {strides = array<i32>} : memref<128xi32, #tpu.memory_space<vmem>>, vector<16xi32>,
    %shift_right_arithmetic3A_141 = arith.constant 14 : i32
    %shift_right_arithmetic3A_142 = vector.broadcast %shift_right_arithmetic3A_141 : i32 to vector<16xi32>
    %shift_right_arithmetic3A_143 = arith.shrsi %get3A_134, %shift_right_arithmetic3A_142 : vector<16xi32>
    %shift_left3A_144 = arith.constant 12 : i32
    %shift_left3A_145 = vector.broadcast %shift_left3A_144 : i32 to vector<16xi32>
    %shift_left3A_146 = arith.shli %shift_right_arithmetic3A_143, %shift_left3A_145 : vector<16xi32>
    %and3A_147 = arith.constant 4095 : i32
    %and3A_148 = vector.broadcast %and3A_147 : i32 to vector<16xi32>
    %and3A_149 = arith.andi %get3A_134, %and3A_148 : vector<16xi32>
    %or3A_150 = arith.ori %shift_left3A_146, %and3A_149 : vector<16xi32>
    %swap3A_151 = arith.constant 0 : i32
    %swap3A_152 = arith.constant 0 : i32
    %swap3A_153 = tpu.memref_slice %arg11[%swap3A_151, %swap3A_152] : memref<4x128xi32, #tpu.memory_space<vmem>> -> memref<1x128xi32, #tpu.memory_space<vmem>>
    %swap3A_154 = tpu.memref_squeeze %swap3A_153 : memref<1x128xi32, #tpu.memory_space<vmem>> -> memref<128xi32, #tpu.memory_space<vmem>>
    %swap3A_155 = arith.constant 48 : index
    %swap3A_156 = tpu.vector_load %swap3A_154[%swap3A_155] {strides = array<i32>} : memref<128xi32, #tpu.memory_space<vmem>>, vector<16xi32>,
    tpu.vector_store %swap3A_154[%swap3A_155], %or3A_150 {strides = array<i32>} : memref<128xi32, #tpu.memory_space<vmem>>, vector<16xi32>,
    %shift_right_arithmetic3A_157 = arith.constant 14 : i32
    %shift_right_arithmetic3A_158 = vector.broadcast %shift_right_arithmetic3A_157 : i32 to vector<16xi32>
    %shift_right_arithmetic3A_159 = arith.shrsi %get3A_140, %shift_right_arithmetic3A_158 : vector<16xi32>
    %shift_left3A_160 = arith.constant 12 : i32
    %shift_left3A_161 = vector.broadcast %shift_left3A_160 : i32 to vector<16xi32>
    %shift_left3A_162 = arith.shli %shift_right_arithmetic3A_159, %shift_left3A_161 : vector<16xi32>
    %and3A_163 = arith.constant 4095 : i32
    %and3A_164 = vector.broadcast %and3A_163 : i32 to vector<16xi32>
    %and3A_165 = arith.andi %get3A_140, %and3A_164 : vector<16xi32>
    %or3A_166 = arith.ori %shift_left3A_162, %and3A_165 : vector<16xi32>
    %swap3A_167 = arith.constant 0 : i32
    %swap3A_168 = arith.constant 0 : i32
    %swap3A_169 = tpu.memref_slice %arg12[%swap3A_167, %swap3A_168] : memref<4x128xi32, #tpu.memory_space<vmem>> -> memref<1x128xi32, #tpu.memory_space<vmem>>
    %swap3A_170 = tpu.memref_squeeze %swap3A_169 : memref<1x128xi32, #tpu.memory_space<vmem>> -> memref<128xi32, #tpu.memory_space<vmem>>
    %swap3A_171 = arith.constant 48 : index
    %swap3A_172 = tpu.vector_load %swap3A_170[%swap3A_171] {strides = array<i32>} : memref<128xi32, #tpu.memory_space<vmem>>, vector<16xi32>,
    tpu.vector_store %swap3A_170[%swap3A_171], %or3A_166 {strides = array<i32>} : memref<128xi32, #tpu.memory_space<vmem>>, vector<16xi32>,
    %get3A_173 = arith.constant 0 : i32
    %get3A_174 = arith.constant 0 : i32
    %get3A_175 = tpu.memref_slice %arg9[%get3A_173, %get3A_174] : memref<4x128xi32, #tpu.memory_space<vmem>> -> memref<1x128xi32, #tpu.memory_space<vmem>>
    %get3A_176 = tpu.memref_squeeze %get3A_175 : memref<1x128xi32, #tpu.memory_space<vmem>> -> memref<128xi32, #tpu.memory_space<vmem>>
    %get3A_177 = arith.constant 64 : index
    %get3A_178 = tpu.vector_load %get3A_176[%get3A_177] {strides = array<i32>} : memref<128xi32, #tpu.memory_space<vmem>>, vector<16xi32>,
    %get3A_179 = arith.constant 0 : i32
    %get3A_180 = arith.constant 0 : i32
    %get3A_181 = tpu.memref_slice %arg10[%get3A_179, %get3A_180] : memref<4x128xi32, #tpu.memory_space<vmem>> -> memref<1x128xi32, #tpu.memory_space<vmem>>
    %get3A_182 = tpu.memref_squeeze %get3A_181 : memref<1x128xi32, #tpu.memory_space<vmem>> -> memref<128xi32, #tpu.memory_space<vmem>>
    %get3A_183 = arith.constant 64 : index
    %get3A_184 = tpu.vector_load %get3A_182[%get3A_183] {strides = array<i32>} : memref<128xi32, #tpu.memory_space<vmem>>, vector<16xi32>,
    %shift_right_arithmetic3A_185 = arith.constant 14 : i32
    %shift_right_arithmetic3A_186 = vector.broadcast %shift_right_arithmetic3A_185 : i32 to vector<16xi32>
    %shift_right_arithmetic3A_187 = arith.shrsi %get3A_178, %shift_right_arithmetic3A_186 : vector<16xi32>
    %shift_left3A_188 = arith.constant 12 : i32
    %shift_left3A_189 = vector.broadcast %shift_left3A_188 : i32 to vector<16xi32>
    %shift_left3A_190 = arith.shli %shift_right_arithmetic3A_187, %shift_left3A_189 : vector<16xi32>
    %and3A_191 = arith.constant 4095 : i32
    %and3A_192 = vector.broadcast %and3A_191 : i32 to vector<16xi32>
    %and3A_193 = arith.andi %get3A_178, %and3A_192 : vector<16xi32>
    %or3A_194 = arith.ori %shift_left3A_190, %and3A_193 : vector<16xi32>
    %swap3A_195 = arith.constant 0 : i32
    %swap3A_196 = arith.constant 0 : i32
    %swap3A_197 = tpu.memref_slice %arg11[%swap3A_195, %swap3A_196] : memref<4x128xi32, #tpu.memory_space<vmem>> -> memref<1x128xi32, #tpu.memory_space<vmem>>
    %swap3A_198 = tpu.memref_squeeze %swap3A_197 : memref<1x128xi32, #tpu.memory_space<vmem>> -> memref<128xi32, #tpu.memory_space<vmem>>
    %swap3A_199 = arith.constant 64 : index
    %swap3A_200 = tpu.vector_load %swap3A_198[%swap3A_199] {strides = array<i32>} : memref<128xi32, #tpu.memory_space<vmem>>, vector<16xi32>,
    tpu.vector_store %swap3A_198[%swap3A_199], %or3A_194 {strides = array<i32>} : memref<128xi32, #tpu.memory_space<vmem>>, vector<16xi32>,
    %shift_right_arithmetic3A_201 = arith.constant 14 : i32
    %shift_right_arithmetic3A_202 = vector.broadcast %shift_right_arithmetic3A_201 : i32 to vector<16xi32>
    %shift_right_arithmetic3A_203 = arith.shrsi %get3A_184, %shift_right_arithmetic3A_202 : vector<16xi32>
    %shift_left3A_204 = arith.constant 12 : i32
    %shift_left3A_205 = vector.broadcast %shift_left3A_204 : i32 to vector<16xi32>
    %shift_left3A_206 = arith.shli %shift_right_arithmetic3A_203, %shift_left3A_205 : vector<16xi32>
    %and3A_207 = arith.constant 4095 : i32
    %and3A_208 = vector.broadcast %and3A_207 : i32 to vector<16xi32>
    %and3A_209 = arith.andi %get3A_184, %and3A_208 : vector<16xi32>
    %or3A_210 = arith.ori %shift_left3A_206, %and3A_209 : vector<16xi32>
    %swap3A_211 = arith.constant 0 : i32
    %swap3A_212 = arith.constant 0 : i32
    %swap3A_213 = tpu.memref_slice %arg12[%swap3A_211, %swap3A_212] : memref<4x128xi32, #tpu.memory_space<vmem>> -> memref<1x128xi32, #tpu.memory_space<vmem>>
    %swap3A_214 = tpu.memref_squeeze %swap3A_213 : memref<1x128xi32, #tpu.memory_space<vmem>> -> memref<128xi32, #tpu.memory_space<vmem>>
    %swap3A_215 = arith.constant 64 : index
    %swap3A_216 = tpu.vector_load %swap3A_214[%swap3A_215] {strides = array<i32>} : memref<128xi32, #tpu.memory_space<vmem>>, vector<16xi32>,
    tpu.vector_store %swap3A_214[%swap3A_215], %or3A_210 {strides = array<i32>} : memref<128xi32, #tpu.memory_space<vmem>>, vector<16xi32>,
    %get3A_217 = arith.constant 0 : i32
    %get3A_218 = arith.constant 0 : i32
    %get3A_219 = tpu.memref_slice %arg9[%get3A_217, %get3A_218] : memref<4x128xi32, #tpu.memory_space<vmem>> -> memref<1x128xi32, #tpu.memory_space<vmem>>
    %get3A_220 = tpu.memref_squeeze %get3A_219 : memref<1x128xi32, #tpu.memory_space<vmem>> -> memref<128xi32, #tpu.memory_space<vmem>>
    %get3A_221 = arith.constant 80 : index
    %get3A_222 = tpu.vector_load %get3A_220[%get3A_221] {strides = array<i32>} : memref<128xi32, #tpu.memory_space<vmem>>, vector<16xi32>,
    %get3A_223 = arith.constant 0 : i32
    %get3A_224 = arith.constant 0 : i32
    %get3A_225 = tpu.memref_slice %arg10[%get3A_223, %get3A_224] : memref<4x128xi32, #tpu.memory_space<vmem>> -> memref<1x128xi32, #tpu.memory_space<vmem>>
    %get3A_226 = tpu.memref_squeeze %get3A_225 : memref<1x128xi32, #tpu.memory_space<vmem>> -> memref<128xi32, #tpu.memory_space<vmem>>
    %get3A_227 = arith.constant 80 : index
    %get3A_228 = tpu.vector_load %get3A_226[%get3A_227] {strides = array<i32>} : memref<128xi32, #tpu.memory_space<vmem>>, vector<16xi32>,
    %shift_right_arithmetic3A_229 = arith.constant 14 : i32
    %shift_right_arithmetic3A_230 = vector.broadcast %shift_right_arithmetic3A_229 : i32 to vector<16xi32>
    %shift_right_arithmetic3A_231 = arith.shrsi %get3A_222, %shift_right_arithmetic3A_230 : vector<16xi32>
    %shift_left3A_232 = arith.constant 12 : i32
    %shift_left3A_233 = vector.broadcast %shift_left3A_232 : i32 to vector<16xi32>
    %shift_left3A_234 = arith.shli %shift_right_arithmetic3A_231, %shift_left3A_233 : vector<16xi32>
    %and3A_235 = arith.constant 4095 : i32
    %and3A_236 = vector.broadcast %and3A_235 : i32 to vector<16xi32>
    %and3A_237 = arith.andi %get3A_222, %and3A_236 : vector<16xi32>
    %or3A_238 = arith.ori %shift_left3A_234, %and3A_237 : vector<16xi32>
    %swap3A_239 = arith.constant 0 : i32
    %swap3A_240 = arith.constant 0 : i32
    %swap3A_241 = tpu.memref_slice %arg11[%swap3A_239, %swap3A_240] : memref<4x128xi32, #tpu.memory_space<vmem>> -> memref<1x128xi32, #tpu.memory_space<vmem>>
    %swap3A_242 = tpu.memref_squeeze %swap3A_241 : memref<1x128xi32, #tpu.memory_space<vmem>> -> memref<128xi32, #tpu.memory_space<vmem>>
    %swap3A_243 = arith.constant 80 : index
    %swap3A_244 = tpu.vector_load %swap3A_242[%swap3A_243] {strides = array<i32>} : memref<128xi32, #tpu.memory_space<vmem>>, vector<16xi32>,
    tpu.vector_store %swap3A_242[%swap3A_243], %or3A_238 {strides = array<i32>} : memref<128xi32, #tpu.memory_space<vmem>>, vector<16xi32>,
    %shift_right_arithmetic3A_245 = arith.constant 14 : i32
    %shift_right_arithmetic3A_246 = vector.broadcast %shift_right_arithmetic3A_245 : i32 to vector<16xi32>
    %shift_right_arithmetic3A_247 = arith.shrsi %get3A_228, %shift_right_arithmetic3A_246 : vector<16xi32>
    %shift_left3A_248 = arith.constant 12 : i32
    %shift_left3A_249 = vector.broadcast %shift_left3A_248 : i32 to vector<16xi32>
    %shift_left3A_250 = arith.shli %shift_right_arithmetic3A_247, %shift_left3A_249 : vector<16xi32>
    %and3A_251 = arith.constant 4095 : i32
    %and3A_252 = vector.broadcast %and3A_251 : i32 to vector<16xi32>
    %and3A_253 = arith.andi %get3A_228, %and3A_252 : vector<16xi32>
    %or3A_254 = arith.ori %shift_left3A_250, %and3A_253 : vector<16xi32>
    %swap3A_255 = arith.constant 0 : i32
    %swap3A_256 = arith.constant 0 : i32
    %swap3A_257 = tpu.memref_slice %arg12[%swap3A_255, %swap3A_256] : memref<4x128xi32, #tpu.memory_space<vmem>> -> memref<1x128xi32, #tpu.memory_space<vmem>>
    %swap3A_258 = tpu.memref_squeeze %swap3A_257 : memref<1x128xi32, #tpu.memory_space<vmem>> -> memref<128xi32, #tpu.memory_space<vmem>>
    %swap3A_259 = arith.constant 80 : index
    %swap3A_260 = tpu.vector_load %swap3A_258[%swap3A_259] {strides = array<i32>} : memref<128xi32, #tpu.memory_space<vmem>>, vector<16xi32>,
    tpu.vector_store %swap3A_258[%swap3A_259], %or3A_254 {strides = array<i32>} : memref<128xi32, #tpu.memory_space<vmem>>, vector<16xi32>,
    %get3A_261 = arith.constant 0 : i32
    %get3A_262 = arith.constant 0 : i32
    %get3A_263 = tpu.memref_slice %arg9[%get3A_261, %get3A_262] : memref<4x128xi32, #tpu.memory_space<vmem>> -> memref<1x128xi32, #tpu.memory_space<vmem>>
    %get3A_264 = tpu.memref_squeeze %get3A_263 : memref<1x128xi32, #tpu.memory_space<vmem>> -> memref<128xi32, #tpu.memory_space<vmem>>
    %get3A_265 = arith.constant 96 : index
    %get3A_266 = tpu.vector_load %get3A_264[%get3A_265] {strides = array<i32>} : memref<128xi32, #tpu.memory_space<vmem>>, vector<16xi32>,
    %get3A_267 = arith.constant 0 : i32
    %get3A_268 = arith.constant 0 : i32
    %get3A_269 = tpu.memref_slice %arg10[%get3A_267, %get3A_268] : memref<4x128xi32, #tpu.memory_space<vmem>> -> memref<1x128xi32, #tpu.memory_space<vmem>>
    %get3A_270 = tpu.memref_squeeze %get3A_269 : memref<1x128xi32, #tpu.memory_space<vmem>> -> memref<128xi32, #tpu.memory_space<vmem>>
    %get3A_271 = arith.constant 96 : index
    %get3A_272 = tpu.vector_load %get3A_270[%get3A_271] {strides = array<i32>} : memref<128xi32, #tpu.memory_space<vmem>>, vector<16xi32>,
    %shift_right_arithmetic3A_273 = arith.constant 14 : i32
    %shift_right_arithmetic3A_274 = vector.broadcast %shift_right_arithmetic3A_273 : i32 to vector<16xi32>
    %shift_right_arithmetic3A_275 = arith.shrsi %get3A_266, %shift_right_arithmetic3A_274 : vector<16xi32>
    %shift_left3A_276 = arith.constant 12 : i32
    %shift_left3A_277 = vector.broadcast %shift_left3A_276 : i32 to vector<16xi32>
    %shift_left3A_278 = arith.shli %shift_right_arithmetic3A_275, %shift_left3A_277 : vector<16xi32>
    %and3A_279 = arith.constant 4095 : i32
    %and3A_280 = vector.broadcast %and3A_279 : i32 to vector<16xi32>
    %and3A_281 = arith.andi %get3A_266, %and3A_280 : vector<16xi32>
    %or3A_282 = arith.ori %shift_left3A_278, %and3A_281 : vector<16xi32>
    %swap3A_283 = arith.constant 0 : i32
    %swap3A_284 = arith.constant 0 : i32
    %swap3A_285 = tpu.memref_slice %arg11[%swap3A_283, %swap3A_284] : memref<4x128xi32, #tpu.memory_space<vmem>> -> memref<1x128xi32, #tpu.memory_space<vmem>>
    %swap3A_286 = tpu.memref_squeeze %swap3A_285 : memref<1x128xi32, #tpu.memory_space<vmem>> -> memref<128xi32, #tpu.memory_space<vmem>>
    %swap3A_287 = arith.constant 96 : index
    %swap3A_288 = tpu.vector_load %swap3A_286[%swap3A_287] {strides = array<i32>} : memref<128xi32, #tpu.memory_space<vmem>>, vector<16xi32>,
    tpu.vector_store %swap3A_286[%swap3A_287], %or3A_282 {strides = array<i32>} : memref<128xi32, #tpu.memory_space<vmem>>, vector<16xi32>,
    %shift_right_arithmetic3A_289 = arith.constant 14 : i32
    %shift_right_arithmetic3A_290 = vector.broadcast %shift_right_arithmetic3A_289 : i32 to vector<16xi32>
    %shift_right_arithmetic3A_291 = arith.shrsi %get3A_272, %shift_right_arithmetic3A_290 : vector<16xi32>
    %shift_left3A_292 = arith.constant 12 : i32
    %shift_left3A_293 = vector.broadcast %shift_left3A_292 : i32 to vector<16xi32>
    %shift_left3A_294 = arith.shli %shift_right_arithmetic3A_291, %shift_left3A_293 : vector<16xi32>
    %and3A_295 = arith.constant 4095 : i32
    %and3A_296 = vector.broadcast %and3A_295 : i32 to vector<16xi32>
    %and3A_297 = arith.andi %get3A_272, %and3A_296 : vector<16xi32>
    %or3A_298 = arith.ori %shift_left3A_294, %and3A_297 : vector<16xi32>
    %swap3A_299 = arith.constant 0 : i32
    %swap3A_300 = arith.constant 0 : i32
    %swap3A_301 = tpu.memref_slice %arg12[%swap3A_299, %swap3A_300] : memref<4x128xi32, #tpu.memory_space<vmem>> -> memref<1x128xi32, #tpu.memory_space<vmem>>
    %swap3A_302 = tpu.memref_squeeze %swap3A_301 : memref<1x128xi32, #tpu.memory_space<vmem>> -> memref<128xi32, #tpu.memory_space<vmem>>
    %swap3A_303 = arith.constant 96 : index
    %swap3A_304 = tpu.vector_load %swap3A_302[%swap3A_303] {strides = array<i32>} : memref<128xi32, #tpu.memory_space<vmem>>, vector<16xi32>,
    tpu.vector_store %swap3A_302[%swap3A_303], %or3A_298 {strides = array<i32>} : memref<128xi32, #tpu.memory_space<vmem>>, vector<16xi32>,
    %get3A_305 = arith.constant 0 : i32
    %get3A_306 = arith.constant 0 : i32
    %get3A_307 = tpu.memref_slice %arg9[%get3A_305, %get3A_306] : memref<4x128xi32, #tpu.memory_space<vmem>> -> memref<1x128xi32, #tpu.memory_space<vmem>>
    %get3A_308 = tpu.memref_squeeze %get3A_307 : memref<1x128xi32, #tpu.memory_space<vmem>> -> memref<128xi32, #tpu.memory_space<vmem>>
    %get3A_309 = arith.constant 112 : index
    %get3A_310 = tpu.vector_load %get3A_308[%get3A_309] {strides = array<i32>} : memref<128xi32, #tpu.memory_space<vmem>>, vector<16xi32>,
    %get3A_311 = arith.constant 0 : i32
    %get3A_312 = arith.constant 0 : i32
    %get3A_313 = tpu.memref_slice %arg10[%get3A_311, %get3A_312] : memref<4x128xi32, #tpu.memory_space<vmem>> -> memref<1x128xi32, #tpu.memory_space<vmem>>
    %get3A_314 = tpu.memref_squeeze %get3A_313 : memref<1x128xi32, #tpu.memory_space<vmem>> -> memref<128xi32, #tpu.memory_space<vmem>>
    %get3A_315 = arith.constant 112 : index
    %get3A_316 = tpu.vector_load %get3A_314[%get3A_315] {strides = array<i32>} : memref<128xi32, #tpu.memory_space<vmem>>, vector<16xi32>,
    %shift_right_arithmetic3A_317 = arith.constant 14 : i32
    %shift_right_arithmetic3A_318 = vector.broadcast %shift_right_arithmetic3A_317 : i32 to vector<16xi32>
    %shift_right_arithmetic3A_319 = arith.shrsi %get3A_310, %shift_right_arithmetic3A_318 : vector<16xi32>
    %shift_left3A_320 = arith.constant 12 : i32
    %shift_left3A_321 = vector.broadcast %shift_left3A_320 : i32 to vector<16xi32>
    %shift_left3A_322 = arith.shli %shift_right_arithmetic3A_319, %shift_left3A_321 : vector<16xi32>
    %and3A_323 = arith.constant 4095 : i32
    %and3A_324 = vector.broadcast %and3A_323 : i32 to vector<16xi32>
    %and3A_325 = arith.andi %get3A_310, %and3A_324 : vector<16xi32>
    %or3A_326 = arith.ori %shift_left3A_322, %and3A_325 : vector<16xi32>
    %swap3A_327 = arith.constant 0 : i32
    %swap3A_328 = arith.constant 0 : i32
    %swap3A_329 = tpu.memref_slice %arg11[%swap3A_327, %swap3A_328] : memref<4x128xi32, #tpu.memory_space<vmem>> -> memref<1x128xi32, #tpu.memory_space<vmem>>
    %swap3A_330 = tpu.memref_squeeze %swap3A_329 : memref<1x128xi32, #tpu.memory_space<vmem>> -> memref<128xi32, #tpu.memory_space<vmem>>
    %swap3A_331 = arith.constant 112 : index
    %swap3A_332 = tpu.vector_load %swap3A_330[%swap3A_331] {strides = array<i32>} : memref<128xi32, #tpu.memory_space<vmem>>, vector<16xi32>,
    tpu.vector_store %swap3A_330[%swap3A_331], %or3A_326 {strides = array<i32>} : memref<128xi32, #tpu.memory_space<vmem>>, vector<16xi32>,
    %shift_right_arithmetic3A_333 = arith.constant 14 : i32
    %shift_right_arithmetic3A_334 = vector.broadcast %shift_right_arithmetic3A_333 : i32 to vector<16xi32>
    %shift_right_arithmetic3A_335 = arith.shrsi %get3A_316, %shift_right_arithmetic3A_334 : vector<16xi32>
    %shift_left3A_336 = arith.constant 12 : i32
    %shift_left3A_337 = vector.broadcast %shift_left3A_336 : i32 to vector<16xi32>
    %shift_left3A_338 = arith.shli %shift_right_arithmetic3A_335, %shift_left3A_337 : vector<16xi32>
    %and3A_339 = arith.constant 4095 : i32
    %and3A_340 = vector.broadcast %and3A_339 : i32 to vector<16xi32>
    %and3A_341 = arith.andi %get3A_316, %and3A_340 : vector<16xi32>
    %or3A_342 = arith.ori %shift_left3A_338, %and3A_341 : vector<16xi32>
    %swap3A_343 = arith.constant 0 : i32
    %swap3A_344 = arith.constant 0 : i32
    %swap3A_345 = tpu.memref_slice %arg12[%swap3A_343, %swap3A_344] : memref<4x128xi32, #tpu.memory_space<vmem>> -> memref<1x128xi32, #tpu.memory_space<vmem>>
    %swap3A_346 = tpu.memref_squeeze %swap3A_345 : memref<1x128xi32, #tpu.memory_space<vmem>> -> memref<128xi32, #tpu.memory_space<vmem>>
    %swap3A_347 = arith.constant 112 : index
    %swap3A_348 = tpu.vector_load %swap3A_346[%swap3A_347] {strides = array<i32>} : memref<128xi32, #tpu.memory_space<vmem>>, vector<16xi32>,
    tpu.vector_store %swap3A_346[%swap3A_347], %or3A_342 {strides = array<i32>} : memref<128xi32, #tpu.memory_space<vmem>>, vector<16xi32>,
    %get3A_349 = arith.constant 1 : i32
    %get3A_350 = arith.constant 0 : i32
    %get3A_351 = tpu.memref_slice %arg9[%get3A_349, %get3A_350] : memref<4x128xi32, #tpu.memory_space<vmem>> -> memref<1x128xi32, #tpu.memory_space<vmem>>
    %get3A_352 = tpu.memref_squeeze %get3A_351 : memref<1x128xi32, #tpu.memory_space<vmem>> -> memref<128xi32, #tpu.memory_space<vmem>>
    %get3A_353 = arith.constant 0 : index
    %get3A_354 = tpu.vector_load %get3A_352[%get3A_353] {strides = array<i32>} : memref<128xi32, #tpu.memory_space<vmem>>, vector<16xi32>,
    %get3A_355 = arith.constant 1 : i32
    %get3A_356 = arith.constant 0 : i32
    %get3A_357 = tpu.memref_slice %arg10[%get3A_355, %get3A_356] : memref<4x128xi32, #tpu.memory_space<vmem>> -> memref<1x128xi32, #tpu.memory_space<vmem>>
    %get3A_358 = tpu.memref_squeeze %get3A_357 : memref<1x128xi32, #tpu.memory_space<vmem>> -> memref<128xi32, #tpu.memory_space<vmem>>
    %get3A_359 = arith.constant 0 : index
    %get3A_360 = tpu.vector_load %get3A_358[%get3A_359] {strides = array<i32>} : memref<128xi32, #tpu.memory_space<vmem>>, vector<16xi32>,
    %shift_right_arithmetic3A_361 = arith.constant 14 : i32
    %shift_right_arithmetic3A_362 = vector.broadcast %shift_right_arithmetic3A_361 : i32 to vector<16xi32>
    %shift_right_arithmetic3A_363 = arith.shrsi %get3A_354, %shift_right_arithmetic3A_362 : vector<16xi32>
    %shift_left3A_364 = arith.constant 12 : i32
    %shift_left3A_365 = vector.broadcast %shift_left3A_364 : i32 to vector<16xi32>
    %shift_left3A_366 = arith.shli %shift_right_arithmetic3A_363, %shift_left3A_365 : vector<16xi32>
    %and3A_367 = arith.constant 4095 : i32
    %and3A_368 = vector.broadcast %and3A_367 : i32 to vector<16xi32>
    %and3A_369 = arith.andi %get3A_354, %and3A_368 : vector<16xi32>
    %or3A_370 = arith.ori %shift_left3A_366, %and3A_369 : vector<16xi32>
    %swap3A_371 = arith.constant 1 : i32
    %swap3A_372 = arith.constant 0 : i32
    %swap3A_373 = tpu.memref_slice %arg11[%swap3A_371, %swap3A_372] : memref<4x128xi32, #tpu.memory_space<vmem>> -> memref<1x128xi32, #tpu.memory_space<vmem>>
    %swap3A_374 = tpu.memref_squeeze %swap3A_373 : memref<1x128xi32, #tpu.memory_space<vmem>> -> memref<128xi32, #tpu.memory_space<vmem>>
    %swap3A_375 = arith.constant 0 : index
    %swap3A_376 = tpu.vector_load %swap3A_374[%swap3A_375] {strides = array<i32>} : memref<128xi32, #tpu.memory_space<vmem>>, vector<16xi32>,
    tpu.vector_store %swap3A_374[%swap3A_375], %or3A_370 {strides = array<i32>} : memref<128xi32, #tpu.memory_space<vmem>>, vector<16xi32>,
    %shift_right_arithmetic3A_377 = arith.constant 14 : i32
    %shift_right_arithmetic3A_378 = vector.broadcast %shift_right_arithmetic3A_377 : i32 to vector<16xi32>
    %shift_right_arithmetic3A_379 = arith.shrsi %get3A_360, %shift_right_arithmetic3A_378 : vector<16xi32>
    %shift_left3A_380 = arith.constant 12 : i32
    %shift_left3A_381 = vector.broadcast %shift_left3A_380 : i32 to vector<16xi32>
    %shift_left3A_382 = arith.shli %shift_right_arithmetic3A_379, %shift_left3A_381 : vector<16xi32>
    %and3A_383 = arith.constant 4095 : i32
    %and3A_384 = vector.broadcast %and3A_383 : i32 to vector<16xi32>
    %and3A_385 = arith.andi %get3A_360, %and3A_384 : vector<16xi32>
    %or3A_386 = arith.ori %shift_left3A_382, %and3A_385 : vector<16xi32>
    %swap3A_387 = arith.constant 1 : i32
    %swap3A_388 = arith.constant 0 : i32
    %swap3A_389 = tpu.memref_slice %arg12[%swap3A_387, %swap3A_388] : memref<4x128xi32, #tpu.memory_space<vmem>> -> memref<1x128xi32, #tpu.memory_space<vmem>>
    %swap3A_390 = tpu.memref_squeeze %swap3A_389 : memref<1x128xi32, #tpu.memory_space<vmem>> -> memref<128xi32, #tpu.memory_space<vmem>>
    %swap3A_391 = arith.constant 0 : index
    %swap3A_392 = tpu.vector_load %swap3A_390[%swap3A_391] {strides = array<i32>} : memref<128xi32, #tpu.memory_space<vmem>>, vector<16xi32>,
    tpu.vector_store %swap3A_390[%swap3A_391], %or3A_386 {strides = array<i32>} : memref<128xi32, #tpu.memory_space<vmem>>, vector<16xi32>,
    %get3A_393 = arith.constant 1 : i32
    %get3A_394 = arith.constant 0 : i32
    %get3A_395 = tpu.memref_slice %arg9[%get3A_393, %get3A_394] : memref<4x128xi32, #tpu.memory_space<vmem>> -> memref<1x128xi32, #tpu.memory_space<vmem>>
    %get3A_396 = tpu.memref_squeeze %get3A_395 : memref<1x128xi32, #tpu.memory_space<vmem>> -> memref<128xi32, #tpu.memory_space<vmem>>
    %get3A_397 = arith.constant 16 : index
    %get3A_398 = tpu.vector_load %get3A_396[%get3A_397] {strides = array<i32>} : memref<128xi32, #tpu.memory_space<vmem>>, vector<16xi32>,
    %get3A_399 = arith.constant 1 : i32
    %get3A_400 = arith.constant 0 : i32
    %get3A_401 = tpu.memref_slice %arg10[%get3A_399, %get3A_400] : memref<4x128xi32, #tpu.memory_space<vmem>> -> memref<1x128xi32, #tpu.memory_space<vmem>>
    %get3A_402 = tpu.memref_squeeze %get3A_401 : memref<1x128xi32, #tpu.memory_space<vmem>> -> memref<128xi32, #tpu.memory_space<vmem>>
    %get3A_403 = arith.constant 16 : index
    %get3A_404 = tpu.vector_load %get3A_402[%get3A_403] {strides = array<i32>} : memref<128xi32, #tpu.memory_space<vmem>>, vector<16xi32>,
    %shift_right_arithmetic3A_405 = arith.constant 14 : i32
    %shift_right_arithmetic3A_406 = vector.broadcast %shift_right_arithmetic3A_405 : i32 to vector<16xi32>
    %shift_right_arithmetic3A_407 = arith.shrsi %get3A_398, %shift_right_arithmetic3A_406 : vector<16xi32>
    %shift_left3A_408 = arith.constant 12 : i32
    %shift_left3A_409 = vector.broadcast %shift_left3A_408 : i32 to vector<16xi32>
    %shift_left3A_410 = arith.shli %shift_right_arithmetic3A_407, %shift_left3A_409 : vector<16xi32>
    %and3A_411 = arith.constant 4095 : i32
    %and3A_412 = vector.broadcast %and3A_411 : i32 to vector<16xi32>
    %and3A_413 = arith.andi %get3A_398, %and3A_412 : vector<16xi32>
    %or3A_414 = arith.ori %shift_left3A_410, %and3A_413 : vector<16xi32>
    %swap3A_415 = arith.constant 1 : i32
    %swap3A_416 = arith.constant 0 : i32
    %swap3A_417 = tpu.memref_slice %arg11[%swap3A_415, %swap3A_416] : memref<4x128xi32, #tpu.memory_space<vmem>> -> memref<1x128xi32, #tpu.memory_space<vmem>>
    %swap3A_418 = tpu.memref_squeeze %swap3A_417 : memref<1x128xi32, #tpu.memory_space<vmem>> -> memref<128xi32, #tpu.memory_space<vmem>>
    %swap3A_419 = arith.constant 16 : index
    %swap3A_420 = tpu.vector_load %swap3A_418[%swap3A_419] {strides = array<i32>} : memref<128xi32, #tpu.memory_space<vmem>>, vector<16xi32>,
    tpu.vector_store %swap3A_418[%swap3A_419], %or3A_414 {strides = array<i32>} : memref<128xi32, #tpu.memory_space<vmem>>, vector<16xi32>,
    %shift_right_arithmetic3A_421 = arith.constant 14 : i32
    %shift_right_arithmetic3A_422 = vector.broadcast %shift_right_arithmetic3A_421 : i32 to vector<16xi32>
    %shift_right_arithmetic3A_423 = arith.shrsi %get3A_404, %shift_right_arithmetic3A_422 : vector<16xi32>
    %shift_left3A_424 = arith.constant 12 : i32
    %shift_left3A_425 = vector.broadcast %shift_left3A_424 : i32 to vector<16xi32>
    %shift_left3A_426 = arith.shli %shift_right_arithmetic3A_423, %shift_left3A_425 : vector<16xi32>
    %and3A_427 = arith.constant 4095 : i32
    %and3A_428 = vector.broadcast %and3A_427 : i32 to vector<16xi32>
    %and3A_429 = arith.andi %get3A_404, %and3A_428 : vector<16xi32>
    %or3A_430 = arith.ori %shift_left3A_426, %and3A_429 : vector<16xi32>
    %swap3A_431 = arith.constant 1 : i32
    %swap3A_432 = arith.constant 0 : i32
    %swap3A_433 = tpu.memref_slice %arg12[%swap3A_431, %swap3A_432] : memref<4x128xi32, #tpu.memory_space<vmem>> -> memref<1x128xi32, #tpu.memory_space<vmem>>
    %swap3A_434 = tpu.memref_squeeze %swap3A_433 : memref<1x128xi32, #tpu.memory_space<vmem>> -> memref<128xi32, #tpu.memory_space<vmem>>
    %swap3A_435 = arith.constant 16 : index
    %swap3A_436 = tpu.vector_load %swap3A_434[%swap3A_435] {strides = array<i32>} : memref<128xi32, #tpu.memory_space<vmem>>, vector<16xi32>,
    tpu.vector_store %swap3A_434[%swap3A_435], %or3A_430 {strides = array<i32>} : memref<128xi32, #tpu.memory_space<vmem>>, vector<16xi32>,
    %get3A_437 = arith.constant 1 : i32
    %get3A_438 = arith.constant 0 : i32
    %get3A_439 = tpu.memref_slice %arg9[%get3A_437, %get3A_438] : memref<4x128xi32, #tpu.memory_space<vmem>> -> memref<1x128xi32, #tpu.memory_space<vmem>>
    %get3A_440 = tpu.memref_squeeze %get3A_439 : memref<1x128xi32, #tpu.memory_space<vmem>> -> memref<128xi32, #tpu.memory_space<vmem>>
    %get3A_441 = arith.constant 32 : index
    %get3A_442 = tpu.vector_load %get3A_440[%get3A_441] {strides = array<i32>} : memref<128xi32, #tpu.memory_space<vmem>>, vector<16xi32>,
    %get3A_443 = arith.constant 1 : i32
    %get3A_444 = arith.constant 0 : i32
    %get3A_445 = tpu.memref_slice %arg10[%get3A_443, %get3A_444] : memref<4x128xi32, #tpu.memory_space<vmem>> -> memref<1x128xi32, #tpu.memory_space<vmem>>
    %get3A_446 = tpu.memref_squeeze %get3A_445 : memref<1x128xi32, #tpu.memory_space<vmem>> -> memref<128xi32, #tpu.memory_space<vmem>>
    %get3A_447 = arith.constant 32 : index
    %get3A_448 = tpu.vector_load %get3A_446[%get3A_447] {strides = array<i32>} : memref<128xi32, #tpu.memory_space<vmem>>, vector<16xi32>,
    %shift_right_arithmetic3A_449 = arith.constant 14 : i32
    %shift_right_arithmetic3A_450 = vector.broadcast %shift_right_arithmetic3A_449 : i32 to vector<16xi32>
    %shift_right_arithmetic3A_451 = arith.shrsi %get3A_442, %shift_right_arithmetic3A_450 : vector<16xi32>
    %shift_left3A_452 = arith.constant 12 : i32
    %shift_left3A_453 = vector.broadcast %shift_left3A_452 : i32 to vector<16xi32>
    %shift_left3A_454 = arith.shli %shift_right_arithmetic3A_451, %shift_left3A_453 : vector<16xi32>
    %and3A_455 = arith.constant 4095 : i32
    %and3A_456 = vector.broadcast %and3A_455 : i32 to vector<16xi32>
    %and3A_457 = arith.andi %get3A_442, %and3A_456 : vector<16xi32>
    %or3A_458 = arith.ori %shift_left3A_454, %and3A_457 : vector<16xi32>
    %swap3A_459 = arith.constant 1 : i32
    %swap3A_460 = arith.constant 0 : i32
    %swap3A_461 = tpu.memref_slice %arg11[%swap3A_459, %swap3A_460] : memref<4x128xi32, #tpu.memory_space<vmem>> -> memref<1x128xi32, #tpu.memory_space<vmem>>
    %swap3A_462 = tpu.memref_squeeze %swap3A_461 : memref<1x128xi32, #tpu.memory_space<vmem>> -> memref<128xi32, #tpu.memory_space<vmem>>
    %swap3A_463 = arith.constant 32 : index
    %swap3A_464 = tpu.vector_load %swap3A_462[%swap3A_463] {strides = array<i32>} : memref<128xi32, #tpu.memory_space<vmem>>, vector<16xi32>,
    tpu.vector_store %swap3A_462[%swap3A_463], %or3A_458 {strides = array<i32>} : memref<128xi32, #tpu.memory_space<vmem>>, vector<16xi32>,
    %shift_right_arithmetic3A_465 = arith.constant 14 : i32
    %shift_right_arithmetic3A_466 = vector.broadcast %shift_right_arithmetic3A_465 : i32 to vector<16xi32>
    %shift_right_arithmetic3A_467 = arith.shrsi %get3A_448, %shift_right_arithmetic3A_466 : vector<16xi32>
    %shift_left3A_468 = arith.constant 12 : i32
    %shift_left3A_469 = vector.broadcast %shift_left3A_468 : i32 to vector<16xi32>
    %shift_left3A_470 = arith.shli %shift_right_arithmetic3A_467, %shift_left3A_469 : vector<16xi32>
    %and3A_471 = arith.constant 4095 : i32
    %and3A_472 = vector.broadcast %and3A_471 : i32 to vector<16xi32>
    %and3A_473 = arith.andi %get3A_448, %and3A_472 : vector<16xi32>
    %or3A_474 = arith.ori %shift_left3A_470, %and3A_473 : vector<16xi32>
    %swap3A_475 = arith.constant 1 : i32
    %swap3A_476 = arith.constant 0 : i32
    %swap3A_477 = tpu.memref_slice %arg12[%swap3A_475, %swap3A_476] : memref<4x128xi32, #tpu.memory_space<vmem>> -> memref<1x128xi32, #tpu.memory_space<vmem>>
    %swap3A_478 = tpu.memref_squeeze %swap3A_477 : memref<1x128xi32, #tpu.memory_space<vmem>> -> memref<128xi32, #tpu.memory_space<vmem>>
    %swap3A_479 = arith.constant 32 : index
    %swap3A_480 = tpu.vector_load %swap3A_478[%swap3A_479] {strides = array<i32>} : memref<128xi32, #tpu.memory_space<vmem>>, vector<16xi32>,
    tpu.vector_store %swap3A_478[%swap3A_479], %or3A_474 {strides = array<i32>} : memref<128xi32, #tpu.memory_space<vmem>>, vector<16xi32>,
    %get3A_481 = arith.constant 1 : i32
    %get3A_482 = arith.constant 0 : i32
    %get3A_483 = tpu.memref_slice %arg9[%get3A_481, %get3A_482] : memref<4x128xi32, #tpu.memory_space<vmem>> -> memref<1x128xi32, #tpu.memory_space<vmem>>
    %get3A_484 = tpu.memref_squeeze %get3A_483 : memref<1x128xi32, #tpu.memory_space<vmem>> -> memref<128xi32, #tpu.memory_space<vmem>>
    %get3A_485 = arith.constant 48 : index
    %get3A_486 = tpu.vector_load %get3A_484[%get3A_485] {strides = array<i32>} : memref<128xi32, #tpu.memory_space<vmem>>, vector<16xi32>,
    %get3A_487 = arith.constant 1 : i32
    %get3A_488 = arith.constant 0 : i32
    %get3A_489 = tpu.memref_slice %arg10[%get3A_487, %get3A_488] : memref<4x128xi32, #tpu.memory_space<vmem>> -> memref<1x128xi32, #tpu.memory_space<vmem>>
    %get3A_490 = tpu.memref_squeeze %get3A_489 : memref<1x128xi32, #tpu.memory_space<vmem>> -> memref<128xi32, #tpu.memory_space<vmem>>
    %get3A_491 = arith.constant 48 : index
    %get3A_492 = tpu.vector_load %get3A_490[%get3A_491] {strides = array<i32>} : memref<128xi32, #tpu.memory_space<vmem>>, vector<16xi32>,
    %shift_right_arithmetic3A_493 = arith.constant 14 : i32
    %shift_right_arithmetic3A_494 = vector.broadcast %shift_right_arithmetic3A_493 : i32 to vector<16xi32>
    %shift_right_arithmetic3A_495 = arith.shrsi %get3A_486, %shift_right_arithmetic3A_494 : vector<16xi32>
    %shift_left3A_496 = arith.constant 12 : i32
    %shift_left3A_497 = vector.broadcast %shift_left3A_496 : i32 to vector<16xi32>
    %shift_left3A_498 = arith.shli %shift_right_arithmetic3A_495, %shift_left3A_497 : vector<16xi32>
    %and3A_499 = arith.constant 4095 : i32
    %and3A_500 = vector.broadcast %and3A_499 : i32 to vector<16xi32>
    %and3A_501 = arith.andi %get3A_486, %and3A_500 : vector<16xi32>
    %or3A_502 = arith.ori %shift_left3A_498, %and3A_501 : vector<16xi32>
    %swap3A_503 = arith.constant 1 : i32
    %swap3A_504 = arith.constant 0 : i32
    %swap3A_505 = tpu.memref_slice %arg11[%swap3A_503, %swap3A_504] : memref<4x128xi32, #tpu.memory_space<vmem>> -> memref<1x128xi32, #tpu.memory_space<vmem>>
    %swap3A_506 = tpu.memref_squeeze %swap3A_505 : memref<1x128xi32, #tpu.memory_space<vmem>> -> memref<128xi32, #tpu.memory_space<vmem>>
    %swap3A_507 = arith.constant 48 : index
    %swap3A_508 = tpu.vector_load %swap3A_506[%swap3A_507] {strides = array<i32>} : memref<128xi32, #tpu.memory_space<vmem>>, vector<16xi32>,
    tpu.vector_store %swap3A_506[%swap3A_507], %or3A_502 {strides = array<i32>} : memref<128xi32, #tpu.memory_space<vmem>>, vector<16xi32>,
    %shift_right_arithmetic3A_509 = arith.constant 14 : i32
    %shift_right_arithmetic3A_510 = vector.broadcast %shift_right_arithmetic3A_509 : i32 to vector<16xi32>
    %shift_right_arithmetic3A_511 = arith.shrsi %get3A_492, %shift_right_arithmetic3A_510 : vector<16xi32>
    %shift_left3A_512 = arith.constant 12 : i32
    %shift_left3A_513 = vector.broadcast %shift_left3A_512 : i32 to vector<16xi32>
    %shift_left3A_514 = arith.shli %shift_right_arithmetic3A_511, %shift_left3A_513 : vector<16xi32>
    %and3A_515 = arith.constant 4095 : i32
    %and3A_516 = vector.broadcast %and3A_515 : i32 to vector<16xi32>
    %and3A_517 = arith.andi %get3A_492, %and3A_516 : vector<16xi32>
    %or3A_518 = arith.ori %shift_left3A_514, %and3A_517 : vector<16xi32>
    %swap3A_519 = arith.constant 1 : i32
    %swap3A_520 = arith.constant 0 : i32
    %swap3A_521 = tpu.memref_slice %arg12[%swap3A_519, %swap3A_520] : memref<4x128xi32, #tpu.memory_space<vmem>> -> memref<1x128xi32, #tpu.memory_space<vmem>>
    %swap3A_522 = tpu.memref_squeeze %swap3A_521 : memref<1x128xi32, #tpu.memory_space<vmem>> -> memref<128xi32, #tpu.memory_space<vmem>>
    %swap3A_523 = arith.constant 48 : index
    %swap3A_524 = tpu.vector_load %swap3A_522[%swap3A_523] {strides = array<i32>} : memref<128xi32, #tpu.memory_space<vmem>>, vector<16xi32>,
    tpu.vector_store %swap3A_522[%swap3A_523], %or3A_518 {strides = array<i32>} : memref<128xi32, #tpu.memory_space<vmem>>, vector<16xi32>,
    %get3A_525 = arith.constant 1 : i32
    %get3A_526 = arith.constant 0 : i32
    %get3A_527 = tpu.memref_slice %arg9[%get3A_525, %get3A_526] : memref<4x128xi32, #tpu.memory_space<vmem>> -> memref<1x128xi32, #tpu.memory_space<vmem>>
    %get3A_528 = tpu.memref_squeeze %get3A_527 : memref<1x128xi32, #tpu.memory_space<vmem>> -> memref<128xi32, #tpu.memory_space<vmem>>
    %get3A_529 = arith.constant 64 : index
    %get3A_530 = tpu.vector_load %get3A_528[%get3A_529] {strides = array<i32>} : memref<128xi32, #tpu.memory_space<vmem>>, vector<16xi32>,
    %get3A_531 = arith.constant 1 : i32
    %get3A_532 = arith.constant 0 : i32
    %get3A_533 = tpu.memref_slice %arg10[%get3A_531, %get3A_532] : memref<4x128xi32, #tpu.memory_space<vmem>> -> memref<1x128xi32, #tpu.memory_space<vmem>>
    %get3A_534 = tpu.memref_squeeze %get3A_533 : memref<1x128xi32, #tpu.memory_space<vmem>> -> memref<128xi32, #tpu.memory_space<vmem>>
    %get3A_535 = arith.constant 64 : index
    %get3A_536 = tpu.vector_load %get3A_534[%get3A_535] {strides = array<i32>} : memref<128xi32, #tpu.memory_space<vmem>>, vector<16xi32>,
    %shift_right_arithmetic3A_537 = arith.constant 14 : i32
    %shift_right_arithmetic3A_538 = vector.broadcast %shift_right_arithmetic3A_537 : i32 to vector<16xi32>
    %shift_right_arithmetic3A_539 = arith.shrsi %get3A_530, %shift_right_arithmetic3A_538 : vector<16xi32>
    %shift_left3A_540 = arith.constant 12 : i32
    %shift_left3A_541 = vector.broadcast %shift_left3A_540 : i32 to vector<16xi32>
    %shift_left3A_542 = arith.shli %shift_right_arithmetic3A_539, %shift_left3A_541 : vector<16xi32>
    %and3A_543 = arith.constant 4095 : i32
    %and3A_544 = vector.broadcast %and3A_543 : i32 to vector<16xi32>
    %and3A_545 = arith.andi %get3A_530, %and3A_544 : vector<16xi32>
    %or3A_546 = arith.ori %shift_left3A_542, %and3A_545 : vector<16xi32>
    %swap3A_547 = arith.constant 1 : i32
    %swap3A_548 = arith.constant 0 : i32
    %swap3A_549 = tpu.memref_slice %arg11[%swap3A_547, %swap3A_548] : memref<4x128xi32, #tpu.memory_space<vmem>> -> memref<1x128xi32, #tpu.memory_space<vmem>>
    %swap3A_550 = tpu.memref_squeeze %swap3A_549 : memref<1x128xi32, #tpu.memory_space<vmem>> -> memref<128xi32, #tpu.memory_space<vmem>>
    %swap3A_551 = arith.constant 64 : index
    %swap3A_552 = tpu.vector_load %swap3A_550[%swap3A_551] {strides = array<i32>} : memref<128xi32, #tpu.memory_space<vmem>>, vector<16xi32>,
    tpu.vector_store %swap3A_550[%swap3A_551], %or3A_546 {strides = array<i32>} : memref<128xi32, #tpu.memory_space<vmem>>, vector<16xi32>,
    %shift_right_arithmetic3A_553 = arith.constant 14 : i32
    %shift_right_arithmetic3A_554 = vector.broadcast %shift_right_arithmetic3A_553 : i32 to vector<16xi32>
    %shift_right_arithmetic3A_555 = arith.shrsi %get3A_536, %shift_right_arithmetic3A_554 : vector<16xi32>
    %shift_left3A_556 = arith.constant 12 : i32
    %shift_left3A_557 = vector.broadcast %shift_left3A_556 : i32 to vector<16xi32>
    %shift_left3A_558 = arith.shli %shift_right_arithmetic3A_555, %shift_left3A_557 : vector<16xi32>
    %and3A_559 = arith.constant 4095 : i32
    %and3A_560 = vector.broadcast %and3A_559 : i32 to vector<16xi32>
    %and3A_561 = arith.andi %get3A_536, %and3A_560 : vector<16xi32>
    %or3A_562 = arith.ori %shift_left3A_558, %and3A_561 : vector<16xi32>
    %swap3A_563 = arith.constant 1 : i32
    %swap3A_564 = arith.constant 0 : i32
    %swap3A_565 = tpu.memref_slice %arg12[%swap3A_563, %swap3A_564] : memref<4x128xi32, #tpu.memory_space<vmem>> -> memref<1x128xi32, #tpu.memory_space<vmem>>
    %swap3A_566 = tpu.memref_squeeze %swap3A_565 : memref<1x128xi32, #tpu.memory_space<vmem>> -> memref<128xi32, #tpu.memory_space<vmem>>
    %swap3A_567 = arith.constant 64 : index
    %swap3A_568 = tpu.vector_load %swap3A_566[%swap3A_567] {strides = array<i32>} : memref<128xi32, #tpu.memory_space<vmem>>, vector<16xi32>,
    tpu.vector_store %swap3A_566[%swap3A_567], %or3A_562 {strides = array<i32>} : memref<128xi32, #tpu.memory_space<vmem>>, vector<16xi32>,
    %get3A_569 = arith.constant 1 : i32
    %get3A_570 = arith.constant 0 : i32
    %get3A_571 = tpu.memref_slice %arg9[%get3A_569, %get3A_570] : memref<4x128xi32, #tpu.memory_space<vmem>> -> memref<1x128xi32, #tpu.memory_space<vmem>>
    %get3A_572 = tpu.memref_squeeze %get3A_571 : memref<1x128xi32, #tpu.memory_space<vmem>> -> memref<128xi32, #tpu.memory_space<vmem>>
    %get3A_573 = arith.constant 80 : index
    %get3A_574 = tpu.vector_load %get3A_572[%get3A_573] {strides = array<i32>} : memref<128xi32, #tpu.memory_space<vmem>>, vector<16xi32>,
    %get3A_575 = arith.constant 1 : i32
    %get3A_576 = arith.constant 0 : i32
    %get3A_577 = tpu.memref_slice %arg10[%get3A_575, %get3A_576] : memref<4x128xi32, #tpu.memory_space<vmem>> -> memref<1x128xi32, #tpu.memory_space<vmem>>
    %get3A_578 = tpu.memref_squeeze %get3A_577 : memref<1x128xi32, #tpu.memory_space<vmem>> -> memref<128xi32, #tpu.memory_space<vmem>>
    %get3A_579 = arith.constant 80 : index
    %get3A_580 = tpu.vector_load %get3A_578[%get3A_579] {strides = array<i32>} : memref<128xi32, #tpu.memory_space<vmem>>, vector<16xi32>,
    %shift_right_arithmetic3A_581 = arith.constant 14 : i32
    %shift_right_arithmetic3A_582 = vector.broadcast %shift_right_arithmetic3A_581 : i32 to vector<16xi32>
    %shift_right_arithmetic3A_583 = arith.shrsi %get3A_574, %shift_right_arithmetic3A_582 : vector<16xi32>
    %shift_left3A_584 = arith.constant 12 : i32
    %shift_left3A_585 = vector.broadcast %shift_left3A_584 : i32 to vector<16xi32>
    %shift_left3A_586 = arith.shli %shift_right_arithmetic3A_583, %shift_left3A_585 : vector<16xi32>
    %and3A_587 = arith.constant 4095 : i32
    %and3A_588 = vector.broadcast %and3A_587 : i32 to vector<16xi32>
    %and3A_589 = arith.andi %get3A_574, %and3A_588 : vector<16xi32>
    %or3A_590 = arith.ori %shift_left3A_586, %and3A_589 : vector<16xi32>
    %swap3A_591 = arith.constant 1 : i32
    %swap3A_592 = arith.constant 0 : i32
    %swap3A_593 = tpu.memref_slice %arg11[%swap3A_591, %swap3A_592] : memref<4x128xi32, #tpu.memory_space<vmem>> -> memref<1x128xi32, #tpu.memory_space<vmem>>
    %swap3A_594 = tpu.memref_squeeze %swap3A_593 : memref<1x128xi32, #tpu.memory_space<vmem>> -> memref<128xi32, #tpu.memory_space<vmem>>
    %swap3A_595 = arith.constant 80 : index
    %swap3A_596 = tpu.vector_load %swap3A_594[%swap3A_595] {strides = array<i32>} : memref<128xi32, #tpu.memory_space<vmem>>, vector<16xi32>,
    tpu.vector_store %swap3A_594[%swap3A_595], %or3A_590 {strides = array<i32>} : memref<128xi32, #tpu.memory_space<vmem>>, vector<16xi32>,
    %shift_right_arithmetic3A_597 = arith.constant 14 : i32
    %shift_right_arithmetic3A_598 = vector.broadcast %shift_right_arithmetic3A_597 : i32 to vector<16xi32>
    %shift_right_arithmetic3A_599 = arith.shrsi %get3A_580, %shift_right_arithmetic3A_598 : vector<16xi32>
    %shift_left3A_600 = arith.constant 12 : i32
    %shift_left3A_601 = vector.broadcast %shift_left3A_600 : i32 to vector<16xi32>
    %shift_left3A_602 = arith.shli %shift_right_arithmetic3A_599, %shift_left3A_601 : vector<16xi32>
    %and3A_603 = arith.constant 4095 : i32
    %and3A_604 = vector.broadcast %and3A_603 : i32 to vector<16xi32>
    %and3A_605 = arith.andi %get3A_580, %and3A_604 : vector<16xi32>
    %or3A_606 = arith.ori %shift_left3A_602, %and3A_605 : vector<16xi32>
    %swap3A_607 = arith.constant 1 : i32
    %swap3A_608 = arith.constant 0 : i32
    %swap3A_609 = tpu.memref_slice %arg12[%swap3A_607, %swap3A_608] : memref<4x128xi32, #tpu.memory_space<vmem>> -> memref<1x128xi32, #tpu.memory_space<vmem>>
    %swap3A_610 = tpu.memref_squeeze %swap3A_609 : memref<1x128xi32, #tpu.memory_space<vmem>> -> memref<128xi32, #tpu.memory_space<vmem>>
    %swap3A_611 = arith.constant 80 : index
    %swap3A_612 = tpu.vector_load %swap3A_610[%swap3A_611] {strides = array<i32>} : memref<128xi32, #tpu.memory_space<vmem>>, vector<16xi32>,
    tpu.vector_store %swap3A_610[%swap3A_611], %or3A_606 {strides = array<i32>} : memref<128xi32, #tpu.memory_space<vmem>>, vector<16xi32>,
    %get3A_613 = arith.constant 1 : i32
    %get3A_614 = arith.constant 0 : i32
    %get3A_615 = tpu.memref_slice %arg9[%get3A_613, %get3A_614] : memref<4x128xi32, #tpu.memory_space<vmem>> -> memref<1x128xi32, #tpu.memory_space<vmem>>
    %get3A_616 = tpu.memref_squeeze %get3A_615 : memref<1x128xi32, #tpu.memory_space<vmem>> -> memref<128xi32, #tpu.memory_space<vmem>>
    %get3A_617 = arith.constant 96 : index
    %get3A_618 = tpu.vector_load %get3A_616[%get3A_617] {strides = array<i32>} : memref<128xi32, #tpu.memory_space<vmem>>, vector<16xi32>,
    %get3A_619 = arith.constant 1 : i32
    %get3A_620 = arith.constant 0 : i32
    %get3A_621 = tpu.memref_slice %arg10[%get3A_619, %get3A_620] : memref<4x128xi32, #tpu.memory_space<vmem>> -> memref<1x128xi32, #tpu.memory_space<vmem>>
    %get3A_622 = tpu.memref_squeeze %get3A_621 : memref<1x128xi32, #tpu.memory_space<vmem>> -> memref<128xi32, #tpu.memory_space<vmem>>
    %get3A_623 = arith.constant 96 : index
    %get3A_624 = tpu.vector_load %get3A_622[%get3A_623] {strides = array<i32>} : memref<128xi32, #tpu.memory_space<vmem>>, vector<16xi32>,
    %shift_right_arithmetic3A_625 = arith.constant 14 : i32
    %shift_right_arithmetic3A_626 = vector.broadcast %shift_right_arithmetic3A_625 : i32 to vector<16xi32>
    %shift_right_arithmetic3A_627 = arith.shrsi %get3A_618, %shift_right_arithmetic3A_626 : vector<16xi32>
    %shift_left3A_628 = arith.constant 12 : i32
    %shift_left3A_629 = vector.broadcast %shift_left3A_628 : i32 to vector<16xi32>
    %shift_left3A_630 = arith.shli %shift_right_arithmetic3A_627, %shift_left3A_629 : vector<16xi32>
    %and3A_631 = arith.constant 4095 : i32
    %and3A_632 = vector.broadcast %and3A_631 : i32 to vector<16xi32>
    %and3A_633 = arith.andi %get3A_618, %and3A_632 : vector<16xi32>
    %or3A_634 = arith.ori %shift_left3A_630, %and3A_633 : vector<16xi32>
    %swap3A_635 = arith.constant 1 : i32
    %swap3A_636 = arith.constant 0 : i32
    %swap3A_637 = tpu.memref_slice %arg11[%swap3A_635, %swap3A_636] : memref<4x128xi32, #tpu.memory_space<vmem>> -> memref<1x128xi32, #tpu.memory_space<vmem>>
    %swap3A_638 = tpu.memref_squeeze %swap3A_637 : memref<1x128xi32, #tpu.memory_space<vmem>> -> memref<128xi32, #tpu.memory_space<vmem>>
    %swap3A_639 = arith.constant 96 : index
    %swap3A_640 = tpu.vector_load %swap3A_638[%swap3A_639] {strides = array<i32>} : memref<128xi32, #tpu.memory_space<vmem>>, vector<16xi32>,
    tpu.vector_store %swap3A_638[%swap3A_639], %or3A_634 {strides = array<i32>} : memref<128xi32, #tpu.memory_space<vmem>>, vector<16xi32>,
    %shift_right_arithmetic3A_641 = arith.constant 14 : i32
    %shift_right_arithmetic3A_642 = vector.broadcast %shift_right_arithmetic3A_641 : i32 to vector<16xi32>
    %shift_right_arithmetic3A_643 = arith.shrsi %get3A_624, %shift_right_arithmetic3A_642 : vector<16xi32>
    %shift_left3A_644 = arith.constant 12 : i32
    %shift_left3A_645 = vector.broadcast %shift_left3A_644 : i32 to vector<16xi32>
    %shift_left3A_646 = arith.shli %shift_right_arithmetic3A_643, %shift_left3A_645 : vector<16xi32>
    %and3A_647 = arith.constant 4095 : i32
    %and3A_648 = vector.broadcast %and3A_647 : i32 to vector<16xi32>
    %and3A_649 = arith.andi %get3A_624, %and3A_648 : vector<16xi32>
    %or3A_650 = arith.ori %shift_left3A_646, %and3A_649 : vector<16xi32>
    %swap3A_651 = arith.constant 1 : i32
    %swap3A_652 = arith.constant 0 : i32
    %swap3A_653 = tpu.memref_slice %arg12[%swap3A_651, %swap3A_652] : memref<4x128xi32, #tpu.memory_space<vmem>> -> memref<1x128xi32, #tpu.memory_space<vmem>>
    %swap3A_654 = tpu.memref_squeeze %swap3A_653 : memref<1x128xi32, #tpu.memory_space<vmem>> -> memref<128xi32, #tpu.memory_space<vmem>>
    %swap3A_655 = arith.constant 96 : index
    %swap3A_656 = tpu.vector_load %swap3A_654[%swap3A_655] {strides = array<i32>} : memref<128xi32, #tpu.memory_space<vmem>>, vector<16xi32>,
    tpu.vector_store %swap3A_654[%swap3A_655], %or3A_650 {strides = array<i32>} : memref<128xi32, #tpu.memory_space<vmem>>, vector<16xi32>,
    %get3A_657 = arith.constant 1 : i32
    %get3A_658 = arith.constant 0 : i32
    %get3A_659 = tpu.memref_slice %arg9[%get3A_657, %get3A_658] : memref<4x128xi32, #tpu.memory_space<vmem>> -> memref<1x128xi32, #tpu.memory_space<vmem>>
    %get3A_660 = tpu.memref_squeeze %get3A_659 : memref<1x128xi32, #tpu.memory_space<vmem>> -> memref<128xi32, #tpu.memory_space<vmem>>
    %get3A_661 = arith.constant 112 : index
    %get3A_662 = tpu.vector_load %get3A_660[%get3A_661] {strides = array<i32>} : memref<128xi32, #tpu.memory_space<vmem>>, vector<16xi32>,
    %get3A_663 = arith.constant 1 : i32
    %get3A_664 = arith.constant 0 : i32
    %get3A_665 = tpu.memref_slice %arg10[%get3A_663, %get3A_664] : memref<4x128xi32, #tpu.memory_space<vmem>> -> memref<1x128xi32, #tpu.memory_space<vmem>>
    %get3A_666 = tpu.memref_squeeze %get3A_665 : memref<1x128xi32, #tpu.memory_space<vmem>> -> memref<128xi32, #tpu.memory_space<vmem>>
    %get3A_667 = arith.constant 112 : index
    %get3A_668 = tpu.vector_load %get3A_666[%get3A_667] {strides = array<i32>} : memref<128xi32, #tpu.memory_space<vmem>>, vector<16xi32>,
    %shift_right_arithmetic3A_669 = arith.constant 14 : i32
    %shift_right_arithmetic3A_670 = vector.broadcast %shift_right_arithmetic3A_669 : i32 to vector<16xi32>
    %shift_right_arithmetic3A_671 = arith.shrsi %get3A_662, %shift_right_arithmetic3A_670 : vector<16xi32>
    %shift_left3A_672 = arith.constant 12 : i32
    %shift_left3A_673 = vector.broadcast %shift_left3A_672 : i32 to vector<16xi32>
    %shift_left3A_674 = arith.shli %shift_right_arithmetic3A_671, %shift_left3A_673 : vector<16xi32>
    %and3A_675 = arith.constant 4095 : i32
    %and3A_676 = vector.broadcast %and3A_675 : i32 to vector<16xi32>
    %and3A_677 = arith.andi %get3A_662, %and3A_676 : vector<16xi32>
    %or3A_678 = arith.ori %shift_left3A_674, %and3A_677 : vector<16xi32>
    %swap3A_679 = arith.constant 1 : i32
    %swap3A_680 = arith.constant 0 : i32
    %swap3A_681 = tpu.memref_slice %arg11[%swap3A_679, %swap3A_680] : memref<4x128xi32, #tpu.memory_space<vmem>> -> memref<1x128xi32, #tpu.memory_space<vmem>>
    %swap3A_682 = tpu.memref_squeeze %swap3A_681 : memref<1x128xi32, #tpu.memory_space<vmem>> -> memref<128xi32, #tpu.memory_space<vmem>>
    %swap3A_683 = arith.constant 112 : index
    %swap3A_684 = tpu.vector_load %swap3A_682[%swap3A_683] {strides = array<i32>} : memref<128xi32, #tpu.memory_space<vmem>>, vector<16xi32>,
    tpu.vector_store %swap3A_682[%swap3A_683], %or3A_678 {strides = array<i32>} : memref<128xi32, #tpu.memory_space<vmem>>, vector<16xi32>,
    %shift_right_arithmetic3A_685 = arith.constant 14 : i32
    %shift_right_arithmetic3A_686 = vector.broadcast %shift_right_arithmetic3A_685 : i32 to vector<16xi32>
    %shift_right_arithmetic3A_687 = arith.shrsi %get3A_668, %shift_right_arithmetic3A_686 : vector<16xi32>
    %shift_left3A_688 = arith.constant 12 : i32
    %shift_left3A_689 = vector.broadcast %shift_left3A_688 : i32 to vector<16xi32>
    %shift_left3A_690 = arith.shli %shift_right_arithmetic3A_687, %shift_left3A_689 : vector<16xi32>
    %and3A_691 = arith.constant 4095 : i32
    %and3A_692 = vector.broadcast %and3A_691 : i32 to vector<16xi32>
    %and3A_693 = arith.andi %get3A_668, %and3A_692 : vector<16xi32>
    %or3A_694 = arith.ori %shift_left3A_690, %and3A_693 : vector<16xi32>
    %swap3A_695 = arith.constant 1 : i32
    %swap3A_696 = arith.constant 0 : i32
    %swap3A_697 = tpu.memref_slice %arg12[%swap3A_695, %swap3A_696] : memref<4x128xi32, #tpu.memory_space<vmem>> -> memref<1x128xi32, #tpu.memory_space<vmem>>
    %swap3A_698 = tpu.memref_squeeze %swap3A_697 : memref<1x128xi32, #tpu.memory_space<vmem>> -> memref<128xi32, #tpu.memory_space<vmem>>
    %swap3A_699 = arith.constant 112 : index
    %swap3A_700 = tpu.vector_load %swap3A_698[%swap3A_699] {strides = array<i32>} : memref<128xi32, #tpu.memory_space<vmem>>, vector<16xi32>,
    tpu.vector_store %swap3A_698[%swap3A_699], %or3A_694 {strides = array<i32>} : memref<128xi32, #tpu.memory_space<vmem>>, vector<16xi32>,
    %get3A_701 = arith.constant 2 : i32
    %get3A_702 = arith.constant 0 : i32
    %get3A_703 = tpu.memref_slice %arg9[%get3A_701, %get3A_702] : memref<4x128xi32, #tpu.memory_space<vmem>> -> memref<1x128xi32, #tpu.memory_space<vmem>>
    %get3A_704 = tpu.memref_squeeze %get3A_703 : memref<1x128xi32, #tpu.memory_space<vmem>> -> memref<128xi32, #tpu.memory_space<vmem>>
    %get3A_705 = arith.constant 0 : index
    %get3A_706 = tpu.vector_load %get3A_704[%get3A_705] {strides = array<i32>} : memref<128xi32, #tpu.memory_space<vmem>>, vector<16xi32>,
    %get3A_707 = arith.constant 2 : i32
    %get3A_708 = arith.constant 0 : i32
    %get3A_709 = tpu.memref_slice %arg10[%get3A_707, %get3A_708] : memref<4x128xi32, #tpu.memory_space<vmem>> -> memref<1x128xi32, #tpu.memory_space<vmem>>
    %get3A_710 = tpu.memref_squeeze %get3A_709 : memref<1x128xi32, #tpu.memory_space<vmem>> -> memref<128xi32, #tpu.memory_space<vmem>>
    %get3A_711 = arith.constant 0 : index
    %get3A_712 = tpu.vector_load %get3A_710[%get3A_711] {strides = array<i32>} : memref<128xi32, #tpu.memory_space<vmem>>, vector<16xi32>,
    %shift_right_arithmetic3A_713 = arith.constant 14 : i32
    %shift_right_arithmetic3A_714 = vector.broadcast %shift_right_arithmetic3A_713 : i32 to vector<16xi32>
    %shift_right_arithmetic3A_715 = arith.shrsi %get3A_706, %shift_right_arithmetic3A_714 : vector<16xi32>
    %shift_left3A_716 = arith.constant 12 : i32
    %shift_left3A_717 = vector.broadcast %shift_left3A_716 : i32 to vector<16xi32>
    %shift_left3A_718 = arith.shli %shift_right_arithmetic3A_715, %shift_left3A_717 : vector<16xi32>
    %and3A_719 = arith.constant 4095 : i32
    %and3A_720 = vector.broadcast %and3A_719 : i32 to vector<16xi32>
    %and3A_721 = arith.andi %get3A_706, %and3A_720 : vector<16xi32>
    %or3A_722 = arith.ori %shift_left3A_718, %and3A_721 : vector<16xi32>
    %swap3A_723 = arith.constant 2 : i32
    %swap3A_724 = arith.constant 0 : i32
    %swap3A_725 = tpu.memref_slice %arg11[%swap3A_723, %swap3A_724] : memref<4x128xi32, #tpu.memory_space<vmem>> -> memref<1x128xi32, #tpu.memory_space<vmem>>
    %swap3A_726 = tpu.memref_squeeze %swap3A_725 : memref<1x128xi32, #tpu.memory_space<vmem>> -> memref<128xi32, #tpu.memory_space<vmem>>
    %swap3A_727 = arith.constant 0 : index
    %swap3A_728 = tpu.vector_load %swap3A_726[%swap3A_727] {strides = array<i32>} : memref<128xi32, #tpu.memory_space<vmem>>, vector<16xi32>,
    tpu.vector_store %swap3A_726[%swap3A_727], %or3A_722 {strides = array<i32>} : memref<128xi32, #tpu.memory_space<vmem>>, vector<16xi32>,
    %shift_right_arithmetic3A_729 = arith.constant 14 : i32
    %shift_right_arithmetic3A_730 = vector.broadcast %shift_right_arithmetic3A_729 : i32 to vector<16xi32>
    %shift_right_arithmetic3A_731 = arith.shrsi %get3A_712, %shift_right_arithmetic3A_730 : vector<16xi32>
    %shift_left3A_732 = arith.constant 12 : i32
    %shift_left3A_733 = vector.broadcast %shift_left3A_732 : i32 to vector<16xi32>
    %shift_left3A_734 = arith.shli %shift_right_arithmetic3A_731, %shift_left3A_733 : vector<16xi32>
    %and3A_735 = arith.constant 4095 : i32
    %and3A_736 = vector.broadcast %and3A_735 : i32 to vector<16xi32>
    %and3A_737 = arith.andi %get3A_712, %and3A_736 : vector<16xi32>
    %or3A_738 = arith.ori %shift_left3A_734, %and3A_737 : vector<16xi32>
    %swap3A_739 = arith.constant 2 : i32
    %swap3A_740 = arith.constant 0 : i32
    %swap3A_741 = tpu.memref_slice %arg12[%swap3A_739, %swap3A_740] : memref<4x128xi32, #tpu.memory_space<vmem>> -> memref<1x128xi32, #tpu.memory_space<vmem>>
    %swap3A_742 = tpu.memref_squeeze %swap3A_741 : memref<1x128xi32, #tpu.memory_space<vmem>> -> memref<128xi32, #tpu.memory_space<vmem>>
    %swap3A_743 = arith.constant 0 : index
    %swap3A_744 = tpu.vector_load %swap3A_742[%swap3A_743] {strides = array<i32>} : memref<128xi32, #tpu.memory_space<vmem>>, vector<16xi32>,
    tpu.vector_store %swap3A_742[%swap3A_743], %or3A_738 {strides = array<i32>} : memref<128xi32, #tpu.memory_space<vmem>>, vector<16xi32>,
    %get3A_745 = arith.constant 2 : i32
    %get3A_746 = arith.constant 0 : i32
    %get3A_747 = tpu.memref_slice %arg9[%get3A_745, %get3A_746] : memref<4x128xi32, #tpu.memory_space<vmem>> -> memref<1x128xi32, #tpu.memory_space<vmem>>
    %get3A_748 = tpu.memref_squeeze %get3A_747 : memref<1x128xi32, #tpu.memory_space<vmem>> -> memref<128xi32, #tpu.memory_space<vmem>>
    %get3A_749 = arith.constant 16 : index
    %get3A_750 = tpu.vector_load %get3A_748[%get3A_749] {strides = array<i32>} : memref<128xi32, #tpu.memory_space<vmem>>, vector<16xi32>,
    %get3A_751 = arith.constant 2 : i32
    %get3A_752 = arith.constant 0 : i32
    %get3A_753 = tpu.memref_slice %arg10[%get3A_751, %get3A_752] : memref<4x128xi32, #tpu.memory_space<vmem>> -> memref<1x128xi32, #tpu.memory_space<vmem>>
    %get3A_754 = tpu.memref_squeeze %get3A_753 : memref<1x128xi32, #tpu.memory_space<vmem>> -> memref<128xi32, #tpu.memory_space<vmem>>
    %get3A_755 = arith.constant 16 : index
    %get3A_756 = tpu.vector_load %get3A_754[%get3A_755] {strides = array<i32>} : memref<128xi32, #tpu.memory_space<vmem>>, vector<16xi32>,
    %shift_right_arithmetic3A_757 = arith.constant 14 : i32
    %shift_right_arithmetic3A_758 = vector.broadcast %shift_right_arithmetic3A_757 : i32 to vector<16xi32>
    %shift_right_arithmetic3A_759 = arith.shrsi %get3A_750, %shift_right_arithmetic3A_758 : vector<16xi32>
    %shift_left3A_760 = arith.constant 12 : i32
    %shift_left3A_761 = vector.broadcast %shift_left3A_760 : i32 to vector<16xi32>
    %shift_left3A_762 = arith.shli %shift_right_arithmetic3A_759, %shift_left3A_761 : vector<16xi32>
    %and3A_763 = arith.constant 4095 : i32
    %and3A_764 = vector.broadcast %and3A_763 : i32 to vector<16xi32>
    %and3A_765 = arith.andi %get3A_750, %and3A_764 : vector<16xi32>
    %or3A_766 = arith.ori %shift_left3A_762, %and3A_765 : vector<16xi32>
    %swap3A_767 = arith.constant 2 : i32
    %swap3A_768 = arith.constant 0 : i32
    %swap3A_769 = tpu.memref_slice %arg11[%swap3A_767, %swap3A_768] : memref<4x128xi32, #tpu.memory_space<vmem>> -> memref<1x128xi32, #tpu.memory_space<vmem>>
    %swap3A_770 = tpu.memref_squeeze %swap3A_769 : memref<1x128xi32, #tpu.memory_space<vmem>> -> memref<128xi32, #tpu.memory_space<vmem>>
    %swap3A_771 = arith.constant 16 : index
    %swap3A_772 = tpu.vector_load %swap3A_770[%swap3A_771] {strides = array<i32>} : memref<128xi32, #tpu.memory_space<vmem>>, vector<16xi32>,
    tpu.vector_store %swap3A_770[%swap3A_771], %or3A_766 {strides = array<i32>} : memref<128xi32, #tpu.memory_space<vmem>>, vector<16xi32>,
    %shift_right_arithmetic3A_773 = arith.constant 14 : i32
    %shift_right_arithmetic3A_774 = vector.broadcast %shift_right_arithmetic3A_773 : i32 to vector<16xi32>
    %shift_right_arithmetic3A_775 = arith.shrsi %get3A_756, %shift_right_arithmetic3A_774 : vector<16xi32>
    %shift_left3A_776 = arith.constant 12 : i32
    %shift_left3A_777 = vector.broadcast %shift_left3A_776 : i32 to vector<16xi32>
    %shift_left3A_778 = arith.shli %shift_right_arithmetic3A_775, %shift_left3A_777 : vector<16xi32>
    %and3A_779 = arith.constant 4095 : i32
    %and3A_780 = vector.broadcast %and3A_779 : i32 to vector<16xi32>
    %and3A_781 = arith.andi %get3A_756, %and3A_780 : vector<16xi32>
    %or3A_782 = arith.ori %shift_left3A_778, %and3A_781 : vector<16xi32>
    %swap3A_783 = arith.constant 2 : i32
    %swap3A_784 = arith.constant 0 : i32
    %swap3A_785 = tpu.memref_slice %arg12[%swap3A_783, %swap3A_784] : memref<4x128xi32, #tpu.memory_space<vmem>> -> memref<1x128xi32, #tpu.memory_space<vmem>>
    %swap3A_786 = tpu.memref_squeeze %swap3A_785 : memref<1x128xi32, #tpu.memory_space<vmem>> -> memref<128xi32, #tpu.memory_space<vmem>>
    %swap3A_787 = arith.constant 16 : index
    %swap3A_788 = tpu.vector_load %swap3A_786[%swap3A_787] {strides = array<i32>} : memref<128xi32, #tpu.memory_space<vmem>>, vector<16xi32>,
    tpu.vector_store %swap3A_786[%swap3A_787], %or3A_782 {strides = array<i32>} : memref<128xi32, #tpu.memory_space<vmem>>, vector<16xi32>,
    %get3A_789 = arith.constant 2 : i32
    %get3A_790 = arith.constant 0 : i32
    %get3A_791 = tpu.memref_slice %arg9[%get3A_789, %get3A_790] : memref<4x128xi32, #tpu.memory_space<vmem>> -> memref<1x128xi32, #tpu.memory_space<vmem>>
    %get3A_792 = tpu.memref_squeeze %get3A_791 : memref<1x128xi32, #tpu.memory_space<vmem>> -> memref<128xi32, #tpu.memory_space<vmem>>
    %get3A_793 = arith.constant 32 : index
    %get3A_794 = tpu.vector_load %get3A_792[%get3A_793] {strides = array<i32>} : memref<128xi32, #tpu.memory_space<vmem>>, vector<16xi32>,
    %get3A_795 = arith.constant 2 : i32
    %get3A_796 = arith.constant 0 : i32
    %get3A_797 = tpu.memref_slice %arg10[%get3A_795, %get3A_796] : memref<4x128xi32, #tpu.memory_space<vmem>> -> memref<1x128xi32, #tpu.memory_space<vmem>>
    %get3A_798 = tpu.memref_squeeze %get3A_797 : memref<1x128xi32, #tpu.memory_space<vmem>> -> memref<128xi32, #tpu.memory_space<vmem>>
    %get3A_799 = arith.constant 32 : index
    %get3A_800 = tpu.vector_load %get3A_798[%get3A_799] {strides = array<i32>} : memref<128xi32, #tpu.memory_space<vmem>>, vector<16xi32>,
    %shift_right_arithmetic3A_801 = arith.constant 14 : i32
    %shift_right_arithmetic3A_802 = vector.broadcast %shift_right_arithmetic3A_801 : i32 to vector<16xi32>
    %shift_right_arithmetic3A_803 = arith.shrsi %get3A_794, %shift_right_arithmetic3A_802 : vector<16xi32>
    %shift_left3A_804 = arith.constant 12 : i32
    %shift_left3A_805 = vector.broadcast %shift_left3A_804 : i32 to vector<16xi32>
    %shift_left3A_806 = arith.shli %shift_right_arithmetic3A_803, %shift_left3A_805 : vector<16xi32>
    %and3A_807 = arith.constant 4095 : i32
    %and3A_808 = vector.broadcast %and3A_807 : i32 to vector<16xi32>
    %and3A_809 = arith.andi %get3A_794, %and3A_808 : vector<16xi32>
    %or3A_810 = arith.ori %shift_left3A_806, %and3A_809 : vector<16xi32>
    %swap3A_811 = arith.constant 2 : i32
    %swap3A_812 = arith.constant 0 : i32
    %swap3A_813 = tpu.memref_slice %arg11[%swap3A_811, %swap3A_812] : memref<4x128xi32, #tpu.memory_space<vmem>> -> memref<1x128xi32, #tpu.memory_space<vmem>>
    %swap3A_814 = tpu.memref_squeeze %swap3A_813 : memref<1x128xi32, #tpu.memory_space<vmem>> -> memref<128xi32, #tpu.memory_space<vmem>>
    %swap3A_815 = arith.constant 32 : index
    %swap3A_816 = tpu.vector_load %swap3A_814[%swap3A_815] {strides = array<i32>} : memref<128xi32, #tpu.memory_space<vmem>>, vector<16xi32>,
    tpu.vector_store %swap3A_814[%swap3A_815], %or3A_810 {strides = array<i32>} : memref<128xi32, #tpu.memory_space<vmem>>, vector<16xi32>,
    %shift_right_arithmetic3A_817 = arith.constant 14 : i32
    %shift_right_arithmetic3A_818 = vector.broadcast %shift_right_arithmetic3A_817 : i32 to vector<16xi32>
    %shift_right_arithmetic3A_819 = arith.shrsi %get3A_800, %shift_right_arithmetic3A_818 : vector<16xi32>
    %shift_left3A_820 = arith.constant 12 : i32
    %shift_left3A_821 = vector.broadcast %shift_left3A_820 : i32 to vector<16xi32>
    %shift_left3A_822 = arith.shli %shift_right_arithmetic3A_819, %shift_left3A_821 : vector<16xi32>
    %and3A_823 = arith.constant 4095 : i32
    %and3A_824 = vector.broadcast %and3A_823 : i32 to vector<16xi32>
    %and3A_825 = arith.andi %get3A_800, %and3A_824 : vector<16xi32>
    %or3A_826 = arith.ori %shift_left3A_822, %and3A_825 : vector<16xi32>
    %swap3A_827 = arith.constant 2 : i32
    %swap3A_828 = arith.constant 0 : i32
    %swap3A_829 = tpu.memref_slice %arg12[%swap3A_827, %swap3A_828] : memref<4x128xi32, #tpu.memory_space<vmem>> -> memref<1x128xi32, #tpu.memory_space<vmem>>
    %swap3A_830 = tpu.memref_squeeze %swap3A_829 : memref<1x128xi32, #tpu.memory_space<vmem>> -> memref<128xi32, #tpu.memory_space<vmem>>
    %swap3A_831 = arith.constant 32 : index
    %swap3A_832 = tpu.vector_load %swap3A_830[%swap3A_831] {strides = array<i32>} : memref<128xi32, #tpu.memory_space<vmem>>, vector<16xi32>,
    tpu.vector_store %swap3A_830[%swap3A_831], %or3A_826 {strides = array<i32>} : memref<128xi32, #tpu.memory_space<vmem>>, vector<16xi32>,
    %get3A_833 = arith.constant 2 : i32
    %get3A_834 = arith.constant 0 : i32
    %get3A_835 = tpu.memref_slice %arg9[%get3A_833, %get3A_834] : memref<4x128xi32, #tpu.memory_space<vmem>> -> memref<1x128xi32, #tpu.memory_space<vmem>>
    %get3A_836 = tpu.memref_squeeze %get3A_835 : memref<1x128xi32, #tpu.memory_space<vmem>> -> memref<128xi32, #tpu.memory_space<vmem>>
    %get3A_837 = arith.constant 48 : index
    %get3A_838 = tpu.vector_load %get3A_836[%get3A_837] {strides = array<i32>} : memref<128xi32, #tpu.memory_space<vmem>>, vector<16xi32>,
    %get3A_839 = arith.constant 2 : i32
    %get3A_840 = arith.constant 0 : i32
    %get3A_841 = tpu.memref_slice %arg10[%get3A_839, %get3A_840] : memref<4x128xi32, #tpu.memory_space<vmem>> -> memref<1x128xi32, #tpu.memory_space<vmem>>
    %get3A_842 = tpu.memref_squeeze %get3A_841 : memref<1x128xi32, #tpu.memory_space<vmem>> -> memref<128xi32, #tpu.memory_space<vmem>>
    %get3A_843 = arith.constant 48 : index
    %get3A_844 = tpu.vector_load %get3A_842[%get3A_843] {strides = array<i32>} : memref<128xi32, #tpu.memory_space<vmem>>, vector<16xi32>,
    %shift_right_arithmetic3A_845 = arith.constant 14 : i32
    %shift_right_arithmetic3A_846 = vector.broadcast %shift_right_arithmetic3A_845 : i32 to vector<16xi32>
    %shift_right_arithmetic3A_847 = arith.shrsi %get3A_838, %shift_right_arithmetic3A_846 : vector<16xi32>
    %shift_left3A_848 = arith.constant 12 : i32
    %shift_left3A_849 = vector.broadcast %shift_left3A_848 : i32 to vector<16xi32>
    %shift_left3A_850 = arith.shli %shift_right_arithmetic3A_847, %shift_left3A_849 : vector<16xi32>
    %and3A_851 = arith.constant 4095 : i32
    %and3A_852 = vector.broadcast %and3A_851 : i32 to vector<16xi32>
    %and3A_853 = arith.andi %get3A_838, %and3A_852 : vector<16xi32>
    %or3A_854 = arith.ori %shift_left3A_850, %and3A_853 : vector<16xi32>
    %swap3A_855 = arith.constant 2 : i32
    %swap3A_856 = arith.constant 0 : i32
    %swap3A_857 = tpu.memref_slice %arg11[%swap3A_855, %swap3A_856] : memref<4x128xi32, #tpu.memory_space<vmem>> -> memref<1x128xi32, #tpu.memory_space<vmem>>
    %swap3A_858 = tpu.memref_squeeze %swap3A_857 : memref<1x128xi32, #tpu.memory_space<vmem>> -> memref<128xi32, #tpu.memory_space<vmem>>
    %swap3A_859 = arith.constant 48 : index
    %swap3A_860 = tpu.vector_load %swap3A_858[%swap3A_859] {strides = array<i32>} : memref<128xi32, #tpu.memory_space<vmem>>, vector<16xi32>,
    tpu.vector_store %swap3A_858[%swap3A_859], %or3A_854 {strides = array<i32>} : memref<128xi32, #tpu.memory_space<vmem>>, vector<16xi32>,
    %shift_right_arithmetic3A_861 = arith.constant 14 : i32
    %shift_right_arithmetic3A_862 = vector.broadcast %shift_right_arithmetic3A_861 : i32 to vector<16xi32>
    %shift_right_arithmetic3A_863 = arith.shrsi %get3A_844, %shift_right_arithmetic3A_862 : vector<16xi32>
    %shift_left3A_864 = arith.constant 12 : i32
    %shift_left3A_865 = vector.broadcast %shift_left3A_864 : i32 to vector<16xi32>
    %shift_left3A_866 = arith.shli %shift_right_arithmetic3A_863, %shift_left3A_865 : vector<16xi32>
    %and3A_867 = arith.constant 4095 : i32
    %and3A_868 = vector.broadcast %and3A_867 : i32 to vector<16xi32>
    %and3A_869 = arith.andi %get3A_844, %and3A_868 : vector<16xi32>
    %or3A_870 = arith.ori %shift_left3A_866, %and3A_869 : vector<16xi32>
    %swap3A_871 = arith.constant 2 : i32
    %swap3A_872 = arith.constant 0 : i32
    %swap3A_873 = tpu.memref_slice %arg12[%swap3A_871, %swap3A_872] : memref<4x128xi32, #tpu.memory_space<vmem>> -> memref<1x128xi32, #tpu.memory_space<vmem>>
    %swap3A_874 = tpu.memref_squeeze %swap3A_873 : memref<1x128xi32, #tpu.memory_space<vmem>> -> memref<128xi32, #tpu.memory_space<vmem>>
    %swap3A_875 = arith.constant 48 : index
    %swap3A_876 = tpu.vector_load %swap3A_874[%swap3A_875] {strides = array<i32>} : memref<128xi32, #tpu.memory_space<vmem>>, vector<16xi32>,
    tpu.vector_store %swap3A_874[%swap3A_875], %or3A_870 {strides = array<i32>} : memref<128xi32, #tpu.memory_space<vmem>>, vector<16xi32>,
    %get3A_877 = arith.constant 2 : i32
    %get3A_878 = arith.constant 0 : i32
    %get3A_879 = tpu.memref_slice %arg9[%get3A_877, %get3A_878] : memref<4x128xi32, #tpu.memory_space<vmem>> -> memref<1x128xi32, #tpu.memory_space<vmem>>
    %get3A_880 = tpu.memref_squeeze %get3A_879 : memref<1x128xi32, #tpu.memory_space<vmem>> -> memref<128xi32, #tpu.memory_space<vmem>>
    %get3A_881 = arith.constant 64 : index
    %get3A_882 = tpu.vector_load %get3A_880[%get3A_881] {strides = array<i32>} : memref<128xi32, #tpu.memory_space<vmem>>, vector<16xi32>,
    %get3A_883 = arith.constant 2 : i32
    %get3A_884 = arith.constant 0 : i32
    %get3A_885 = tpu.memref_slice %arg10[%get3A_883, %get3A_884] : memref<4x128xi32, #tpu.memory_space<vmem>> -> memref<1x128xi32, #tpu.memory_space<vmem>>
    %get3A_886 = tpu.memref_squeeze %get3A_885 : memref<1x128xi32, #tpu.memory_space<vmem>> -> memref<128xi32, #tpu.memory_space<vmem>>
    %get3A_887 = arith.constant 64 : index
    %get3A_888 = tpu.vector_load %get3A_886[%get3A_887] {strides = array<i32>} : memref<128xi32, #tpu.memory_space<vmem>>, vector<16xi32>,
    %shift_right_arithmetic3A_889 = arith.constant 14 : i32
    %shift_right_arithmetic3A_890 = vector.broadcast %shift_right_arithmetic3A_889 : i32 to vector<16xi32>
    %shift_right_arithmetic3A_891 = arith.shrsi %get3A_882, %shift_right_arithmetic3A_890 : vector<16xi32>
    %shift_left3A_892 = arith.constant 12 : i32
    %shift_left3A_893 = vector.broadcast %shift_left3A_892 : i32 to vector<16xi32>
    %shift_left3A_894 = arith.shli %shift_right_arithmetic3A_891, %shift_left3A_893 : vector<16xi32>
    %and3A_895 = arith.constant 4095 : i32
    %and3A_896 = vector.broadcast %and3A_895 : i32 to vector<16xi32>
    %and3A_897 = arith.andi %get3A_882, %and3A_896 : vector<16xi32>
    %or3A_898 = arith.ori %shift_left3A_894, %and3A_897 : vector<16xi32>
    %swap3A_899 = arith.constant 2 : i32
    %swap3A_900 = arith.constant 0 : i32
    %swap3A_901 = tpu.memref_slice %arg11[%swap3A_899, %swap3A_900] : memref<4x128xi32, #tpu.memory_space<vmem>> -> memref<1x128xi32, #tpu.memory_space<vmem>>
    %swap3A_902 = tpu.memref_squeeze %swap3A_901 : memref<1x128xi32, #tpu.memory_space<vmem>> -> memref<128xi32, #tpu.memory_space<vmem>>
    %swap3A_903 = arith.constant 64 : index
    %swap3A_904 = tpu.vector_load %swap3A_902[%swap3A_903] {strides = array<i32>} : memref<128xi32, #tpu.memory_space<vmem>>, vector<16xi32>,
    tpu.vector_store %swap3A_902[%swap3A_903], %or3A_898 {strides = array<i32>} : memref<128xi32, #tpu.memory_space<vmem>>, vector<16xi32>,
    %shift_right_arithmetic3A_905 = arith.constant 14 : i32
    %shift_right_arithmetic3A_906 = vector.broadcast %shift_right_arithmetic3A_905 : i32 to vector<16xi32>
    %shift_right_arithmetic3A_907 = arith.shrsi %get3A_888, %shift_right_arithmetic3A_906 : vector<16xi32>
    %shift_left3A_908 = arith.constant 12 : i32
    %shift_left3A_909 = vector.broadcast %shift_left3A_908 : i32 to vector<16xi32>
    %shift_left3A_910 = arith.shli %shift_right_arithmetic3A_907, %shift_left3A_909 : vector<16xi32>
    %and3A_911 = arith.constant 4095 : i32
    %and3A_912 = vector.broadcast %and3A_911 : i32 to vector<16xi32>
    %and3A_913 = arith.andi %get3A_888, %and3A_912 : vector<16xi32>
    %or3A_914 = arith.ori %shift_left3A_910, %and3A_913 : vector<16xi32>
    %swap3A_915 = arith.constant 2 : i32
    %swap3A_916 = arith.constant 0 : i32
    %swap3A_917 = tpu.memref_slice %arg12[%swap3A_915, %swap3A_916] : memref<4x128xi32, #tpu.memory_space<vmem>> -> memref<1x128xi32, #tpu.memory_space<vmem>>
    %swap3A_918 = tpu.memref_squeeze %swap3A_917 : memref<1x128xi32, #tpu.memory_space<vmem>> -> memref<128xi32, #tpu.memory_space<vmem>>
    %swap3A_919 = arith.constant 64 : index
    %swap3A_920 = tpu.vector_load %swap3A_918[%swap3A_919] {strides = array<i32>} : memref<128xi32, #tpu.memory_space<vmem>>, vector<16xi32>,
    tpu.vector_store %swap3A_918[%swap3A_919], %or3A_914 {strides = array<i32>} : memref<128xi32, #tpu.memory_space<vmem>>, vector<16xi32>,
    %get3A_921 = arith.constant 2 : i32
    %get3A_922 = arith.constant 0 : i32
    %get3A_923 = tpu.memref_slice %arg9[%get3A_921, %get3A_922] : memref<4x128xi32, #tpu.memory_space<vmem>> -> memref<1x128xi32, #tpu.memory_space<vmem>>
    %get3A_924 = tpu.memref_squeeze %get3A_923 : memref<1x128xi32, #tpu.memory_space<vmem>> -> memref<128xi32, #tpu.memory_space<vmem>>
    %get3A_925 = arith.constant 80 : index
    %get3A_926 = tpu.vector_load %get3A_924[%get3A_925] {strides = array<i32>} : memref<128xi32, #tpu.memory_space<vmem>>, vector<16xi32>,
    %get3A_927 = arith.constant 2 : i32
    %get3A_928 = arith.constant 0 : i32
    %get3A_929 = tpu.memref_slice %arg10[%get3A_927, %get3A_928] : memref<4x128xi32, #tpu.memory_space<vmem>> -> memref<1x128xi32, #tpu.memory_space<vmem>>
    %get3A_930 = tpu.memref_squeeze %get3A_929 : memref<1x128xi32, #tpu.memory_space<vmem>> -> memref<128xi32, #tpu.memory_space<vmem>>
    %get3A_931 = arith.constant 80 : index
    %get3A_932 = tpu.vector_load %get3A_930[%get3A_931] {strides = array<i32>} : memref<128xi32, #tpu.memory_space<vmem>>, vector<16xi32>,
    %shift_right_arithmetic3A_933 = arith.constant 14 : i32
    %shift_right_arithmetic3A_934 = vector.broadcast %shift_right_arithmetic3A_933 : i32 to vector<16xi32>
    %shift_right_arithmetic3A_935 = arith.shrsi %get3A_926, %shift_right_arithmetic3A_934 : vector<16xi32>
    %shift_left3A_936 = arith.constant 12 : i32
    %shift_left3A_937 = vector.broadcast %shift_left3A_936 : i32 to vector<16xi32>
    %shift_left3A_938 = arith.shli %shift_right_arithmetic3A_935, %shift_left3A_937 : vector<16xi32>
    %and3A_939 = arith.constant 4095 : i32
    %and3A_940 = vector.broadcast %and3A_939 : i32 to vector<16xi32>
    %and3A_941 = arith.andi %get3A_926, %and3A_940 : vector<16xi32>
    %or3A_942 = arith.ori %shift_left3A_938, %and3A_941 : vector<16xi32>
    %swap3A_943 = arith.constant 2 : i32
    %swap3A_944 = arith.constant 0 : i32
    %swap3A_945 = tpu.memref_slice %arg11[%swap3A_943, %swap3A_944] : memref<4x128xi32, #tpu.memory_space<vmem>> -> memref<1x128xi32, #tpu.memory_space<vmem>>
    %swap3A_946 = tpu.memref_squeeze %swap3A_945 : memref<1x128xi32, #tpu.memory_space<vmem>> -> memref<128xi32, #tpu.memory_space<vmem>>
    %swap3A_947 = arith.constant 80 : index
    %swap3A_948 = tpu.vector_load %swap3A_946[%swap3A_947] {strides = array<i32>} : memref<128xi32, #tpu.memory_space<vmem>>, vector<16xi32>,
    tpu.vector_store %swap3A_946[%swap3A_947], %or3A_942 {strides = array<i32>} : memref<128xi32, #tpu.memory_space<vmem>>, vector<16xi32>,
    %shift_right_arithmetic3A_949 = arith.constant 14 : i32
    %shift_right_arithmetic3A_950 = vector.broadcast %shift_right_arithmetic3A_949 : i32 to vector<16xi32>
    %shift_right_arithmetic3A_951 = arith.shrsi %get3A_932, %shift_right_arithmetic3A_950 : vector<16xi32>
    %shift_left3A_952 = arith.constant 12 : i32
    %shift_left3A_953 = vector.broadcast %shift_left3A_952 : i32 to vector<16xi32>
    %shift_left3A_954 = arith.shli %shift_right_arithmetic3A_951, %shift_left3A_953 : vector<16xi32>
    %and3A_955 = arith.constant 4095 : i32
    %and3A_956 = vector.broadcast %and3A_955 : i32 to vector<16xi32>
    %and3A_957 = arith.andi %get3A_932, %and3A_956 : vector<16xi32>
    %or3A_958 = arith.ori %shift_left3A_954, %and3A_957 : vector<16xi32>
    %swap3A_959 = arith.constant 2 : i32
    %swap3A_960 = arith.constant 0 : i32
    %swap3A_961 = tpu.memref_slice %arg12[%swap3A_959, %swap3A_960] : memref<4x128xi32, #tpu.memory_space<vmem>> -> memref<1x128xi32, #tpu.memory_space<vmem>>
    %swap3A_962 = tpu.memref_squeeze %swap3A_961 : memref<1x128xi32, #tpu.memory_space<vmem>> -> memref<128xi32, #tpu.memory_space<vmem>>
    %swap3A_963 = arith.constant 80 : index
    %swap3A_964 = tpu.vector_load %swap3A_962[%swap3A_963] {strides = array<i32>} : memref<128xi32, #tpu.memory_space<vmem>>, vector<16xi32>,
    tpu.vector_store %swap3A_962[%swap3A_963], %or3A_958 {strides = array<i32>} : memref<128xi32, #tpu.memory_space<vmem>>, vector<16xi32>,
    %get3A_965 = arith.constant 2 : i32
    %get3A_966 = arith.constant 0 : i32
    %get3A_967 = tpu.memref_slice %arg9[%get3A_965, %get3A_966] : memref<4x128xi32, #tpu.memory_space<vmem>> -> memref<1x128xi32, #tpu.memory_space<vmem>>
    %get3A_968 = tpu.memref_squeeze %get3A_967 : memref<1x128xi32, #tpu.memory_space<vmem>> -> memref<128xi32, #tpu.memory_space<vmem>>
    %get3A_969 = arith.constant 96 : index
    %get3A_970 = tpu.vector_load %get3A_968[%get3A_969] {strides = array<i32>} : memref<128xi32, #tpu.memory_space<vmem>>, vector<16xi32>,
    %get3A_971 = arith.constant 2 : i32
    %get3A_972 = arith.constant 0 : i32
    %get3A_973 = tpu.memref_slice %arg10[%get3A_971, %get3A_972] : memref<4x128xi32, #tpu.memory_space<vmem>> -> memref<1x128xi32, #tpu.memory_space<vmem>>
    %get3A_974 = tpu.memref_squeeze %get3A_973 : memref<1x128xi32, #tpu.memory_space<vmem>> -> memref<128xi32, #tpu.memory_space<vmem>>
    %get3A_975 = arith.constant 96 : index
    %get3A_976 = tpu.vector_load %get3A_974[%get3A_975] {strides = array<i32>} : memref<128xi32, #tpu.memory_space<vmem>>, vector<16xi32>,
    %shift_right_arithmetic3A_977 = arith.constant 14 : i32
    %shift_right_arithmetic3A_978 = vector.broadcast %shift_right_arithmetic3A_977 : i32 to vector<16xi32>
    %shift_right_arithmetic3A_979 = arith.shrsi %get3A_970, %shift_right_arithmetic3A_978 : vector<16xi32>
    %shift_left3A_980 = arith.constant 12 : i32
    %shift_left3A_981 = vector.broadcast %shift_left3A_980 : i32 to vector<16xi32>
    %shift_left3A_982 = arith.shli %shift_right_arithmetic3A_979, %shift_left3A_981 : vector<16xi32>
    %and3A_983 = arith.constant 4095 : i32
    %and3A_984 = vector.broadcast %and3A_983 : i32 to vector<16xi32>
    %and3A_985 = arith.andi %get3A_970, %and3A_984 : vector<16xi32>
    %or3A_986 = arith.ori %shift_left3A_982, %and3A_985 : vector<16xi32>
    %swap3A_987 = arith.constant 2 : i32
    %swap3A_988 = arith.constant 0 : i32
    %swap3A_989 = tpu.memref_slice %arg11[%swap3A_987, %swap3A_988] : memref<4x128xi32, #tpu.memory_space<vmem>> -> memref<1x128xi32, #tpu.memory_space<vmem>>
    %swap3A_990 = tpu.memref_squeeze %swap3A_989 : memref<1x128xi32, #tpu.memory_space<vmem>> -> memref<128xi32, #tpu.memory_space<vmem>>
    %swap3A_991 = arith.constant 96 : index
    %swap3A_992 = tpu.vector_load %swap3A_990[%swap3A_991] {strides = array<i32>} : memref<128xi32, #tpu.memory_space<vmem>>, vector<16xi32>,
    tpu.vector_store %swap3A_990[%swap3A_991], %or3A_986 {strides = array<i32>} : memref<128xi32, #tpu.memory_space<vmem>>, vector<16xi32>,
    %shift_right_arithmetic3A_993 = arith.constant 14 : i32
    %shift_right_arithmetic3A_994 = vector.broadcast %shift_right_arithmetic3A_993 : i32 to vector<16xi32>
    %shift_right_arithmetic3A_995 = arith.shrsi %get3A_976, %shift_right_arithmetic3A_994 : vector<16xi32>
    %shift_left3A_996 = arith.constant 12 : i32
    %shift_left3A_997 = vector.broadcast %shift_left3A_996 : i32 to vector<16xi32>
    %shift_left3A_998 = arith.shli %shift_right_arithmetic3A_995, %shift_left3A_997 : vector<16xi32>
    %and3A_999 = arith.constant 4095 : i32
    %and3A_1000 = vector.broadcast %and3A_999 : i32 to vector<16xi32>
    %and3A_1001 = arith.andi %get3A_976, %and3A_1000 : vector<16xi32>
    %or3A_1002 = arith.ori %shift_left3A_998, %and3A_1001 : vector<16xi32>
    %swap3A_1003 = arith.constant 2 : i32
    %swap3A_1004 = arith.constant 0 : i32
    %swap3A_1005 = tpu.memref_slice %arg12[%swap3A_1003, %swap3A_1004] : memref<4x128xi32, #tpu.memory_space<vmem>> -> memref<1x128xi32, #tpu.memory_space<vmem>>
    %swap3A_1006 = tpu.memref_squeeze %swap3A_1005 : memref<1x128xi32, #tpu.memory_space<vmem>> -> memref<128xi32, #tpu.memory_space<vmem>>
    %swap3A_1007 = arith.constant 96 : index
    %swap3A_1008 = tpu.vector_load %swap3A_1006[%swap3A_1007] {strides = array<i32>} : memref<128xi32, #tpu.memory_space<vmem>>, vector<16xi32>,
    tpu.vector_store %swap3A_1006[%swap3A_1007], %or3A_1002 {strides = array<i32>} : memref<128xi32, #tpu.memory_space<vmem>>, vector<16xi32>,
    %get3A_1009 = arith.constant 2 : i32
    %get3A_1010 = arith.constant 0 : i32
    %get3A_1011 = tpu.memref_slice %arg9[%get3A_1009, %get3A_1010] : memref<4x128xi32, #tpu.memory_space<vmem>> -> memref<1x128xi32, #tpu.memory_space<vmem>>
    %get3A_1012 = tpu.memref_squeeze %get3A_1011 : memref<1x128xi32, #tpu.memory_space<vmem>> -> memref<128xi32, #tpu.memory_space<vmem>>
    %get3A_1013 = arith.constant 112 : index
    %get3A_1014 = tpu.vector_load %get3A_1012[%get3A_1013] {strides = array<i32>} : memref<128xi32, #tpu.memory_space<vmem>>, vector<16xi32>,
    %get3A_1015 = arith.constant 2 : i32
    %get3A_1016 = arith.constant 0 : i32
    %get3A_1017 = tpu.memref_slice %arg10[%get3A_1015, %get3A_1016] : memref<4x128xi32, #tpu.memory_space<vmem>> -> memref<1x128xi32, #tpu.memory_space<vmem>>
    %get3A_1018 = tpu.memref_squeeze %get3A_1017 : memref<1x128xi32, #tpu.memory_space<vmem>> -> memref<128xi32, #tpu.memory_space<vmem>>
    %get3A_1019 = arith.constant 112 : index
    %get3A_1020 = tpu.vector_load %get3A_1018[%get3A_1019] {strides = array<i32>} : memref<128xi32, #tpu.memory_space<vmem>>, vector<16xi32>,
    %shift_right_arithmetic3A_1021 = arith.constant 14 : i32
    %shift_right_arithmetic3A_1022 = vector.broadcast %shift_right_arithmetic3A_1021 : i32 to vector<16xi32>
    %shift_right_arithmetic3A_1023 = arith.shrsi %get3A_1014, %shift_right_arithmetic3A_1022 : vector<16xi32>
    %shift_left3A_1024 = arith.constant 12 : i32
    %shift_left3A_1025 = vector.broadcast %shift_left3A_1024 : i32 to vector<16xi32>
    %shift_left3A_1026 = arith.shli %shift_right_arithmetic3A_1023, %shift_left3A_1025 : vector<16xi32>
    %and3A_1027 = arith.constant 4095 : i32
    %and3A_1028 = vector.broadcast %and3A_1027 : i32 to vector<16xi32>
    %and3A_1029 = arith.andi %get3A_1014, %and3A_1028 : vector<16xi32>
    %or3A_1030 = arith.ori %shift_left3A_1026, %and3A_1029 : vector<16xi32>
    %swap3A_1031 = arith.constant 2 : i32
    %swap3A_1032 = arith.constant 0 : i32
    %swap3A_1033 = tpu.memref_slice %arg11[%swap3A_1031, %swap3A_1032] : memref<4x128xi32, #tpu.memory_space<vmem>> -> memref<1x128xi32, #tpu.memory_space<vmem>>
    %swap3A_1034 = tpu.memref_squeeze %swap3A_1033 : memref<1x128xi32, #tpu.memory_space<vmem>> -> memref<128xi32, #tpu.memory_space<vmem>>
    %swap3A_1035 = arith.constant 112 : index
    %swap3A_1036 = tpu.vector_load %swap3A_1034[%swap3A_1035] {strides = array<i32>} : memref<128xi32, #tpu.memory_space<vmem>>, vector<16xi32>,
    tpu.vector_store %swap3A_1034[%swap3A_1035], %or3A_1030 {strides = array<i32>} : memref<128xi32, #tpu.memory_space<vmem>>, vector<16xi32>,
    %shift_right_arithmetic3A_1037 = arith.constant 14 : i32
    %shift_right_arithmetic3A_1038 = vector.broadcast %shift_right_arithmetic3A_1037 : i32 to vector<16xi32>
    %shift_right_arithmetic3A_1039 = arith.shrsi %get3A_1020, %shift_right_arithmetic3A_1038 : vector<16xi32>
    %shift_left3A_1040 = arith.constant 12 : i32
    %shift_left3A_1041 = vector.broadcast %shift_left3A_1040 : i32 to vector<16xi32>
    %shift_left3A_1042 = arith.shli %shift_right_arithmetic3A_1039, %shift_left3A_1041 : vector<16xi32>
    %and3A_1043 = arith.constant 4095 : i32
    %and3A_1044 = vector.broadcast %and3A_1043 : i32 to vector<16xi32>
    %and3A_1045 = arith.andi %get3A_1020, %and3A_1044 : vector<16xi32>
    %or3A_1046 = arith.ori %shift_left3A_1042, %and3A_1045 : vector<16xi32>
    %swap3A_1047 = arith.constant 2 : i32
    %swap3A_1048 = arith.constant 0 : i32
    %swap3A_1049 = tpu.memref_slice %arg12[%swap3A_1047, %swap3A_1048] : memref<4x128xi32, #tpu.memory_space<vmem>> -> memref<1x128xi32, #tpu.memory_space<vmem>>
    %swap3A_1050 = tpu.memref_squeeze %swap3A_1049 : memref<1x128xi32, #tpu.memory_space<vmem>> -> memref<128xi32, #tpu.memory_space<vmem>>
    %swap3A_1051 = arith.constant 112 : index
    %swap3A_1052 = tpu.vector_load %swap3A_1050[%swap3A_1051] {strides = array<i32>} : memref<128xi32, #tpu.memory_space<vmem>>, vector<16xi32>,
    tpu.vector_store %swap3A_1050[%swap3A_1051], %or3A_1046 {strides = array<i32>} : memref<128xi32, #tpu.memory_space<vmem>>, vector<16xi32>,
    %get3A_1053 = arith.constant 3 : i32
    %get3A_1054 = arith.constant 0 : i32
    %get3A_1055 = tpu.memref_slice %arg9[%get3A_1053, %get3A_1054] : memref<4x128xi32, #tpu.memory_space<vmem>> -> memref<1x128xi32, #tpu.memory_space<vmem>>
    %get3A_1056 = tpu.memref_squeeze %get3A_1055 : memref<1x128xi32, #tpu.memory_space<vmem>> -> memref<128xi32, #tpu.memory_space<vmem>>
    %get3A_1057 = arith.constant 0 : index
    %get3A_1058 = tpu.vector_load %get3A_1056[%get3A_1057] {strides = array<i32>} : memref<128xi32, #tpu.memory_space<vmem>>, vector<16xi32>,
    %get3A_1059 = arith.constant 3 : i32
    %get3A_1060 = arith.constant 0 : i32
    %get3A_1061 = tpu.memref_slice %arg10[%get3A_1059, %get3A_1060] : memref<4x128xi32, #tpu.memory_space<vmem>> -> memref<1x128xi32, #tpu.memory_space<vmem>>
    %get3A_1062 = tpu.memref_squeeze %get3A_1061 : memref<1x128xi32, #tpu.memory_space<vmem>> -> memref<128xi32, #tpu.memory_space<vmem>>
    %get3A_1063 = arith.constant 0 : index
    %get3A_1064 = tpu.vector_load %get3A_1062[%get3A_1063] {strides = array<i32>} : memref<128xi32, #tpu.memory_space<vmem>>, vector<16xi32>,
    %shift_right_arithmetic3A_1065 = arith.constant 14 : i32
    %shift_right_arithmetic3A_1066 = vector.broadcast %shift_right_arithmetic3A_1065 : i32 to vector<16xi32>
    %shift_right_arithmetic3A_1067 = arith.shrsi %get3A_1058, %shift_right_arithmetic3A_1066 : vector<16xi32>
    %shift_left3A_1068 = arith.constant 12 : i32
    %shift_left3A_1069 = vector.broadcast %shift_left3A_1068 : i32 to vector<16xi32>
    %shift_left3A_1070 = arith.shli %shift_right_arithmetic3A_1067, %shift_left3A_1069 : vector<16xi32>
    %and3A_1071 = arith.constant 4095 : i32
    %and3A_1072 = vector.broadcast %and3A_1071 : i32 to vector<16xi32>
    %and3A_1073 = arith.andi %get3A_1058, %and3A_1072 : vector<16xi32>
    %or3A_1074 = arith.ori %shift_left3A_1070, %and3A_1073 : vector<16xi32>
    %swap3A_1075 = arith.constant 3 : i32
    %swap3A_1076 = arith.constant 0 : i32
    %swap3A_1077 = tpu.memref_slice %arg11[%swap3A_1075, %swap3A_1076] : memref<4x128xi32, #tpu.memory_space<vmem>> -> memref<1x128xi32, #tpu.memory_space<vmem>>
    %swap3A_1078 = tpu.memref_squeeze %swap3A_1077 : memref<1x128xi32, #tpu.memory_space<vmem>> -> memref<128xi32, #tpu.memory_space<vmem>>
    %swap3A_1079 = arith.constant 0 : index
    %swap3A_1080 = tpu.vector_load %swap3A_1078[%swap3A_1079] {strides = array<i32>} : memref<128xi32, #tpu.memory_space<vmem>>, vector<16xi32>,
    tpu.vector_store %swap3A_1078[%swap3A_1079], %or3A_1074 {strides = array<i32>} : memref<128xi32, #tpu.memory_space<vmem>>, vector<16xi32>,
    %shift_right_arithmetic3A_1081 = arith.constant 14 : i32
    %shift_right_arithmetic3A_1082 = vector.broadcast %shift_right_arithmetic3A_1081 : i32 to vector<16xi32>
    %shift_right_arithmetic3A_1083 = arith.shrsi %get3A_1064, %shift_right_arithmetic3A_1082 : vector<16xi32>
    %shift_left3A_1084 = arith.constant 12 : i32
    %shift_left3A_1085 = vector.broadcast %shift_left3A_1084 : i32 to vector<16xi32>
    %shift_left3A_1086 = arith.shli %shift_right_arithmetic3A_1083, %shift_left3A_1085 : vector<16xi32>
    %and3A_1087 = arith.constant 4095 : i32
    %and3A_1088 = vector.broadcast %and3A_1087 : i32 to vector<16xi32>
    %and3A_1089 = arith.andi %get3A_1064, %and3A_1088 : vector<16xi32>
    %or3A_1090 = arith.ori %shift_left3A_1086, %and3A_1089 : vector<16xi32>
    %swap3A_1091 = arith.constant 3 : i32
    %swap3A_1092 = arith.constant 0 : i32
    %swap3A_1093 = tpu.memref_slice %arg12[%swap3A_1091, %swap3A_1092] : memref<4x128xi32, #tpu.memory_space<vmem>> -> memref<1x128xi32, #tpu.memory_space<vmem>>
    %swap3A_1094 = tpu.memref_squeeze %swap3A_1093 : memref<1x128xi32, #tpu.memory_space<vmem>> -> memref<128xi32, #tpu.memory_space<vmem>>
    %swap3A_1095 = arith.constant 0 : index
    %swap3A_1096 = tpu.vector_load %swap3A_1094[%swap3A_1095] {strides = array<i32>} : memref<128xi32, #tpu.memory_space<vmem>>, vector<16xi32>,
    tpu.vector_store %swap3A_1094[%swap3A_1095], %or3A_1090 {strides = array<i32>} : memref<128xi32, #tpu.memory_space<vmem>>, vector<16xi32>,
    %get3A_1097 = arith.constant 3 : i32
    %get3A_1098 = arith.constant 0 : i32
    %get3A_1099 = tpu.memref_slice %arg9[%get3A_1097, %get3A_1098] : memref<4x128xi32, #tpu.memory_space<vmem>> -> memref<1x128xi32, #tpu.memory_space<vmem>>
    %get3A_1100 = tpu.memref_squeeze %get3A_1099 : memref<1x128xi32, #tpu.memory_space<vmem>> -> memref<128xi32, #tpu.memory_space<vmem>>
    %get3A_1101 = arith.constant 16 : index
    %get3A_1102 = tpu.vector_load %get3A_1100[%get3A_1101] {strides = array<i32>} : memref<128xi32, #tpu.memory_space<vmem>>, vector<16xi32>,
    %get3A_1103 = arith.constant 3 : i32
    %get3A_1104 = arith.constant 0 : i32
    %get3A_1105 = tpu.memref_slice %arg10[%get3A_1103, %get3A_1104] : memref<4x128xi32, #tpu.memory_space<vmem>> -> memref<1x128xi32, #tpu.memory_space<vmem>>
    %get3A_1106 = tpu.memref_squeeze %get3A_1105 : memref<1x128xi32, #tpu.memory_space<vmem>> -> memref<128xi32, #tpu.memory_space<vmem>>
    %get3A_1107 = arith.constant 16 : index
    %get3A_1108 = tpu.vector_load %get3A_1106[%get3A_1107] {strides = array<i32>} : memref<128xi32, #tpu.memory_space<vmem>>, vector<16xi32>,
    %shift_right_arithmetic3A_1109 = arith.constant 14 : i32
    %shift_right_arithmetic3A_1110 = vector.broadcast %shift_right_arithmetic3A_1109 : i32 to vector<16xi32>
    %shift_right_arithmetic3A_1111 = arith.shrsi %get3A_1102, %shift_right_arithmetic3A_1110 : vector<16xi32>
    %shift_left3A_1112 = arith.constant 12 : i32
    %shift_left3A_1113 = vector.broadcast %shift_left3A_1112 : i32 to vector<16xi32>
    %shift_left3A_1114 = arith.shli %shift_right_arithmetic3A_1111, %shift_left3A_1113 : vector<16xi32>
    %and3A_1115 = arith.constant 4095 : i32
    %and3A_1116 = vector.broadcast %and3A_1115 : i32 to vector<16xi32>
    %and3A_1117 = arith.andi %get3A_1102, %and3A_1116 : vector<16xi32>
    %or3A_1118 = arith.ori %shift_left3A_1114, %and3A_1117 : vector<16xi32>
    %swap3A_1119 = arith.constant 3 : i32
    %swap3A_1120 = arith.constant 0 : i32
    %swap3A_1121 = tpu.memref_slice %arg11[%swap3A_1119, %swap3A_1120] : memref<4x128xi32, #tpu.memory_space<vmem>> -> memref<1x128xi32, #tpu.memory_space<vmem>>
    %swap3A_1122 = tpu.memref_squeeze %swap3A_1121 : memref<1x128xi32, #tpu.memory_space<vmem>> -> memref<128xi32, #tpu.memory_space<vmem>>
    %swap3A_1123 = arith.constant 16 : index
    %swap3A_1124 = tpu.vector_load %swap3A_1122[%swap3A_1123] {strides = array<i32>} : memref<128xi32, #tpu.memory_space<vmem>>, vector<16xi32>,
    tpu.vector_store %swap3A_1122[%swap3A_1123], %or3A_1118 {strides = array<i32>} : memref<128xi32, #tpu.memory_space<vmem>>, vector<16xi32>,
    %shift_right_arithmetic3A_1125 = arith.constant 14 : i32
    %shift_right_arithmetic3A_1126 = vector.broadcast %shift_right_arithmetic3A_1125 : i32 to vector<16xi32>
    %shift_right_arithmetic3A_1127 = arith.shrsi %get3A_1108, %shift_right_arithmetic3A_1126 : vector<16xi32>
    %shift_left3A_1128 = arith.constant 12 : i32
    %shift_left3A_1129 = vector.broadcast %shift_left3A_1128 : i32 to vector<16xi32>
    %shift_left3A_1130 = arith.shli %shift_right_arithmetic3A_1127, %shift_left3A_1129 : vector<16xi32>
    %and3A_1131 = arith.constant 4095 : i32
    %and3A_1132 = vector.broadcast %and3A_1131 : i32 to vector<16xi32>
    %and3A_1133 = arith.andi %get3A_1108, %and3A_1132 : vector<16xi32>
    %or3A_1134 = arith.ori %shift_left3A_1130, %and3A_1133 : vector<16xi32>
    %swap3A_1135 = arith.constant 3 : i32
    %swap3A_1136 = arith.constant 0 : i32
    %swap3A_1137 = tpu.memref_slice %arg12[%swap3A_1135, %swap3A_1136] : memref<4x128xi32, #tpu.memory_space<vmem>> -> memref<1x128xi32, #tpu.memory_space<vmem>>
    %swap3A_1138 = tpu.memref_squeeze %swap3A_1137 : memref<1x128xi32, #tpu.memory_space<vmem>> -> memref<128xi32, #tpu.memory_space<vmem>>
    %swap3A_1139 = arith.constant 16 : index
    %swap3A_1140 = tpu.vector_load %swap3A_1138[%swap3A_1139] {strides = array<i32>} : memref<128xi32, #tpu.memory_space<vmem>>, vector<16xi32>,
    tpu.vector_store %swap3A_1138[%swap3A_1139], %or3A_1134 {strides = array<i32>} : memref<128xi32, #tpu.memory_space<vmem>>, vector<16xi32>,
    %get3A_1141 = arith.constant 3 : i32
    %get3A_1142 = arith.constant 0 : i32
    %get3A_1143 = tpu.memref_slice %arg9[%get3A_1141, %get3A_1142] : memref<4x128xi32, #tpu.memory_space<vmem>> -> memref<1x128xi32, #tpu.memory_space<vmem>>
    %get3A_1144 = tpu.memref_squeeze %get3A_1143 : memref<1x128xi32, #tpu.memory_space<vmem>> -> memref<128xi32, #tpu.memory_space<vmem>>
    %get3A_1145 = arith.constant 32 : index
    %get3A_1146 = tpu.vector_load %get3A_1144[%get3A_1145] {strides = array<i32>} : memref<128xi32, #tpu.memory_space<vmem>>, vector<16xi32>,
    %get3A_1147 = arith.constant 3 : i32
    %get3A_1148 = arith.constant 0 : i32
    %get3A_1149 = tpu.memref_slice %arg10[%get3A_1147, %get3A_1148] : memref<4x128xi32, #tpu.memory_space<vmem>> -> memref<1x128xi32, #tpu.memory_space<vmem>>
    %get3A_1150 = tpu.memref_squeeze %get3A_1149 : memref<1x128xi32, #tpu.memory_space<vmem>> -> memref<128xi32, #tpu.memory_space<vmem>>
    %get3A_1151 = arith.constant 32 : index
    %get3A_1152 = tpu.vector_load %get3A_1150[%get3A_1151] {strides = array<i32>} : memref<128xi32, #tpu.memory_space<vmem>>, vector<16xi32>,
    %shift_right_arithmetic3A_1153 = arith.constant 14 : i32
    %shift_right_arithmetic3A_1154 = vector.broadcast %shift_right_arithmetic3A_1153 : i32 to vector<16xi32>
    %shift_right_arithmetic3A_1155 = arith.shrsi %get3A_1146, %shift_right_arithmetic3A_1154 : vector<16xi32>
    %shift_left3A_1156 = arith.constant 12 : i32
    %shift_left3A_1157 = vector.broadcast %shift_left3A_1156 : i32 to vector<16xi32>
    %shift_left3A_1158 = arith.shli %shift_right_arithmetic3A_1155, %shift_left3A_1157 : vector<16xi32>
    %and3A_1159 = arith.constant 4095 : i32
    %and3A_1160 = vector.broadcast %and3A_1159 : i32 to vector<16xi32>
    %and3A_1161 = arith.andi %get3A_1146, %and3A_1160 : vector<16xi32>
    %or3A_1162 = arith.ori %shift_left3A_1158, %and3A_1161 : vector<16xi32>
    %swap3A_1163 = arith.constant 3 : i32
    %swap3A_1164 = arith.constant 0 : i32
    %swap3A_1165 = tpu.memref_slice %arg11[%swap3A_1163, %swap3A_1164] : memref<4x128xi32, #tpu.memory_space<vmem>> -> memref<1x128xi32, #tpu.memory_space<vmem>>
    %swap3A_1166 = tpu.memref_squeeze %swap3A_1165 : memref<1x128xi32, #tpu.memory_space<vmem>> -> memref<128xi32, #tpu.memory_space<vmem>>
    %swap3A_1167 = arith.constant 32 : index
    %swap3A_1168 = tpu.vector_load %swap3A_1166[%swap3A_1167] {strides = array<i32>} : memref<128xi32, #tpu.memory_space<vmem>>, vector<16xi32>,
    tpu.vector_store %swap3A_1166[%swap3A_1167], %or3A_1162 {strides = array<i32>} : memref<128xi32, #tpu.memory_space<vmem>>, vector<16xi32>,
    %shift_right_arithmetic3A_1169 = arith.constant 14 : i32
    %shift_right_arithmetic3A_1170 = vector.broadcast %shift_right_arithmetic3A_1169 : i32 to vector<16xi32>
    %shift_right_arithmetic3A_1171 = arith.shrsi %get3A_1152, %shift_right_arithmetic3A_1170 : vector<16xi32>
    %shift_left3A_1172 = arith.constant 12 : i32
    %shift_left3A_1173 = vector.broadcast %shift_left3A_1172 : i32 to vector<16xi32>
    %shift_left3A_1174 = arith.shli %shift_right_arithmetic3A_1171, %shift_left3A_1173 : vector<16xi32>
    %and3A_1175 = arith.constant 4095 : i32
    %and3A_1176 = vector.broadcast %and3A_1175 : i32 to vector<16xi32>
    %and3A_1177 = arith.andi %get3A_1152, %and3A_1176 : vector<16xi32>
    %or3A_1178 = arith.ori %shift_left3A_1174, %and3A_1177 : vector<16xi32>
    %swap3A_1179 = arith.constant 3 : i32
    %swap3A_1180 = arith.constant 0 : i32
    %swap3A_1181 = tpu.memref_slice %arg12[%swap3A_1179, %swap3A_1180] : memref<4x128xi32, #tpu.memory_space<vmem>> -> memref<1x128xi32, #tpu.memory_space<vmem>>
    %swap3A_1182 = tpu.memref_squeeze %swap3A_1181 : memref<1x128xi32, #tpu.memory_space<vmem>> -> memref<128xi32, #tpu.memory_space<vmem>>
    %swap3A_1183 = arith.constant 32 : index
    %swap3A_1184 = tpu.vector_load %swap3A_1182[%swap3A_1183] {strides = array<i32>} : memref<128xi32, #tpu.memory_space<vmem>>, vector<16xi32>,
    tpu.vector_store %swap3A_1182[%swap3A_1183], %or3A_1178 {strides = array<i32>} : memref<128xi32, #tpu.memory_space<vmem>>, vector<16xi32>,
    %get3A_1185 = arith.constant 3 : i32
    %get3A_1186 = arith.constant 0 : i32
    %get3A_1187 = tpu.memref_slice %arg9[%get3A_1185, %get3A_1186] : memref<4x128xi32, #tpu.memory_space<vmem>> -> memref<1x128xi32, #tpu.memory_space<vmem>>
    %get3A_1188 = tpu.memref_squeeze %get3A_1187 : memref<1x128xi32, #tpu.memory_space<vmem>> -> memref<128xi32, #tpu.memory_space<vmem>>
    %get3A_1189 = arith.constant 48 : index
    %get3A_1190 = tpu.vector_load %get3A_1188[%get3A_1189] {strides = array<i32>} : memref<128xi32, #tpu.memory_space<vmem>>, vector<16xi32>,
    %get3A_1191 = arith.constant 3 : i32
    %get3A_1192 = arith.constant 0 : i32
    %get3A_1193 = tpu.memref_slice %arg10[%get3A_1191, %get3A_1192] : memref<4x128xi32, #tpu.memory_space<vmem>> -> memref<1x128xi32, #tpu.memory_space<vmem>>
    %get3A_1194 = tpu.memref_squeeze %get3A_1193 : memref<1x128xi32, #tpu.memory_space<vmem>> -> memref<128xi32, #tpu.memory_space<vmem>>
    %get3A_1195 = arith.constant 48 : index
    %get3A_1196 = tpu.vector_load %get3A_1194[%get3A_1195] {strides = array<i32>} : memref<128xi32, #tpu.memory_space<vmem>>, vector<16xi32>,
    %shift_right_arithmetic3A_1197 = arith.constant 14 : i32
    %shift_right_arithmetic3A_1198 = vector.broadcast %shift_right_arithmetic3A_1197 : i32 to vector<16xi32>
    %shift_right_arithmetic3A_1199 = arith.shrsi %get3A_1190, %shift_right_arithmetic3A_1198 : vector<16xi32>
    %shift_left3A_1200 = arith.constant 12 : i32
    %shift_left3A_1201 = vector.broadcast %shift_left3A_1200 : i32 to vector<16xi32>
    %shift_left3A_1202 = arith.shli %shift_right_arithmetic3A_1199, %shift_left3A_1201 : vector<16xi32>
    %and3A_1203 = arith.constant 4095 : i32
    %and3A_1204 = vector.broadcast %and3A_1203 : i32 to vector<16xi32>
    %and3A_1205 = arith.andi %get3A_1190, %and3A_1204 : vector<16xi32>
    %or3A_1206 = arith.ori %shift_left3A_1202, %and3A_1205 : vector<16xi32>
    %swap3A_1207 = arith.constant 3 : i32
    %swap3A_1208 = arith.constant 0 : i32
    %swap3A_1209 = tpu.memref_slice %arg11[%swap3A_1207, %swap3A_1208] : memref<4x128xi32, #tpu.memory_space<vmem>> -> memref<1x128xi32, #tpu.memory_space<vmem>>
    %swap3A_1210 = tpu.memref_squeeze %swap3A_1209 : memref<1x128xi32, #tpu.memory_space<vmem>> -> memref<128xi32, #tpu.memory_space<vmem>>
    %swap3A_1211 = arith.constant 48 : index
    %swap3A_1212 = tpu.vector_load %swap3A_1210[%swap3A_1211] {strides = array<i32>} : memref<128xi32, #tpu.memory_space<vmem>>, vector<16xi32>,
    tpu.vector_store %swap3A_1210[%swap3A_1211], %or3A_1206 {strides = array<i32>} : memref<128xi32, #tpu.memory_space<vmem>>, vector<16xi32>,
    %shift_right_arithmetic3A_1213 = arith.constant 14 : i32
    %shift_right_arithmetic3A_1214 = vector.broadcast %shift_right_arithmetic3A_1213 : i32 to vector<16xi32>
    %shift_right_arithmetic3A_1215 = arith.shrsi %get3A_1196, %shift_right_arithmetic3A_1214 : vector<16xi32>
    %shift_left3A_1216 = arith.constant 12 : i32
    %shift_left3A_1217 = vector.broadcast %shift_left3A_1216 : i32 to vector<16xi32>
    %shift_left3A_1218 = arith.shli %shift_right_arithmetic3A_1215, %shift_left3A_1217 : vector<16xi32>
    %and3A_1219 = arith.constant 4095 : i32
    %and3A_1220 = vector.broadcast %and3A_1219 : i32 to vector<16xi32>
    %and3A_1221 = arith.andi %get3A_1196, %and3A_1220 : vector<16xi32>
    %or3A_1222 = arith.ori %shift_left3A_1218, %and3A_1221 : vector<16xi32>
    %swap3A_1223 = arith.constant 3 : i32
    %swap3A_1224 = arith.constant 0 : i32
    %swap3A_1225 = tpu.memref_slice %arg12[%swap3A_1223, %swap3A_1224] : memref<4x128xi32, #tpu.memory_space<vmem>> -> memref<1x128xi32, #tpu.memory_space<vmem>>
    %swap3A_1226 = tpu.memref_squeeze %swap3A_1225 : memref<1x128xi32, #tpu.memory_space<vmem>> -> memref<128xi32, #tpu.memory_space<vmem>>
    %swap3A_1227 = arith.constant 48 : index
    %swap3A_1228 = tpu.vector_load %swap3A_1226[%swap3A_1227] {strides = array<i32>} : memref<128xi32, #tpu.memory_space<vmem>>, vector<16xi32>,
    tpu.vector_store %swap3A_1226[%swap3A_1227], %or3A_1222 {strides = array<i32>} : memref<128xi32, #tpu.memory_space<vmem>>, vector<16xi32>,
    %get3A_1229 = arith.constant 3 : i32
    %get3A_1230 = arith.constant 0 : i32
    %get3A_1231 = tpu.memref_slice %arg9[%get3A_1229, %get3A_1230] : memref<4x128xi32, #tpu.memory_space<vmem>> -> memref<1x128xi32, #tpu.memory_space<vmem>>
    %get3A_1232 = tpu.memref_squeeze %get3A_1231 : memref<1x128xi32, #tpu.memory_space<vmem>> -> memref<128xi32, #tpu.memory_space<vmem>>
    %get3A_1233 = arith.constant 64 : index
    %get3A_1234 = tpu.vector_load %get3A_1232[%get3A_1233] {strides = array<i32>} : memref<128xi32, #tpu.memory_space<vmem>>, vector<16xi32>,
    %get3A_1235 = arith.constant 3 : i32
    %get3A_1236 = arith.constant 0 : i32
    %get3A_1237 = tpu.memref_slice %arg10[%get3A_1235, %get3A_1236] : memref<4x128xi32, #tpu.memory_space<vmem>> -> memref<1x128xi32, #tpu.memory_space<vmem>>
    %get3A_1238 = tpu.memref_squeeze %get3A_1237 : memref<1x128xi32, #tpu.memory_space<vmem>> -> memref<128xi32, #tpu.memory_space<vmem>>
    %get3A_1239 = arith.constant 64 : index
    %get3A_1240 = tpu.vector_load %get3A_1238[%get3A_1239] {strides = array<i32>} : memref<128xi32, #tpu.memory_space<vmem>>, vector<16xi32>,
    %shift_right_arithmetic3A_1241 = arith.constant 14 : i32
    %shift_right_arithmetic3A_1242 = vector.broadcast %shift_right_arithmetic3A_1241 : i32 to vector<16xi32>
    %shift_right_arithmetic3A_1243 = arith.shrsi %get3A_1234, %shift_right_arithmetic3A_1242 : vector<16xi32>
    %shift_left3A_1244 = arith.constant 12 : i32
    %shift_left3A_1245 = vector.broadcast %shift_left3A_1244 : i32 to vector<16xi32>
    %shift_left3A_1246 = arith.shli %shift_right_arithmetic3A_1243, %shift_left3A_1245 : vector<16xi32>
    %and3A_1247 = arith.constant 4095 : i32
    %and3A_1248 = vector.broadcast %and3A_1247 : i32 to vector<16xi32>
    %and3A_1249 = arith.andi %get3A_1234, %and3A_1248 : vector<16xi32>
    %or3A_1250 = arith.ori %shift_left3A_1246, %and3A_1249 : vector<16xi32>
    %swap3A_1251 = arith.constant 3 : i32
    %swap3A_1252 = arith.constant 0 : i32
    %swap3A_1253 = tpu.memref_slice %arg11[%swap3A_1251, %swap3A_1252] : memref<4x128xi32, #tpu.memory_space<vmem>> -> memref<1x128xi32, #tpu.memory_space<vmem>>
    %swap3A_1254 = tpu.memref_squeeze %swap3A_1253 : memref<1x128xi32, #tpu.memory_space<vmem>> -> memref<128xi32, #tpu.memory_space<vmem>>
    %swap3A_1255 = arith.constant 64 : index
    %swap3A_1256 = tpu.vector_load %swap3A_1254[%swap3A_1255] {strides = array<i32>} : memref<128xi32, #tpu.memory_space<vmem>>, vector<16xi32>,
    tpu.vector_store %swap3A_1254[%swap3A_1255], %or3A_1250 {strides = array<i32>} : memref<128xi32, #tpu.memory_space<vmem>>, vector<16xi32>,
    %shift_right_arithmetic3A_1257 = arith.constant 14 : i32
    %shift_right_arithmetic3A_1258 = vector.broadcast %shift_right_arithmetic3A_1257 : i32 to vector<16xi32>
    %shift_right_arithmetic3A_1259 = arith.shrsi %get3A_1240, %shift_right_arithmetic3A_1258 : vector<16xi32>
    %shift_left3A_1260 = arith.constant 12 : i32
    %shift_left3A_1261 = vector.broadcast %shift_left3A_1260 : i32 to vector<16xi32>
    %shift_left3A_1262 = arith.shli %shift_right_arithmetic3A_1259, %shift_left3A_1261 : vector<16xi32>
    %and3A_1263 = arith.constant 4095 : i32
    %and3A_1264 = vector.broadcast %and3A_1263 : i32 to vector<16xi32>
    %and3A_1265 = arith.andi %get3A_1240, %and3A_1264 : vector<16xi32>
    %or3A_1266 = arith.ori %shift_left3A_1262, %and3A_1265 : vector<16xi32>
    %swap3A_1267 = arith.constant 3 : i32
    %swap3A_1268 = arith.constant 0 : i32
    %swap3A_1269 = tpu.memref_slice %arg12[%swap3A_1267, %swap3A_1268] : memref<4x128xi32, #tpu.memory_space<vmem>> -> memref<1x128xi32, #tpu.memory_space<vmem>>
    %swap3A_1270 = tpu.memref_squeeze %swap3A_1269 : memref<1x128xi32, #tpu.memory_space<vmem>> -> memref<128xi32, #tpu.memory_space<vmem>>
    %swap3A_1271 = arith.constant 64 : index
    %swap3A_1272 = tpu.vector_load %swap3A_1270[%swap3A_1271] {strides = array<i32>} : memref<128xi32, #tpu.memory_space<vmem>>, vector<16xi32>,
    tpu.vector_store %swap3A_1270[%swap3A_1271], %or3A_1266 {strides = array<i32>} : memref<128xi32, #tpu.memory_space<vmem>>, vector<16xi32>,
    %get3A_1273 = arith.constant 3 : i32
    %get3A_1274 = arith.constant 0 : i32
    %get3A_1275 = tpu.memref_slice %arg9[%get3A_1273, %get3A_1274] : memref<4x128xi32, #tpu.memory_space<vmem>> -> memref<1x128xi32, #tpu.memory_space<vmem>>
    %get3A_1276 = tpu.memref_squeeze %get3A_1275 : memref<1x128xi32, #tpu.memory_space<vmem>> -> memref<128xi32, #tpu.memory_space<vmem>>
    %get3A_1277 = arith.constant 80 : index
    %get3A_1278 = tpu.vector_load %get3A_1276[%get3A_1277] {strides = array<i32>} : memref<128xi32, #tpu.memory_space<vmem>>, vector<16xi32>,
    %get3A_1279 = arith.constant 3 : i32
    %get3A_1280 = arith.constant 0 : i32
    %get3A_1281 = tpu.memref_slice %arg10[%get3A_1279, %get3A_1280] : memref<4x128xi32, #tpu.memory_space<vmem>> -> memref<1x128xi32, #tpu.memory_space<vmem>>
    %get3A_1282 = tpu.memref_squeeze %get3A_1281 : memref<1x128xi32, #tpu.memory_space<vmem>> -> memref<128xi32, #tpu.memory_space<vmem>>
    %get3A_1283 = arith.constant 80 : index
    %get3A_1284 = tpu.vector_load %get3A_1282[%get3A_1283] {strides = array<i32>} : memref<128xi32, #tpu.memory_space<vmem>>, vector<16xi32>,
    %shift_right_arithmetic3A_1285 = arith.constant 14 : i32
    %shift_right_arithmetic3A_1286 = vector.broadcast %shift_right_arithmetic3A_1285 : i32 to vector<16xi32>
    %shift_right_arithmetic3A_1287 = arith.shrsi %get3A_1278, %shift_right_arithmetic3A_1286 : vector<16xi32>
    %shift_left3A_1288 = arith.constant 12 : i32
    %shift_left3A_1289 = vector.broadcast %shift_left3A_1288 : i32 to vector<16xi32>
    %shift_left3A_1290 = arith.shli %shift_right_arithmetic3A_1287, %shift_left3A_1289 : vector<16xi32>
    %and3A_1291 = arith.constant 4095 : i32
    %and3A_1292 = vector.broadcast %and3A_1291 : i32 to vector<16xi32>
    %and3A_1293 = arith.andi %get3A_1278, %and3A_1292 : vector<16xi32>
    %or3A_1294 = arith.ori %shift_left3A_1290, %and3A_1293 : vector<16xi32>
    %swap3A_1295 = arith.constant 3 : i32
    %swap3A_1296 = arith.constant 0 : i32
    %swap3A_1297 = tpu.memref_slice %arg11[%swap3A_1295, %swap3A_1296] : memref<4x128xi32, #tpu.memory_space<vmem>> -> memref<1x128xi32, #tpu.memory_space<vmem>>
    %swap3A_1298 = tpu.memref_squeeze %swap3A_1297 : memref<1x128xi32, #tpu.memory_space<vmem>> -> memref<128xi32, #tpu.memory_space<vmem>>
    %swap3A_1299 = arith.constant 80 : index
    %swap3A_1300 = tpu.vector_load %swap3A_1298[%swap3A_1299] {strides = array<i32>} : memref<128xi32, #tpu.memory_space<vmem>>, vector<16xi32>,
    tpu.vector_store %swap3A_1298[%swap3A_1299], %or3A_1294 {strides = array<i32>} : memref<128xi32, #tpu.memory_space<vmem>>, vector<16xi32>,
    %shift_right_arithmetic3A_1301 = arith.constant 14 : i32
    %shift_right_arithmetic3A_1302 = vector.broadcast %shift_right_arithmetic3A_1301 : i32 to vector<16xi32>
    %shift_right_arithmetic3A_1303 = arith.shrsi %get3A_1284, %shift_right_arithmetic3A_1302 : vector<16xi32>
    %shift_left3A_1304 = arith.constant 12 : i32
    %shift_left3A_1305 = vector.broadcast %shift_left3A_1304 : i32 to vector<16xi32>
    %shift_left3A_1306 = arith.shli %shift_right_arithmetic3A_1303, %shift_left3A_1305 : vector<16xi32>
    %and3A_1307 = arith.constant 4095 : i32
    %and3A_1308 = vector.broadcast %and3A_1307 : i32 to vector<16xi32>
    %and3A_1309 = arith.andi %get3A_1284, %and3A_1308 : vector<16xi32>
    %or3A_1310 = arith.ori %shift_left3A_1306, %and3A_1309 : vector<16xi32>
    %swap3A_1311 = arith.constant 3 : i32
    %swap3A_1312 = arith.constant 0 : i32
    %swap3A_1313 = tpu.memref_slice %arg12[%swap3A_1311, %swap3A_1312] : memref<4x128xi32, #tpu.memory_space<vmem>> -> memref<1x128xi32, #tpu.memory_space<vmem>>
    %swap3A_1314 = tpu.memref_squeeze %swap3A_1313 : memref<1x128xi32, #tpu.memory_space<vmem>> -> memref<128xi32, #tpu.memory_space<vmem>>
    %swap3A_1315 = arith.constant 80 : index
    %swap3A_1316 = tpu.vector_load %swap3A_1314[%swap3A_1315] {strides = array<i32>} : memref<128xi32, #tpu.memory_space<vmem>>, vector<16xi32>,
    tpu.vector_store %swap3A_1314[%swap3A_1315], %or3A_1310 {strides = array<i32>} : memref<128xi32, #tpu.memory_space<vmem>>, vector<16xi32>,
    %get3A_1317 = arith.constant 3 : i32
    %get3A_1318 = arith.constant 0 : i32
    %get3A_1319 = tpu.memref_slice %arg9[%get3A_1317, %get3A_1318] : memref<4x128xi32, #tpu.memory_space<vmem>> -> memref<1x128xi32, #tpu.memory_space<vmem>>
    %get3A_1320 = tpu.memref_squeeze %get3A_1319 : memref<1x128xi32, #tpu.memory_space<vmem>> -> memref<128xi32, #tpu.memory_space<vmem>>
    %get3A_1321 = arith.constant 96 : index
    %get3A_1322 = tpu.vector_load %get3A_1320[%get3A_1321] {strides = array<i32>} : memref<128xi32, #tpu.memory_space<vmem>>, vector<16xi32>,
    %get3A_1323 = arith.constant 3 : i32
    %get3A_1324 = arith.constant 0 : i32
    %get3A_1325 = tpu.memref_slice %arg10[%get3A_1323, %get3A_1324] : memref<4x128xi32, #tpu.memory_space<vmem>> -> memref<1x128xi32, #tpu.memory_space<vmem>>
    %get3A_1326 = tpu.memref_squeeze %get3A_1325 : memref<1x128xi32, #tpu.memory_space<vmem>> -> memref<128xi32, #tpu.memory_space<vmem>>
    %get3A_1327 = arith.constant 96 : index
    %get3A_1328 = tpu.vector_load %get3A_1326[%get3A_1327] {strides = array<i32>} : memref<128xi32, #tpu.memory_space<vmem>>, vector<16xi32>,
    %shift_right_arithmetic3A_1329 = arith.constant 14 : i32
    %shift_right_arithmetic3A_1330 = vector.broadcast %shift_right_arithmetic3A_1329 : i32 to vector<16xi32>
    %shift_right_arithmetic3A_1331 = arith.shrsi %get3A_1322, %shift_right_arithmetic3A_1330 : vector<16xi32>
    %shift_left3A_1332 = arith.constant 12 : i32
    %shift_left3A_1333 = vector.broadcast %shift_left3A_1332 : i32 to vector<16xi32>
    %shift_left3A_1334 = arith.shli %shift_right_arithmetic3A_1331, %shift_left3A_1333 : vector<16xi32>
    %and3A_1335 = arith.constant 4095 : i32
    %and3A_1336 = vector.broadcast %and3A_1335 : i32 to vector<16xi32>
    %and3A_1337 = arith.andi %get3A_1322, %and3A_1336 : vector<16xi32>
    %or3A_1338 = arith.ori %shift_left3A_1334, %and3A_1337 : vector<16xi32>
    %swap3A_1339 = arith.constant 3 : i32
    %swap3A_1340 = arith.constant 0 : i32
    %swap3A_1341 = tpu.memref_slice %arg11[%swap3A_1339, %swap3A_1340] : memref<4x128xi32, #tpu.memory_space<vmem>> -> memref<1x128xi32, #tpu.memory_space<vmem>>
    %swap3A_1342 = tpu.memref_squeeze %swap3A_1341 : memref<1x128xi32, #tpu.memory_space<vmem>> -> memref<128xi32, #tpu.memory_space<vmem>>
    %swap3A_1343 = arith.constant 96 : index
    %swap3A_1344 = tpu.vector_load %swap3A_1342[%swap3A_1343] {strides = array<i32>} : memref<128xi32, #tpu.memory_space<vmem>>, vector<16xi32>,
    tpu.vector_store %swap3A_1342[%swap3A_1343], %or3A_1338 {strides = array<i32>} : memref<128xi32, #tpu.memory_space<vmem>>, vector<16xi32>,
    %shift_right_arithmetic3A_1345 = arith.constant 14 : i32
    %shift_right_arithmetic3A_1346 = vector.broadcast %shift_right_arithmetic3A_1345 : i32 to vector<16xi32>
    %shift_right_arithmetic3A_1347 = arith.shrsi %get3A_1328, %shift_right_arithmetic3A_1346 : vector<16xi32>
    %shift_left3A_1348 = arith.constant 12 : i32
    %shift_left3A_1349 = vector.broadcast %shift_left3A_1348 : i32 to vector<16xi32>
    %shift_left3A_1350 = arith.shli %shift_right_arithmetic3A_1347, %shift_left3A_1349 : vector<16xi32>
    %and3A_1351 = arith.constant 4095 : i32
    %and3A_1352 = vector.broadcast %and3A_1351 : i32 to vector<16xi32>
    %and3A_1353 = arith.andi %get3A_1328, %and3A_1352 : vector<16xi32>
    %or3A_1354 = arith.ori %shift_left3A_1350, %and3A_1353 : vector<16xi32>
    %swap3A_1355 = arith.constant 3 : i32
    %swap3A_1356 = arith.constant 0 : i32
    %swap3A_1357 = tpu.memref_slice %arg12[%swap3A_1355, %swap3A_1356] : memref<4x128xi32, #tpu.memory_space<vmem>> -> memref<1x128xi32, #tpu.memory_space<vmem>>
    %swap3A_1358 = tpu.memref_squeeze %swap3A_1357 : memref<1x128xi32, #tpu.memory_space<vmem>> -> memref<128xi32, #tpu.memory_space<vmem>>
    %swap3A_1359 = arith.constant 96 : index
    %swap3A_1360 = tpu.vector_load %swap3A_1358[%swap3A_1359] {strides = array<i32>} : memref<128xi32, #tpu.memory_space<vmem>>, vector<16xi32>,
    tpu.vector_store %swap3A_1358[%swap3A_1359], %or3A_1354 {strides = array<i32>} : memref<128xi32, #tpu.memory_space<vmem>>, vector<16xi32>,
    %get3A_1361 = arith.constant 3 : i32
    %get3A_1362 = arith.constant 0 : i32
    %get3A_1363 = tpu.memref_slice %arg9[%get3A_1361, %get3A_1362] : memref<4x128xi32, #tpu.memory_space<vmem>> -> memref<1x128xi32, #tpu.memory_space<vmem>>
    %get3A_1364 = tpu.memref_squeeze %get3A_1363 : memref<1x128xi32, #tpu.memory_space<vmem>> -> memref<128xi32, #tpu.memory_space<vmem>>
    %get3A_1365 = arith.constant 112 : index
    %get3A_1366 = tpu.vector_load %get3A_1364[%get3A_1365] {strides = array<i32>} : memref<128xi32, #tpu.memory_space<vmem>>, vector<16xi32>,
    %get3A_1367 = arith.constant 3 : i32
    %get3A_1368 = arith.constant 0 : i32
    %get3A_1369 = tpu.memref_slice %arg10[%get3A_1367, %get3A_1368] : memref<4x128xi32, #tpu.memory_space<vmem>> -> memref<1x128xi32, #tpu.memory_space<vmem>>
    %get3A_1370 = tpu.memref_squeeze %get3A_1369 : memref<1x128xi32, #tpu.memory_space<vmem>> -> memref<128xi32, #tpu.memory_space<vmem>>
    %get3A_1371 = arith.constant 112 : index
    %get3A_1372 = tpu.vector_load %get3A_1370[%get3A_1371] {strides = array<i32>} : memref<128xi32, #tpu.memory_space<vmem>>, vector<16xi32>,
    %shift_right_arithmetic3A_1373 = arith.constant 14 : i32
    %shift_right_arithmetic3A_1374 = vector.broadcast %shift_right_arithmetic3A_1373 : i32 to vector<16xi32>
    %shift_right_arithmetic3A_1375 = arith.shrsi %get3A_1366, %shift_right_arithmetic3A_1374 : vector<16xi32>
    %shift_left3A_1376 = arith.constant 12 : i32
    %shift_left3A_1377 = vector.broadcast %shift_left3A_1376 : i32 to vector<16xi32>
    %shift_left3A_1378 = arith.shli %shift_right_arithmetic3A_1375, %shift_left3A_1377 : vector<16xi32>
    %and3A_1379 = arith.constant 4095 : i32
    %and3A_1380 = vector.broadcast %and3A_1379 : i32 to vector<16xi32>
    %and3A_1381 = arith.andi %get3A_1366, %and3A_1380 : vector<16xi32>
    %or3A_1382 = arith.ori %shift_left3A_1378, %and3A_1381 : vector<16xi32>
    %swap3A_1383 = arith.constant 3 : i32
    %swap3A_1384 = arith.constant 0 : i32
    %swap3A_1385 = tpu.memref_slice %arg11[%swap3A_1383, %swap3A_1384] : memref<4x128xi32, #tpu.memory_space<vmem>> -> memref<1x128xi32, #tpu.memory_space<vmem>>
    %swap3A_1386 = tpu.memref_squeeze %swap3A_1385 : memref<1x128xi32, #tpu.memory_space<vmem>> -> memref<128xi32, #tpu.memory_space<vmem>>
    %swap3A_1387 = arith.constant 112 : index
    %swap3A_1388 = tpu.vector_load %swap3A_1386[%swap3A_1387] {strides = array<i32>} : memref<128xi32, #tpu.memory_space<vmem>>, vector<16xi32>,
    tpu.vector_store %swap3A_1386[%swap3A_1387], %or3A_1382 {strides = array<i32>} : memref<128xi32, #tpu.memory_space<vmem>>, vector<16xi32>,
    %shift_right_arithmetic3A_1389 = arith.constant 14 : i32
    %shift_right_arithmetic3A_1390 = vector.broadcast %shift_right_arithmetic3A_1389 : i32 to vector<16xi32>
    %shift_right_arithmetic3A_1391 = arith.shrsi %get3A_1372, %shift_right_arithmetic3A_1390 : vector<16xi32>
    %shift_left3A_1392 = arith.constant 12 : i32
    %shift_left3A_1393 = vector.broadcast %shift_left3A_1392 : i32 to vector<16xi32>
    %shift_left3A_1394 = arith.shli %shift_right_arithmetic3A_1391, %shift_left3A_1393 : vector<16xi32>
    %and3A_1395 = arith.constant 4095 : i32
    %and3A_1396 = vector.broadcast %and3A_1395 : i32 to vector<16xi32>
    %and3A_1397 = arith.andi %get3A_1372, %and3A_1396 : vector<16xi32>
    %or3A_1398 = arith.ori %shift_left3A_1394, %and3A_1397 : vector<16xi32>
    %swap3A_1399 = arith.constant 3 : i32
    %swap3A_1400 = arith.constant 0 : i32
    %swap3A_1401 = tpu.memref_slice %arg12[%swap3A_1399, %swap3A_1400] : memref<4x128xi32, #tpu.memory_space<vmem>> -> memref<1x128xi32, #tpu.memory_space<vmem>>
    %swap3A_1402 = tpu.memref_squeeze %swap3A_1401 : memref<1x128xi32, #tpu.memory_space<vmem>> -> memref<128xi32, #tpu.memory_space<vmem>>
    %swap3A_1403 = arith.constant 112 : index
    %swap3A_1404 = tpu.vector_load %swap3A_1402[%swap3A_1403] {strides = array<i32>} : memref<128xi32, #tpu.memory_space<vmem>>, vector<16xi32>,
    tpu.vector_store %swap3A_1402[%swap3A_1403], %or3A_1398 {strides = array<i32>} : memref<128xi32, #tpu.memory_space<vmem>>, vector<16xi32>,
    %dma_start3A = arith.constant 0 : i32
    %dma_start3A_1405 = arith.constant 0 : i32
    %dma_start3A_1406 = tpu.memref_slice %arg11[%dma_start3A, %dma_start3A_1405] : memref<4x128xi32, #tpu.memory_space<vmem>> -> memref<1x128xi32, #tpu.memory_space<vmem>>
    %dma_start3A_1407 = tpu.memref_squeeze %dma_start3A_1406 : memref<1x128xi32, #tpu.memory_space<vmem>> -> memref<128xi32, #tpu.memory_space<vmem>>
    %dma_start3A_1408 = arith.constant 0 : i32
    %dma_start3A_1409 = arith.constant 0 : i32
    %dma_start3A_1410 = tpu.memref_slice %arg4[%dma_start3A_1408, %dma_start3A_1409] : memref<253952x128xi32, #tpu.memory_space<hbm>> -> memref<253952x128xi32, #tpu.memory_space<hbm>>
    tpu.enqueue_indirect_dma source(%dma_start3A_1410 : memref<253952x128xi32, #tpu.memory_space<hbm>>) target(%arg13 : memref<128x128xi32, #tpu.memory_space<vmem>>) offsets(%dma_start3A_1407 : memref<128xi32, #tpu.memory_space<vmem>>) semaphore(%arg18 : memref<!tpu.dma_semaphore, #tpu.memory_space<semaphore_mem>>)
    %dma_start3A_1411 = arith.constant 0 : i32
    %dma_start3A_1412 = arith.constant 0 : i32
    %dma_start3A_1413 = tpu.memref_slice %arg12[%dma_start3A_1411, %dma_start3A_1412] : memref<4x128xi32, #tpu.memory_space<vmem>> -> memref<1x128xi32, #tpu.memory_space<vmem>>
    %dma_start3A_1414 = tpu.memref_squeeze %dma_start3A_1413 : memref<1x128xi32, #tpu.memory_space<vmem>> -> memref<128xi32, #tpu.memory_space<vmem>>
    %dma_start3A_1415 = arith.constant 0 : i32
    %dma_start3A_1416 = arith.constant 0 : i32
    %dma_start3A_1417 = tpu.memref_slice %arg5[%dma_start3A_1415, %dma_start3A_1416] : memref<253952x128xi32, #tpu.memory_space<hbm>> -> memref<253952x128xi32, #tpu.memory_space<hbm>>
    tpu.enqueue_indirect_dma source(%dma_start3A_1417 : memref<253952x128xi32, #tpu.memory_space<hbm>>) target(%arg14 : memref<128x128xi32, #tpu.memory_space<vmem>>) offsets(%dma_start3A_1414 : memref<128xi32, #tpu.memory_space<vmem>>) semaphore(%arg18 : memref<!tpu.dma_semaphore, #tpu.memory_space<semaphore_mem>>)
    %dma_start3A_1418 = arith.constant 0 : i32
    %dma_start3A_1419 = arith.constant 0 : i32
    %dma_start3A_1420 = tpu.memref_slice %arg9[%dma_start3A_1418, %dma_start3A_1419] : memref<4x128xi32, #tpu.memory_space<vmem>> -> memref<1x128xi32, #tpu.memory_space<vmem>>
    %dma_start3A_1421 = tpu.memref_squeeze %dma_start3A_1420 : memref<1x128xi32, #tpu.memory_space<vmem>> -> memref<128xi32, #tpu.memory_space<vmem>>
    %dma_start3A_1422 = arith.constant 0 : i32
    %dma_start3A_1423 = tpu.memref_slice %arg6[%dma_start3A_1422] : memref<1000000xf32, #tpu.memory_space<hbm>> -> memref<1000000xf32, #tpu.memory_space<hbm>>
    tpu.enqueue_indirect_dma source(%dma_start3A_1423 : memref<1000000xf32, #tpu.memory_space<hbm>>) target(%arg15 : memref<128xf32, #tpu.memory_space<vmem>>) offsets(%dma_start3A_1421 : memref<128xi32, #tpu.memory_space<vmem>>) semaphore(%arg18 : memref<!tpu.dma_semaphore, #tpu.memory_space<semaphore_mem>>)
    %dma_start3A_1424 = arith.constant 0 : i32
    %dma_start3A_1425 = arith.constant 0 : i32
    %dma_start3A_1426 = tpu.memref_slice %arg10[%dma_start3A_1424, %dma_start3A_1425] : memref<4x128xi32, #tpu.memory_space<vmem>> -> memref<1x128xi32, #tpu.memory_space<vmem>>
    %dma_start3A_1427 = tpu.memref_squeeze %dma_start3A_1426 : memref<1x128xi32, #tpu.memory_space<vmem>> -> memref<128xi32, #tpu.memory_space<vmem>>
    %dma_start3A_1428 = arith.constant 0 : i32
    %dma_start3A_1429 = tpu.memref_slice %arg7[%dma_start3A_1428] : memref<1000000xf32, #tpu.memory_space<hbm>> -> memref<1000000xf32, #tpu.memory_space<hbm>>
    tpu.enqueue_indirect_dma source(%dma_start3A_1429 : memref<1000000xf32, #tpu.memory_space<hbm>>) target(%arg16 : memref<128xf32, #tpu.memory_space<vmem>>) offsets(%dma_start3A_1427 : memref<128xi32, #tpu.memory_space<vmem>>) semaphore(%arg18 : memref<!tpu.dma_semaphore, #tpu.memory_space<semaphore_mem>>)
    %dma_wait3A = arith.constant 0 : i32
    %dma_wait3A_1430 = arith.constant 0 : i32
    %dma_wait3A_1431 = tpu.memref_slice %arg11[%dma_wait3A, %dma_wait3A_1430] : memref<4x128xi32, #tpu.memory_space<vmem>> -> memref<1x128xi32, #tpu.memory_space<vmem>>
    %dma_wait3A_1432 = tpu.memref_squeeze %dma_wait3A_1431 : memref<1x128xi32, #tpu.memory_space<vmem>> -> memref<128xi32, #tpu.memory_space<vmem>>
    %dma_wait3A_1433 = arith.constant 0 : i32
    %dma_wait3A_1434 = arith.constant 0 : i32
    %dma_wait3A_1435 = tpu.memref_slice %arg4[%dma_wait3A_1433, %dma_wait3A_1434] : memref<253952x128xi32, #tpu.memory_space<hbm>> -> memref<253952x128xi32, #tpu.memory_space<hbm>>
    tpu.wait_indirect_dma semaphore(%arg18 : memref<!tpu.dma_semaphore, #tpu.memory_space<semaphore_mem>>) src(%dma_wait3A_1435 : memref<253952x128xi32, #tpu.memory_space<hbm>>) dst(%arg13 : memref<128x128xi32, #tpu.memory_space<vmem>>)
    %dma_wait3A_1436 = arith.constant 0 : i32
    %dma_wait3A_1437 = arith.constant 0 : i32
    %dma_wait3A_1438 = tpu.memref_slice %arg12[%dma_wait3A_1436, %dma_wait3A_1437] : memref<4x128xi32, #tpu.memory_space<vmem>> -> memref<1x128xi32, #tpu.memory_space<vmem>>
    %dma_wait3A_1439 = tpu.memref_squeeze %dma_wait3A_1438 : memref<1x128xi32, #tpu.memory_space<vmem>> -> memref<128xi32, #tpu.memory_space<vmem>>
    %dma_wait3A_1440 = arith.constant 0 : i32
    %dma_wait3A_1441 = arith.constant 0 : i32
    %dma_wait3A_1442 = tpu.memref_slice %arg5[%dma_wait3A_1440, %dma_wait3A_1441] : memref<253952x128xi32, #tpu.memory_space<hbm>> -> memref<253952x128xi32, #tpu.memory_space<hbm>>
    tpu.wait_indirect_dma semaphore(%arg18 : memref<!tpu.dma_semaphore, #tpu.memory_space<semaphore_mem>>) src(%dma_wait3A_1442 : memref<253952x128xi32, #tpu.memory_space<hbm>>) dst(%arg14 : memref<128x128xi32, #tpu.memory_space<vmem>>)
    %dma_wait3A_1443 = arith.constant 0 : i32
    %dma_wait3A_1444 = arith.constant 0 : i32
    %dma_wait3A_1445 = tpu.memref_slice %arg9[%dma_wait3A_1443, %dma_wait3A_1444] : memref<4x128xi32, #tpu.memory_space<vmem>> -> memref<1x128xi32, #tpu.memory_space<vmem>>
    %dma_wait3A_1446 = tpu.memref_squeeze %dma_wait3A_1445 : memref<1x128xi32, #tpu.memory_space<vmem>> -> memref<128xi32, #tpu.memory_space<vmem>>
    %dma_wait3A_1447 = arith.constant 0 : i32
    %dma_wait3A_1448 = tpu.memref_slice %arg6[%dma_wait3A_1447] : memref<1000000xf32, #tpu.memory_space<hbm>> -> memref<1000000xf32, #tpu.memory_space<hbm>>
    tpu.wait_indirect_dma semaphore(%arg18 : memref<!tpu.dma_semaphore, #tpu.memory_space<semaphore_mem>>) src(%dma_wait3A_1448 : memref<1000000xf32, #tpu.memory_space<hbm>>) dst(%arg15 : memref<128xf32, #tpu.memory_space<vmem>>)
    %dma_wait3A_1449 = arith.constant 0 : i32
    %dma_wait3A_1450 = arith.constant 0 : i32
    %dma_wait3A_1451 = tpu.memref_slice %arg10[%dma_wait3A_1449, %dma_wait3A_1450] : memref<4x128xi32, #tpu.memory_space<vmem>> -> memref<1x128xi32, #tpu.memory_space<vmem>>
    %dma_wait3A_1452 = tpu.memref_squeeze %dma_wait3A_1451 : memref<1x128xi32, #tpu.memory_space<vmem>> -> memref<128xi32, #tpu.memory_space<vmem>>
    %dma_wait3A_1453 = arith.constant 0 : i32
    %dma_wait3A_1454 = tpu.memref_slice %arg7[%dma_wait3A_1453] : memref<1000000xf32, #tpu.memory_space<hbm>> -> memref<1000000xf32, #tpu.memory_space<hbm>>
    tpu.wait_indirect_dma semaphore(%arg18 : memref<!tpu.dma_semaphore, #tpu.memory_space<semaphore_mem>>) src(%dma_wait3A_1454 : memref<1000000xf32, #tpu.memory_space<hbm>>) dst(%arg16 : memref<128xf32, #tpu.memory_space<vmem>>)
    %add3A_1455 = arith.constant 0 : i32
    %add3A_1456 = vector.broadcast %add3A_1455 : i32 to vector<16xi32>
    %add3A_1457 = arith.addi %add3A_1456, %iota3A : vector<16xi32>
    %get3A_1458 = arith.constant 0 : i32
    %get3A_1459 = arith.constant 0 : i32
    %get3A_1460 = tpu.memref_slice %arg9[%get3A_1458, %get3A_1459] : memref<4x128xi32, #tpu.memory_space<vmem>> -> memref<1x128xi32, #tpu.memory_space<vmem>>
    %get3A_1461 = tpu.memref_squeeze %get3A_1460 : memref<1x128xi32, #tpu.memory_space<vmem>> -> memref<128xi32, #tpu.memory_space<vmem>>
    %get3A_1462 = arith.constant 0 : index
    %get3A_1463 = tpu.vector_load %get3A_1461[%get3A_1462] {strides = array<i32>} : memref<128xi32, #tpu.memory_space<vmem>>, vector<16xi32>,
    %get3A_1464 = arith.constant 0 : i32
    %get3A_1465 = arith.constant 0 : i32
    %get3A_1466 = tpu.memref_slice %arg10[%get3A_1464, %get3A_1465] : memref<4x128xi32, #tpu.memory_space<vmem>> -> memref<1x128xi32, #tpu.memory_space<vmem>>
    %get3A_1467 = tpu.memref_squeeze %get3A_1466 : memref<1x128xi32, #tpu.memory_space<vmem>> -> memref<128xi32, #tpu.memory_space<vmem>>
    %get3A_1468 = arith.constant 0 : index
    %get3A_1469 = tpu.vector_load %get3A_1467[%get3A_1468] {strides = array<i32>} : memref<128xi32, #tpu.memory_space<vmem>>, vector<16xi32>,
    %shift_right_arithmetic3A_1470 = arith.constant 13 : i32
    %shift_right_arithmetic3A_1471 = vector.broadcast %shift_right_arithmetic3A_1470 : i32 to vector<16xi32>
    %shift_right_arithmetic3A_1472 = arith.shrsi %get3A_1463, %shift_right_arithmetic3A_1471 : vector<16xi32>
    %and3A_1473 = arith.constant 1 : i32
    %and3A_1474 = vector.broadcast %and3A_1473 : i32 to vector<16xi32>
    %and3A_1475 = arith.andi %shift_right_arithmetic3A_1472, %and3A_1474 : vector<16xi32>
    %shift_left3A_1476 = arith.constant 6 : i32
    %shift_left3A_1477 = vector.broadcast %shift_left3A_1476 : i32 to vector<16xi32>
    %shift_left3A_1478 = arith.shli %and3A_1475, %shift_left3A_1477 : vector<16xi32>
    %shift_right_arithmetic3A_1479 = arith.constant 13 : i32
    %shift_right_arithmetic3A_1480 = vector.broadcast %shift_right_arithmetic3A_1479 : i32 to vector<16xi32>
    %shift_right_arithmetic3A_1481 = arith.shrsi %get3A_1469, %shift_right_arithmetic3A_1480 : vector<16xi32>
    %and3A_1482 = arith.constant 1 : i32
    %and3A_1483 = vector.broadcast %and3A_1482 : i32 to vector<16xi32>
    %and3A_1484 = arith.andi %shift_right_arithmetic3A_1481, %and3A_1483 : vector<16xi32>
    %shift_left3A_1485 = arith.constant 6 : i32
    %shift_left3A_1486 = vector.broadcast %shift_left3A_1485 : i32 to vector<16xi32>
    %shift_left3A_1487 = arith.shli %and3A_1484, %shift_left3A_1486 : vector<16xi32>
    %shift_right_arithmetic3A_1488 = arith.constant 12 : i32
    %shift_right_arithmetic3A_1489 = vector.broadcast %shift_right_arithmetic3A_1488 : i32 to vector<16xi32>
    %shift_right_arithmetic3A_1490 = arith.shrsi %get3A_1463, %shift_right_arithmetic3A_1489 : vector<16xi32>
    %and3A_1491 = arith.constant 1 : i32
    %and3A_1492 = vector.broadcast %and3A_1491 : i32 to vector<16xi32>
    %and3A_1493 = arith.andi %shift_right_arithmetic3A_1490, %and3A_1492 : vector<16xi32>
    %eq3A = arith.constant 1 : i32
    %eq3A_1494 = vector.broadcast %eq3A : i32 to vector<16xi32>
    %eq3A_1495 = arith.cmpi eq, %and3A_1493, %eq3A_1494 : vector<16xi32>
    %shift_right_arithmetic3A_1496 = arith.constant 12 : i32
    %shift_right_arithmetic3A_1497 = vector.broadcast %shift_right_arithmetic3A_1496 : i32 to vector<16xi32>
    %shift_right_arithmetic3A_1498 = arith.shrsi %get3A_1469, %shift_right_arithmetic3A_1497 : vector<16xi32>
    %and3A_1499 = arith.constant 1 : i32
    %and3A_1500 = vector.broadcast %and3A_1499 : i32 to vector<16xi32>
    %and3A_1501 = arith.andi %shift_right_arithmetic3A_1498, %and3A_1500 : vector<16xi32>
    %eq3A_1502 = arith.constant 1 : i32
    %eq3A_1503 = vector.broadcast %eq3A_1502 : i32 to vector<16xi32>
    %eq3A_1504 = arith.cmpi eq, %and3A_1501, %eq3A_1503 : vector<16xi32>
    %get3A_1505 = arith.constant 0 : index
    %get3A_1506 = tpu.vector_load %arg15[%get3A_1505] {strides = array<i32>} : memref<128xf32, #tpu.memory_space<vmem>>, vector<16xf32>,
    %get3A_1507 = arith.constant 0 : index
    %get3A_1508 = tpu.vector_load %arg16[%get3A_1507] {strides = array<i32>} : memref<128xf32, #tpu.memory_space<vmem>>, vector<16xf32>,
    %add3A_1509 = arith.addf %get3A_1506, %get3A_1508 : vector<16xf32>
    %scan3A = arith.constant 0 : i32
    %scan3A_1510 = arith.constant 64 : i32
    %scan3A_1511 = arith.addi %scan3A, %scan3A_1510 : i32
    %scan3A_1512 = arith.constant 1 : i32
    %scan3A_1513 = scf.for %scan3A_3659 = %scan3A to %scan3A_1511 step %scan3A_1512 iter_args(%scan3A_3660 = %add3A_1509) -> (vector<16xf32>)  : i32 {
      %add3A_3661 = vector.broadcast %scan3A_3659 : i32 to vector<16xi32>
      %add3A_3662 = arith.addi %shift_left3A_1478, %add3A_3661 : vector<16xi32>
      %gather3A = tpu.vector_load_idx %arg13[%add3A_1457, %add3A_3662] : memref<128x128xi32, #tpu.memory_space<vmem>>[vector<16xi32>, vector<16xi32>], vector<16xi32>,
      %add3A_3663 = vector.broadcast %scan3A_3659 : i32 to vector<16xi32>
      %add3A_3664 = arith.addi %shift_left3A_1487, %add3A_3663 : vector<16xi32>
      %gather3A_3665 = tpu.vector_load_idx %arg14[%add3A_1457, %add3A_3664] : memref<128x128xi32, #tpu.memory_space<vmem>>[vector<16xi32>, vector<16xi32>], vector<16xi32>,
      %bitcast3A = vector.bitcast %gather3A : vector<16xi32> to vector<32xbf16>
      %unpack3A = tpu.unpack_subelements %bitcast3A, 0 {pack_format = #tpu.pack_format<interleaved>} : vector<32xbf16> -> vector<16xf32>
      %unpack3A_3666 = tpu.unpack_subelements %bitcast3A, 1 {pack_format = #tpu.pack_format<interleaved>} : vector<32xbf16> -> vector<16xf32>
      %bitcast3A_3667 = vector.bitcast %gather3A_3665 : vector<16xi32> to vector<32xbf16>
      %unpack3A_3668 = tpu.unpack_subelements %bitcast3A_3667, 0 {pack_format = #tpu.pack_format<interleaved>} : vector<32xbf16> -> vector<16xf32>
      %unpack3A_3669 = tpu.unpack_subelements %bitcast3A_3667, 1 {pack_format = #tpu.pack_format<interleaved>} : vector<32xbf16> -> vector<16xf32>
      %select_n3A = arith.select %eq3A_1495, %unpack3A_3666, %unpack3A : vector<16xi1>, vector<16xf32>
      %select_n3A_3670 = arith.select %eq3A_1504, %unpack3A_3669, %unpack3A_3668 : vector<16xi1>, vector<16xf32>
      %mul3A_3671 = arith.mulf %select_n3A, %select_n3A_3670 : vector<16xf32>
      %add3A_3672 = arith.addf %scan3A_3660, %mul3A_3671 : vector<16xf32>
      scf.yield %add3A_3672 : vector<16xf32>
    }
    %scan3A_1514 = arith.constant 64 : i32
    %swap3A_1515 = arith.constant 0 : index
    %swap3A_1516 = tpu.vector_load %arg17[%swap3A_1515] {strides = array<i32>} : memref<512xf32, #tpu.memory_space<vmem>>, vector<16xf32>,
    tpu.vector_store %arg17[%swap3A_1515], %scan3A_1513 {strides = array<i32>} : memref<512xf32, #tpu.memory_space<vmem>>, vector<16xf32>,
    %add3A_1517 = arith.constant 16 : i32
    %add3A_1518 = vector.broadcast %add3A_1517 : i32 to vector<16xi32>
    %add3A_1519 = arith.addi %add3A_1518, %iota3A : vector<16xi32>
    %get3A_1520 = arith.constant 0 : i32
    %get3A_1521 = arith.constant 0 : i32
    %get3A_1522 = tpu.memref_slice %arg9[%get3A_1520, %get3A_1521] : memref<4x128xi32, #tpu.memory_space<vmem>> -> memref<1x128xi32, #tpu.memory_space<vmem>>
    %get3A_1523 = tpu.memref_squeeze %get3A_1522 : memref<1x128xi32, #tpu.memory_space<vmem>> -> memref<128xi32, #tpu.memory_space<vmem>>
    %get3A_1524 = arith.constant 16 : index
    %get3A_1525 = tpu.vector_load %get3A_1523[%get3A_1524] {strides = array<i32>} : memref<128xi32, #tpu.memory_space<vmem>>, vector<16xi32>,
    %get3A_1526 = arith.constant 0 : i32
    %get3A_1527 = arith.constant 0 : i32
    %get3A_1528 = tpu.memref_slice %arg10[%get3A_1526, %get3A_1527] : memref<4x128xi32, #tpu.memory_space<vmem>> -> memref<1x128xi32, #tpu.memory_space<vmem>>
    %get3A_1529 = tpu.memref_squeeze %get3A_1528 : memref<1x128xi32, #tpu.memory_space<vmem>> -> memref<128xi32, #tpu.memory_space<vmem>>
    %get3A_1530 = arith.constant 16 : index
    %get3A_1531 = tpu.vector_load %get3A_1529[%get3A_1530] {strides = array<i32>} : memref<128xi32, #tpu.memory_space<vmem>>, vector<16xi32>,
    %shift_right_arithmetic3A_1532 = arith.constant 13 : i32
    %shift_right_arithmetic3A_1533 = vector.broadcast %shift_right_arithmetic3A_1532 : i32 to vector<16xi32>
    %shift_right_arithmetic3A_1534 = arith.shrsi %get3A_1525, %shift_right_arithmetic3A_1533 : vector<16xi32>
    %and3A_1535 = arith.constant 1 : i32
    %and3A_1536 = vector.broadcast %and3A_1535 : i32 to vector<16xi32>
    %and3A_1537 = arith.andi %shift_right_arithmetic3A_1534, %and3A_1536 : vector<16xi32>
    %shift_left3A_1538 = arith.constant 6 : i32
    %shift_left3A_1539 = vector.broadcast %shift_left3A_1538 : i32 to vector<16xi32>
    %shift_left3A_1540 = arith.shli %and3A_1537, %shift_left3A_1539 : vector<16xi32>
    %shift_right_arithmetic3A_1541 = arith.constant 13 : i32
    %shift_right_arithmetic3A_1542 = vector.broadcast %shift_right_arithmetic3A_1541 : i32 to vector<16xi32>
    %shift_right_arithmetic3A_1543 = arith.shrsi %get3A_1531, %shift_right_arithmetic3A_1542 : vector<16xi32>
    %and3A_1544 = arith.constant 1 : i32
    %and3A_1545 = vector.broadcast %and3A_1544 : i32 to vector<16xi32>
    %and3A_1546 = arith.andi %shift_right_arithmetic3A_1543, %and3A_1545 : vector<16xi32>
    %shift_left3A_1547 = arith.constant 6 : i32
    %shift_left3A_1548 = vector.broadcast %shift_left3A_1547 : i32 to vector<16xi32>
    %shift_left3A_1549 = arith.shli %and3A_1546, %shift_left3A_1548 : vector<16xi32>
    %shift_right_arithmetic3A_1550 = arith.constant 12 : i32
    %shift_right_arithmetic3A_1551 = vector.broadcast %shift_right_arithmetic3A_1550 : i32 to vector<16xi32>
    %shift_right_arithmetic3A_1552 = arith.shrsi %get3A_1525, %shift_right_arithmetic3A_1551 : vector<16xi32>
    %and3A_1553 = arith.constant 1 : i32
    %and3A_1554 = vector.broadcast %and3A_1553 : i32 to vector<16xi32>
    %and3A_1555 = arith.andi %shift_right_arithmetic3A_1552, %and3A_1554 : vector<16xi32>
    %eq3A_1556 = arith.constant 1 : i32
    %eq3A_1557 = vector.broadcast %eq3A_1556 : i32 to vector<16xi32>
    %eq3A_1558 = arith.cmpi eq, %and3A_1555, %eq3A_1557 : vector<16xi32>
    %shift_right_arithmetic3A_1559 = arith.constant 12 : i32
    %shift_right_arithmetic3A_1560 = vector.broadcast %shift_right_arithmetic3A_1559 : i32 to vector<16xi32>
    %shift_right_arithmetic3A_1561 = arith.shrsi %get3A_1531, %shift_right_arithmetic3A_1560 : vector<16xi32>
    %and3A_1562 = arith.constant 1 : i32
    %and3A_1563 = vector.broadcast %and3A_1562 : i32 to vector<16xi32>
    %and3A_1564 = arith.andi %shift_right_arithmetic3A_1561, %and3A_1563 : vector<16xi32>
    %eq3A_1565 = arith.constant 1 : i32
    %eq3A_1566 = vector.broadcast %eq3A_1565 : i32 to vector<16xi32>
    %eq3A_1567 = arith.cmpi eq, %and3A_1564, %eq3A_1566 : vector<16xi32>
    %get3A_1568 = arith.constant 16 : index
    %get3A_1569 = tpu.vector_load %arg15[%get3A_1568] {strides = array<i32>} : memref<128xf32, #tpu.memory_space<vmem>>, vector<16xf32>,
    %get3A_1570 = arith.constant 16 : index
    %get3A_1571 = tpu.vector_load %arg16[%get3A_1570] {strides = array<i32>} : memref<128xf32, #tpu.memory_space<vmem>>, vector<16xf32>,
    %add3A_1572 = arith.addf %get3A_1569, %get3A_1571 : vector<16xf32>
    %scan3A_1573 = arith.constant 0 : i32
    %scan3A_1574 = arith.constant 64 : i32
    %scan3A_1575 = arith.addi %scan3A_1573, %scan3A_1574 : i32
    %scan3A_1576 = arith.constant 1 : i32
    %scan3A_1577 = scf.for %scan3A_3659 = %scan3A_1573 to %scan3A_1575 step %scan3A_1576 iter_args(%scan3A_3660 = %add3A_1572) -> (vector<16xf32>)  : i32 {
      %add3A_3661 = vector.broadcast %scan3A_3659 : i32 to vector<16xi32>
      %add3A_3662 = arith.addi %shift_left3A_1540, %add3A_3661 : vector<16xi32>
      %gather3A = tpu.vector_load_idx %arg13[%add3A_1519, %add3A_3662] : memref<128x128xi32, #tpu.memory_space<vmem>>[vector<16xi32>, vector<16xi32>], vector<16xi32>,
      %add3A_3663 = vector.broadcast %scan3A_3659 : i32 to vector<16xi32>
      %add3A_3664 = arith.addi %shift_left3A_1549, %add3A_3663 : vector<16xi32>
      %gather3A_3665 = tpu.vector_load_idx %arg14[%add3A_1519, %add3A_3664] : memref<128x128xi32, #tpu.memory_space<vmem>>[vector<16xi32>, vector<16xi32>], vector<16xi32>,
      %bitcast3A = vector.bitcast %gather3A : vector<16xi32> to vector<32xbf16>
      %unpack3A = tpu.unpack_subelements %bitcast3A, 0 {pack_format = #tpu.pack_format<interleaved>} : vector<32xbf16> -> vector<16xf32>
      %unpack3A_3666 = tpu.unpack_subelements %bitcast3A, 1 {pack_format = #tpu.pack_format<interleaved>} : vector<32xbf16> -> vector<16xf32>
      %bitcast3A_3667 = vector.bitcast %gather3A_3665 : vector<16xi32> to vector<32xbf16>
      %unpack3A_3668 = tpu.unpack_subelements %bitcast3A_3667, 0 {pack_format = #tpu.pack_format<interleaved>} : vector<32xbf16> -> vector<16xf32>
      %unpack3A_3669 = tpu.unpack_subelements %bitcast3A_3667, 1 {pack_format = #tpu.pack_format<interleaved>} : vector<32xbf16> -> vector<16xf32>
      %select_n3A = arith.select %eq3A_1558, %unpack3A_3666, %unpack3A : vector<16xi1>, vector<16xf32>
      %select_n3A_3670 = arith.select %eq3A_1567, %unpack3A_3669, %unpack3A_3668 : vector<16xi1>, vector<16xf32>
      %mul3A_3671 = arith.mulf %select_n3A, %select_n3A_3670 : vector<16xf32>
      %add3A_3672 = arith.addf %scan3A_3660, %mul3A_3671 : vector<16xf32>
      scf.yield %add3A_3672 : vector<16xf32>
    }
    %scan3A_1578 = arith.constant 64 : i32
    %swap3A_1579 = arith.constant 16 : index
    %swap3A_1580 = tpu.vector_load %arg17[%swap3A_1579] {strides = array<i32>} : memref<512xf32, #tpu.memory_space<vmem>>, vector<16xf32>,
    tpu.vector_store %arg17[%swap3A_1579], %scan3A_1577 {strides = array<i32>} : memref<512xf32, #tpu.memory_space<vmem>>, vector<16xf32>,
    %add3A_1581 = arith.constant 32 : i32
    %add3A_1582 = vector.broadcast %add3A_1581 : i32 to vector<16xi32>
    %add3A_1583 = arith.addi %add3A_1582, %iota3A : vector<16xi32>
    %get3A_1584 = arith.constant 0 : i32
    %get3A_1585 = arith.constant 0 : i32
    %get3A_1586 = tpu.memref_slice %arg9[%get3A_1584, %get3A_1585] : memref<4x128xi32, #tpu.memory_space<vmem>> -> memref<1x128xi32, #tpu.memory_space<vmem>>
    %get3A_1587 = tpu.memref_squeeze %get3A_1586 : memref<1x128xi32, #tpu.memory_space<vmem>> -> memref<128xi32, #tpu.memory_space<vmem>>
    %get3A_1588 = arith.constant 32 : index
    %get3A_1589 = tpu.vector_load %get3A_1587[%get3A_1588] {strides = array<i32>} : memref<128xi32, #tpu.memory_space<vmem>>, vector<16xi32>,
    %get3A_1590 = arith.constant 0 : i32
    %get3A_1591 = arith.constant 0 : i32
    %get3A_1592 = tpu.memref_slice %arg10[%get3A_1590, %get3A_1591] : memref<4x128xi32, #tpu.memory_space<vmem>> -> memref<1x128xi32, #tpu.memory_space<vmem>>
    %get3A_1593 = tpu.memref_squeeze %get3A_1592 : memref<1x128xi32, #tpu.memory_space<vmem>> -> memref<128xi32, #tpu.memory_space<vmem>>
    %get3A_1594 = arith.constant 32 : index
    %get3A_1595 = tpu.vector_load %get3A_1593[%get3A_1594] {strides = array<i32>} : memref<128xi32, #tpu.memory_space<vmem>>, vector<16xi32>,
    %shift_right_arithmetic3A_1596 = arith.constant 13 : i32
    %shift_right_arithmetic3A_1597 = vector.broadcast %shift_right_arithmetic3A_1596 : i32 to vector<16xi32>
    %shift_right_arithmetic3A_1598 = arith.shrsi %get3A_1589, %shift_right_arithmetic3A_1597 : vector<16xi32>
    %and3A_1599 = arith.constant 1 : i32
    %and3A_1600 = vector.broadcast %and3A_1599 : i32 to vector<16xi32>
    %and3A_1601 = arith.andi %shift_right_arithmetic3A_1598, %and3A_1600 : vector<16xi32>
    %shift_left3A_1602 = arith.constant 6 : i32
    %shift_left3A_1603 = vector.broadcast %shift_left3A_1602 : i32 to vector<16xi32>
    %shift_left3A_1604 = arith.shli %and3A_1601, %shift_left3A_1603 : vector<16xi32>
    %shift_right_arithmetic3A_1605 = arith.constant 13 : i32
    %shift_right_arithmetic3A_1606 = vector.broadcast %shift_right_arithmetic3A_1605 : i32 to vector<16xi32>
    %shift_right_arithmetic3A_1607 = arith.shrsi %get3A_1595, %shift_right_arithmetic3A_1606 : vector<16xi32>
    %and3A_1608 = arith.constant 1 : i32
    %and3A_1609 = vector.broadcast %and3A_1608 : i32 to vector<16xi32>
    %and3A_1610 = arith.andi %shift_right_arithmetic3A_1607, %and3A_1609 : vector<16xi32>
    %shift_left3A_1611 = arith.constant 6 : i32
    %shift_left3A_1612 = vector.broadcast %shift_left3A_1611 : i32 to vector<16xi32>
    %shift_left3A_1613 = arith.shli %and3A_1610, %shift_left3A_1612 : vector<16xi32>
    %shift_right_arithmetic3A_1614 = arith.constant 12 : i32
    %shift_right_arithmetic3A_1615 = vector.broadcast %shift_right_arithmetic3A_1614 : i32 to vector<16xi32>
    %shift_right_arithmetic3A_1616 = arith.shrsi %get3A_1589, %shift_right_arithmetic3A_1615 : vector<16xi32>
    %and3A_1617 = arith.constant 1 : i32
    %and3A_1618 = vector.broadcast %and3A_1617 : i32 to vector<16xi32>
    %and3A_1619 = arith.andi %shift_right_arithmetic3A_1616, %and3A_1618 : vector<16xi32>
    %eq3A_1620 = arith.constant 1 : i32
    %eq3A_1621 = vector.broadcast %eq3A_1620 : i32 to vector<16xi32>
    %eq3A_1622 = arith.cmpi eq, %and3A_1619, %eq3A_1621 : vector<16xi32>
    %shift_right_arithmetic3A_1623 = arith.constant 12 : i32
    %shift_right_arithmetic3A_1624 = vector.broadcast %shift_right_arithmetic3A_1623 : i32 to vector<16xi32>
    %shift_right_arithmetic3A_1625 = arith.shrsi %get3A_1595, %shift_right_arithmetic3A_1624 : vector<16xi32>
    %and3A_1626 = arith.constant 1 : i32
    %and3A_1627 = vector.broadcast %and3A_1626 : i32 to vector<16xi32>
    %and3A_1628 = arith.andi %shift_right_arithmetic3A_1625, %and3A_1627 : vector<16xi32>
    %eq3A_1629 = arith.constant 1 : i32
    %eq3A_1630 = vector.broadcast %eq3A_1629 : i32 to vector<16xi32>
    %eq3A_1631 = arith.cmpi eq, %and3A_1628, %eq3A_1630 : vector<16xi32>
    %get3A_1632 = arith.constant 32 : index
    %get3A_1633 = tpu.vector_load %arg15[%get3A_1632] {strides = array<i32>} : memref<128xf32, #tpu.memory_space<vmem>>, vector<16xf32>,
    %get3A_1634 = arith.constant 32 : index
    %get3A_1635 = tpu.vector_load %arg16[%get3A_1634] {strides = array<i32>} : memref<128xf32, #tpu.memory_space<vmem>>, vector<16xf32>,
    %add3A_1636 = arith.addf %get3A_1633, %get3A_1635 : vector<16xf32>
    %scan3A_1637 = arith.constant 0 : i32
    %scan3A_1638 = arith.constant 64 : i32
    %scan3A_1639 = arith.addi %scan3A_1637, %scan3A_1638 : i32
    %scan3A_1640 = arith.constant 1 : i32
    %scan3A_1641 = scf.for %scan3A_3659 = %scan3A_1637 to %scan3A_1639 step %scan3A_1640 iter_args(%scan3A_3660 = %add3A_1636) -> (vector<16xf32>)  : i32 {
      %add3A_3661 = vector.broadcast %scan3A_3659 : i32 to vector<16xi32>
      %add3A_3662 = arith.addi %shift_left3A_1604, %add3A_3661 : vector<16xi32>
      %gather3A = tpu.vector_load_idx %arg13[%add3A_1583, %add3A_3662] : memref<128x128xi32, #tpu.memory_space<vmem>>[vector<16xi32>, vector<16xi32>], vector<16xi32>,
      %add3A_3663 = vector.broadcast %scan3A_3659 : i32 to vector<16xi32>
      %add3A_3664 = arith.addi %shift_left3A_1613, %add3A_3663 : vector<16xi32>
      %gather3A_3665 = tpu.vector_load_idx %arg14[%add3A_1583, %add3A_3664] : memref<128x128xi32, #tpu.memory_space<vmem>>[vector<16xi32>, vector<16xi32>], vector<16xi32>,
      %bitcast3A = vector.bitcast %gather3A : vector<16xi32> to vector<32xbf16>
      %unpack3A = tpu.unpack_subelements %bitcast3A, 0 {pack_format = #tpu.pack_format<interleaved>} : vector<32xbf16> -> vector<16xf32>
      %unpack3A_3666 = tpu.unpack_subelements %bitcast3A, 1 {pack_format = #tpu.pack_format<interleaved>} : vector<32xbf16> -> vector<16xf32>
      %bitcast3A_3667 = vector.bitcast %gather3A_3665 : vector<16xi32> to vector<32xbf16>
      %unpack3A_3668 = tpu.unpack_subelements %bitcast3A_3667, 0 {pack_format = #tpu.pack_format<interleaved>} : vector<32xbf16> -> vector<16xf32>
      %unpack3A_3669 = tpu.unpack_subelements %bitcast3A_3667, 1 {pack_format = #tpu.pack_format<interleaved>} : vector<32xbf16> -> vector<16xf32>
      %select_n3A = arith.select %eq3A_1622, %unpack3A_3666, %unpack3A : vector<16xi1>, vector<16xf32>
      %select_n3A_3670 = arith.select %eq3A_1631, %unpack3A_3669, %unpack3A_3668 : vector<16xi1>, vector<16xf32>
      %mul3A_3671 = arith.mulf %select_n3A, %select_n3A_3670 : vector<16xf32>
      %add3A_3672 = arith.addf %scan3A_3660, %mul3A_3671 : vector<16xf32>
      scf.yield %add3A_3672 : vector<16xf32>
    }
    %scan3A_1642 = arith.constant 64 : i32
    %swap3A_1643 = arith.constant 32 : index
    %swap3A_1644 = tpu.vector_load %arg17[%swap3A_1643] {strides = array<i32>} : memref<512xf32, #tpu.memory_space<vmem>>, vector<16xf32>,
    tpu.vector_store %arg17[%swap3A_1643], %scan3A_1641 {strides = array<i32>} : memref<512xf32, #tpu.memory_space<vmem>>, vector<16xf32>,
    %add3A_1645 = arith.constant 48 : i32
    %add3A_1646 = vector.broadcast %add3A_1645 : i32 to vector<16xi32>
    %add3A_1647 = arith.addi %add3A_1646, %iota3A : vector<16xi32>
    %get3A_1648 = arith.constant 0 : i32
    %get3A_1649 = arith.constant 0 : i32
    %get3A_1650 = tpu.memref_slice %arg9[%get3A_1648, %get3A_1649] : memref<4x128xi32, #tpu.memory_space<vmem>> -> memref<1x128xi32, #tpu.memory_space<vmem>>
    %get3A_1651 = tpu.memref_squeeze %get3A_1650 : memref<1x128xi32, #tpu.memory_space<vmem>> -> memref<128xi32, #tpu.memory_space<vmem>>
    %get3A_1652 = arith.constant 48 : index
    %get3A_1653 = tpu.vector_load %get3A_1651[%get3A_1652] {strides = array<i32>} : memref<128xi32, #tpu.memory_space<vmem>>, vector<16xi32>,
    %get3A_1654 = arith.constant 0 : i32
    %get3A_1655 = arith.constant 0 : i32
    %get3A_1656 = tpu.memref_slice %arg10[%get3A_1654, %get3A_1655] : memref<4x128xi32, #tpu.memory_space<vmem>> -> memref<1x128xi32, #tpu.memory_space<vmem>>
    %get3A_1657 = tpu.memref_squeeze %get3A_1656 : memref<1x128xi32, #tpu.memory_space<vmem>> -> memref<128xi32, #tpu.memory_space<vmem>>
    %get3A_1658 = arith.constant 48 : index
    %get3A_1659 = tpu.vector_load %get3A_1657[%get3A_1658] {strides = array<i32>} : memref<128xi32, #tpu.memory_space<vmem>>, vector<16xi32>,
    %shift_right_arithmetic3A_1660 = arith.constant 13 : i32
    %shift_right_arithmetic3A_1661 = vector.broadcast %shift_right_arithmetic3A_1660 : i32 to vector<16xi32>
    %shift_right_arithmetic3A_1662 = arith.shrsi %get3A_1653, %shift_right_arithmetic3A_1661 : vector<16xi32>
    %and3A_1663 = arith.constant 1 : i32
    %and3A_1664 = vector.broadcast %and3A_1663 : i32 to vector<16xi32>
    %and3A_1665 = arith.andi %shift_right_arithmetic3A_1662, %and3A_1664 : vector<16xi32>
    %shift_left3A_1666 = arith.constant 6 : i32
    %shift_left3A_1667 = vector.broadcast %shift_left3A_1666 : i32 to vector<16xi32>
    %shift_left3A_1668 = arith.shli %and3A_1665, %shift_left3A_1667 : vector<16xi32>
    %shift_right_arithmetic3A_1669 = arith.constant 13 : i32
    %shift_right_arithmetic3A_1670 = vector.broadcast %shift_right_arithmetic3A_1669 : i32 to vector<16xi32>
    %shift_right_arithmetic3A_1671 = arith.shrsi %get3A_1659, %shift_right_arithmetic3A_1670 : vector<16xi32>
    %and3A_1672 = arith.constant 1 : i32
    %and3A_1673 = vector.broadcast %and3A_1672 : i32 to vector<16xi32>
    %and3A_1674 = arith.andi %shift_right_arithmetic3A_1671, %and3A_1673 : vector<16xi32>
    %shift_left3A_1675 = arith.constant 6 : i32
    %shift_left3A_1676 = vector.broadcast %shift_left3A_1675 : i32 to vector<16xi32>
    %shift_left3A_1677 = arith.shli %and3A_1674, %shift_left3A_1676 : vector<16xi32>
    %shift_right_arithmetic3A_1678 = arith.constant 12 : i32
    %shift_right_arithmetic3A_1679 = vector.broadcast %shift_right_arithmetic3A_1678 : i32 to vector<16xi32>
    %shift_right_arithmetic3A_1680 = arith.shrsi %get3A_1653, %shift_right_arithmetic3A_1679 : vector<16xi32>
    %and3A_1681 = arith.constant 1 : i32
    %and3A_1682 = vector.broadcast %and3A_1681 : i32 to vector<16xi32>
    %and3A_1683 = arith.andi %shift_right_arithmetic3A_1680, %and3A_1682 : vector<16xi32>
    %eq3A_1684 = arith.constant 1 : i32
    %eq3A_1685 = vector.broadcast %eq3A_1684 : i32 to vector<16xi32>
    %eq3A_1686 = arith.cmpi eq, %and3A_1683, %eq3A_1685 : vector<16xi32>
    %shift_right_arithmetic3A_1687 = arith.constant 12 : i32
    %shift_right_arithmetic3A_1688 = vector.broadcast %shift_right_arithmetic3A_1687 : i32 to vector<16xi32>
    %shift_right_arithmetic3A_1689 = arith.shrsi %get3A_1659, %shift_right_arithmetic3A_1688 : vector<16xi32>
    %and3A_1690 = arith.constant 1 : i32
    %and3A_1691 = vector.broadcast %and3A_1690 : i32 to vector<16xi32>
    %and3A_1692 = arith.andi %shift_right_arithmetic3A_1689, %and3A_1691 : vector<16xi32>
    %eq3A_1693 = arith.constant 1 : i32
    %eq3A_1694 = vector.broadcast %eq3A_1693 : i32 to vector<16xi32>
    %eq3A_1695 = arith.cmpi eq, %and3A_1692, %eq3A_1694 : vector<16xi32>
    %get3A_1696 = arith.constant 48 : index
    %get3A_1697 = tpu.vector_load %arg15[%get3A_1696] {strides = array<i32>} : memref<128xf32, #tpu.memory_space<vmem>>, vector<16xf32>,
    %get3A_1698 = arith.constant 48 : index
    %get3A_1699 = tpu.vector_load %arg16[%get3A_1698] {strides = array<i32>} : memref<128xf32, #tpu.memory_space<vmem>>, vector<16xf32>,
    %add3A_1700 = arith.addf %get3A_1697, %get3A_1699 : vector<16xf32>
    %scan3A_1701 = arith.constant 0 : i32
    %scan3A_1702 = arith.constant 64 : i32
    %scan3A_1703 = arith.addi %scan3A_1701, %scan3A_1702 : i32
    %scan3A_1704 = arith.constant 1 : i32
    %scan3A_1705 = scf.for %scan3A_3659 = %scan3A_1701 to %scan3A_1703 step %scan3A_1704 iter_args(%scan3A_3660 = %add3A_1700) -> (vector<16xf32>)  : i32 {
      %add3A_3661 = vector.broadcast %scan3A_3659 : i32 to vector<16xi32>
      %add3A_3662 = arith.addi %shift_left3A_1668, %add3A_3661 : vector<16xi32>
      %gather3A = tpu.vector_load_idx %arg13[%add3A_1647, %add3A_3662] : memref<128x128xi32, #tpu.memory_space<vmem>>[vector<16xi32>, vector<16xi32>], vector<16xi32>,
      %add3A_3663 = vector.broadcast %scan3A_3659 : i32 to vector<16xi32>
      %add3A_3664 = arith.addi %shift_left3A_1677, %add3A_3663 : vector<16xi32>
      %gather3A_3665 = tpu.vector_load_idx %arg14[%add3A_1647, %add3A_3664] : memref<128x128xi32, #tpu.memory_space<vmem>>[vector<16xi32>, vector<16xi32>], vector<16xi32>,
      %bitcast3A = vector.bitcast %gather3A : vector<16xi32> to vector<32xbf16>
      %unpack3A = tpu.unpack_subelements %bitcast3A, 0 {pack_format = #tpu.pack_format<interleaved>} : vector<32xbf16> -> vector<16xf32>
      %unpack3A_3666 = tpu.unpack_subelements %bitcast3A, 1 {pack_format = #tpu.pack_format<interleaved>} : vector<32xbf16> -> vector<16xf32>
      %bitcast3A_3667 = vector.bitcast %gather3A_3665 : vector<16xi32> to vector<32xbf16>
      %unpack3A_3668 = tpu.unpack_subelements %bitcast3A_3667, 0 {pack_format = #tpu.pack_format<interleaved>} : vector<32xbf16> -> vector<16xf32>
      %unpack3A_3669 = tpu.unpack_subelements %bitcast3A_3667, 1 {pack_format = #tpu.pack_format<interleaved>} : vector<32xbf16> -> vector<16xf32>
      %select_n3A = arith.select %eq3A_1686, %unpack3A_3666, %unpack3A : vector<16xi1>, vector<16xf32>
      %select_n3A_3670 = arith.select %eq3A_1695, %unpack3A_3669, %unpack3A_3668 : vector<16xi1>, vector<16xf32>
      %mul3A_3671 = arith.mulf %select_n3A, %select_n3A_3670 : vector<16xf32>
      %add3A_3672 = arith.addf %scan3A_3660, %mul3A_3671 : vector<16xf32>
      scf.yield %add3A_3672 : vector<16xf32>
    }
    %scan3A_1706 = arith.constant 64 : i32
    %swap3A_1707 = arith.constant 48 : index
    %swap3A_1708 = tpu.vector_load %arg17[%swap3A_1707] {strides = array<i32>} : memref<512xf32, #tpu.memory_space<vmem>>, vector<16xf32>,
    tpu.vector_store %arg17[%swap3A_1707], %scan3A_1705 {strides = array<i32>} : memref<512xf32, #tpu.memory_space<vmem>>, vector<16xf32>,
    %add3A_1709 = arith.constant 64 : i32
    %add3A_1710 = vector.broadcast %add3A_1709 : i32 to vector<16xi32>
    %add3A_1711 = arith.addi %add3A_1710, %iota3A : vector<16xi32>
    %get3A_1712 = arith.constant 0 : i32
    %get3A_1713 = arith.constant 0 : i32
    %get3A_1714 = tpu.memref_slice %arg9[%get3A_1712, %get3A_1713] : memref<4x128xi32, #tpu.memory_space<vmem>> -> memref<1x128xi32, #tpu.memory_space<vmem>>
    %get3A_1715 = tpu.memref_squeeze %get3A_1714 : memref<1x128xi32, #tpu.memory_space<vmem>> -> memref<128xi32, #tpu.memory_space<vmem>>
    %get3A_1716 = arith.constant 64 : index
    %get3A_1717 = tpu.vector_load %get3A_1715[%get3A_1716] {strides = array<i32>} : memref<128xi32, #tpu.memory_space<vmem>>, vector<16xi32>,
    %get3A_1718 = arith.constant 0 : i32
    %get3A_1719 = arith.constant 0 : i32
    %get3A_1720 = tpu.memref_slice %arg10[%get3A_1718, %get3A_1719] : memref<4x128xi32, #tpu.memory_space<vmem>> -> memref<1x128xi32, #tpu.memory_space<vmem>>
    %get3A_1721 = tpu.memref_squeeze %get3A_1720 : memref<1x128xi32, #tpu.memory_space<vmem>> -> memref<128xi32, #tpu.memory_space<vmem>>
    %get3A_1722 = arith.constant 64 : index
    %get3A_1723 = tpu.vector_load %get3A_1721[%get3A_1722] {strides = array<i32>} : memref<128xi32, #tpu.memory_space<vmem>>, vector<16xi32>,
    %shift_right_arithmetic3A_1724 = arith.constant 13 : i32
    %shift_right_arithmetic3A_1725 = vector.broadcast %shift_right_arithmetic3A_1724 : i32 to vector<16xi32>
    %shift_right_arithmetic3A_1726 = arith.shrsi %get3A_1717, %shift_right_arithmetic3A_1725 : vector<16xi32>
    %and3A_1727 = arith.constant 1 : i32
    %and3A_1728 = vector.broadcast %and3A_1727 : i32 to vector<16xi32>
    %and3A_1729 = arith.andi %shift_right_arithmetic3A_1726, %and3A_1728 : vector<16xi32>
    %shift_left3A_1730 = arith.constant 6 : i32
    %shift_left3A_1731 = vector.broadcast %shift_left3A_1730 : i32 to vector<16xi32>
    %shift_left3A_1732 = arith.shli %and3A_1729, %shift_left3A_1731 : vector<16xi32>
    %shift_right_arithmetic3A_1733 = arith.constant 13 : i32
    %shift_right_arithmetic3A_1734 = vector.broadcast %shift_right_arithmetic3A_1733 : i32 to vector<16xi32>
    %shift_right_arithmetic3A_1735 = arith.shrsi %get3A_1723, %shift_right_arithmetic3A_1734 : vector<16xi32>
    %and3A_1736 = arith.constant 1 : i32
    %and3A_1737 = vector.broadcast %and3A_1736 : i32 to vector<16xi32>
    %and3A_1738 = arith.andi %shift_right_arithmetic3A_1735, %and3A_1737 : vector<16xi32>
    %shift_left3A_1739 = arith.constant 6 : i32
    %shift_left3A_1740 = vector.broadcast %shift_left3A_1739 : i32 to vector<16xi32>
    %shift_left3A_1741 = arith.shli %and3A_1738, %shift_left3A_1740 : vector<16xi32>
    %shift_right_arithmetic3A_1742 = arith.constant 12 : i32
    %shift_right_arithmetic3A_1743 = vector.broadcast %shift_right_arithmetic3A_1742 : i32 to vector<16xi32>
    %shift_right_arithmetic3A_1744 = arith.shrsi %get3A_1717, %shift_right_arithmetic3A_1743 : vector<16xi32>
    %and3A_1745 = arith.constant 1 : i32
    %and3A_1746 = vector.broadcast %and3A_1745 : i32 to vector<16xi32>
    %and3A_1747 = arith.andi %shift_right_arithmetic3A_1744, %and3A_1746 : vector<16xi32>
    %eq3A_1748 = arith.constant 1 : i32
    %eq3A_1749 = vector.broadcast %eq3A_1748 : i32 to vector<16xi32>
    %eq3A_1750 = arith.cmpi eq, %and3A_1747, %eq3A_1749 : vector<16xi32>
    %shift_right_arithmetic3A_1751 = arith.constant 12 : i32
    %shift_right_arithmetic3A_1752 = vector.broadcast %shift_right_arithmetic3A_1751 : i32 to vector<16xi32>
    %shift_right_arithmetic3A_1753 = arith.shrsi %get3A_1723, %shift_right_arithmetic3A_1752 : vector<16xi32>
    %and3A_1754 = arith.constant 1 : i32
    %and3A_1755 = vector.broadcast %and3A_1754 : i32 to vector<16xi32>
    %and3A_1756 = arith.andi %shift_right_arithmetic3A_1753, %and3A_1755 : vector<16xi32>
    %eq3A_1757 = arith.constant 1 : i32
    %eq3A_1758 = vector.broadcast %eq3A_1757 : i32 to vector<16xi32>
    %eq3A_1759 = arith.cmpi eq, %and3A_1756, %eq3A_1758 : vector<16xi32>
    %get3A_1760 = arith.constant 64 : index
    %get3A_1761 = tpu.vector_load %arg15[%get3A_1760] {strides = array<i32>} : memref<128xf32, #tpu.memory_space<vmem>>, vector<16xf32>,
    %get3A_1762 = arith.constant 64 : index
    %get3A_1763 = tpu.vector_load %arg16[%get3A_1762] {strides = array<i32>} : memref<128xf32, #tpu.memory_space<vmem>>, vector<16xf32>,
    %add3A_1764 = arith.addf %get3A_1761, %get3A_1763 : vector<16xf32>
    %scan3A_1765 = arith.constant 0 : i32
    %scan3A_1766 = arith.constant 64 : i32
    %scan3A_1767 = arith.addi %scan3A_1765, %scan3A_1766 : i32
    %scan3A_1768 = arith.constant 1 : i32
    %scan3A_1769 = scf.for %scan3A_3659 = %scan3A_1765 to %scan3A_1767 step %scan3A_1768 iter_args(%scan3A_3660 = %add3A_1764) -> (vector<16xf32>)  : i32 {
      %add3A_3661 = vector.broadcast %scan3A_3659 : i32 to vector<16xi32>
      %add3A_3662 = arith.addi %shift_left3A_1732, %add3A_3661 : vector<16xi32>
      %gather3A = tpu.vector_load_idx %arg13[%add3A_1711, %add3A_3662] : memref<128x128xi32, #tpu.memory_space<vmem>>[vector<16xi32>, vector<16xi32>], vector<16xi32>,
      %add3A_3663 = vector.broadcast %scan3A_3659 : i32 to vector<16xi32>
      %add3A_3664 = arith.addi %shift_left3A_1741, %add3A_3663 : vector<16xi32>
      %gather3A_3665 = tpu.vector_load_idx %arg14[%add3A_1711, %add3A_3664] : memref<128x128xi32, #tpu.memory_space<vmem>>[vector<16xi32>, vector<16xi32>], vector<16xi32>,
      %bitcast3A = vector.bitcast %gather3A : vector<16xi32> to vector<32xbf16>
      %unpack3A = tpu.unpack_subelements %bitcast3A, 0 {pack_format = #tpu.pack_format<interleaved>} : vector<32xbf16> -> vector<16xf32>
      %unpack3A_3666 = tpu.unpack_subelements %bitcast3A, 1 {pack_format = #tpu.pack_format<interleaved>} : vector<32xbf16> -> vector<16xf32>
      %bitcast3A_3667 = vector.bitcast %gather3A_3665 : vector<16xi32> to vector<32xbf16>
      %unpack3A_3668 = tpu.unpack_subelements %bitcast3A_3667, 0 {pack_format = #tpu.pack_format<interleaved>} : vector<32xbf16> -> vector<16xf32>
      %unpack3A_3669 = tpu.unpack_subelements %bitcast3A_3667, 1 {pack_format = #tpu.pack_format<interleaved>} : vector<32xbf16> -> vector<16xf32>
      %select_n3A = arith.select %eq3A_1750, %unpack3A_3666, %unpack3A : vector<16xi1>, vector<16xf32>
      %select_n3A_3670 = arith.select %eq3A_1759, %unpack3A_3669, %unpack3A_3668 : vector<16xi1>, vector<16xf32>
      %mul3A_3671 = arith.mulf %select_n3A, %select_n3A_3670 : vector<16xf32>
      %add3A_3672 = arith.addf %scan3A_3660, %mul3A_3671 : vector<16xf32>
      scf.yield %add3A_3672 : vector<16xf32>
    }
    %scan3A_1770 = arith.constant 64 : i32
    %swap3A_1771 = arith.constant 64 : index
    %swap3A_1772 = tpu.vector_load %arg17[%swap3A_1771] {strides = array<i32>} : memref<512xf32, #tpu.memory_space<vmem>>, vector<16xf32>,
    tpu.vector_store %arg17[%swap3A_1771], %scan3A_1769 {strides = array<i32>} : memref<512xf32, #tpu.memory_space<vmem>>, vector<16xf32>,
    %add3A_1773 = arith.constant 80 : i32
    %add3A_1774 = vector.broadcast %add3A_1773 : i32 to vector<16xi32>
    %add3A_1775 = arith.addi %add3A_1774, %iota3A : vector<16xi32>
    %get3A_1776 = arith.constant 0 : i32
    %get3A_1777 = arith.constant 0 : i32
    %get3A_1778 = tpu.memref_slice %arg9[%get3A_1776, %get3A_1777] : memref<4x128xi32, #tpu.memory_space<vmem>> -> memref<1x128xi32, #tpu.memory_space<vmem>>
    %get3A_1779 = tpu.memref_squeeze %get3A_1778 : memref<1x128xi32, #tpu.memory_space<vmem>> -> memref<128xi32, #tpu.memory_space<vmem>>
    %get3A_1780 = arith.constant 80 : index
    %get3A_1781 = tpu.vector_load %get3A_1779[%get3A_1780] {strides = array<i32>} : memref<128xi32, #tpu.memory_space<vmem>>, vector<16xi32>,
    %get3A_1782 = arith.constant 0 : i32
    %get3A_1783 = arith.constant 0 : i32
    %get3A_1784 = tpu.memref_slice %arg10[%get3A_1782, %get3A_1783] : memref<4x128xi32, #tpu.memory_space<vmem>> -> memref<1x128xi32, #tpu.memory_space<vmem>>
    %get3A_1785 = tpu.memref_squeeze %get3A_1784 : memref<1x128xi32, #tpu.memory_space<vmem>> -> memref<128xi32, #tpu.memory_space<vmem>>
    %get3A_1786 = arith.constant 80 : index
    %get3A_1787 = tpu.vector_load %get3A_1785[%get3A_1786] {strides = array<i32>} : memref<128xi32, #tpu.memory_space<vmem>>, vector<16xi32>,
    %shift_right_arithmetic3A_1788 = arith.constant 13 : i32
    %shift_right_arithmetic3A_1789 = vector.broadcast %shift_right_arithmetic3A_1788 : i32 to vector<16xi32>
    %shift_right_arithmetic3A_1790 = arith.shrsi %get3A_1781, %shift_right_arithmetic3A_1789 : vector<16xi32>
    %and3A_1791 = arith.constant 1 : i32
    %and3A_1792 = vector.broadcast %and3A_1791 : i32 to vector<16xi32>
    %and3A_1793 = arith.andi %shift_right_arithmetic3A_1790, %and3A_1792 : vector<16xi32>
    %shift_left3A_1794 = arith.constant 6 : i32
    %shift_left3A_1795 = vector.broadcast %shift_left3A_1794 : i32 to vector<16xi32>
    %shift_left3A_1796 = arith.shli %and3A_1793, %shift_left3A_1795 : vector<16xi32>
    %shift_right_arithmetic3A_1797 = arith.constant 13 : i32
    %shift_right_arithmetic3A_1798 = vector.broadcast %shift_right_arithmetic3A_1797 : i32 to vector<16xi32>
    %shift_right_arithmetic3A_1799 = arith.shrsi %get3A_1787, %shift_right_arithmetic3A_1798 : vector<16xi32>
    %and3A_1800 = arith.constant 1 : i32
    %and3A_1801 = vector.broadcast %and3A_1800 : i32 to vector<16xi32>
    %and3A_1802 = arith.andi %shift_right_arithmetic3A_1799, %and3A_1801 : vector<16xi32>
    %shift_left3A_1803 = arith.constant 6 : i32
    %shift_left3A_1804 = vector.broadcast %shift_left3A_1803 : i32 to vector<16xi32>
    %shift_left3A_1805 = arith.shli %and3A_1802, %shift_left3A_1804 : vector<16xi32>
    %shift_right_arithmetic3A_1806 = arith.constant 12 : i32
    %shift_right_arithmetic3A_1807 = vector.broadcast %shift_right_arithmetic3A_1806 : i32 to vector<16xi32>
    %shift_right_arithmetic3A_1808 = arith.shrsi %get3A_1781, %shift_right_arithmetic3A_1807 : vector<16xi32>
    %and3A_1809 = arith.constant 1 : i32
    %and3A_1810 = vector.broadcast %and3A_1809 : i32 to vector<16xi32>
    %and3A_1811 = arith.andi %shift_right_arithmetic3A_1808, %and3A_1810 : vector<16xi32>
    %eq3A_1812 = arith.constant 1 : i32
    %eq3A_1813 = vector.broadcast %eq3A_1812 : i32 to vector<16xi32>
    %eq3A_1814 = arith.cmpi eq, %and3A_1811, %eq3A_1813 : vector<16xi32>
    %shift_right_arithmetic3A_1815 = arith.constant 12 : i32
    %shift_right_arithmetic3A_1816 = vector.broadcast %shift_right_arithmetic3A_1815 : i32 to vector<16xi32>
    %shift_right_arithmetic3A_1817 = arith.shrsi %get3A_1787, %shift_right_arithmetic3A_1816 : vector<16xi32>
    %and3A_1818 = arith.constant 1 : i32
    %and3A_1819 = vector.broadcast %and3A_1818 : i32 to vector<16xi32>
    %and3A_1820 = arith.andi %shift_right_arithmetic3A_1817, %and3A_1819 : vector<16xi32>
    %eq3A_1821 = arith.constant 1 : i32
    %eq3A_1822 = vector.broadcast %eq3A_1821 : i32 to vector<16xi32>
    %eq3A_1823 = arith.cmpi eq, %and3A_1820, %eq3A_1822 : vector<16xi32>
    %get3A_1824 = arith.constant 80 : index
    %get3A_1825 = tpu.vector_load %arg15[%get3A_1824] {strides = array<i32>} : memref<128xf32, #tpu.memory_space<vmem>>, vector<16xf32>,
    %get3A_1826 = arith.constant 80 : index
    %get3A_1827 = tpu.vector_load %arg16[%get3A_1826] {strides = array<i32>} : memref<128xf32, #tpu.memory_space<vmem>>, vector<16xf32>,
    %add3A_1828 = arith.addf %get3A_1825, %get3A_1827 : vector<16xf32>
    %scan3A_1829 = arith.constant 0 : i32
    %scan3A_1830 = arith.constant 64 : i32
    %scan3A_1831 = arith.addi %scan3A_1829, %scan3A_1830 : i32
    %scan3A_1832 = arith.constant 1 : i32
    %scan3A_1833 = scf.for %scan3A_3659 = %scan3A_1829 to %scan3A_1831 step %scan3A_1832 iter_args(%scan3A_3660 = %add3A_1828) -> (vector<16xf32>)  : i32 {
      %add3A_3661 = vector.broadcast %scan3A_3659 : i32 to vector<16xi32>
      %add3A_3662 = arith.addi %shift_left3A_1796, %add3A_3661 : vector<16xi32>
      %gather3A = tpu.vector_load_idx %arg13[%add3A_1775, %add3A_3662] : memref<128x128xi32, #tpu.memory_space<vmem>>[vector<16xi32>, vector<16xi32>], vector<16xi32>,
      %add3A_3663 = vector.broadcast %scan3A_3659 : i32 to vector<16xi32>
      %add3A_3664 = arith.addi %shift_left3A_1805, %add3A_3663 : vector<16xi32>
      %gather3A_3665 = tpu.vector_load_idx %arg14[%add3A_1775, %add3A_3664] : memref<128x128xi32, #tpu.memory_space<vmem>>[vector<16xi32>, vector<16xi32>], vector<16xi32>,
      %bitcast3A = vector.bitcast %gather3A : vector<16xi32> to vector<32xbf16>
      %unpack3A = tpu.unpack_subelements %bitcast3A, 0 {pack_format = #tpu.pack_format<interleaved>} : vector<32xbf16> -> vector<16xf32>
      %unpack3A_3666 = tpu.unpack_subelements %bitcast3A, 1 {pack_format = #tpu.pack_format<interleaved>} : vector<32xbf16> -> vector<16xf32>
      %bitcast3A_3667 = vector.bitcast %gather3A_3665 : vector<16xi32> to vector<32xbf16>
      %unpack3A_3668 = tpu.unpack_subelements %bitcast3A_3667, 0 {pack_format = #tpu.pack_format<interleaved>} : vector<32xbf16> -> vector<16xf32>
      %unpack3A_3669 = tpu.unpack_subelements %bitcast3A_3667, 1 {pack_format = #tpu.pack_format<interleaved>} : vector<32xbf16> -> vector<16xf32>
      %select_n3A = arith.select %eq3A_1814, %unpack3A_3666, %unpack3A : vector<16xi1>, vector<16xf32>
      %select_n3A_3670 = arith.select %eq3A_1823, %unpack3A_3669, %unpack3A_3668 : vector<16xi1>, vector<16xf32>
      %mul3A_3671 = arith.mulf %select_n3A, %select_n3A_3670 : vector<16xf32>
      %add3A_3672 = arith.addf %scan3A_3660, %mul3A_3671 : vector<16xf32>
      scf.yield %add3A_3672 : vector<16xf32>
    }
    %scan3A_1834 = arith.constant 64 : i32
    %swap3A_1835 = arith.constant 80 : index
    %swap3A_1836 = tpu.vector_load %arg17[%swap3A_1835] {strides = array<i32>} : memref<512xf32, #tpu.memory_space<vmem>>, vector<16xf32>,
    tpu.vector_store %arg17[%swap3A_1835], %scan3A_1833 {strides = array<i32>} : memref<512xf32, #tpu.memory_space<vmem>>, vector<16xf32>,
    %add3A_1837 = arith.constant 96 : i32
    %add3A_1838 = vector.broadcast %add3A_1837 : i32 to vector<16xi32>
    %add3A_1839 = arith.addi %add3A_1838, %iota3A : vector<16xi32>
    %get3A_1840 = arith.constant 0 : i32
    %get3A_1841 = arith.constant 0 : i32
    %get3A_1842 = tpu.memref_slice %arg9[%get3A_1840, %get3A_1841] : memref<4x128xi32, #tpu.memory_space<vmem>> -> memref<1x128xi32, #tpu.memory_space<vmem>>
    %get3A_1843 = tpu.memref_squeeze %get3A_1842 : memref<1x128xi32, #tpu.memory_space<vmem>> -> memref<128xi32, #tpu.memory_space<vmem>>
    %get3A_1844 = arith.constant 96 : index
    %get3A_1845 = tpu.vector_load %get3A_1843[%get3A_1844] {strides = array<i32>} : memref<128xi32, #tpu.memory_space<vmem>>, vector<16xi32>,
    %get3A_1846 = arith.constant 0 : i32
    %get3A_1847 = arith.constant 0 : i32
    %get3A_1848 = tpu.memref_slice %arg10[%get3A_1846, %get3A_1847] : memref<4x128xi32, #tpu.memory_space<vmem>> -> memref<1x128xi32, #tpu.memory_space<vmem>>
    %get3A_1849 = tpu.memref_squeeze %get3A_1848 : memref<1x128xi32, #tpu.memory_space<vmem>> -> memref<128xi32, #tpu.memory_space<vmem>>
    %get3A_1850 = arith.constant 96 : index
    %get3A_1851 = tpu.vector_load %get3A_1849[%get3A_1850] {strides = array<i32>} : memref<128xi32, #tpu.memory_space<vmem>>, vector<16xi32>,
    %shift_right_arithmetic3A_1852 = arith.constant 13 : i32
    %shift_right_arithmetic3A_1853 = vector.broadcast %shift_right_arithmetic3A_1852 : i32 to vector<16xi32>
    %shift_right_arithmetic3A_1854 = arith.shrsi %get3A_1845, %shift_right_arithmetic3A_1853 : vector<16xi32>
    %and3A_1855 = arith.constant 1 : i32
    %and3A_1856 = vector.broadcast %and3A_1855 : i32 to vector<16xi32>
    %and3A_1857 = arith.andi %shift_right_arithmetic3A_1854, %and3A_1856 : vector<16xi32>
    %shift_left3A_1858 = arith.constant 6 : i32
    %shift_left3A_1859 = vector.broadcast %shift_left3A_1858 : i32 to vector<16xi32>
    %shift_left3A_1860 = arith.shli %and3A_1857, %shift_left3A_1859 : vector<16xi32>
    %shift_right_arithmetic3A_1861 = arith.constant 13 : i32
    %shift_right_arithmetic3A_1862 = vector.broadcast %shift_right_arithmetic3A_1861 : i32 to vector<16xi32>
    %shift_right_arithmetic3A_1863 = arith.shrsi %get3A_1851, %shift_right_arithmetic3A_1862 : vector<16xi32>
    %and3A_1864 = arith.constant 1 : i32
    %and3A_1865 = vector.broadcast %and3A_1864 : i32 to vector<16xi32>
    %and3A_1866 = arith.andi %shift_right_arithmetic3A_1863, %and3A_1865 : vector<16xi32>
    %shift_left3A_1867 = arith.constant 6 : i32
    %shift_left3A_1868 = vector.broadcast %shift_left3A_1867 : i32 to vector<16xi32>
    %shift_left3A_1869 = arith.shli %and3A_1866, %shift_left3A_1868 : vector<16xi32>
    %shift_right_arithmetic3A_1870 = arith.constant 12 : i32
    %shift_right_arithmetic3A_1871 = vector.broadcast %shift_right_arithmetic3A_1870 : i32 to vector<16xi32>
    %shift_right_arithmetic3A_1872 = arith.shrsi %get3A_1845, %shift_right_arithmetic3A_1871 : vector<16xi32>
    %and3A_1873 = arith.constant 1 : i32
    %and3A_1874 = vector.broadcast %and3A_1873 : i32 to vector<16xi32>
    %and3A_1875 = arith.andi %shift_right_arithmetic3A_1872, %and3A_1874 : vector<16xi32>
    %eq3A_1876 = arith.constant 1 : i32
    %eq3A_1877 = vector.broadcast %eq3A_1876 : i32 to vector<16xi32>
    %eq3A_1878 = arith.cmpi eq, %and3A_1875, %eq3A_1877 : vector<16xi32>
    %shift_right_arithmetic3A_1879 = arith.constant 12 : i32
    %shift_right_arithmetic3A_1880 = vector.broadcast %shift_right_arithmetic3A_1879 : i32 to vector<16xi32>
    %shift_right_arithmetic3A_1881 = arith.shrsi %get3A_1851, %shift_right_arithmetic3A_1880 : vector<16xi32>
    %and3A_1882 = arith.constant 1 : i32
    %and3A_1883 = vector.broadcast %and3A_1882 : i32 to vector<16xi32>
    %and3A_1884 = arith.andi %shift_right_arithmetic3A_1881, %and3A_1883 : vector<16xi32>
    %eq3A_1885 = arith.constant 1 : i32
    %eq3A_1886 = vector.broadcast %eq3A_1885 : i32 to vector<16xi32>
    %eq3A_1887 = arith.cmpi eq, %and3A_1884, %eq3A_1886 : vector<16xi32>
    %get3A_1888 = arith.constant 96 : index
    %get3A_1889 = tpu.vector_load %arg15[%get3A_1888] {strides = array<i32>} : memref<128xf32, #tpu.memory_space<vmem>>, vector<16xf32>,
    %get3A_1890 = arith.constant 96 : index
    %get3A_1891 = tpu.vector_load %arg16[%get3A_1890] {strides = array<i32>} : memref<128xf32, #tpu.memory_space<vmem>>, vector<16xf32>,
    %add3A_1892 = arith.addf %get3A_1889, %get3A_1891 : vector<16xf32>
    %scan3A_1893 = arith.constant 0 : i32
    %scan3A_1894 = arith.constant 64 : i32
    %scan3A_1895 = arith.addi %scan3A_1893, %scan3A_1894 : i32
    %scan3A_1896 = arith.constant 1 : i32
    %scan3A_1897 = scf.for %scan3A_3659 = %scan3A_1893 to %scan3A_1895 step %scan3A_1896 iter_args(%scan3A_3660 = %add3A_1892) -> (vector<16xf32>)  : i32 {
      %add3A_3661 = vector.broadcast %scan3A_3659 : i32 to vector<16xi32>
      %add3A_3662 = arith.addi %shift_left3A_1860, %add3A_3661 : vector<16xi32>
      %gather3A = tpu.vector_load_idx %arg13[%add3A_1839, %add3A_3662] : memref<128x128xi32, #tpu.memory_space<vmem>>[vector<16xi32>, vector<16xi32>], vector<16xi32>,
      %add3A_3663 = vector.broadcast %scan3A_3659 : i32 to vector<16xi32>
      %add3A_3664 = arith.addi %shift_left3A_1869, %add3A_3663 : vector<16xi32>
      %gather3A_3665 = tpu.vector_load_idx %arg14[%add3A_1839, %add3A_3664] : memref<128x128xi32, #tpu.memory_space<vmem>>[vector<16xi32>, vector<16xi32>], vector<16xi32>,
      %bitcast3A = vector.bitcast %gather3A : vector<16xi32> to vector<32xbf16>
      %unpack3A = tpu.unpack_subelements %bitcast3A, 0 {pack_format = #tpu.pack_format<interleaved>} : vector<32xbf16> -> vector<16xf32>
      %unpack3A_3666 = tpu.unpack_subelements %bitcast3A, 1 {pack_format = #tpu.pack_format<interleaved>} : vector<32xbf16> -> vector<16xf32>
      %bitcast3A_3667 = vector.bitcast %gather3A_3665 : vector<16xi32> to vector<32xbf16>
      %unpack3A_3668 = tpu.unpack_subelements %bitcast3A_3667, 0 {pack_format = #tpu.pack_format<interleaved>} : vector<32xbf16> -> vector<16xf32>
      %unpack3A_3669 = tpu.unpack_subelements %bitcast3A_3667, 1 {pack_format = #tpu.pack_format<interleaved>} : vector<32xbf16> -> vector<16xf32>
      %select_n3A = arith.select %eq3A_1878, %unpack3A_3666, %unpack3A : vector<16xi1>, vector<16xf32>
      %select_n3A_3670 = arith.select %eq3A_1887, %unpack3A_3669, %unpack3A_3668 : vector<16xi1>, vector<16xf32>
      %mul3A_3671 = arith.mulf %select_n3A, %select_n3A_3670 : vector<16xf32>
      %add3A_3672 = arith.addf %scan3A_3660, %mul3A_3671 : vector<16xf32>
      scf.yield %add3A_3672 : vector<16xf32>
    }
    %scan3A_1898 = arith.constant 64 : i32
    %swap3A_1899 = arith.constant 96 : index
    %swap3A_1900 = tpu.vector_load %arg17[%swap3A_1899] {strides = array<i32>} : memref<512xf32, #tpu.memory_space<vmem>>, vector<16xf32>,
    tpu.vector_store %arg17[%swap3A_1899], %scan3A_1897 {strides = array<i32>} : memref<512xf32, #tpu.memory_space<vmem>>, vector<16xf32>,
    %add3A_1901 = arith.constant 112 : i32
    %add3A_1902 = vector.broadcast %add3A_1901 : i32 to vector<16xi32>
    %add3A_1903 = arith.addi %add3A_1902, %iota3A : vector<16xi32>
    %get3A_1904 = arith.constant 0 : i32
    %get3A_1905 = arith.constant 0 : i32
    %get3A_1906 = tpu.memref_slice %arg9[%get3A_1904, %get3A_1905] : memref<4x128xi32, #tpu.memory_space<vmem>> -> memref<1x128xi32, #tpu.memory_space<vmem>>
    %get3A_1907 = tpu.memref_squeeze %get3A_1906 : memref<1x128xi32, #tpu.memory_space<vmem>> -> memref<128xi32, #tpu.memory_space<vmem>>
    %get3A_1908 = arith.constant 112 : index
    %get3A_1909 = tpu.vector_load %get3A_1907[%get3A_1908] {strides = array<i32>} : memref<128xi32, #tpu.memory_space<vmem>>, vector<16xi32>,
    %get3A_1910 = arith.constant 0 : i32
    %get3A_1911 = arith.constant 0 : i32
    %get3A_1912 = tpu.memref_slice %arg10[%get3A_1910, %get3A_1911] : memref<4x128xi32, #tpu.memory_space<vmem>> -> memref<1x128xi32, #tpu.memory_space<vmem>>
    %get3A_1913 = tpu.memref_squeeze %get3A_1912 : memref<1x128xi32, #tpu.memory_space<vmem>> -> memref<128xi32, #tpu.memory_space<vmem>>
    %get3A_1914 = arith.constant 112 : index
    %get3A_1915 = tpu.vector_load %get3A_1913[%get3A_1914] {strides = array<i32>} : memref<128xi32, #tpu.memory_space<vmem>>, vector<16xi32>,
    %shift_right_arithmetic3A_1916 = arith.constant 13 : i32
    %shift_right_arithmetic3A_1917 = vector.broadcast %shift_right_arithmetic3A_1916 : i32 to vector<16xi32>
    %shift_right_arithmetic3A_1918 = arith.shrsi %get3A_1909, %shift_right_arithmetic3A_1917 : vector<16xi32>
    %and3A_1919 = arith.constant 1 : i32
    %and3A_1920 = vector.broadcast %and3A_1919 : i32 to vector<16xi32>
    %and3A_1921 = arith.andi %shift_right_arithmetic3A_1918, %and3A_1920 : vector<16xi32>
    %shift_left3A_1922 = arith.constant 6 : i32
    %shift_left3A_1923 = vector.broadcast %shift_left3A_1922 : i32 to vector<16xi32>
    %shift_left3A_1924 = arith.shli %and3A_1921, %shift_left3A_1923 : vector<16xi32>
    %shift_right_arithmetic3A_1925 = arith.constant 13 : i32
    %shift_right_arithmetic3A_1926 = vector.broadcast %shift_right_arithmetic3A_1925 : i32 to vector<16xi32>
    %shift_right_arithmetic3A_1927 = arith.shrsi %get3A_1915, %shift_right_arithmetic3A_1926 : vector<16xi32>
    %and3A_1928 = arith.constant 1 : i32
    %and3A_1929 = vector.broadcast %and3A_1928 : i32 to vector<16xi32>
    %and3A_1930 = arith.andi %shift_right_arithmetic3A_1927, %and3A_1929 : vector<16xi32>
    %shift_left3A_1931 = arith.constant 6 : i32
    %shift_left3A_1932 = vector.broadcast %shift_left3A_1931 : i32 to vector<16xi32>
    %shift_left3A_1933 = arith.shli %and3A_1930, %shift_left3A_1932 : vector<16xi32>
    %shift_right_arithmetic3A_1934 = arith.constant 12 : i32
    %shift_right_arithmetic3A_1935 = vector.broadcast %shift_right_arithmetic3A_1934 : i32 to vector<16xi32>
    %shift_right_arithmetic3A_1936 = arith.shrsi %get3A_1909, %shift_right_arithmetic3A_1935 : vector<16xi32>
    %and3A_1937 = arith.constant 1 : i32
    %and3A_1938 = vector.broadcast %and3A_1937 : i32 to vector<16xi32>
    %and3A_1939 = arith.andi %shift_right_arithmetic3A_1936, %and3A_1938 : vector<16xi32>
    %eq3A_1940 = arith.constant 1 : i32
    %eq3A_1941 = vector.broadcast %eq3A_1940 : i32 to vector<16xi32>
    %eq3A_1942 = arith.cmpi eq, %and3A_1939, %eq3A_1941 : vector<16xi32>
    %shift_right_arithmetic3A_1943 = arith.constant 12 : i32
    %shift_right_arithmetic3A_1944 = vector.broadcast %shift_right_arithmetic3A_1943 : i32 to vector<16xi32>
    %shift_right_arithmetic3A_1945 = arith.shrsi %get3A_1915, %shift_right_arithmetic3A_1944 : vector<16xi32>
    %and3A_1946 = arith.constant 1 : i32
    %and3A_1947 = vector.broadcast %and3A_1946 : i32 to vector<16xi32>
    %and3A_1948 = arith.andi %shift_right_arithmetic3A_1945, %and3A_1947 : vector<16xi32>
    %eq3A_1949 = arith.constant 1 : i32
    %eq3A_1950 = vector.broadcast %eq3A_1949 : i32 to vector<16xi32>
    %eq3A_1951 = arith.cmpi eq, %and3A_1948, %eq3A_1950 : vector<16xi32>
    %get3A_1952 = arith.constant 112 : index
    %get3A_1953 = tpu.vector_load %arg15[%get3A_1952] {strides = array<i32>} : memref<128xf32, #tpu.memory_space<vmem>>, vector<16xf32>,
    %get3A_1954 = arith.constant 112 : index
    %get3A_1955 = tpu.vector_load %arg16[%get3A_1954] {strides = array<i32>} : memref<128xf32, #tpu.memory_space<vmem>>, vector<16xf32>,
    %add3A_1956 = arith.addf %get3A_1953, %get3A_1955 : vector<16xf32>
    %scan3A_1957 = arith.constant 0 : i32
    %scan3A_1958 = arith.constant 64 : i32
    %scan3A_1959 = arith.addi %scan3A_1957, %scan3A_1958 : i32
    %scan3A_1960 = arith.constant 1 : i32
    %scan3A_1961 = scf.for %scan3A_3659 = %scan3A_1957 to %scan3A_1959 step %scan3A_1960 iter_args(%scan3A_3660 = %add3A_1956) -> (vector<16xf32>)  : i32 {
      %add3A_3661 = vector.broadcast %scan3A_3659 : i32 to vector<16xi32>
      %add3A_3662 = arith.addi %shift_left3A_1924, %add3A_3661 : vector<16xi32>
      %gather3A = tpu.vector_load_idx %arg13[%add3A_1903, %add3A_3662] : memref<128x128xi32, #tpu.memory_space<vmem>>[vector<16xi32>, vector<16xi32>], vector<16xi32>,
      %add3A_3663 = vector.broadcast %scan3A_3659 : i32 to vector<16xi32>
      %add3A_3664 = arith.addi %shift_left3A_1933, %add3A_3663 : vector<16xi32>
      %gather3A_3665 = tpu.vector_load_idx %arg14[%add3A_1903, %add3A_3664] : memref<128x128xi32, #tpu.memory_space<vmem>>[vector<16xi32>, vector<16xi32>], vector<16xi32>,
      %bitcast3A = vector.bitcast %gather3A : vector<16xi32> to vector<32xbf16>
      %unpack3A = tpu.unpack_subelements %bitcast3A, 0 {pack_format = #tpu.pack_format<interleaved>} : vector<32xbf16> -> vector<16xf32>
      %unpack3A_3666 = tpu.unpack_subelements %bitcast3A, 1 {pack_format = #tpu.pack_format<interleaved>} : vector<32xbf16> -> vector<16xf32>
      %bitcast3A_3667 = vector.bitcast %gather3A_3665 : vector<16xi32> to vector<32xbf16>
      %unpack3A_3668 = tpu.unpack_subelements %bitcast3A_3667, 0 {pack_format = #tpu.pack_format<interleaved>} : vector<32xbf16> -> vector<16xf32>
      %unpack3A_3669 = tpu.unpack_subelements %bitcast3A_3667, 1 {pack_format = #tpu.pack_format<interleaved>} : vector<32xbf16> -> vector<16xf32>
      %select_n3A = arith.select %eq3A_1942, %unpack3A_3666, %unpack3A : vector<16xi1>, vector<16xf32>
      %select_n3A_3670 = arith.select %eq3A_1951, %unpack3A_3669, %unpack3A_3668 : vector<16xi1>, vector<16xf32>
      %mul3A_3671 = arith.mulf %select_n3A, %select_n3A_3670 : vector<16xf32>
      %add3A_3672 = arith.addf %scan3A_3660, %mul3A_3671 : vector<16xf32>
      scf.yield %add3A_3672 : vector<16xf32>
    }
    %scan3A_1962 = arith.constant 64 : i32
    %swap3A_1963 = arith.constant 112 : index
    %swap3A_1964 = tpu.vector_load %arg17[%swap3A_1963] {strides = array<i32>} : memref<512xf32, #tpu.memory_space<vmem>>, vector<16xf32>,
    tpu.vector_store %arg17[%swap3A_1963], %scan3A_1961 {strides = array<i32>} : memref<512xf32, #tpu.memory_space<vmem>>, vector<16xf32>,
    %dma_start3A_1965 = arith.constant 1 : i32
    %dma_start3A_1966 = arith.constant 0 : i32
    %dma_start3A_1967 = tpu.memref_slice %arg11[%dma_start3A_1965, %dma_start3A_1966] : memref<4x128xi32, #tpu.memory_space<vmem>> -> memref<1x128xi32, #tpu.memory_space<vmem>>
    %dma_start3A_1968 = tpu.memref_squeeze %dma_start3A_1967 : memref<1x128xi32, #tpu.memory_space<vmem>> -> memref<128xi32, #tpu.memory_space<vmem>>
    %dma_start3A_1969 = arith.constant 0 : i32
    %dma_start3A_1970 = arith.constant 0 : i32
    %dma_start3A_1971 = tpu.memref_slice %arg4[%dma_start3A_1969, %dma_start3A_1970] : memref<253952x128xi32, #tpu.memory_space<hbm>> -> memref<253952x128xi32, #tpu.memory_space<hbm>>
    tpu.enqueue_indirect_dma source(%dma_start3A_1971 : memref<253952x128xi32, #tpu.memory_space<hbm>>) target(%arg13 : memref<128x128xi32, #tpu.memory_space<vmem>>) offsets(%dma_start3A_1968 : memref<128xi32, #tpu.memory_space<vmem>>) semaphore(%arg18 : memref<!tpu.dma_semaphore, #tpu.memory_space<semaphore_mem>>)
    %dma_start3A_1972 = arith.constant 1 : i32
    %dma_start3A_1973 = arith.constant 0 : i32
    %dma_start3A_1974 = tpu.memref_slice %arg12[%dma_start3A_1972, %dma_start3A_1973] : memref<4x128xi32, #tpu.memory_space<vmem>> -> memref<1x128xi32, #tpu.memory_space<vmem>>
    %dma_start3A_1975 = tpu.memref_squeeze %dma_start3A_1974 : memref<1x128xi32, #tpu.memory_space<vmem>> -> memref<128xi32, #tpu.memory_space<vmem>>
    %dma_start3A_1976 = arith.constant 0 : i32
    %dma_start3A_1977 = arith.constant 0 : i32
    %dma_start3A_1978 = tpu.memref_slice %arg5[%dma_start3A_1976, %dma_start3A_1977] : memref<253952x128xi32, #tpu.memory_space<hbm>> -> memref<253952x128xi32, #tpu.memory_space<hbm>>
    tpu.enqueue_indirect_dma source(%dma_start3A_1978 : memref<253952x128xi32, #tpu.memory_space<hbm>>) target(%arg14 : memref<128x128xi32, #tpu.memory_space<vmem>>) offsets(%dma_start3A_1975 : memref<128xi32, #tpu.memory_space<vmem>>) semaphore(%arg18 : memref<!tpu.dma_semaphore, #tpu.memory_space<semaphore_mem>>)
    %dma_start3A_1979 = arith.constant 1 : i32
    %dma_start3A_1980 = arith.constant 0 : i32
    %dma_start3A_1981 = tpu.memref_slice %arg9[%dma_start3A_1979, %dma_start3A_1980] : memref<4x128xi32, #tpu.memory_space<vmem>> -> memref<1x128xi32, #tpu.memory_space<vmem>>
    %dma_start3A_1982 = tpu.memref_squeeze %dma_start3A_1981 : memref<1x128xi32, #tpu.memory_space<vmem>> -> memref<128xi32, #tpu.memory_space<vmem>>
    %dma_start3A_1983 = arith.constant 0 : i32
    %dma_start3A_1984 = tpu.memref_slice %arg6[%dma_start3A_1983] : memref<1000000xf32, #tpu.memory_space<hbm>> -> memref<1000000xf32, #tpu.memory_space<hbm>>
    tpu.enqueue_indirect_dma source(%dma_start3A_1984 : memref<1000000xf32, #tpu.memory_space<hbm>>) target(%arg15 : memref<128xf32, #tpu.memory_space<vmem>>) offsets(%dma_start3A_1982 : memref<128xi32, #tpu.memory_space<vmem>>) semaphore(%arg18 : memref<!tpu.dma_semaphore, #tpu.memory_space<semaphore_mem>>)
    %dma_start3A_1985 = arith.constant 1 : i32
    %dma_start3A_1986 = arith.constant 0 : i32
    %dma_start3A_1987 = tpu.memref_slice %arg10[%dma_start3A_1985, %dma_start3A_1986] : memref<4x128xi32, #tpu.memory_space<vmem>> -> memref<1x128xi32, #tpu.memory_space<vmem>>
    %dma_start3A_1988 = tpu.memref_squeeze %dma_start3A_1987 : memref<1x128xi32, #tpu.memory_space<vmem>> -> memref<128xi32, #tpu.memory_space<vmem>>
    %dma_start3A_1989 = arith.constant 0 : i32
    %dma_start3A_1990 = tpu.memref_slice %arg7[%dma_start3A_1989] : memref<1000000xf32, #tpu.memory_space<hbm>> -> memref<1000000xf32, #tpu.memory_space<hbm>>
    tpu.enqueue_indirect_dma source(%dma_start3A_1990 : memref<1000000xf32, #tpu.memory_space<hbm>>) target(%arg16 : memref<128xf32, #tpu.memory_space<vmem>>) offsets(%dma_start3A_1988 : memref<128xi32, #tpu.memory_space<vmem>>) semaphore(%arg18 : memref<!tpu.dma_semaphore, #tpu.memory_space<semaphore_mem>>)
    %dma_wait3A_1991 = arith.constant 1 : i32
    %dma_wait3A_1992 = arith.constant 0 : i32
    %dma_wait3A_1993 = tpu.memref_slice %arg11[%dma_wait3A_1991, %dma_wait3A_1992] : memref<4x128xi32, #tpu.memory_space<vmem>> -> memref<1x128xi32, #tpu.memory_space<vmem>>
    %dma_wait3A_1994 = tpu.memref_squeeze %dma_wait3A_1993 : memref<1x128xi32, #tpu.memory_space<vmem>> -> memref<128xi32, #tpu.memory_space<vmem>>
    %dma_wait3A_1995 = arith.constant 0 : i32
    %dma_wait3A_1996 = arith.constant 0 : i32
    %dma_wait3A_1997 = tpu.memref_slice %arg4[%dma_wait3A_1995, %dma_wait3A_1996] : memref<253952x128xi32, #tpu.memory_space<hbm>> -> memref<253952x128xi32, #tpu.memory_space<hbm>>
    tpu.wait_indirect_dma semaphore(%arg18 : memref<!tpu.dma_semaphore, #tpu.memory_space<semaphore_mem>>) src(%dma_wait3A_1997 : memref<253952x128xi32, #tpu.memory_space<hbm>>) dst(%arg13 : memref<128x128xi32, #tpu.memory_space<vmem>>)
    %dma_wait3A_1998 = arith.constant 1 : i32
    %dma_wait3A_1999 = arith.constant 0 : i32
    %dma_wait3A_2000 = tpu.memref_slice %arg12[%dma_wait3A_1998, %dma_wait3A_1999] : memref<4x128xi32, #tpu.memory_space<vmem>> -> memref<1x128xi32, #tpu.memory_space<vmem>>
    %dma_wait3A_2001 = tpu.memref_squeeze %dma_wait3A_2000 : memref<1x128xi32, #tpu.memory_space<vmem>> -> memref<128xi32, #tpu.memory_space<vmem>>
    %dma_wait3A_2002 = arith.constant 0 : i32
    %dma_wait3A_2003 = arith.constant 0 : i32
    %dma_wait3A_2004 = tpu.memref_slice %arg5[%dma_wait3A_2002, %dma_wait3A_2003] : memref<253952x128xi32, #tpu.memory_space<hbm>> -> memref<253952x128xi32, #tpu.memory_space<hbm>>
    tpu.wait_indirect_dma semaphore(%arg18 : memref<!tpu.dma_semaphore, #tpu.memory_space<semaphore_mem>>) src(%dma_wait3A_2004 : memref<253952x128xi32, #tpu.memory_space<hbm>>) dst(%arg14 : memref<128x128xi32, #tpu.memory_space<vmem>>)
    %dma_wait3A_2005 = arith.constant 1 : i32
    %dma_wait3A_2006 = arith.constant 0 : i32
    %dma_wait3A_2007 = tpu.memref_slice %arg9[%dma_wait3A_2005, %dma_wait3A_2006] : memref<4x128xi32, #tpu.memory_space<vmem>> -> memref<1x128xi32, #tpu.memory_space<vmem>>
    %dma_wait3A_2008 = tpu.memref_squeeze %dma_wait3A_2007 : memref<1x128xi32, #tpu.memory_space<vmem>> -> memref<128xi32, #tpu.memory_space<vmem>>
    %dma_wait3A_2009 = arith.constant 0 : i32
    %dma_wait3A_2010 = tpu.memref_slice %arg6[%dma_wait3A_2009] : memref<1000000xf32, #tpu.memory_space<hbm>> -> memref<1000000xf32, #tpu.memory_space<hbm>>
    tpu.wait_indirect_dma semaphore(%arg18 : memref<!tpu.dma_semaphore, #tpu.memory_space<semaphore_mem>>) src(%dma_wait3A_2010 : memref<1000000xf32, #tpu.memory_space<hbm>>) dst(%arg15 : memref<128xf32, #tpu.memory_space<vmem>>)
    %dma_wait3A_2011 = arith.constant 1 : i32
    %dma_wait3A_2012 = arith.constant 0 : i32
    %dma_wait3A_2013 = tpu.memref_slice %arg10[%dma_wait3A_2011, %dma_wait3A_2012] : memref<4x128xi32, #tpu.memory_space<vmem>> -> memref<1x128xi32, #tpu.memory_space<vmem>>
    %dma_wait3A_2014 = tpu.memref_squeeze %dma_wait3A_2013 : memref<1x128xi32, #tpu.memory_space<vmem>> -> memref<128xi32, #tpu.memory_space<vmem>>
    %dma_wait3A_2015 = arith.constant 0 : i32
    %dma_wait3A_2016 = tpu.memref_slice %arg7[%dma_wait3A_2015] : memref<1000000xf32, #tpu.memory_space<hbm>> -> memref<1000000xf32, #tpu.memory_space<hbm>>
    tpu.wait_indirect_dma semaphore(%arg18 : memref<!tpu.dma_semaphore, #tpu.memory_space<semaphore_mem>>) src(%dma_wait3A_2016 : memref<1000000xf32, #tpu.memory_space<hbm>>) dst(%arg16 : memref<128xf32, #tpu.memory_space<vmem>>)
    %add3A_2017 = arith.constant 0 : i32
    %add3A_2018 = vector.broadcast %add3A_2017 : i32 to vector<16xi32>
    %add3A_2019 = arith.addi %add3A_2018, %iota3A : vector<16xi32>
    %get3A_2020 = arith.constant 1 : i32
    %get3A_2021 = arith.constant 0 : i32
    %get3A_2022 = tpu.memref_slice %arg9[%get3A_2020, %get3A_2021] : memref<4x128xi32, #tpu.memory_space<vmem>> -> memref<1x128xi32, #tpu.memory_space<vmem>>
    %get3A_2023 = tpu.memref_squeeze %get3A_2022 : memref<1x128xi32, #tpu.memory_space<vmem>> -> memref<128xi32, #tpu.memory_space<vmem>>
    %get3A_2024 = arith.constant 0 : index
    %get3A_2025 = tpu.vector_load %get3A_2023[%get3A_2024] {strides = array<i32>} : memref<128xi32, #tpu.memory_space<vmem>>, vector<16xi32>,
    %get3A_2026 = arith.constant 1 : i32
    %get3A_2027 = arith.constant 0 : i32
    %get3A_2028 = tpu.memref_slice %arg10[%get3A_2026, %get3A_2027] : memref<4x128xi32, #tpu.memory_space<vmem>> -> memref<1x128xi32, #tpu.memory_space<vmem>>
    %get3A_2029 = tpu.memref_squeeze %get3A_2028 : memref<1x128xi32, #tpu.memory_space<vmem>> -> memref<128xi32, #tpu.memory_space<vmem>>
    %get3A_2030 = arith.constant 0 : index
    %get3A_2031 = tpu.vector_load %get3A_2029[%get3A_2030] {strides = array<i32>} : memref<128xi32, #tpu.memory_space<vmem>>, vector<16xi32>,
    %shift_right_arithmetic3A_2032 = arith.constant 13 : i32
    %shift_right_arithmetic3A_2033 = vector.broadcast %shift_right_arithmetic3A_2032 : i32 to vector<16xi32>
    %shift_right_arithmetic3A_2034 = arith.shrsi %get3A_2025, %shift_right_arithmetic3A_2033 : vector<16xi32>
    %and3A_2035 = arith.constant 1 : i32
    %and3A_2036 = vector.broadcast %and3A_2035 : i32 to vector<16xi32>
    %and3A_2037 = arith.andi %shift_right_arithmetic3A_2034, %and3A_2036 : vector<16xi32>
    %shift_left3A_2038 = arith.constant 6 : i32
    %shift_left3A_2039 = vector.broadcast %shift_left3A_2038 : i32 to vector<16xi32>
    %shift_left3A_2040 = arith.shli %and3A_2037, %shift_left3A_2039 : vector<16xi32>
    %shift_right_arithmetic3A_2041 = arith.constant 13 : i32
    %shift_right_arithmetic3A_2042 = vector.broadcast %shift_right_arithmetic3A_2041 : i32 to vector<16xi32>
    %shift_right_arithmetic3A_2043 = arith.shrsi %get3A_2031, %shift_right_arithmetic3A_2042 : vector<16xi32>
    %and3A_2044 = arith.constant 1 : i32
    %and3A_2045 = vector.broadcast %and3A_2044 : i32 to vector<16xi32>
    %and3A_2046 = arith.andi %shift_right_arithmetic3A_2043, %and3A_2045 : vector<16xi32>
    %shift_left3A_2047 = arith.constant 6 : i32
    %shift_left3A_2048 = vector.broadcast %shift_left3A_2047 : i32 to vector<16xi32>
    %shift_left3A_2049 = arith.shli %and3A_2046, %shift_left3A_2048 : vector<16xi32>
    %shift_right_arithmetic3A_2050 = arith.constant 12 : i32
    %shift_right_arithmetic3A_2051 = vector.broadcast %shift_right_arithmetic3A_2050 : i32 to vector<16xi32>
    %shift_right_arithmetic3A_2052 = arith.shrsi %get3A_2025, %shift_right_arithmetic3A_2051 : vector<16xi32>
    %and3A_2053 = arith.constant 1 : i32
    %and3A_2054 = vector.broadcast %and3A_2053 : i32 to vector<16xi32>
    %and3A_2055 = arith.andi %shift_right_arithmetic3A_2052, %and3A_2054 : vector<16xi32>
    %eq3A_2056 = arith.constant 1 : i32
    %eq3A_2057 = vector.broadcast %eq3A_2056 : i32 to vector<16xi32>
    %eq3A_2058 = arith.cmpi eq, %and3A_2055, %eq3A_2057 : vector<16xi32>
    %shift_right_arithmetic3A_2059 = arith.constant 12 : i32
    %shift_right_arithmetic3A_2060 = vector.broadcast %shift_right_arithmetic3A_2059 : i32 to vector<16xi32>
    %shift_right_arithmetic3A_2061 = arith.shrsi %get3A_2031, %shift_right_arithmetic3A_2060 : vector<16xi32>
    %and3A_2062 = arith.constant 1 : i32
    %and3A_2063 = vector.broadcast %and3A_2062 : i32 to vector<16xi32>
    %and3A_2064 = arith.andi %shift_right_arithmetic3A_2061, %and3A_2063 : vector<16xi32>
    %eq3A_2065 = arith.constant 1 : i32
    %eq3A_2066 = vector.broadcast %eq3A_2065 : i32 to vector<16xi32>
    %eq3A_2067 = arith.cmpi eq, %and3A_2064, %eq3A_2066 : vector<16xi32>
    %get3A_2068 = arith.constant 0 : index
    %get3A_2069 = tpu.vector_load %arg15[%get3A_2068] {strides = array<i32>} : memref<128xf32, #tpu.memory_space<vmem>>, vector<16xf32>,
    %get3A_2070 = arith.constant 0 : index
    %get3A_2071 = tpu.vector_load %arg16[%get3A_2070] {strides = array<i32>} : memref<128xf32, #tpu.memory_space<vmem>>, vector<16xf32>,
    %add3A_2072 = arith.addf %get3A_2069, %get3A_2071 : vector<16xf32>
    %scan3A_2073 = arith.constant 0 : i32
    %scan3A_2074 = arith.constant 64 : i32
    %scan3A_2075 = arith.addi %scan3A_2073, %scan3A_2074 : i32
    %scan3A_2076 = arith.constant 1 : i32
    %scan3A_2077 = scf.for %scan3A_3659 = %scan3A_2073 to %scan3A_2075 step %scan3A_2076 iter_args(%scan3A_3660 = %add3A_2072) -> (vector<16xf32>)  : i32 {
      %add3A_3661 = vector.broadcast %scan3A_3659 : i32 to vector<16xi32>
      %add3A_3662 = arith.addi %shift_left3A_2040, %add3A_3661 : vector<16xi32>
      %gather3A = tpu.vector_load_idx %arg13[%add3A_2019, %add3A_3662] : memref<128x128xi32, #tpu.memory_space<vmem>>[vector<16xi32>, vector<16xi32>], vector<16xi32>,
      %add3A_3663 = vector.broadcast %scan3A_3659 : i32 to vector<16xi32>
      %add3A_3664 = arith.addi %shift_left3A_2049, %add3A_3663 : vector<16xi32>
      %gather3A_3665 = tpu.vector_load_idx %arg14[%add3A_2019, %add3A_3664] : memref<128x128xi32, #tpu.memory_space<vmem>>[vector<16xi32>, vector<16xi32>], vector<16xi32>,
      %bitcast3A = vector.bitcast %gather3A : vector<16xi32> to vector<32xbf16>
      %unpack3A = tpu.unpack_subelements %bitcast3A, 0 {pack_format = #tpu.pack_format<interleaved>} : vector<32xbf16> -> vector<16xf32>
      %unpack3A_3666 = tpu.unpack_subelements %bitcast3A, 1 {pack_format = #tpu.pack_format<interleaved>} : vector<32xbf16> -> vector<16xf32>
      %bitcast3A_3667 = vector.bitcast %gather3A_3665 : vector<16xi32> to vector<32xbf16>
      %unpack3A_3668 = tpu.unpack_subelements %bitcast3A_3667, 0 {pack_format = #tpu.pack_format<interleaved>} : vector<32xbf16> -> vector<16xf32>
      %unpack3A_3669 = tpu.unpack_subelements %bitcast3A_3667, 1 {pack_format = #tpu.pack_format<interleaved>} : vector<32xbf16> -> vector<16xf32>
      %select_n3A = arith.select %eq3A_2058, %unpack3A_3666, %unpack3A : vector<16xi1>, vector<16xf32>
      %select_n3A_3670 = arith.select %eq3A_2067, %unpack3A_3669, %unpack3A_3668 : vector<16xi1>, vector<16xf32>
      %mul3A_3671 = arith.mulf %select_n3A, %select_n3A_3670 : vector<16xf32>
      %add3A_3672 = arith.addf %scan3A_3660, %mul3A_3671 : vector<16xf32>
      scf.yield %add3A_3672 : vector<16xf32>
    }
    %scan3A_2078 = arith.constant 64 : i32
    %swap3A_2079 = arith.constant 128 : index
    %swap3A_2080 = tpu.vector_load %arg17[%swap3A_2079] {strides = array<i32>} : memref<512xf32, #tpu.memory_space<vmem>>, vector<16xf32>,
    tpu.vector_store %arg17[%swap3A_2079], %scan3A_2077 {strides = array<i32>} : memref<512xf32, #tpu.memory_space<vmem>>, vector<16xf32>,
    %add3A_2081 = arith.constant 16 : i32
    %add3A_2082 = vector.broadcast %add3A_2081 : i32 to vector<16xi32>
    %add3A_2083 = arith.addi %add3A_2082, %iota3A : vector<16xi32>
    %get3A_2084 = arith.constant 1 : i32
    %get3A_2085 = arith.constant 0 : i32
    %get3A_2086 = tpu.memref_slice %arg9[%get3A_2084, %get3A_2085] : memref<4x128xi32, #tpu.memory_space<vmem>> -> memref<1x128xi32, #tpu.memory_space<vmem>>
    %get3A_2087 = tpu.memref_squeeze %get3A_2086 : memref<1x128xi32, #tpu.memory_space<vmem>> -> memref<128xi32, #tpu.memory_space<vmem>>
    %get3A_2088 = arith.constant 16 : index
    %get3A_2089 = tpu.vector_load %get3A_2087[%get3A_2088] {strides = array<i32>} : memref<128xi32, #tpu.memory_space<vmem>>, vector<16xi32>,
    %get3A_2090 = arith.constant 1 : i32
    %get3A_2091 = arith.constant 0 : i32
    %get3A_2092 = tpu.memref_slice %arg10[%get3A_2090, %get3A_2091] : memref<4x128xi32, #tpu.memory_space<vmem>> -> memref<1x128xi32, #tpu.memory_space<vmem>>
    %get3A_2093 = tpu.memref_squeeze %get3A_2092 : memref<1x128xi32, #tpu.memory_space<vmem>> -> memref<128xi32, #tpu.memory_space<vmem>>
    %get3A_2094 = arith.constant 16 : index
    %get3A_2095 = tpu.vector_load %get3A_2093[%get3A_2094] {strides = array<i32>} : memref<128xi32, #tpu.memory_space<vmem>>, vector<16xi32>,
    %shift_right_arithmetic3A_2096 = arith.constant 13 : i32
    %shift_right_arithmetic3A_2097 = vector.broadcast %shift_right_arithmetic3A_2096 : i32 to vector<16xi32>
    %shift_right_arithmetic3A_2098 = arith.shrsi %get3A_2089, %shift_right_arithmetic3A_2097 : vector<16xi32>
    %and3A_2099 = arith.constant 1 : i32
    %and3A_2100 = vector.broadcast %and3A_2099 : i32 to vector<16xi32>
    %and3A_2101 = arith.andi %shift_right_arithmetic3A_2098, %and3A_2100 : vector<16xi32>
    %shift_left3A_2102 = arith.constant 6 : i32
    %shift_left3A_2103 = vector.broadcast %shift_left3A_2102 : i32 to vector<16xi32>
    %shift_left3A_2104 = arith.shli %and3A_2101, %shift_left3A_2103 : vector<16xi32>
    %shift_right_arithmetic3A_2105 = arith.constant 13 : i32
    %shift_right_arithmetic3A_2106 = vector.broadcast %shift_right_arithmetic3A_2105 : i32 to vector<16xi32>
    %shift_right_arithmetic3A_2107 = arith.shrsi %get3A_2095, %shift_right_arithmetic3A_2106 : vector<16xi32>
    %and3A_2108 = arith.constant 1 : i32
    %and3A_2109 = vector.broadcast %and3A_2108 : i32 to vector<16xi32>
    %and3A_2110 = arith.andi %shift_right_arithmetic3A_2107, %and3A_2109 : vector<16xi32>
    %shift_left3A_2111 = arith.constant 6 : i32
    %shift_left3A_2112 = vector.broadcast %shift_left3A_2111 : i32 to vector<16xi32>
    %shift_left3A_2113 = arith.shli %and3A_2110, %shift_left3A_2112 : vector<16xi32>
    %shift_right_arithmetic3A_2114 = arith.constant 12 : i32
    %shift_right_arithmetic3A_2115 = vector.broadcast %shift_right_arithmetic3A_2114 : i32 to vector<16xi32>
    %shift_right_arithmetic3A_2116 = arith.shrsi %get3A_2089, %shift_right_arithmetic3A_2115 : vector<16xi32>
    %and3A_2117 = arith.constant 1 : i32
    %and3A_2118 = vector.broadcast %and3A_2117 : i32 to vector<16xi32>
    %and3A_2119 = arith.andi %shift_right_arithmetic3A_2116, %and3A_2118 : vector<16xi32>
    %eq3A_2120 = arith.constant 1 : i32
    %eq3A_2121 = vector.broadcast %eq3A_2120 : i32 to vector<16xi32>
    %eq3A_2122 = arith.cmpi eq, %and3A_2119, %eq3A_2121 : vector<16xi32>
    %shift_right_arithmetic3A_2123 = arith.constant 12 : i32
    %shift_right_arithmetic3A_2124 = vector.broadcast %shift_right_arithmetic3A_2123 : i32 to vector<16xi32>
    %shift_right_arithmetic3A_2125 = arith.shrsi %get3A_2095, %shift_right_arithmetic3A_2124 : vector<16xi32>
    %and3A_2126 = arith.constant 1 : i32
    %and3A_2127 = vector.broadcast %and3A_2126 : i32 to vector<16xi32>
    %and3A_2128 = arith.andi %shift_right_arithmetic3A_2125, %and3A_2127 : vector<16xi32>
    %eq3A_2129 = arith.constant 1 : i32
    %eq3A_2130 = vector.broadcast %eq3A_2129 : i32 to vector<16xi32>
    %eq3A_2131 = arith.cmpi eq, %and3A_2128, %eq3A_2130 : vector<16xi32>
    %get3A_2132 = arith.constant 16 : index
    %get3A_2133 = tpu.vector_load %arg15[%get3A_2132] {strides = array<i32>} : memref<128xf32, #tpu.memory_space<vmem>>, vector<16xf32>,
    %get3A_2134 = arith.constant 16 : index
    %get3A_2135 = tpu.vector_load %arg16[%get3A_2134] {strides = array<i32>} : memref<128xf32, #tpu.memory_space<vmem>>, vector<16xf32>,
    %add3A_2136 = arith.addf %get3A_2133, %get3A_2135 : vector<16xf32>
    %scan3A_2137 = arith.constant 0 : i32
    %scan3A_2138 = arith.constant 64 : i32
    %scan3A_2139 = arith.addi %scan3A_2137, %scan3A_2138 : i32
    %scan3A_2140 = arith.constant 1 : i32
    %scan3A_2141 = scf.for %scan3A_3659 = %scan3A_2137 to %scan3A_2139 step %scan3A_2140 iter_args(%scan3A_3660 = %add3A_2136) -> (vector<16xf32>)  : i32 {
      %add3A_3661 = vector.broadcast %scan3A_3659 : i32 to vector<16xi32>
      %add3A_3662 = arith.addi %shift_left3A_2104, %add3A_3661 : vector<16xi32>
      %gather3A = tpu.vector_load_idx %arg13[%add3A_2083, %add3A_3662] : memref<128x128xi32, #tpu.memory_space<vmem>>[vector<16xi32>, vector<16xi32>], vector<16xi32>,
      %add3A_3663 = vector.broadcast %scan3A_3659 : i32 to vector<16xi32>
      %add3A_3664 = arith.addi %shift_left3A_2113, %add3A_3663 : vector<16xi32>
      %gather3A_3665 = tpu.vector_load_idx %arg14[%add3A_2083, %add3A_3664] : memref<128x128xi32, #tpu.memory_space<vmem>>[vector<16xi32>, vector<16xi32>], vector<16xi32>,
      %bitcast3A = vector.bitcast %gather3A : vector<16xi32> to vector<32xbf16>
      %unpack3A = tpu.unpack_subelements %bitcast3A, 0 {pack_format = #tpu.pack_format<interleaved>} : vector<32xbf16> -> vector<16xf32>
      %unpack3A_3666 = tpu.unpack_subelements %bitcast3A, 1 {pack_format = #tpu.pack_format<interleaved>} : vector<32xbf16> -> vector<16xf32>
      %bitcast3A_3667 = vector.bitcast %gather3A_3665 : vector<16xi32> to vector<32xbf16>
      %unpack3A_3668 = tpu.unpack_subelements %bitcast3A_3667, 0 {pack_format = #tpu.pack_format<interleaved>} : vector<32xbf16> -> vector<16xf32>
      %unpack3A_3669 = tpu.unpack_subelements %bitcast3A_3667, 1 {pack_format = #tpu.pack_format<interleaved>} : vector<32xbf16> -> vector<16xf32>
      %select_n3A = arith.select %eq3A_2122, %unpack3A_3666, %unpack3A : vector<16xi1>, vector<16xf32>
      %select_n3A_3670 = arith.select %eq3A_2131, %unpack3A_3669, %unpack3A_3668 : vector<16xi1>, vector<16xf32>
      %mul3A_3671 = arith.mulf %select_n3A, %select_n3A_3670 : vector<16xf32>
      %add3A_3672 = arith.addf %scan3A_3660, %mul3A_3671 : vector<16xf32>
      scf.yield %add3A_3672 : vector<16xf32>
    }
    %scan3A_2142 = arith.constant 64 : i32
    %swap3A_2143 = arith.constant 144 : index
    %swap3A_2144 = tpu.vector_load %arg17[%swap3A_2143] {strides = array<i32>} : memref<512xf32, #tpu.memory_space<vmem>>, vector<16xf32>,
    tpu.vector_store %arg17[%swap3A_2143], %scan3A_2141 {strides = array<i32>} : memref<512xf32, #tpu.memory_space<vmem>>, vector<16xf32>,
    %add3A_2145 = arith.constant 32 : i32
    %add3A_2146 = vector.broadcast %add3A_2145 : i32 to vector<16xi32>
    %add3A_2147 = arith.addi %add3A_2146, %iota3A : vector<16xi32>
    %get3A_2148 = arith.constant 1 : i32
    %get3A_2149 = arith.constant 0 : i32
    %get3A_2150 = tpu.memref_slice %arg9[%get3A_2148, %get3A_2149] : memref<4x128xi32, #tpu.memory_space<vmem>> -> memref<1x128xi32, #tpu.memory_space<vmem>>
    %get3A_2151 = tpu.memref_squeeze %get3A_2150 : memref<1x128xi32, #tpu.memory_space<vmem>> -> memref<128xi32, #tpu.memory_space<vmem>>
    %get3A_2152 = arith.constant 32 : index
    %get3A_2153 = tpu.vector_load %get3A_2151[%get3A_2152] {strides = array<i32>} : memref<128xi32, #tpu.memory_space<vmem>>, vector<16xi32>,
    %get3A_2154 = arith.constant 1 : i32
    %get3A_2155 = arith.constant 0 : i32
    %get3A_2156 = tpu.memref_slice %arg10[%get3A_2154, %get3A_2155] : memref<4x128xi32, #tpu.memory_space<vmem>> -> memref<1x128xi32, #tpu.memory_space<vmem>>
    %get3A_2157 = tpu.memref_squeeze %get3A_2156 : memref<1x128xi32, #tpu.memory_space<vmem>> -> memref<128xi32, #tpu.memory_space<vmem>>
    %get3A_2158 = arith.constant 32 : index
    %get3A_2159 = tpu.vector_load %get3A_2157[%get3A_2158] {strides = array<i32>} : memref<128xi32, #tpu.memory_space<vmem>>, vector<16xi32>,
    %shift_right_arithmetic3A_2160 = arith.constant 13 : i32
    %shift_right_arithmetic3A_2161 = vector.broadcast %shift_right_arithmetic3A_2160 : i32 to vector<16xi32>
    %shift_right_arithmetic3A_2162 = arith.shrsi %get3A_2153, %shift_right_arithmetic3A_2161 : vector<16xi32>
    %and3A_2163 = arith.constant 1 : i32
    %and3A_2164 = vector.broadcast %and3A_2163 : i32 to vector<16xi32>
    %and3A_2165 = arith.andi %shift_right_arithmetic3A_2162, %and3A_2164 : vector<16xi32>
    %shift_left3A_2166 = arith.constant 6 : i32
    %shift_left3A_2167 = vector.broadcast %shift_left3A_2166 : i32 to vector<16xi32>
    %shift_left3A_2168 = arith.shli %and3A_2165, %shift_left3A_2167 : vector<16xi32>
    %shift_right_arithmetic3A_2169 = arith.constant 13 : i32
    %shift_right_arithmetic3A_2170 = vector.broadcast %shift_right_arithmetic3A_2169 : i32 to vector<16xi32>
    %shift_right_arithmetic3A_2171 = arith.shrsi %get3A_2159, %shift_right_arithmetic3A_2170 : vector<16xi32>
    %and3A_2172 = arith.constant 1 : i32
    %and3A_2173 = vector.broadcast %and3A_2172 : i32 to vector<16xi32>
    %and3A_2174 = arith.andi %shift_right_arithmetic3A_2171, %and3A_2173 : vector<16xi32>
    %shift_left3A_2175 = arith.constant 6 : i32
    %shift_left3A_2176 = vector.broadcast %shift_left3A_2175 : i32 to vector<16xi32>
    %shift_left3A_2177 = arith.shli %and3A_2174, %shift_left3A_2176 : vector<16xi32>
    %shift_right_arithmetic3A_2178 = arith.constant 12 : i32
    %shift_right_arithmetic3A_2179 = vector.broadcast %shift_right_arithmetic3A_2178 : i32 to vector<16xi32>
    %shift_right_arithmetic3A_2180 = arith.shrsi %get3A_2153, %shift_right_arithmetic3A_2179 : vector<16xi32>
    %and3A_2181 = arith.constant 1 : i32
    %and3A_2182 = vector.broadcast %and3A_2181 : i32 to vector<16xi32>
    %and3A_2183 = arith.andi %shift_right_arithmetic3A_2180, %and3A_2182 : vector<16xi32>
    %eq3A_2184 = arith.constant 1 : i32
    %eq3A_2185 = vector.broadcast %eq3A_2184 : i32 to vector<16xi32>
    %eq3A_2186 = arith.cmpi eq, %and3A_2183, %eq3A_2185 : vector<16xi32>
    %shift_right_arithmetic3A_2187 = arith.constant 12 : i32
    %shift_right_arithmetic3A_2188 = vector.broadcast %shift_right_arithmetic3A_2187 : i32 to vector<16xi32>
    %shift_right_arithmetic3A_2189 = arith.shrsi %get3A_2159, %shift_right_arithmetic3A_2188 : vector<16xi32>
    %and3A_2190 = arith.constant 1 : i32
    %and3A_2191 = vector.broadcast %and3A_2190 : i32 to vector<16xi32>
    %and3A_2192 = arith.andi %shift_right_arithmetic3A_2189, %and3A_2191 : vector<16xi32>
    %eq3A_2193 = arith.constant 1 : i32
    %eq3A_2194 = vector.broadcast %eq3A_2193 : i32 to vector<16xi32>
    %eq3A_2195 = arith.cmpi eq, %and3A_2192, %eq3A_2194 : vector<16xi32>
    %get3A_2196 = arith.constant 32 : index
    %get3A_2197 = tpu.vector_load %arg15[%get3A_2196] {strides = array<i32>} : memref<128xf32, #tpu.memory_space<vmem>>, vector<16xf32>,
    %get3A_2198 = arith.constant 32 : index
    %get3A_2199 = tpu.vector_load %arg16[%get3A_2198] {strides = array<i32>} : memref<128xf32, #tpu.memory_space<vmem>>, vector<16xf32>,
    %add3A_2200 = arith.addf %get3A_2197, %get3A_2199 : vector<16xf32>
    %scan3A_2201 = arith.constant 0 : i32
    %scan3A_2202 = arith.constant 64 : i32
    %scan3A_2203 = arith.addi %scan3A_2201, %scan3A_2202 : i32
    %scan3A_2204 = arith.constant 1 : i32
    %scan3A_2205 = scf.for %scan3A_3659 = %scan3A_2201 to %scan3A_2203 step %scan3A_2204 iter_args(%scan3A_3660 = %add3A_2200) -> (vector<16xf32>)  : i32 {
      %add3A_3661 = vector.broadcast %scan3A_3659 : i32 to vector<16xi32>
      %add3A_3662 = arith.addi %shift_left3A_2168, %add3A_3661 : vector<16xi32>
      %gather3A = tpu.vector_load_idx %arg13[%add3A_2147, %add3A_3662] : memref<128x128xi32, #tpu.memory_space<vmem>>[vector<16xi32>, vector<16xi32>], vector<16xi32>,
      %add3A_3663 = vector.broadcast %scan3A_3659 : i32 to vector<16xi32>
      %add3A_3664 = arith.addi %shift_left3A_2177, %add3A_3663 : vector<16xi32>
      %gather3A_3665 = tpu.vector_load_idx %arg14[%add3A_2147, %add3A_3664] : memref<128x128xi32, #tpu.memory_space<vmem>>[vector<16xi32>, vector<16xi32>], vector<16xi32>,
      %bitcast3A = vector.bitcast %gather3A : vector<16xi32> to vector<32xbf16>
      %unpack3A = tpu.unpack_subelements %bitcast3A, 0 {pack_format = #tpu.pack_format<interleaved>} : vector<32xbf16> -> vector<16xf32>
      %unpack3A_3666 = tpu.unpack_subelements %bitcast3A, 1 {pack_format = #tpu.pack_format<interleaved>} : vector<32xbf16> -> vector<16xf32>
      %bitcast3A_3667 = vector.bitcast %gather3A_3665 : vector<16xi32> to vector<32xbf16>
      %unpack3A_3668 = tpu.unpack_subelements %bitcast3A_3667, 0 {pack_format = #tpu.pack_format<interleaved>} : vector<32xbf16> -> vector<16xf32>
      %unpack3A_3669 = tpu.unpack_subelements %bitcast3A_3667, 1 {pack_format = #tpu.pack_format<interleaved>} : vector<32xbf16> -> vector<16xf32>
      %select_n3A = arith.select %eq3A_2186, %unpack3A_3666, %unpack3A : vector<16xi1>, vector<16xf32>
      %select_n3A_3670 = arith.select %eq3A_2195, %unpack3A_3669, %unpack3A_3668 : vector<16xi1>, vector<16xf32>
      %mul3A_3671 = arith.mulf %select_n3A, %select_n3A_3670 : vector<16xf32>
      %add3A_3672 = arith.addf %scan3A_3660, %mul3A_3671 : vector<16xf32>
      scf.yield %add3A_3672 : vector<16xf32>
    }
    %scan3A_2206 = arith.constant 64 : i32
    %swap3A_2207 = arith.constant 160 : index
    %swap3A_2208 = tpu.vector_load %arg17[%swap3A_2207] {strides = array<i32>} : memref<512xf32, #tpu.memory_space<vmem>>, vector<16xf32>,
    tpu.vector_store %arg17[%swap3A_2207], %scan3A_2205 {strides = array<i32>} : memref<512xf32, #tpu.memory_space<vmem>>, vector<16xf32>,
    %add3A_2209 = arith.constant 48 : i32
    %add3A_2210 = vector.broadcast %add3A_2209 : i32 to vector<16xi32>
    %add3A_2211 = arith.addi %add3A_2210, %iota3A : vector<16xi32>
    %get3A_2212 = arith.constant 1 : i32
    %get3A_2213 = arith.constant 0 : i32
    %get3A_2214 = tpu.memref_slice %arg9[%get3A_2212, %get3A_2213] : memref<4x128xi32, #tpu.memory_space<vmem>> -> memref<1x128xi32, #tpu.memory_space<vmem>>
    %get3A_2215 = tpu.memref_squeeze %get3A_2214 : memref<1x128xi32, #tpu.memory_space<vmem>> -> memref<128xi32, #tpu.memory_space<vmem>>
    %get3A_2216 = arith.constant 48 : index
    %get3A_2217 = tpu.vector_load %get3A_2215[%get3A_2216] {strides = array<i32>} : memref<128xi32, #tpu.memory_space<vmem>>, vector<16xi32>,
    %get3A_2218 = arith.constant 1 : i32
    %get3A_2219 = arith.constant 0 : i32
    %get3A_2220 = tpu.memref_slice %arg10[%get3A_2218, %get3A_2219] : memref<4x128xi32, #tpu.memory_space<vmem>> -> memref<1x128xi32, #tpu.memory_space<vmem>>
    %get3A_2221 = tpu.memref_squeeze %get3A_2220 : memref<1x128xi32, #tpu.memory_space<vmem>> -> memref<128xi32, #tpu.memory_space<vmem>>
    %get3A_2222 = arith.constant 48 : index
    %get3A_2223 = tpu.vector_load %get3A_2221[%get3A_2222] {strides = array<i32>} : memref<128xi32, #tpu.memory_space<vmem>>, vector<16xi32>,
    %shift_right_arithmetic3A_2224 = arith.constant 13 : i32
    %shift_right_arithmetic3A_2225 = vector.broadcast %shift_right_arithmetic3A_2224 : i32 to vector<16xi32>
    %shift_right_arithmetic3A_2226 = arith.shrsi %get3A_2217, %shift_right_arithmetic3A_2225 : vector<16xi32>
    %and3A_2227 = arith.constant 1 : i32
    %and3A_2228 = vector.broadcast %and3A_2227 : i32 to vector<16xi32>
    %and3A_2229 = arith.andi %shift_right_arithmetic3A_2226, %and3A_2228 : vector<16xi32>
    %shift_left3A_2230 = arith.constant 6 : i32
    %shift_left3A_2231 = vector.broadcast %shift_left3A_2230 : i32 to vector<16xi32>
    %shift_left3A_2232 = arith.shli %and3A_2229, %shift_left3A_2231 : vector<16xi32>
    %shift_right_arithmetic3A_2233 = arith.constant 13 : i32
    %shift_right_arithmetic3A_2234 = vector.broadcast %shift_right_arithmetic3A_2233 : i32 to vector<16xi32>
    %shift_right_arithmetic3A_2235 = arith.shrsi %get3A_2223, %shift_right_arithmetic3A_2234 : vector<16xi32>
    %and3A_2236 = arith.constant 1 : i32
    %and3A_2237 = vector.broadcast %and3A_2236 : i32 to vector<16xi32>
    %and3A_2238 = arith.andi %shift_right_arithmetic3A_2235, %and3A_2237 : vector<16xi32>
    %shift_left3A_2239 = arith.constant 6 : i32
    %shift_left3A_2240 = vector.broadcast %shift_left3A_2239 : i32 to vector<16xi32>
    %shift_left3A_2241 = arith.shli %and3A_2238, %shift_left3A_2240 : vector<16xi32>
    %shift_right_arithmetic3A_2242 = arith.constant 12 : i32
    %shift_right_arithmetic3A_2243 = vector.broadcast %shift_right_arithmetic3A_2242 : i32 to vector<16xi32>
    %shift_right_arithmetic3A_2244 = arith.shrsi %get3A_2217, %shift_right_arithmetic3A_2243 : vector<16xi32>
    %and3A_2245 = arith.constant 1 : i32
    %and3A_2246 = vector.broadcast %and3A_2245 : i32 to vector<16xi32>
    %and3A_2247 = arith.andi %shift_right_arithmetic3A_2244, %and3A_2246 : vector<16xi32>
    %eq3A_2248 = arith.constant 1 : i32
    %eq3A_2249 = vector.broadcast %eq3A_2248 : i32 to vector<16xi32>
    %eq3A_2250 = arith.cmpi eq, %and3A_2247, %eq3A_2249 : vector<16xi32>
    %shift_right_arithmetic3A_2251 = arith.constant 12 : i32
    %shift_right_arithmetic3A_2252 = vector.broadcast %shift_right_arithmetic3A_2251 : i32 to vector<16xi32>
    %shift_right_arithmetic3A_2253 = arith.shrsi %get3A_2223, %shift_right_arithmetic3A_2252 : vector<16xi32>
    %and3A_2254 = arith.constant 1 : i32
    %and3A_2255 = vector.broadcast %and3A_2254 : i32 to vector<16xi32>
    %and3A_2256 = arith.andi %shift_right_arithmetic3A_2253, %and3A_2255 : vector<16xi32>
    %eq3A_2257 = arith.constant 1 : i32
    %eq3A_2258 = vector.broadcast %eq3A_2257 : i32 to vector<16xi32>
    %eq3A_2259 = arith.cmpi eq, %and3A_2256, %eq3A_2258 : vector<16xi32>
    %get3A_2260 = arith.constant 48 : index
    %get3A_2261 = tpu.vector_load %arg15[%get3A_2260] {strides = array<i32>} : memref<128xf32, #tpu.memory_space<vmem>>, vector<16xf32>,
    %get3A_2262 = arith.constant 48 : index
    %get3A_2263 = tpu.vector_load %arg16[%get3A_2262] {strides = array<i32>} : memref<128xf32, #tpu.memory_space<vmem>>, vector<16xf32>,
    %add3A_2264 = arith.addf %get3A_2261, %get3A_2263 : vector<16xf32>
    %scan3A_2265 = arith.constant 0 : i32
    %scan3A_2266 = arith.constant 64 : i32
    %scan3A_2267 = arith.addi %scan3A_2265, %scan3A_2266 : i32
    %scan3A_2268 = arith.constant 1 : i32
    %scan3A_2269 = scf.for %scan3A_3659 = %scan3A_2265 to %scan3A_2267 step %scan3A_2268 iter_args(%scan3A_3660 = %add3A_2264) -> (vector<16xf32>)  : i32 {
      %add3A_3661 = vector.broadcast %scan3A_3659 : i32 to vector<16xi32>
      %add3A_3662 = arith.addi %shift_left3A_2232, %add3A_3661 : vector<16xi32>
      %gather3A = tpu.vector_load_idx %arg13[%add3A_2211, %add3A_3662] : memref<128x128xi32, #tpu.memory_space<vmem>>[vector<16xi32>, vector<16xi32>], vector<16xi32>,
      %add3A_3663 = vector.broadcast %scan3A_3659 : i32 to vector<16xi32>
      %add3A_3664 = arith.addi %shift_left3A_2241, %add3A_3663 : vector<16xi32>
      %gather3A_3665 = tpu.vector_load_idx %arg14[%add3A_2211, %add3A_3664] : memref<128x128xi32, #tpu.memory_space<vmem>>[vector<16xi32>, vector<16xi32>], vector<16xi32>,
      %bitcast3A = vector.bitcast %gather3A : vector<16xi32> to vector<32xbf16>
      %unpack3A = tpu.unpack_subelements %bitcast3A, 0 {pack_format = #tpu.pack_format<interleaved>} : vector<32xbf16> -> vector<16xf32>
      %unpack3A_3666 = tpu.unpack_subelements %bitcast3A, 1 {pack_format = #tpu.pack_format<interleaved>} : vector<32xbf16> -> vector<16xf32>
      %bitcast3A_3667 = vector.bitcast %gather3A_3665 : vector<16xi32> to vector<32xbf16>
      %unpack3A_3668 = tpu.unpack_subelements %bitcast3A_3667, 0 {pack_format = #tpu.pack_format<interleaved>} : vector<32xbf16> -> vector<16xf32>
      %unpack3A_3669 = tpu.unpack_subelements %bitcast3A_3667, 1 {pack_format = #tpu.pack_format<interleaved>} : vector<32xbf16> -> vector<16xf32>
      %select_n3A = arith.select %eq3A_2250, %unpack3A_3666, %unpack3A : vector<16xi1>, vector<16xf32>
      %select_n3A_3670 = arith.select %eq3A_2259, %unpack3A_3669, %unpack3A_3668 : vector<16xi1>, vector<16xf32>
      %mul3A_3671 = arith.mulf %select_n3A, %select_n3A_3670 : vector<16xf32>
      %add3A_3672 = arith.addf %scan3A_3660, %mul3A_3671 : vector<16xf32>
      scf.yield %add3A_3672 : vector<16xf32>
    }
    %scan3A_2270 = arith.constant 64 : i32
    %swap3A_2271 = arith.constant 176 : index
    %swap3A_2272 = tpu.vector_load %arg17[%swap3A_2271] {strides = array<i32>} : memref<512xf32, #tpu.memory_space<vmem>>, vector<16xf32>,
    tpu.vector_store %arg17[%swap3A_2271], %scan3A_2269 {strides = array<i32>} : memref<512xf32, #tpu.memory_space<vmem>>, vector<16xf32>,
    %add3A_2273 = arith.constant 64 : i32
    %add3A_2274 = vector.broadcast %add3A_2273 : i32 to vector<16xi32>
    %add3A_2275 = arith.addi %add3A_2274, %iota3A : vector<16xi32>
    %get3A_2276 = arith.constant 1 : i32
    %get3A_2277 = arith.constant 0 : i32
    %get3A_2278 = tpu.memref_slice %arg9[%get3A_2276, %get3A_2277] : memref<4x128xi32, #tpu.memory_space<vmem>> -> memref<1x128xi32, #tpu.memory_space<vmem>>
    %get3A_2279 = tpu.memref_squeeze %get3A_2278 : memref<1x128xi32, #tpu.memory_space<vmem>> -> memref<128xi32, #tpu.memory_space<vmem>>
    %get3A_2280 = arith.constant 64 : index
    %get3A_2281 = tpu.vector_load %get3A_2279[%get3A_2280] {strides = array<i32>} : memref<128xi32, #tpu.memory_space<vmem>>, vector<16xi32>,
    %get3A_2282 = arith.constant 1 : i32
    %get3A_2283 = arith.constant 0 : i32
    %get3A_2284 = tpu.memref_slice %arg10[%get3A_2282, %get3A_2283] : memref<4x128xi32, #tpu.memory_space<vmem>> -> memref<1x128xi32, #tpu.memory_space<vmem>>
    %get3A_2285 = tpu.memref_squeeze %get3A_2284 : memref<1x128xi32, #tpu.memory_space<vmem>> -> memref<128xi32, #tpu.memory_space<vmem>>
    %get3A_2286 = arith.constant 64 : index
    %get3A_2287 = tpu.vector_load %get3A_2285[%get3A_2286] {strides = array<i32>} : memref<128xi32, #tpu.memory_space<vmem>>, vector<16xi32>,
    %shift_right_arithmetic3A_2288 = arith.constant 13 : i32
    %shift_right_arithmetic3A_2289 = vector.broadcast %shift_right_arithmetic3A_2288 : i32 to vector<16xi32>
    %shift_right_arithmetic3A_2290 = arith.shrsi %get3A_2281, %shift_right_arithmetic3A_2289 : vector<16xi32>
    %and3A_2291 = arith.constant 1 : i32
    %and3A_2292 = vector.broadcast %and3A_2291 : i32 to vector<16xi32>
    %and3A_2293 = arith.andi %shift_right_arithmetic3A_2290, %and3A_2292 : vector<16xi32>
    %shift_left3A_2294 = arith.constant 6 : i32
    %shift_left3A_2295 = vector.broadcast %shift_left3A_2294 : i32 to vector<16xi32>
    %shift_left3A_2296 = arith.shli %and3A_2293, %shift_left3A_2295 : vector<16xi32>
    %shift_right_arithmetic3A_2297 = arith.constant 13 : i32
    %shift_right_arithmetic3A_2298 = vector.broadcast %shift_right_arithmetic3A_2297 : i32 to vector<16xi32>
    %shift_right_arithmetic3A_2299 = arith.shrsi %get3A_2287, %shift_right_arithmetic3A_2298 : vector<16xi32>
    %and3A_2300 = arith.constant 1 : i32
    %and3A_2301 = vector.broadcast %and3A_2300 : i32 to vector<16xi32>
    %and3A_2302 = arith.andi %shift_right_arithmetic3A_2299, %and3A_2301 : vector<16xi32>
    %shift_left3A_2303 = arith.constant 6 : i32
    %shift_left3A_2304 = vector.broadcast %shift_left3A_2303 : i32 to vector<16xi32>
    %shift_left3A_2305 = arith.shli %and3A_2302, %shift_left3A_2304 : vector<16xi32>
    %shift_right_arithmetic3A_2306 = arith.constant 12 : i32
    %shift_right_arithmetic3A_2307 = vector.broadcast %shift_right_arithmetic3A_2306 : i32 to vector<16xi32>
    %shift_right_arithmetic3A_2308 = arith.shrsi %get3A_2281, %shift_right_arithmetic3A_2307 : vector<16xi32>
    %and3A_2309 = arith.constant 1 : i32
    %and3A_2310 = vector.broadcast %and3A_2309 : i32 to vector<16xi32>
    %and3A_2311 = arith.andi %shift_right_arithmetic3A_2308, %and3A_2310 : vector<16xi32>
    %eq3A_2312 = arith.constant 1 : i32
    %eq3A_2313 = vector.broadcast %eq3A_2312 : i32 to vector<16xi32>
    %eq3A_2314 = arith.cmpi eq, %and3A_2311, %eq3A_2313 : vector<16xi32>
    %shift_right_arithmetic3A_2315 = arith.constant 12 : i32
    %shift_right_arithmetic3A_2316 = vector.broadcast %shift_right_arithmetic3A_2315 : i32 to vector<16xi32>
    %shift_right_arithmetic3A_2317 = arith.shrsi %get3A_2287, %shift_right_arithmetic3A_2316 : vector<16xi32>
    %and3A_2318 = arith.constant 1 : i32
    %and3A_2319 = vector.broadcast %and3A_2318 : i32 to vector<16xi32>
    %and3A_2320 = arith.andi %shift_right_arithmetic3A_2317, %and3A_2319 : vector<16xi32>
    %eq3A_2321 = arith.constant 1 : i32
    %eq3A_2322 = vector.broadcast %eq3A_2321 : i32 to vector<16xi32>
    %eq3A_2323 = arith.cmpi eq, %and3A_2320, %eq3A_2322 : vector<16xi32>
    %get3A_2324 = arith.constant 64 : index
    %get3A_2325 = tpu.vector_load %arg15[%get3A_2324] {strides = array<i32>} : memref<128xf32, #tpu.memory_space<vmem>>, vector<16xf32>,
    %get3A_2326 = arith.constant 64 : index
    %get3A_2327 = tpu.vector_load %arg16[%get3A_2326] {strides = array<i32>} : memref<128xf32, #tpu.memory_space<vmem>>, vector<16xf32>,
    %add3A_2328 = arith.addf %get3A_2325, %get3A_2327 : vector<16xf32>
    %scan3A_2329 = arith.constant 0 : i32
    %scan3A_2330 = arith.constant 64 : i32
    %scan3A_2331 = arith.addi %scan3A_2329, %scan3A_2330 : i32
    %scan3A_2332 = arith.constant 1 : i32
    %scan3A_2333 = scf.for %scan3A_3659 = %scan3A_2329 to %scan3A_2331 step %scan3A_2332 iter_args(%scan3A_3660 = %add3A_2328) -> (vector<16xf32>)  : i32 {
      %add3A_3661 = vector.broadcast %scan3A_3659 : i32 to vector<16xi32>
      %add3A_3662 = arith.addi %shift_left3A_2296, %add3A_3661 : vector<16xi32>
      %gather3A = tpu.vector_load_idx %arg13[%add3A_2275, %add3A_3662] : memref<128x128xi32, #tpu.memory_space<vmem>>[vector<16xi32>, vector<16xi32>], vector<16xi32>,
      %add3A_3663 = vector.broadcast %scan3A_3659 : i32 to vector<16xi32>
      %add3A_3664 = arith.addi %shift_left3A_2305, %add3A_3663 : vector<16xi32>
      %gather3A_3665 = tpu.vector_load_idx %arg14[%add3A_2275, %add3A_3664] : memref<128x128xi32, #tpu.memory_space<vmem>>[vector<16xi32>, vector<16xi32>], vector<16xi32>,
      %bitcast3A = vector.bitcast %gather3A : vector<16xi32> to vector<32xbf16>
      %unpack3A = tpu.unpack_subelements %bitcast3A, 0 {pack_format = #tpu.pack_format<interleaved>} : vector<32xbf16> -> vector<16xf32>
      %unpack3A_3666 = tpu.unpack_subelements %bitcast3A, 1 {pack_format = #tpu.pack_format<interleaved>} : vector<32xbf16> -> vector<16xf32>
      %bitcast3A_3667 = vector.bitcast %gather3A_3665 : vector<16xi32> to vector<32xbf16>
      %unpack3A_3668 = tpu.unpack_subelements %bitcast3A_3667, 0 {pack_format = #tpu.pack_format<interleaved>} : vector<32xbf16> -> vector<16xf32>
      %unpack3A_3669 = tpu.unpack_subelements %bitcast3A_3667, 1 {pack_format = #tpu.pack_format<interleaved>} : vector<32xbf16> -> vector<16xf32>
      %select_n3A = arith.select %eq3A_2314, %unpack3A_3666, %unpack3A : vector<16xi1>, vector<16xf32>
      %select_n3A_3670 = arith.select %eq3A_2323, %unpack3A_3669, %unpack3A_3668 : vector<16xi1>, vector<16xf32>
      %mul3A_3671 = arith.mulf %select_n3A, %select_n3A_3670 : vector<16xf32>
      %add3A_3672 = arith.addf %scan3A_3660, %mul3A_3671 : vector<16xf32>
      scf.yield %add3A_3672 : vector<16xf32>
    }
    %scan3A_2334 = arith.constant 64 : i32
    %swap3A_2335 = arith.constant 192 : index
    %swap3A_2336 = tpu.vector_load %arg17[%swap3A_2335] {strides = array<i32>} : memref<512xf32, #tpu.memory_space<vmem>>, vector<16xf32>,
    tpu.vector_store %arg17[%swap3A_2335], %scan3A_2333 {strides = array<i32>} : memref<512xf32, #tpu.memory_space<vmem>>, vector<16xf32>,
    %add3A_2337 = arith.constant 80 : i32
    %add3A_2338 = vector.broadcast %add3A_2337 : i32 to vector<16xi32>
    %add3A_2339 = arith.addi %add3A_2338, %iota3A : vector<16xi32>
    %get3A_2340 = arith.constant 1 : i32
    %get3A_2341 = arith.constant 0 : i32
    %get3A_2342 = tpu.memref_slice %arg9[%get3A_2340, %get3A_2341] : memref<4x128xi32, #tpu.memory_space<vmem>> -> memref<1x128xi32, #tpu.memory_space<vmem>>
    %get3A_2343 = tpu.memref_squeeze %get3A_2342 : memref<1x128xi32, #tpu.memory_space<vmem>> -> memref<128xi32, #tpu.memory_space<vmem>>
    %get3A_2344 = arith.constant 80 : index
    %get3A_2345 = tpu.vector_load %get3A_2343[%get3A_2344] {strides = array<i32>} : memref<128xi32, #tpu.memory_space<vmem>>, vector<16xi32>,
    %get3A_2346 = arith.constant 1 : i32
    %get3A_2347 = arith.constant 0 : i32
    %get3A_2348 = tpu.memref_slice %arg10[%get3A_2346, %get3A_2347] : memref<4x128xi32, #tpu.memory_space<vmem>> -> memref<1x128xi32, #tpu.memory_space<vmem>>
    %get3A_2349 = tpu.memref_squeeze %get3A_2348 : memref<1x128xi32, #tpu.memory_space<vmem>> -> memref<128xi32, #tpu.memory_space<vmem>>
    %get3A_2350 = arith.constant 80 : index
    %get3A_2351 = tpu.vector_load %get3A_2349[%get3A_2350] {strides = array<i32>} : memref<128xi32, #tpu.memory_space<vmem>>, vector<16xi32>,
    %shift_right_arithmetic3A_2352 = arith.constant 13 : i32
    %shift_right_arithmetic3A_2353 = vector.broadcast %shift_right_arithmetic3A_2352 : i32 to vector<16xi32>
    %shift_right_arithmetic3A_2354 = arith.shrsi %get3A_2345, %shift_right_arithmetic3A_2353 : vector<16xi32>
    %and3A_2355 = arith.constant 1 : i32
    %and3A_2356 = vector.broadcast %and3A_2355 : i32 to vector<16xi32>
    %and3A_2357 = arith.andi %shift_right_arithmetic3A_2354, %and3A_2356 : vector<16xi32>
    %shift_left3A_2358 = arith.constant 6 : i32
    %shift_left3A_2359 = vector.broadcast %shift_left3A_2358 : i32 to vector<16xi32>
    %shift_left3A_2360 = arith.shli %and3A_2357, %shift_left3A_2359 : vector<16xi32>
    %shift_right_arithmetic3A_2361 = arith.constant 13 : i32
    %shift_right_arithmetic3A_2362 = vector.broadcast %shift_right_arithmetic3A_2361 : i32 to vector<16xi32>
    %shift_right_arithmetic3A_2363 = arith.shrsi %get3A_2351, %shift_right_arithmetic3A_2362 : vector<16xi32>
    %and3A_2364 = arith.constant 1 : i32
    %and3A_2365 = vector.broadcast %and3A_2364 : i32 to vector<16xi32>
    %and3A_2366 = arith.andi %shift_right_arithmetic3A_2363, %and3A_2365 : vector<16xi32>
    %shift_left3A_2367 = arith.constant 6 : i32
    %shift_left3A_2368 = vector.broadcast %shift_left3A_2367 : i32 to vector<16xi32>
    %shift_left3A_2369 = arith.shli %and3A_2366, %shift_left3A_2368 : vector<16xi32>
    %shift_right_arithmetic3A_2370 = arith.constant 12 : i32
    %shift_right_arithmetic3A_2371 = vector.broadcast %shift_right_arithmetic3A_2370 : i32 to vector<16xi32>
    %shift_right_arithmetic3A_2372 = arith.shrsi %get3A_2345, %shift_right_arithmetic3A_2371 : vector<16xi32>
    %and3A_2373 = arith.constant 1 : i32
    %and3A_2374 = vector.broadcast %and3A_2373 : i32 to vector<16xi32>
    %and3A_2375 = arith.andi %shift_right_arithmetic3A_2372, %and3A_2374 : vector<16xi32>
    %eq3A_2376 = arith.constant 1 : i32
    %eq3A_2377 = vector.broadcast %eq3A_2376 : i32 to vector<16xi32>
    %eq3A_2378 = arith.cmpi eq, %and3A_2375, %eq3A_2377 : vector<16xi32>
    %shift_right_arithmetic3A_2379 = arith.constant 12 : i32
    %shift_right_arithmetic3A_2380 = vector.broadcast %shift_right_arithmetic3A_2379 : i32 to vector<16xi32>
    %shift_right_arithmetic3A_2381 = arith.shrsi %get3A_2351, %shift_right_arithmetic3A_2380 : vector<16xi32>
    %and3A_2382 = arith.constant 1 : i32
    %and3A_2383 = vector.broadcast %and3A_2382 : i32 to vector<16xi32>
    %and3A_2384 = arith.andi %shift_right_arithmetic3A_2381, %and3A_2383 : vector<16xi32>
    %eq3A_2385 = arith.constant 1 : i32
    %eq3A_2386 = vector.broadcast %eq3A_2385 : i32 to vector<16xi32>
    %eq3A_2387 = arith.cmpi eq, %and3A_2384, %eq3A_2386 : vector<16xi32>
    %get3A_2388 = arith.constant 80 : index
    %get3A_2389 = tpu.vector_load %arg15[%get3A_2388] {strides = array<i32>} : memref<128xf32, #tpu.memory_space<vmem>>, vector<16xf32>,
    %get3A_2390 = arith.constant 80 : index
    %get3A_2391 = tpu.vector_load %arg16[%get3A_2390] {strides = array<i32>} : memref<128xf32, #tpu.memory_space<vmem>>, vector<16xf32>,
    %add3A_2392 = arith.addf %get3A_2389, %get3A_2391 : vector<16xf32>
    %scan3A_2393 = arith.constant 0 : i32
    %scan3A_2394 = arith.constant 64 : i32
    %scan3A_2395 = arith.addi %scan3A_2393, %scan3A_2394 : i32
    %scan3A_2396 = arith.constant 1 : i32
    %scan3A_2397 = scf.for %scan3A_3659 = %scan3A_2393 to %scan3A_2395 step %scan3A_2396 iter_args(%scan3A_3660 = %add3A_2392) -> (vector<16xf32>)  : i32 {
      %add3A_3661 = vector.broadcast %scan3A_3659 : i32 to vector<16xi32>
      %add3A_3662 = arith.addi %shift_left3A_2360, %add3A_3661 : vector<16xi32>
      %gather3A = tpu.vector_load_idx %arg13[%add3A_2339, %add3A_3662] : memref<128x128xi32, #tpu.memory_space<vmem>>[vector<16xi32>, vector<16xi32>], vector<16xi32>,
      %add3A_3663 = vector.broadcast %scan3A_3659 : i32 to vector<16xi32>
      %add3A_3664 = arith.addi %shift_left3A_2369, %add3A_3663 : vector<16xi32>
      %gather3A_3665 = tpu.vector_load_idx %arg14[%add3A_2339, %add3A_3664] : memref<128x128xi32, #tpu.memory_space<vmem>>[vector<16xi32>, vector<16xi32>], vector<16xi32>,
      %bitcast3A = vector.bitcast %gather3A : vector<16xi32> to vector<32xbf16>
      %unpack3A = tpu.unpack_subelements %bitcast3A, 0 {pack_format = #tpu.pack_format<interleaved>} : vector<32xbf16> -> vector<16xf32>
      %unpack3A_3666 = tpu.unpack_subelements %bitcast3A, 1 {pack_format = #tpu.pack_format<interleaved>} : vector<32xbf16> -> vector<16xf32>
      %bitcast3A_3667 = vector.bitcast %gather3A_3665 : vector<16xi32> to vector<32xbf16>
      %unpack3A_3668 = tpu.unpack_subelements %bitcast3A_3667, 0 {pack_format = #tpu.pack_format<interleaved>} : vector<32xbf16> -> vector<16xf32>
      %unpack3A_3669 = tpu.unpack_subelements %bitcast3A_3667, 1 {pack_format = #tpu.pack_format<interleaved>} : vector<32xbf16> -> vector<16xf32>
      %select_n3A = arith.select %eq3A_2378, %unpack3A_3666, %unpack3A : vector<16xi1>, vector<16xf32>
      %select_n3A_3670 = arith.select %eq3A_2387, %unpack3A_3669, %unpack3A_3668 : vector<16xi1>, vector<16xf32>
      %mul3A_3671 = arith.mulf %select_n3A, %select_n3A_3670 : vector<16xf32>
      %add3A_3672 = arith.addf %scan3A_3660, %mul3A_3671 : vector<16xf32>
      scf.yield %add3A_3672 : vector<16xf32>
    }
    %scan3A_2398 = arith.constant 64 : i32
    %swap3A_2399 = arith.constant 208 : index
    %swap3A_2400 = tpu.vector_load %arg17[%swap3A_2399] {strides = array<i32>} : memref<512xf32, #tpu.memory_space<vmem>>, vector<16xf32>,
    tpu.vector_store %arg17[%swap3A_2399], %scan3A_2397 {strides = array<i32>} : memref<512xf32, #tpu.memory_space<vmem>>, vector<16xf32>,
    %add3A_2401 = arith.constant 96 : i32
    %add3A_2402 = vector.broadcast %add3A_2401 : i32 to vector<16xi32>
    %add3A_2403 = arith.addi %add3A_2402, %iota3A : vector<16xi32>
    %get3A_2404 = arith.constant 1 : i32
    %get3A_2405 = arith.constant 0 : i32
    %get3A_2406 = tpu.memref_slice %arg9[%get3A_2404, %get3A_2405] : memref<4x128xi32, #tpu.memory_space<vmem>> -> memref<1x128xi32, #tpu.memory_space<vmem>>
    %get3A_2407 = tpu.memref_squeeze %get3A_2406 : memref<1x128xi32, #tpu.memory_space<vmem>> -> memref<128xi32, #tpu.memory_space<vmem>>
    %get3A_2408 = arith.constant 96 : index
    %get3A_2409 = tpu.vector_load %get3A_2407[%get3A_2408] {strides = array<i32>} : memref<128xi32, #tpu.memory_space<vmem>>, vector<16xi32>,
    %get3A_2410 = arith.constant 1 : i32
    %get3A_2411 = arith.constant 0 : i32
    %get3A_2412 = tpu.memref_slice %arg10[%get3A_2410, %get3A_2411] : memref<4x128xi32, #tpu.memory_space<vmem>> -> memref<1x128xi32, #tpu.memory_space<vmem>>
    %get3A_2413 = tpu.memref_squeeze %get3A_2412 : memref<1x128xi32, #tpu.memory_space<vmem>> -> memref<128xi32, #tpu.memory_space<vmem>>
    %get3A_2414 = arith.constant 96 : index
    %get3A_2415 = tpu.vector_load %get3A_2413[%get3A_2414] {strides = array<i32>} : memref<128xi32, #tpu.memory_space<vmem>>, vector<16xi32>,
    %shift_right_arithmetic3A_2416 = arith.constant 13 : i32
    %shift_right_arithmetic3A_2417 = vector.broadcast %shift_right_arithmetic3A_2416 : i32 to vector<16xi32>
    %shift_right_arithmetic3A_2418 = arith.shrsi %get3A_2409, %shift_right_arithmetic3A_2417 : vector<16xi32>
    %and3A_2419 = arith.constant 1 : i32
    %and3A_2420 = vector.broadcast %and3A_2419 : i32 to vector<16xi32>
    %and3A_2421 = arith.andi %shift_right_arithmetic3A_2418, %and3A_2420 : vector<16xi32>
    %shift_left3A_2422 = arith.constant 6 : i32
    %shift_left3A_2423 = vector.broadcast %shift_left3A_2422 : i32 to vector<16xi32>
    %shift_left3A_2424 = arith.shli %and3A_2421, %shift_left3A_2423 : vector<16xi32>
    %shift_right_arithmetic3A_2425 = arith.constant 13 : i32
    %shift_right_arithmetic3A_2426 = vector.broadcast %shift_right_arithmetic3A_2425 : i32 to vector<16xi32>
    %shift_right_arithmetic3A_2427 = arith.shrsi %get3A_2415, %shift_right_arithmetic3A_2426 : vector<16xi32>
    %and3A_2428 = arith.constant 1 : i32
    %and3A_2429 = vector.broadcast %and3A_2428 : i32 to vector<16xi32>
    %and3A_2430 = arith.andi %shift_right_arithmetic3A_2427, %and3A_2429 : vector<16xi32>
    %shift_left3A_2431 = arith.constant 6 : i32
    %shift_left3A_2432 = vector.broadcast %shift_left3A_2431 : i32 to vector<16xi32>
    %shift_left3A_2433 = arith.shli %and3A_2430, %shift_left3A_2432 : vector<16xi32>
    %shift_right_arithmetic3A_2434 = arith.constant 12 : i32
    %shift_right_arithmetic3A_2435 = vector.broadcast %shift_right_arithmetic3A_2434 : i32 to vector<16xi32>
    %shift_right_arithmetic3A_2436 = arith.shrsi %get3A_2409, %shift_right_arithmetic3A_2435 : vector<16xi32>
    %and3A_2437 = arith.constant 1 : i32
    %and3A_2438 = vector.broadcast %and3A_2437 : i32 to vector<16xi32>
    %and3A_2439 = arith.andi %shift_right_arithmetic3A_2436, %and3A_2438 : vector<16xi32>
    %eq3A_2440 = arith.constant 1 : i32
    %eq3A_2441 = vector.broadcast %eq3A_2440 : i32 to vector<16xi32>
    %eq3A_2442 = arith.cmpi eq, %and3A_2439, %eq3A_2441 : vector<16xi32>
    %shift_right_arithmetic3A_2443 = arith.constant 12 : i32
    %shift_right_arithmetic3A_2444 = vector.broadcast %shift_right_arithmetic3A_2443 : i32 to vector<16xi32>
    %shift_right_arithmetic3A_2445 = arith.shrsi %get3A_2415, %shift_right_arithmetic3A_2444 : vector<16xi32>
    %and3A_2446 = arith.constant 1 : i32
    %and3A_2447 = vector.broadcast %and3A_2446 : i32 to vector<16xi32>
    %and3A_2448 = arith.andi %shift_right_arithmetic3A_2445, %and3A_2447 : vector<16xi32>
    %eq3A_2449 = arith.constant 1 : i32
    %eq3A_2450 = vector.broadcast %eq3A_2449 : i32 to vector<16xi32>
    %eq3A_2451 = arith.cmpi eq, %and3A_2448, %eq3A_2450 : vector<16xi32>
    %get3A_2452 = arith.constant 96 : index
    %get3A_2453 = tpu.vector_load %arg15[%get3A_2452] {strides = array<i32>} : memref<128xf32, #tpu.memory_space<vmem>>, vector<16xf32>,
    %get3A_2454 = arith.constant 96 : index
    %get3A_2455 = tpu.vector_load %arg16[%get3A_2454] {strides = array<i32>} : memref<128xf32, #tpu.memory_space<vmem>>, vector<16xf32>,
    %add3A_2456 = arith.addf %get3A_2453, %get3A_2455 : vector<16xf32>
    %scan3A_2457 = arith.constant 0 : i32
    %scan3A_2458 = arith.constant 64 : i32
    %scan3A_2459 = arith.addi %scan3A_2457, %scan3A_2458 : i32
    %scan3A_2460 = arith.constant 1 : i32
    %scan3A_2461 = scf.for %scan3A_3659 = %scan3A_2457 to %scan3A_2459 step %scan3A_2460 iter_args(%scan3A_3660 = %add3A_2456) -> (vector<16xf32>)  : i32 {
      %add3A_3661 = vector.broadcast %scan3A_3659 : i32 to vector<16xi32>
      %add3A_3662 = arith.addi %shift_left3A_2424, %add3A_3661 : vector<16xi32>
      %gather3A = tpu.vector_load_idx %arg13[%add3A_2403, %add3A_3662] : memref<128x128xi32, #tpu.memory_space<vmem>>[vector<16xi32>, vector<16xi32>], vector<16xi32>,
      %add3A_3663 = vector.broadcast %scan3A_3659 : i32 to vector<16xi32>
      %add3A_3664 = arith.addi %shift_left3A_2433, %add3A_3663 : vector<16xi32>
      %gather3A_3665 = tpu.vector_load_idx %arg14[%add3A_2403, %add3A_3664] : memref<128x128xi32, #tpu.memory_space<vmem>>[vector<16xi32>, vector<16xi32>], vector<16xi32>,
      %bitcast3A = vector.bitcast %gather3A : vector<16xi32> to vector<32xbf16>
      %unpack3A = tpu.unpack_subelements %bitcast3A, 0 {pack_format = #tpu.pack_format<interleaved>} : vector<32xbf16> -> vector<16xf32>
      %unpack3A_3666 = tpu.unpack_subelements %bitcast3A, 1 {pack_format = #tpu.pack_format<interleaved>} : vector<32xbf16> -> vector<16xf32>
      %bitcast3A_3667 = vector.bitcast %gather3A_3665 : vector<16xi32> to vector<32xbf16>
      %unpack3A_3668 = tpu.unpack_subelements %bitcast3A_3667, 0 {pack_format = #tpu.pack_format<interleaved>} : vector<32xbf16> -> vector<16xf32>
      %unpack3A_3669 = tpu.unpack_subelements %bitcast3A_3667, 1 {pack_format = #tpu.pack_format<interleaved>} : vector<32xbf16> -> vector<16xf32>
      %select_n3A = arith.select %eq3A_2442, %unpack3A_3666, %unpack3A : vector<16xi1>, vector<16xf32>
      %select_n3A_3670 = arith.select %eq3A_2451, %unpack3A_3669, %unpack3A_3668 : vector<16xi1>, vector<16xf32>
      %mul3A_3671 = arith.mulf %select_n3A, %select_n3A_3670 : vector<16xf32>
      %add3A_3672 = arith.addf %scan3A_3660, %mul3A_3671 : vector<16xf32>
      scf.yield %add3A_3672 : vector<16xf32>
    }
    %scan3A_2462 = arith.constant 64 : i32
    %swap3A_2463 = arith.constant 224 : index
    %swap3A_2464 = tpu.vector_load %arg17[%swap3A_2463] {strides = array<i32>} : memref<512xf32, #tpu.memory_space<vmem>>, vector<16xf32>,
    tpu.vector_store %arg17[%swap3A_2463], %scan3A_2461 {strides = array<i32>} : memref<512xf32, #tpu.memory_space<vmem>>, vector<16xf32>,
    %add3A_2465 = arith.constant 112 : i32
    %add3A_2466 = vector.broadcast %add3A_2465 : i32 to vector<16xi32>
    %add3A_2467 = arith.addi %add3A_2466, %iota3A : vector<16xi32>
    %get3A_2468 = arith.constant 1 : i32
    %get3A_2469 = arith.constant 0 : i32
    %get3A_2470 = tpu.memref_slice %arg9[%get3A_2468, %get3A_2469] : memref<4x128xi32, #tpu.memory_space<vmem>> -> memref<1x128xi32, #tpu.memory_space<vmem>>
    %get3A_2471 = tpu.memref_squeeze %get3A_2470 : memref<1x128xi32, #tpu.memory_space<vmem>> -> memref<128xi32, #tpu.memory_space<vmem>>
    %get3A_2472 = arith.constant 112 : index
    %get3A_2473 = tpu.vector_load %get3A_2471[%get3A_2472] {strides = array<i32>} : memref<128xi32, #tpu.memory_space<vmem>>, vector<16xi32>,
    %get3A_2474 = arith.constant 1 : i32
    %get3A_2475 = arith.constant 0 : i32
    %get3A_2476 = tpu.memref_slice %arg10[%get3A_2474, %get3A_2475] : memref<4x128xi32, #tpu.memory_space<vmem>> -> memref<1x128xi32, #tpu.memory_space<vmem>>
    %get3A_2477 = tpu.memref_squeeze %get3A_2476 : memref<1x128xi32, #tpu.memory_space<vmem>> -> memref<128xi32, #tpu.memory_space<vmem>>
    %get3A_2478 = arith.constant 112 : index
    %get3A_2479 = tpu.vector_load %get3A_2477[%get3A_2478] {strides = array<i32>} : memref<128xi32, #tpu.memory_space<vmem>>, vector<16xi32>,
    %shift_right_arithmetic3A_2480 = arith.constant 13 : i32
    %shift_right_arithmetic3A_2481 = vector.broadcast %shift_right_arithmetic3A_2480 : i32 to vector<16xi32>
    %shift_right_arithmetic3A_2482 = arith.shrsi %get3A_2473, %shift_right_arithmetic3A_2481 : vector<16xi32>
    %and3A_2483 = arith.constant 1 : i32
    %and3A_2484 = vector.broadcast %and3A_2483 : i32 to vector<16xi32>
    %and3A_2485 = arith.andi %shift_right_arithmetic3A_2482, %and3A_2484 : vector<16xi32>
    %shift_left3A_2486 = arith.constant 6 : i32
    %shift_left3A_2487 = vector.broadcast %shift_left3A_2486 : i32 to vector<16xi32>
    %shift_left3A_2488 = arith.shli %and3A_2485, %shift_left3A_2487 : vector<16xi32>
    %shift_right_arithmetic3A_2489 = arith.constant 13 : i32
    %shift_right_arithmetic3A_2490 = vector.broadcast %shift_right_arithmetic3A_2489 : i32 to vector<16xi32>
    %shift_right_arithmetic3A_2491 = arith.shrsi %get3A_2479, %shift_right_arithmetic3A_2490 : vector<16xi32>
    %and3A_2492 = arith.constant 1 : i32
    %and3A_2493 = vector.broadcast %and3A_2492 : i32 to vector<16xi32>
    %and3A_2494 = arith.andi %shift_right_arithmetic3A_2491, %and3A_2493 : vector<16xi32>
    %shift_left3A_2495 = arith.constant 6 : i32
    %shift_left3A_2496 = vector.broadcast %shift_left3A_2495 : i32 to vector<16xi32>
    %shift_left3A_2497 = arith.shli %and3A_2494, %shift_left3A_2496 : vector<16xi32>
    %shift_right_arithmetic3A_2498 = arith.constant 12 : i32
    %shift_right_arithmetic3A_2499 = vector.broadcast %shift_right_arithmetic3A_2498 : i32 to vector<16xi32>
    %shift_right_arithmetic3A_2500 = arith.shrsi %get3A_2473, %shift_right_arithmetic3A_2499 : vector<16xi32>
    %and3A_2501 = arith.constant 1 : i32
    %and3A_2502 = vector.broadcast %and3A_2501 : i32 to vector<16xi32>
    %and3A_2503 = arith.andi %shift_right_arithmetic3A_2500, %and3A_2502 : vector<16xi32>
    %eq3A_2504 = arith.constant 1 : i32
    %eq3A_2505 = vector.broadcast %eq3A_2504 : i32 to vector<16xi32>
    %eq3A_2506 = arith.cmpi eq, %and3A_2503, %eq3A_2505 : vector<16xi32>
    %shift_right_arithmetic3A_2507 = arith.constant 12 : i32
    %shift_right_arithmetic3A_2508 = vector.broadcast %shift_right_arithmetic3A_2507 : i32 to vector<16xi32>
    %shift_right_arithmetic3A_2509 = arith.shrsi %get3A_2479, %shift_right_arithmetic3A_2508 : vector<16xi32>
    %and3A_2510 = arith.constant 1 : i32
    %and3A_2511 = vector.broadcast %and3A_2510 : i32 to vector<16xi32>
    %and3A_2512 = arith.andi %shift_right_arithmetic3A_2509, %and3A_2511 : vector<16xi32>
    %eq3A_2513 = arith.constant 1 : i32
    %eq3A_2514 = vector.broadcast %eq3A_2513 : i32 to vector<16xi32>
    %eq3A_2515 = arith.cmpi eq, %and3A_2512, %eq3A_2514 : vector<16xi32>
    %get3A_2516 = arith.constant 112 : index
    %get3A_2517 = tpu.vector_load %arg15[%get3A_2516] {strides = array<i32>} : memref<128xf32, #tpu.memory_space<vmem>>, vector<16xf32>,
    %get3A_2518 = arith.constant 112 : index
    %get3A_2519 = tpu.vector_load %arg16[%get3A_2518] {strides = array<i32>} : memref<128xf32, #tpu.memory_space<vmem>>, vector<16xf32>,
    %add3A_2520 = arith.addf %get3A_2517, %get3A_2519 : vector<16xf32>
    %scan3A_2521 = arith.constant 0 : i32
    %scan3A_2522 = arith.constant 64 : i32
    %scan3A_2523 = arith.addi %scan3A_2521, %scan3A_2522 : i32
    %scan3A_2524 = arith.constant 1 : i32
    %scan3A_2525 = scf.for %scan3A_3659 = %scan3A_2521 to %scan3A_2523 step %scan3A_2524 iter_args(%scan3A_3660 = %add3A_2520) -> (vector<16xf32>)  : i32 {
      %add3A_3661 = vector.broadcast %scan3A_3659 : i32 to vector<16xi32>
      %add3A_3662 = arith.addi %shift_left3A_2488, %add3A_3661 : vector<16xi32>
      %gather3A = tpu.vector_load_idx %arg13[%add3A_2467, %add3A_3662] : memref<128x128xi32, #tpu.memory_space<vmem>>[vector<16xi32>, vector<16xi32>], vector<16xi32>,
      %add3A_3663 = vector.broadcast %scan3A_3659 : i32 to vector<16xi32>
      %add3A_3664 = arith.addi %shift_left3A_2497, %add3A_3663 : vector<16xi32>
      %gather3A_3665 = tpu.vector_load_idx %arg14[%add3A_2467, %add3A_3664] : memref<128x128xi32, #tpu.memory_space<vmem>>[vector<16xi32>, vector<16xi32>], vector<16xi32>,
      %bitcast3A = vector.bitcast %gather3A : vector<16xi32> to vector<32xbf16>
      %unpack3A = tpu.unpack_subelements %bitcast3A, 0 {pack_format = #tpu.pack_format<interleaved>} : vector<32xbf16> -> vector<16xf32>
      %unpack3A_3666 = tpu.unpack_subelements %bitcast3A, 1 {pack_format = #tpu.pack_format<interleaved>} : vector<32xbf16> -> vector<16xf32>
      %bitcast3A_3667 = vector.bitcast %gather3A_3665 : vector<16xi32> to vector<32xbf16>
      %unpack3A_3668 = tpu.unpack_subelements %bitcast3A_3667, 0 {pack_format = #tpu.pack_format<interleaved>} : vector<32xbf16> -> vector<16xf32>
      %unpack3A_3669 = tpu.unpack_subelements %bitcast3A_3667, 1 {pack_format = #tpu.pack_format<interleaved>} : vector<32xbf16> -> vector<16xf32>
      %select_n3A = arith.select %eq3A_2506, %unpack3A_3666, %unpack3A : vector<16xi1>, vector<16xf32>
      %select_n3A_3670 = arith.select %eq3A_2515, %unpack3A_3669, %unpack3A_3668 : vector<16xi1>, vector<16xf32>
      %mul3A_3671 = arith.mulf %select_n3A, %select_n3A_3670 : vector<16xf32>
      %add3A_3672 = arith.addf %scan3A_3660, %mul3A_3671 : vector<16xf32>
      scf.yield %add3A_3672 : vector<16xf32>
    }
    %scan3A_2526 = arith.constant 64 : i32
    %swap3A_2527 = arith.constant 240 : index
    %swap3A_2528 = tpu.vector_load %arg17[%swap3A_2527] {strides = array<i32>} : memref<512xf32, #tpu.memory_space<vmem>>, vector<16xf32>,
    tpu.vector_store %arg17[%swap3A_2527], %scan3A_2525 {strides = array<i32>} : memref<512xf32, #tpu.memory_space<vmem>>, vector<16xf32>,
    %dma_start3A_2529 = arith.constant 2 : i32
    %dma_start3A_2530 = arith.constant 0 : i32
    %dma_start3A_2531 = tpu.memref_slice %arg11[%dma_start3A_2529, %dma_start3A_2530] : memref<4x128xi32, #tpu.memory_space<vmem>> -> memref<1x128xi32, #tpu.memory_space<vmem>>
    %dma_start3A_2532 = tpu.memref_squeeze %dma_start3A_2531 : memref<1x128xi32, #tpu.memory_space<vmem>> -> memref<128xi32, #tpu.memory_space<vmem>>
    %dma_start3A_2533 = arith.constant 0 : i32
    %dma_start3A_2534 = arith.constant 0 : i32
    %dma_start3A_2535 = tpu.memref_slice %arg4[%dma_start3A_2533, %dma_start3A_2534] : memref<253952x128xi32, #tpu.memory_space<hbm>> -> memref<253952x128xi32, #tpu.memory_space<hbm>>
    tpu.enqueue_indirect_dma source(%dma_start3A_2535 : memref<253952x128xi32, #tpu.memory_space<hbm>>) target(%arg13 : memref<128x128xi32, #tpu.memory_space<vmem>>) offsets(%dma_start3A_2532 : memref<128xi32, #tpu.memory_space<vmem>>) semaphore(%arg18 : memref<!tpu.dma_semaphore, #tpu.memory_space<semaphore_mem>>)
    %dma_start3A_2536 = arith.constant 2 : i32
    %dma_start3A_2537 = arith.constant 0 : i32
    %dma_start3A_2538 = tpu.memref_slice %arg12[%dma_start3A_2536, %dma_start3A_2537] : memref<4x128xi32, #tpu.memory_space<vmem>> -> memref<1x128xi32, #tpu.memory_space<vmem>>
    %dma_start3A_2539 = tpu.memref_squeeze %dma_start3A_2538 : memref<1x128xi32, #tpu.memory_space<vmem>> -> memref<128xi32, #tpu.memory_space<vmem>>
    %dma_start3A_2540 = arith.constant 0 : i32
    %dma_start3A_2541 = arith.constant 0 : i32
    %dma_start3A_2542 = tpu.memref_slice %arg5[%dma_start3A_2540, %dma_start3A_2541] : memref<253952x128xi32, #tpu.memory_space<hbm>> -> memref<253952x128xi32, #tpu.memory_space<hbm>>
    tpu.enqueue_indirect_dma source(%dma_start3A_2542 : memref<253952x128xi32, #tpu.memory_space<hbm>>) target(%arg14 : memref<128x128xi32, #tpu.memory_space<vmem>>) offsets(%dma_start3A_2539 : memref<128xi32, #tpu.memory_space<vmem>>) semaphore(%arg18 : memref<!tpu.dma_semaphore, #tpu.memory_space<semaphore_mem>>)
    %dma_start3A_2543 = arith.constant 2 : i32
    %dma_start3A_2544 = arith.constant 0 : i32
    %dma_start3A_2545 = tpu.memref_slice %arg9[%dma_start3A_2543, %dma_start3A_2544] : memref<4x128xi32, #tpu.memory_space<vmem>> -> memref<1x128xi32, #tpu.memory_space<vmem>>
    %dma_start3A_2546 = tpu.memref_squeeze %dma_start3A_2545 : memref<1x128xi32, #tpu.memory_space<vmem>> -> memref<128xi32, #tpu.memory_space<vmem>>
    %dma_start3A_2547 = arith.constant 0 : i32
    %dma_start3A_2548 = tpu.memref_slice %arg6[%dma_start3A_2547] : memref<1000000xf32, #tpu.memory_space<hbm>> -> memref<1000000xf32, #tpu.memory_space<hbm>>
    tpu.enqueue_indirect_dma source(%dma_start3A_2548 : memref<1000000xf32, #tpu.memory_space<hbm>>) target(%arg15 : memref<128xf32, #tpu.memory_space<vmem>>) offsets(%dma_start3A_2546 : memref<128xi32, #tpu.memory_space<vmem>>) semaphore(%arg18 : memref<!tpu.dma_semaphore, #tpu.memory_space<semaphore_mem>>)
    %dma_start3A_2549 = arith.constant 2 : i32
    %dma_start3A_2550 = arith.constant 0 : i32
    %dma_start3A_2551 = tpu.memref_slice %arg10[%dma_start3A_2549, %dma_start3A_2550] : memref<4x128xi32, #tpu.memory_space<vmem>> -> memref<1x128xi32, #tpu.memory_space<vmem>>
    %dma_start3A_2552 = tpu.memref_squeeze %dma_start3A_2551 : memref<1x128xi32, #tpu.memory_space<vmem>> -> memref<128xi32, #tpu.memory_space<vmem>>
    %dma_start3A_2553 = arith.constant 0 : i32
    %dma_start3A_2554 = tpu.memref_slice %arg7[%dma_start3A_2553] : memref<1000000xf32, #tpu.memory_space<hbm>> -> memref<1000000xf32, #tpu.memory_space<hbm>>
    tpu.enqueue_indirect_dma source(%dma_start3A_2554 : memref<1000000xf32, #tpu.memory_space<hbm>>) target(%arg16 : memref<128xf32, #tpu.memory_space<vmem>>) offsets(%dma_start3A_2552 : memref<128xi32, #tpu.memory_space<vmem>>) semaphore(%arg18 : memref<!tpu.dma_semaphore, #tpu.memory_space<semaphore_mem>>)
    %dma_wait3A_2555 = arith.constant 2 : i32
    %dma_wait3A_2556 = arith.constant 0 : i32
    %dma_wait3A_2557 = tpu.memref_slice %arg11[%dma_wait3A_2555, %dma_wait3A_2556] : memref<4x128xi32, #tpu.memory_space<vmem>> -> memref<1x128xi32, #tpu.memory_space<vmem>>
    %dma_wait3A_2558 = tpu.memref_squeeze %dma_wait3A_2557 : memref<1x128xi32, #tpu.memory_space<vmem>> -> memref<128xi32, #tpu.memory_space<vmem>>
    %dma_wait3A_2559 = arith.constant 0 : i32
    %dma_wait3A_2560 = arith.constant 0 : i32
    %dma_wait3A_2561 = tpu.memref_slice %arg4[%dma_wait3A_2559, %dma_wait3A_2560] : memref<253952x128xi32, #tpu.memory_space<hbm>> -> memref<253952x128xi32, #tpu.memory_space<hbm>>
    tpu.wait_indirect_dma semaphore(%arg18 : memref<!tpu.dma_semaphore, #tpu.memory_space<semaphore_mem>>) src(%dma_wait3A_2561 : memref<253952x128xi32, #tpu.memory_space<hbm>>) dst(%arg13 : memref<128x128xi32, #tpu.memory_space<vmem>>)
    %dma_wait3A_2562 = arith.constant 2 : i32
    %dma_wait3A_2563 = arith.constant 0 : i32
    %dma_wait3A_2564 = tpu.memref_slice %arg12[%dma_wait3A_2562, %dma_wait3A_2563] : memref<4x128xi32, #tpu.memory_space<vmem>> -> memref<1x128xi32, #tpu.memory_space<vmem>>
    %dma_wait3A_2565 = tpu.memref_squeeze %dma_wait3A_2564 : memref<1x128xi32, #tpu.memory_space<vmem>> -> memref<128xi32, #tpu.memory_space<vmem>>
    %dma_wait3A_2566 = arith.constant 0 : i32
    %dma_wait3A_2567 = arith.constant 0 : i32
    %dma_wait3A_2568 = tpu.memref_slice %arg5[%dma_wait3A_2566, %dma_wait3A_2567] : memref<253952x128xi32, #tpu.memory_space<hbm>> -> memref<253952x128xi32, #tpu.memory_space<hbm>>
    tpu.wait_indirect_dma semaphore(%arg18 : memref<!tpu.dma_semaphore, #tpu.memory_space<semaphore_mem>>) src(%dma_wait3A_2568 : memref<253952x128xi32, #tpu.memory_space<hbm>>) dst(%arg14 : memref<128x128xi32, #tpu.memory_space<vmem>>)
    %dma_wait3A_2569 = arith.constant 2 : i32
    %dma_wait3A_2570 = arith.constant 0 : i32
    %dma_wait3A_2571 = tpu.memref_slice %arg9[%dma_wait3A_2569, %dma_wait3A_2570] : memref<4x128xi32, #tpu.memory_space<vmem>> -> memref<1x128xi32, #tpu.memory_space<vmem>>
    %dma_wait3A_2572 = tpu.memref_squeeze %dma_wait3A_2571 : memref<1x128xi32, #tpu.memory_space<vmem>> -> memref<128xi32, #tpu.memory_space<vmem>>
    %dma_wait3A_2573 = arith.constant 0 : i32
    %dma_wait3A_2574 = tpu.memref_slice %arg6[%dma_wait3A_2573] : memref<1000000xf32, #tpu.memory_space<hbm>> -> memref<1000000xf32, #tpu.memory_space<hbm>>
    tpu.wait_indirect_dma semaphore(%arg18 : memref<!tpu.dma_semaphore, #tpu.memory_space<semaphore_mem>>) src(%dma_wait3A_2574 : memref<1000000xf32, #tpu.memory_space<hbm>>) dst(%arg15 : memref<128xf32, #tpu.memory_space<vmem>>)
    %dma_wait3A_2575 = arith.constant 2 : i32
    %dma_wait3A_2576 = arith.constant 0 : i32
    %dma_wait3A_2577 = tpu.memref_slice %arg10[%dma_wait3A_2575, %dma_wait3A_2576] : memref<4x128xi32, #tpu.memory_space<vmem>> -> memref<1x128xi32, #tpu.memory_space<vmem>>
    %dma_wait3A_2578 = tpu.memref_squeeze %dma_wait3A_2577 : memref<1x128xi32, #tpu.memory_space<vmem>> -> memref<128xi32, #tpu.memory_space<vmem>>
    %dma_wait3A_2579 = arith.constant 0 : i32
    %dma_wait3A_2580 = tpu.memref_slice %arg7[%dma_wait3A_2579] : memref<1000000xf32, #tpu.memory_space<hbm>> -> memref<1000000xf32, #tpu.memory_space<hbm>>
    tpu.wait_indirect_dma semaphore(%arg18 : memref<!tpu.dma_semaphore, #tpu.memory_space<semaphore_mem>>) src(%dma_wait3A_2580 : memref<1000000xf32, #tpu.memory_space<hbm>>) dst(%arg16 : memref<128xf32, #tpu.memory_space<vmem>>)
    %add3A_2581 = arith.constant 0 : i32
    %add3A_2582 = vector.broadcast %add3A_2581 : i32 to vector<16xi32>
    %add3A_2583 = arith.addi %add3A_2582, %iota3A : vector<16xi32>
    %get3A_2584 = arith.constant 2 : i32
    %get3A_2585 = arith.constant 0 : i32
    %get3A_2586 = tpu.memref_slice %arg9[%get3A_2584, %get3A_2585] : memref<4x128xi32, #tpu.memory_space<vmem>> -> memref<1x128xi32, #tpu.memory_space<vmem>>
    %get3A_2587 = tpu.memref_squeeze %get3A_2586 : memref<1x128xi32, #tpu.memory_space<vmem>> -> memref<128xi32, #tpu.memory_space<vmem>>
    %get3A_2588 = arith.constant 0 : index
    %get3A_2589 = tpu.vector_load %get3A_2587[%get3A_2588] {strides = array<i32>} : memref<128xi32, #tpu.memory_space<vmem>>, vector<16xi32>,
    %get3A_2590 = arith.constant 2 : i32
    %get3A_2591 = arith.constant 0 : i32
    %get3A_2592 = tpu.memref_slice %arg10[%get3A_2590, %get3A_2591] : memref<4x128xi32, #tpu.memory_space<vmem>> -> memref<1x128xi32, #tpu.memory_space<vmem>>
    %get3A_2593 = tpu.memref_squeeze %get3A_2592 : memref<1x128xi32, #tpu.memory_space<vmem>> -> memref<128xi32, #tpu.memory_space<vmem>>
    %get3A_2594 = arith.constant 0 : index
    %get3A_2595 = tpu.vector_load %get3A_2593[%get3A_2594] {strides = array<i32>} : memref<128xi32, #tpu.memory_space<vmem>>, vector<16xi32>,
    %shift_right_arithmetic3A_2596 = arith.constant 13 : i32
    %shift_right_arithmetic3A_2597 = vector.broadcast %shift_right_arithmetic3A_2596 : i32 to vector<16xi32>
    %shift_right_arithmetic3A_2598 = arith.shrsi %get3A_2589, %shift_right_arithmetic3A_2597 : vector<16xi32>
    %and3A_2599 = arith.constant 1 : i32
    %and3A_2600 = vector.broadcast %and3A_2599 : i32 to vector<16xi32>
    %and3A_2601 = arith.andi %shift_right_arithmetic3A_2598, %and3A_2600 : vector<16xi32>
    %shift_left3A_2602 = arith.constant 6 : i32
    %shift_left3A_2603 = vector.broadcast %shift_left3A_2602 : i32 to vector<16xi32>
    %shift_left3A_2604 = arith.shli %and3A_2601, %shift_left3A_2603 : vector<16xi32>
    %shift_right_arithmetic3A_2605 = arith.constant 13 : i32
    %shift_right_arithmetic3A_2606 = vector.broadcast %shift_right_arithmetic3A_2605 : i32 to vector<16xi32>
    %shift_right_arithmetic3A_2607 = arith.shrsi %get3A_2595, %shift_right_arithmetic3A_2606 : vector<16xi32>
    %and3A_2608 = arith.constant 1 : i32
    %and3A_2609 = vector.broadcast %and3A_2608 : i32 to vector<16xi32>
    %and3A_2610 = arith.andi %shift_right_arithmetic3A_2607, %and3A_2609 : vector<16xi32>
    %shift_left3A_2611 = arith.constant 6 : i32
    %shift_left3A_2612 = vector.broadcast %shift_left3A_2611 : i32 to vector<16xi32>
    %shift_left3A_2613 = arith.shli %and3A_2610, %shift_left3A_2612 : vector<16xi32>
    %shift_right_arithmetic3A_2614 = arith.constant 12 : i32
    %shift_right_arithmetic3A_2615 = vector.broadcast %shift_right_arithmetic3A_2614 : i32 to vector<16xi32>
    %shift_right_arithmetic3A_2616 = arith.shrsi %get3A_2589, %shift_right_arithmetic3A_2615 : vector<16xi32>
    %and3A_2617 = arith.constant 1 : i32
    %and3A_2618 = vector.broadcast %and3A_2617 : i32 to vector<16xi32>
    %and3A_2619 = arith.andi %shift_right_arithmetic3A_2616, %and3A_2618 : vector<16xi32>
    %eq3A_2620 = arith.constant 1 : i32
    %eq3A_2621 = vector.broadcast %eq3A_2620 : i32 to vector<16xi32>
    %eq3A_2622 = arith.cmpi eq, %and3A_2619, %eq3A_2621 : vector<16xi32>
    %shift_right_arithmetic3A_2623 = arith.constant 12 : i32
    %shift_right_arithmetic3A_2624 = vector.broadcast %shift_right_arithmetic3A_2623 : i32 to vector<16xi32>
    %shift_right_arithmetic3A_2625 = arith.shrsi %get3A_2595, %shift_right_arithmetic3A_2624 : vector<16xi32>
    %and3A_2626 = arith.constant 1 : i32
    %and3A_2627 = vector.broadcast %and3A_2626 : i32 to vector<16xi32>
    %and3A_2628 = arith.andi %shift_right_arithmetic3A_2625, %and3A_2627 : vector<16xi32>
    %eq3A_2629 = arith.constant 1 : i32
    %eq3A_2630 = vector.broadcast %eq3A_2629 : i32 to vector<16xi32>
    %eq3A_2631 = arith.cmpi eq, %and3A_2628, %eq3A_2630 : vector<16xi32>
    %get3A_2632 = arith.constant 0 : index
    %get3A_2633 = tpu.vector_load %arg15[%get3A_2632] {strides = array<i32>} : memref<128xf32, #tpu.memory_space<vmem>>, vector<16xf32>,
    %get3A_2634 = arith.constant 0 : index
    %get3A_2635 = tpu.vector_load %arg16[%get3A_2634] {strides = array<i32>} : memref<128xf32, #tpu.memory_space<vmem>>, vector<16xf32>,
    %add3A_2636 = arith.addf %get3A_2633, %get3A_2635 : vector<16xf32>
    %scan3A_2637 = arith.constant 0 : i32
    %scan3A_2638 = arith.constant 64 : i32
    %scan3A_2639 = arith.addi %scan3A_2637, %scan3A_2638 : i32
    %scan3A_2640 = arith.constant 1 : i32
    %scan3A_2641 = scf.for %scan3A_3659 = %scan3A_2637 to %scan3A_2639 step %scan3A_2640 iter_args(%scan3A_3660 = %add3A_2636) -> (vector<16xf32>)  : i32 {
      %add3A_3661 = vector.broadcast %scan3A_3659 : i32 to vector<16xi32>
      %add3A_3662 = arith.addi %shift_left3A_2604, %add3A_3661 : vector<16xi32>
      %gather3A = tpu.vector_load_idx %arg13[%add3A_2583, %add3A_3662] : memref<128x128xi32, #tpu.memory_space<vmem>>[vector<16xi32>, vector<16xi32>], vector<16xi32>,
      %add3A_3663 = vector.broadcast %scan3A_3659 : i32 to vector<16xi32>
      %add3A_3664 = arith.addi %shift_left3A_2613, %add3A_3663 : vector<16xi32>
      %gather3A_3665 = tpu.vector_load_idx %arg14[%add3A_2583, %add3A_3664] : memref<128x128xi32, #tpu.memory_space<vmem>>[vector<16xi32>, vector<16xi32>], vector<16xi32>,
      %bitcast3A = vector.bitcast %gather3A : vector<16xi32> to vector<32xbf16>
      %unpack3A = tpu.unpack_subelements %bitcast3A, 0 {pack_format = #tpu.pack_format<interleaved>} : vector<32xbf16> -> vector<16xf32>
      %unpack3A_3666 = tpu.unpack_subelements %bitcast3A, 1 {pack_format = #tpu.pack_format<interleaved>} : vector<32xbf16> -> vector<16xf32>
      %bitcast3A_3667 = vector.bitcast %gather3A_3665 : vector<16xi32> to vector<32xbf16>
      %unpack3A_3668 = tpu.unpack_subelements %bitcast3A_3667, 0 {pack_format = #tpu.pack_format<interleaved>} : vector<32xbf16> -> vector<16xf32>
      %unpack3A_3669 = tpu.unpack_subelements %bitcast3A_3667, 1 {pack_format = #tpu.pack_format<interleaved>} : vector<32xbf16> -> vector<16xf32>
      %select_n3A = arith.select %eq3A_2622, %unpack3A_3666, %unpack3A : vector<16xi1>, vector<16xf32>
      %select_n3A_3670 = arith.select %eq3A_2631, %unpack3A_3669, %unpack3A_3668 : vector<16xi1>, vector<16xf32>
      %mul3A_3671 = arith.mulf %select_n3A, %select_n3A_3670 : vector<16xf32>
      %add3A_3672 = arith.addf %scan3A_3660, %mul3A_3671 : vector<16xf32>
      scf.yield %add3A_3672 : vector<16xf32>
    }
    %scan3A_2642 = arith.constant 64 : i32
    %swap3A_2643 = arith.constant 256 : index
    %swap3A_2644 = tpu.vector_load %arg17[%swap3A_2643] {strides = array<i32>} : memref<512xf32, #tpu.memory_space<vmem>>, vector<16xf32>,
    tpu.vector_store %arg17[%swap3A_2643], %scan3A_2641 {strides = array<i32>} : memref<512xf32, #tpu.memory_space<vmem>>, vector<16xf32>,
    %add3A_2645 = arith.constant 16 : i32
    %add3A_2646 = vector.broadcast %add3A_2645 : i32 to vector<16xi32>
    %add3A_2647 = arith.addi %add3A_2646, %iota3A : vector<16xi32>
    %get3A_2648 = arith.constant 2 : i32
    %get3A_2649 = arith.constant 0 : i32
    %get3A_2650 = tpu.memref_slice %arg9[%get3A_2648, %get3A_2649] : memref<4x128xi32, #tpu.memory_space<vmem>> -> memref<1x128xi32, #tpu.memory_space<vmem>>
    %get3A_2651 = tpu.memref_squeeze %get3A_2650 : memref<1x128xi32, #tpu.memory_space<vmem>> -> memref<128xi32, #tpu.memory_space<vmem>>
    %get3A_2652 = arith.constant 16 : index
    %get3A_2653 = tpu.vector_load %get3A_2651[%get3A_2652] {strides = array<i32>} : memref<128xi32, #tpu.memory_space<vmem>>, vector<16xi32>,
    %get3A_2654 = arith.constant 2 : i32
    %get3A_2655 = arith.constant 0 : i32
    %get3A_2656 = tpu.memref_slice %arg10[%get3A_2654, %get3A_2655] : memref<4x128xi32, #tpu.memory_space<vmem>> -> memref<1x128xi32, #tpu.memory_space<vmem>>
    %get3A_2657 = tpu.memref_squeeze %get3A_2656 : memref<1x128xi32, #tpu.memory_space<vmem>> -> memref<128xi32, #tpu.memory_space<vmem>>
    %get3A_2658 = arith.constant 16 : index
    %get3A_2659 = tpu.vector_load %get3A_2657[%get3A_2658] {strides = array<i32>} : memref<128xi32, #tpu.memory_space<vmem>>, vector<16xi32>,
    %shift_right_arithmetic3A_2660 = arith.constant 13 : i32
    %shift_right_arithmetic3A_2661 = vector.broadcast %shift_right_arithmetic3A_2660 : i32 to vector<16xi32>
    %shift_right_arithmetic3A_2662 = arith.shrsi %get3A_2653, %shift_right_arithmetic3A_2661 : vector<16xi32>
    %and3A_2663 = arith.constant 1 : i32
    %and3A_2664 = vector.broadcast %and3A_2663 : i32 to vector<16xi32>
    %and3A_2665 = arith.andi %shift_right_arithmetic3A_2662, %and3A_2664 : vector<16xi32>
    %shift_left3A_2666 = arith.constant 6 : i32
    %shift_left3A_2667 = vector.broadcast %shift_left3A_2666 : i32 to vector<16xi32>
    %shift_left3A_2668 = arith.shli %and3A_2665, %shift_left3A_2667 : vector<16xi32>
    %shift_right_arithmetic3A_2669 = arith.constant 13 : i32
    %shift_right_arithmetic3A_2670 = vector.broadcast %shift_right_arithmetic3A_2669 : i32 to vector<16xi32>
    %shift_right_arithmetic3A_2671 = arith.shrsi %get3A_2659, %shift_right_arithmetic3A_2670 : vector<16xi32>
    %and3A_2672 = arith.constant 1 : i32
    %and3A_2673 = vector.broadcast %and3A_2672 : i32 to vector<16xi32>
    %and3A_2674 = arith.andi %shift_right_arithmetic3A_2671, %and3A_2673 : vector<16xi32>
    %shift_left3A_2675 = arith.constant 6 : i32
    %shift_left3A_2676 = vector.broadcast %shift_left3A_2675 : i32 to vector<16xi32>
    %shift_left3A_2677 = arith.shli %and3A_2674, %shift_left3A_2676 : vector<16xi32>
    %shift_right_arithmetic3A_2678 = arith.constant 12 : i32
    %shift_right_arithmetic3A_2679 = vector.broadcast %shift_right_arithmetic3A_2678 : i32 to vector<16xi32>
    %shift_right_arithmetic3A_2680 = arith.shrsi %get3A_2653, %shift_right_arithmetic3A_2679 : vector<16xi32>
    %and3A_2681 = arith.constant 1 : i32
    %and3A_2682 = vector.broadcast %and3A_2681 : i32 to vector<16xi32>
    %and3A_2683 = arith.andi %shift_right_arithmetic3A_2680, %and3A_2682 : vector<16xi32>
    %eq3A_2684 = arith.constant 1 : i32
    %eq3A_2685 = vector.broadcast %eq3A_2684 : i32 to vector<16xi32>
    %eq3A_2686 = arith.cmpi eq, %and3A_2683, %eq3A_2685 : vector<16xi32>
    %shift_right_arithmetic3A_2687 = arith.constant 12 : i32
    %shift_right_arithmetic3A_2688 = vector.broadcast %shift_right_arithmetic3A_2687 : i32 to vector<16xi32>
    %shift_right_arithmetic3A_2689 = arith.shrsi %get3A_2659, %shift_right_arithmetic3A_2688 : vector<16xi32>
    %and3A_2690 = arith.constant 1 : i32
    %and3A_2691 = vector.broadcast %and3A_2690 : i32 to vector<16xi32>
    %and3A_2692 = arith.andi %shift_right_arithmetic3A_2689, %and3A_2691 : vector<16xi32>
    %eq3A_2693 = arith.constant 1 : i32
    %eq3A_2694 = vector.broadcast %eq3A_2693 : i32 to vector<16xi32>
    %eq3A_2695 = arith.cmpi eq, %and3A_2692, %eq3A_2694 : vector<16xi32>
    %get3A_2696 = arith.constant 16 : index
    %get3A_2697 = tpu.vector_load %arg15[%get3A_2696] {strides = array<i32>} : memref<128xf32, #tpu.memory_space<vmem>>, vector<16xf32>,
    %get3A_2698 = arith.constant 16 : index
    %get3A_2699 = tpu.vector_load %arg16[%get3A_2698] {strides = array<i32>} : memref<128xf32, #tpu.memory_space<vmem>>, vector<16xf32>,
    %add3A_2700 = arith.addf %get3A_2697, %get3A_2699 : vector<16xf32>
    %scan3A_2701 = arith.constant 0 : i32
    %scan3A_2702 = arith.constant 64 : i32
    %scan3A_2703 = arith.addi %scan3A_2701, %scan3A_2702 : i32
    %scan3A_2704 = arith.constant 1 : i32
    %scan3A_2705 = scf.for %scan3A_3659 = %scan3A_2701 to %scan3A_2703 step %scan3A_2704 iter_args(%scan3A_3660 = %add3A_2700) -> (vector<16xf32>)  : i32 {
      %add3A_3661 = vector.broadcast %scan3A_3659 : i32 to vector<16xi32>
      %add3A_3662 = arith.addi %shift_left3A_2668, %add3A_3661 : vector<16xi32>
      %gather3A = tpu.vector_load_idx %arg13[%add3A_2647, %add3A_3662] : memref<128x128xi32, #tpu.memory_space<vmem>>[vector<16xi32>, vector<16xi32>], vector<16xi32>,
      %add3A_3663 = vector.broadcast %scan3A_3659 : i32 to vector<16xi32>
      %add3A_3664 = arith.addi %shift_left3A_2677, %add3A_3663 : vector<16xi32>
      %gather3A_3665 = tpu.vector_load_idx %arg14[%add3A_2647, %add3A_3664] : memref<128x128xi32, #tpu.memory_space<vmem>>[vector<16xi32>, vector<16xi32>], vector<16xi32>,
      %bitcast3A = vector.bitcast %gather3A : vector<16xi32> to vector<32xbf16>
      %unpack3A = tpu.unpack_subelements %bitcast3A, 0 {pack_format = #tpu.pack_format<interleaved>} : vector<32xbf16> -> vector<16xf32>
      %unpack3A_3666 = tpu.unpack_subelements %bitcast3A, 1 {pack_format = #tpu.pack_format<interleaved>} : vector<32xbf16> -> vector<16xf32>
      %bitcast3A_3667 = vector.bitcast %gather3A_3665 : vector<16xi32> to vector<32xbf16>
      %unpack3A_3668 = tpu.unpack_subelements %bitcast3A_3667, 0 {pack_format = #tpu.pack_format<interleaved>} : vector<32xbf16> -> vector<16xf32>
      %unpack3A_3669 = tpu.unpack_subelements %bitcast3A_3667, 1 {pack_format = #tpu.pack_format<interleaved>} : vector<32xbf16> -> vector<16xf32>
      %select_n3A = arith.select %eq3A_2686, %unpack3A_3666, %unpack3A : vector<16xi1>, vector<16xf32>
      %select_n3A_3670 = arith.select %eq3A_2695, %unpack3A_3669, %unpack3A_3668 : vector<16xi1>, vector<16xf32>
      %mul3A_3671 = arith.mulf %select_n3A, %select_n3A_3670 : vector<16xf32>
      %add3A_3672 = arith.addf %scan3A_3660, %mul3A_3671 : vector<16xf32>
      scf.yield %add3A_3672 : vector<16xf32>
    }
    %scan3A_2706 = arith.constant 64 : i32
    %swap3A_2707 = arith.constant 272 : index
    %swap3A_2708 = tpu.vector_load %arg17[%swap3A_2707] {strides = array<i32>} : memref<512xf32, #tpu.memory_space<vmem>>, vector<16xf32>,
    tpu.vector_store %arg17[%swap3A_2707], %scan3A_2705 {strides = array<i32>} : memref<512xf32, #tpu.memory_space<vmem>>, vector<16xf32>,
    %add3A_2709 = arith.constant 32 : i32
    %add3A_2710 = vector.broadcast %add3A_2709 : i32 to vector<16xi32>
    %add3A_2711 = arith.addi %add3A_2710, %iota3A : vector<16xi32>
    %get3A_2712 = arith.constant 2 : i32
    %get3A_2713 = arith.constant 0 : i32
    %get3A_2714 = tpu.memref_slice %arg9[%get3A_2712, %get3A_2713] : memref<4x128xi32, #tpu.memory_space<vmem>> -> memref<1x128xi32, #tpu.memory_space<vmem>>
    %get3A_2715 = tpu.memref_squeeze %get3A_2714 : memref<1x128xi32, #tpu.memory_space<vmem>> -> memref<128xi32, #tpu.memory_space<vmem>>
    %get3A_2716 = arith.constant 32 : index
    %get3A_2717 = tpu.vector_load %get3A_2715[%get3A_2716] {strides = array<i32>} : memref<128xi32, #tpu.memory_space<vmem>>, vector<16xi32>,
    %get3A_2718 = arith.constant 2 : i32
    %get3A_2719 = arith.constant 0 : i32
    %get3A_2720 = tpu.memref_slice %arg10[%get3A_2718, %get3A_2719] : memref<4x128xi32, #tpu.memory_space<vmem>> -> memref<1x128xi32, #tpu.memory_space<vmem>>
    %get3A_2721 = tpu.memref_squeeze %get3A_2720 : memref<1x128xi32, #tpu.memory_space<vmem>> -> memref<128xi32, #tpu.memory_space<vmem>>
    %get3A_2722 = arith.constant 32 : index
    %get3A_2723 = tpu.vector_load %get3A_2721[%get3A_2722] {strides = array<i32>} : memref<128xi32, #tpu.memory_space<vmem>>, vector<16xi32>,
    %shift_right_arithmetic3A_2724 = arith.constant 13 : i32
    %shift_right_arithmetic3A_2725 = vector.broadcast %shift_right_arithmetic3A_2724 : i32 to vector<16xi32>
    %shift_right_arithmetic3A_2726 = arith.shrsi %get3A_2717, %shift_right_arithmetic3A_2725 : vector<16xi32>
    %and3A_2727 = arith.constant 1 : i32
    %and3A_2728 = vector.broadcast %and3A_2727 : i32 to vector<16xi32>
    %and3A_2729 = arith.andi %shift_right_arithmetic3A_2726, %and3A_2728 : vector<16xi32>
    %shift_left3A_2730 = arith.constant 6 : i32
    %shift_left3A_2731 = vector.broadcast %shift_left3A_2730 : i32 to vector<16xi32>
    %shift_left3A_2732 = arith.shli %and3A_2729, %shift_left3A_2731 : vector<16xi32>
    %shift_right_arithmetic3A_2733 = arith.constant 13 : i32
    %shift_right_arithmetic3A_2734 = vector.broadcast %shift_right_arithmetic3A_2733 : i32 to vector<16xi32>
    %shift_right_arithmetic3A_2735 = arith.shrsi %get3A_2723, %shift_right_arithmetic3A_2734 : vector<16xi32>
    %and3A_2736 = arith.constant 1 : i32
    %and3A_2737 = vector.broadcast %and3A_2736 : i32 to vector<16xi32>
    %and3A_2738 = arith.andi %shift_right_arithmetic3A_2735, %and3A_2737 : vector<16xi32>
    %shift_left3A_2739 = arith.constant 6 : i32
    %shift_left3A_2740 = vector.broadcast %shift_left3A_2739 : i32 to vector<16xi32>
    %shift_left3A_2741 = arith.shli %and3A_2738, %shift_left3A_2740 : vector<16xi32>
    %shift_right_arithmetic3A_2742 = arith.constant 12 : i32
    %shift_right_arithmetic3A_2743 = vector.broadcast %shift_right_arithmetic3A_2742 : i32 to vector<16xi32>
    %shift_right_arithmetic3A_2744 = arith.shrsi %get3A_2717, %shift_right_arithmetic3A_2743 : vector<16xi32>
    %and3A_2745 = arith.constant 1 : i32
    %and3A_2746 = vector.broadcast %and3A_2745 : i32 to vector<16xi32>
    %and3A_2747 = arith.andi %shift_right_arithmetic3A_2744, %and3A_2746 : vector<16xi32>
    %eq3A_2748 = arith.constant 1 : i32
    %eq3A_2749 = vector.broadcast %eq3A_2748 : i32 to vector<16xi32>
    %eq3A_2750 = arith.cmpi eq, %and3A_2747, %eq3A_2749 : vector<16xi32>
    %shift_right_arithmetic3A_2751 = arith.constant 12 : i32
    %shift_right_arithmetic3A_2752 = vector.broadcast %shift_right_arithmetic3A_2751 : i32 to vector<16xi32>
    %shift_right_arithmetic3A_2753 = arith.shrsi %get3A_2723, %shift_right_arithmetic3A_2752 : vector<16xi32>
    %and3A_2754 = arith.constant 1 : i32
    %and3A_2755 = vector.broadcast %and3A_2754 : i32 to vector<16xi32>
    %and3A_2756 = arith.andi %shift_right_arithmetic3A_2753, %and3A_2755 : vector<16xi32>
    %eq3A_2757 = arith.constant 1 : i32
    %eq3A_2758 = vector.broadcast %eq3A_2757 : i32 to vector<16xi32>
    %eq3A_2759 = arith.cmpi eq, %and3A_2756, %eq3A_2758 : vector<16xi32>
    %get3A_2760 = arith.constant 32 : index
    %get3A_2761 = tpu.vector_load %arg15[%get3A_2760] {strides = array<i32>} : memref<128xf32, #tpu.memory_space<vmem>>, vector<16xf32>,
    %get3A_2762 = arith.constant 32 : index
    %get3A_2763 = tpu.vector_load %arg16[%get3A_2762] {strides = array<i32>} : memref<128xf32, #tpu.memory_space<vmem>>, vector<16xf32>,
    %add3A_2764 = arith.addf %get3A_2761, %get3A_2763 : vector<16xf32>
    %scan3A_2765 = arith.constant 0 : i32
    %scan3A_2766 = arith.constant 64 : i32
    %scan3A_2767 = arith.addi %scan3A_2765, %scan3A_2766 : i32
    %scan3A_2768 = arith.constant 1 : i32
    %scan3A_2769 = scf.for %scan3A_3659 = %scan3A_2765 to %scan3A_2767 step %scan3A_2768 iter_args(%scan3A_3660 = %add3A_2764) -> (vector<16xf32>)  : i32 {
      %add3A_3661 = vector.broadcast %scan3A_3659 : i32 to vector<16xi32>
      %add3A_3662 = arith.addi %shift_left3A_2732, %add3A_3661 : vector<16xi32>
      %gather3A = tpu.vector_load_idx %arg13[%add3A_2711, %add3A_3662] : memref<128x128xi32, #tpu.memory_space<vmem>>[vector<16xi32>, vector<16xi32>], vector<16xi32>,
      %add3A_3663 = vector.broadcast %scan3A_3659 : i32 to vector<16xi32>
      %add3A_3664 = arith.addi %shift_left3A_2741, %add3A_3663 : vector<16xi32>
      %gather3A_3665 = tpu.vector_load_idx %arg14[%add3A_2711, %add3A_3664] : memref<128x128xi32, #tpu.memory_space<vmem>>[vector<16xi32>, vector<16xi32>], vector<16xi32>,
      %bitcast3A = vector.bitcast %gather3A : vector<16xi32> to vector<32xbf16>
      %unpack3A = tpu.unpack_subelements %bitcast3A, 0 {pack_format = #tpu.pack_format<interleaved>} : vector<32xbf16> -> vector<16xf32>
      %unpack3A_3666 = tpu.unpack_subelements %bitcast3A, 1 {pack_format = #tpu.pack_format<interleaved>} : vector<32xbf16> -> vector<16xf32>
      %bitcast3A_3667 = vector.bitcast %gather3A_3665 : vector<16xi32> to vector<32xbf16>
      %unpack3A_3668 = tpu.unpack_subelements %bitcast3A_3667, 0 {pack_format = #tpu.pack_format<interleaved>} : vector<32xbf16> -> vector<16xf32>
      %unpack3A_3669 = tpu.unpack_subelements %bitcast3A_3667, 1 {pack_format = #tpu.pack_format<interleaved>} : vector<32xbf16> -> vector<16xf32>
      %select_n3A = arith.select %eq3A_2750, %unpack3A_3666, %unpack3A : vector<16xi1>, vector<16xf32>
      %select_n3A_3670 = arith.select %eq3A_2759, %unpack3A_3669, %unpack3A_3668 : vector<16xi1>, vector<16xf32>
      %mul3A_3671 = arith.mulf %select_n3A, %select_n3A_3670 : vector<16xf32>
      %add3A_3672 = arith.addf %scan3A_3660, %mul3A_3671 : vector<16xf32>
      scf.yield %add3A_3672 : vector<16xf32>
    }
    %scan3A_2770 = arith.constant 64 : i32
    %swap3A_2771 = arith.constant 288 : index
    %swap3A_2772 = tpu.vector_load %arg17[%swap3A_2771] {strides = array<i32>} : memref<512xf32, #tpu.memory_space<vmem>>, vector<16xf32>,
    tpu.vector_store %arg17[%swap3A_2771], %scan3A_2769 {strides = array<i32>} : memref<512xf32, #tpu.memory_space<vmem>>, vector<16xf32>,
    %add3A_2773 = arith.constant 48 : i32
    %add3A_2774 = vector.broadcast %add3A_2773 : i32 to vector<16xi32>
    %add3A_2775 = arith.addi %add3A_2774, %iota3A : vector<16xi32>
    %get3A_2776 = arith.constant 2 : i32
    %get3A_2777 = arith.constant 0 : i32
    %get3A_2778 = tpu.memref_slice %arg9[%get3A_2776, %get3A_2777] : memref<4x128xi32, #tpu.memory_space<vmem>> -> memref<1x128xi32, #tpu.memory_space<vmem>>
    %get3A_2779 = tpu.memref_squeeze %get3A_2778 : memref<1x128xi32, #tpu.memory_space<vmem>> -> memref<128xi32, #tpu.memory_space<vmem>>
    %get3A_2780 = arith.constant 48 : index
    %get3A_2781 = tpu.vector_load %get3A_2779[%get3A_2780] {strides = array<i32>} : memref<128xi32, #tpu.memory_space<vmem>>, vector<16xi32>,
    %get3A_2782 = arith.constant 2 : i32
    %get3A_2783 = arith.constant 0 : i32
    %get3A_2784 = tpu.memref_slice %arg10[%get3A_2782, %get3A_2783] : memref<4x128xi32, #tpu.memory_space<vmem>> -> memref<1x128xi32, #tpu.memory_space<vmem>>
    %get3A_2785 = tpu.memref_squeeze %get3A_2784 : memref<1x128xi32, #tpu.memory_space<vmem>> -> memref<128xi32, #tpu.memory_space<vmem>>
    %get3A_2786 = arith.constant 48 : index
    %get3A_2787 = tpu.vector_load %get3A_2785[%get3A_2786] {strides = array<i32>} : memref<128xi32, #tpu.memory_space<vmem>>, vector<16xi32>,
    %shift_right_arithmetic3A_2788 = arith.constant 13 : i32
    %shift_right_arithmetic3A_2789 = vector.broadcast %shift_right_arithmetic3A_2788 : i32 to vector<16xi32>
    %shift_right_arithmetic3A_2790 = arith.shrsi %get3A_2781, %shift_right_arithmetic3A_2789 : vector<16xi32>
    %and3A_2791 = arith.constant 1 : i32
    %and3A_2792 = vector.broadcast %and3A_2791 : i32 to vector<16xi32>
    %and3A_2793 = arith.andi %shift_right_arithmetic3A_2790, %and3A_2792 : vector<16xi32>
    %shift_left3A_2794 = arith.constant 6 : i32
    %shift_left3A_2795 = vector.broadcast %shift_left3A_2794 : i32 to vector<16xi32>
    %shift_left3A_2796 = arith.shli %and3A_2793, %shift_left3A_2795 : vector<16xi32>
    %shift_right_arithmetic3A_2797 = arith.constant 13 : i32
    %shift_right_arithmetic3A_2798 = vector.broadcast %shift_right_arithmetic3A_2797 : i32 to vector<16xi32>
    %shift_right_arithmetic3A_2799 = arith.shrsi %get3A_2787, %shift_right_arithmetic3A_2798 : vector<16xi32>
    %and3A_2800 = arith.constant 1 : i32
    %and3A_2801 = vector.broadcast %and3A_2800 : i32 to vector<16xi32>
    %and3A_2802 = arith.andi %shift_right_arithmetic3A_2799, %and3A_2801 : vector<16xi32>
    %shift_left3A_2803 = arith.constant 6 : i32
    %shift_left3A_2804 = vector.broadcast %shift_left3A_2803 : i32 to vector<16xi32>
    %shift_left3A_2805 = arith.shli %and3A_2802, %shift_left3A_2804 : vector<16xi32>
    %shift_right_arithmetic3A_2806 = arith.constant 12 : i32
    %shift_right_arithmetic3A_2807 = vector.broadcast %shift_right_arithmetic3A_2806 : i32 to vector<16xi32>
    %shift_right_arithmetic3A_2808 = arith.shrsi %get3A_2781, %shift_right_arithmetic3A_2807 : vector<16xi32>
    %and3A_2809 = arith.constant 1 : i32
    %and3A_2810 = vector.broadcast %and3A_2809 : i32 to vector<16xi32>
    %and3A_2811 = arith.andi %shift_right_arithmetic3A_2808, %and3A_2810 : vector<16xi32>
    %eq3A_2812 = arith.constant 1 : i32
    %eq3A_2813 = vector.broadcast %eq3A_2812 : i32 to vector<16xi32>
    %eq3A_2814 = arith.cmpi eq, %and3A_2811, %eq3A_2813 : vector<16xi32>
    %shift_right_arithmetic3A_2815 = arith.constant 12 : i32
    %shift_right_arithmetic3A_2816 = vector.broadcast %shift_right_arithmetic3A_2815 : i32 to vector<16xi32>
    %shift_right_arithmetic3A_2817 = arith.shrsi %get3A_2787, %shift_right_arithmetic3A_2816 : vector<16xi32>
    %and3A_2818 = arith.constant 1 : i32
    %and3A_2819 = vector.broadcast %and3A_2818 : i32 to vector<16xi32>
    %and3A_2820 = arith.andi %shift_right_arithmetic3A_2817, %and3A_2819 : vector<16xi32>
    %eq3A_2821 = arith.constant 1 : i32
    %eq3A_2822 = vector.broadcast %eq3A_2821 : i32 to vector<16xi32>
    %eq3A_2823 = arith.cmpi eq, %and3A_2820, %eq3A_2822 : vector<16xi32>
    %get3A_2824 = arith.constant 48 : index
    %get3A_2825 = tpu.vector_load %arg15[%get3A_2824] {strides = array<i32>} : memref<128xf32, #tpu.memory_space<vmem>>, vector<16xf32>,
    %get3A_2826 = arith.constant 48 : index
    %get3A_2827 = tpu.vector_load %arg16[%get3A_2826] {strides = array<i32>} : memref<128xf32, #tpu.memory_space<vmem>>, vector<16xf32>,
    %add3A_2828 = arith.addf %get3A_2825, %get3A_2827 : vector<16xf32>
    %scan3A_2829 = arith.constant 0 : i32
    %scan3A_2830 = arith.constant 64 : i32
    %scan3A_2831 = arith.addi %scan3A_2829, %scan3A_2830 : i32
    %scan3A_2832 = arith.constant 1 : i32
    %scan3A_2833 = scf.for %scan3A_3659 = %scan3A_2829 to %scan3A_2831 step %scan3A_2832 iter_args(%scan3A_3660 = %add3A_2828) -> (vector<16xf32>)  : i32 {
      %add3A_3661 = vector.broadcast %scan3A_3659 : i32 to vector<16xi32>
      %add3A_3662 = arith.addi %shift_left3A_2796, %add3A_3661 : vector<16xi32>
      %gather3A = tpu.vector_load_idx %arg13[%add3A_2775, %add3A_3662] : memref<128x128xi32, #tpu.memory_space<vmem>>[vector<16xi32>, vector<16xi32>], vector<16xi32>,
      %add3A_3663 = vector.broadcast %scan3A_3659 : i32 to vector<16xi32>
      %add3A_3664 = arith.addi %shift_left3A_2805, %add3A_3663 : vector<16xi32>
      %gather3A_3665 = tpu.vector_load_idx %arg14[%add3A_2775, %add3A_3664] : memref<128x128xi32, #tpu.memory_space<vmem>>[vector<16xi32>, vector<16xi32>], vector<16xi32>,
      %bitcast3A = vector.bitcast %gather3A : vector<16xi32> to vector<32xbf16>
      %unpack3A = tpu.unpack_subelements %bitcast3A, 0 {pack_format = #tpu.pack_format<interleaved>} : vector<32xbf16> -> vector<16xf32>
      %unpack3A_3666 = tpu.unpack_subelements %bitcast3A, 1 {pack_format = #tpu.pack_format<interleaved>} : vector<32xbf16> -> vector<16xf32>
      %bitcast3A_3667 = vector.bitcast %gather3A_3665 : vector<16xi32> to vector<32xbf16>
      %unpack3A_3668 = tpu.unpack_subelements %bitcast3A_3667, 0 {pack_format = #tpu.pack_format<interleaved>} : vector<32xbf16> -> vector<16xf32>
      %unpack3A_3669 = tpu.unpack_subelements %bitcast3A_3667, 1 {pack_format = #tpu.pack_format<interleaved>} : vector<32xbf16> -> vector<16xf32>
      %select_n3A = arith.select %eq3A_2814, %unpack3A_3666, %unpack3A : vector<16xi1>, vector<16xf32>
      %select_n3A_3670 = arith.select %eq3A_2823, %unpack3A_3669, %unpack3A_3668 : vector<16xi1>, vector<16xf32>
      %mul3A_3671 = arith.mulf %select_n3A, %select_n3A_3670 : vector<16xf32>
      %add3A_3672 = arith.addf %scan3A_3660, %mul3A_3671 : vector<16xf32>
      scf.yield %add3A_3672 : vector<16xf32>
    }
    %scan3A_2834 = arith.constant 64 : i32
    %swap3A_2835 = arith.constant 304 : index
    %swap3A_2836 = tpu.vector_load %arg17[%swap3A_2835] {strides = array<i32>} : memref<512xf32, #tpu.memory_space<vmem>>, vector<16xf32>,
    tpu.vector_store %arg17[%swap3A_2835], %scan3A_2833 {strides = array<i32>} : memref<512xf32, #tpu.memory_space<vmem>>, vector<16xf32>,
    %add3A_2837 = arith.constant 64 : i32
    %add3A_2838 = vector.broadcast %add3A_2837 : i32 to vector<16xi32>
    %add3A_2839 = arith.addi %add3A_2838, %iota3A : vector<16xi32>
    %get3A_2840 = arith.constant 2 : i32
    %get3A_2841 = arith.constant 0 : i32
    %get3A_2842 = tpu.memref_slice %arg9[%get3A_2840, %get3A_2841] : memref<4x128xi32, #tpu.memory_space<vmem>> -> memref<1x128xi32, #tpu.memory_space<vmem>>
    %get3A_2843 = tpu.memref_squeeze %get3A_2842 : memref<1x128xi32, #tpu.memory_space<vmem>> -> memref<128xi32, #tpu.memory_space<vmem>>
    %get3A_2844 = arith.constant 64 : index
    %get3A_2845 = tpu.vector_load %get3A_2843[%get3A_2844] {strides = array<i32>} : memref<128xi32, #tpu.memory_space<vmem>>, vector<16xi32>,
    %get3A_2846 = arith.constant 2 : i32
    %get3A_2847 = arith.constant 0 : i32
    %get3A_2848 = tpu.memref_slice %arg10[%get3A_2846, %get3A_2847] : memref<4x128xi32, #tpu.memory_space<vmem>> -> memref<1x128xi32, #tpu.memory_space<vmem>>
    %get3A_2849 = tpu.memref_squeeze %get3A_2848 : memref<1x128xi32, #tpu.memory_space<vmem>> -> memref<128xi32, #tpu.memory_space<vmem>>
    %get3A_2850 = arith.constant 64 : index
    %get3A_2851 = tpu.vector_load %get3A_2849[%get3A_2850] {strides = array<i32>} : memref<128xi32, #tpu.memory_space<vmem>>, vector<16xi32>,
    %shift_right_arithmetic3A_2852 = arith.constant 13 : i32
    %shift_right_arithmetic3A_2853 = vector.broadcast %shift_right_arithmetic3A_2852 : i32 to vector<16xi32>
    %shift_right_arithmetic3A_2854 = arith.shrsi %get3A_2845, %shift_right_arithmetic3A_2853 : vector<16xi32>
    %and3A_2855 = arith.constant 1 : i32
    %and3A_2856 = vector.broadcast %and3A_2855 : i32 to vector<16xi32>
    %and3A_2857 = arith.andi %shift_right_arithmetic3A_2854, %and3A_2856 : vector<16xi32>
    %shift_left3A_2858 = arith.constant 6 : i32
    %shift_left3A_2859 = vector.broadcast %shift_left3A_2858 : i32 to vector<16xi32>
    %shift_left3A_2860 = arith.shli %and3A_2857, %shift_left3A_2859 : vector<16xi32>
    %shift_right_arithmetic3A_2861 = arith.constant 13 : i32
    %shift_right_arithmetic3A_2862 = vector.broadcast %shift_right_arithmetic3A_2861 : i32 to vector<16xi32>
    %shift_right_arithmetic3A_2863 = arith.shrsi %get3A_2851, %shift_right_arithmetic3A_2862 : vector<16xi32>
    %and3A_2864 = arith.constant 1 : i32
    %and3A_2865 = vector.broadcast %and3A_2864 : i32 to vector<16xi32>
    %and3A_2866 = arith.andi %shift_right_arithmetic3A_2863, %and3A_2865 : vector<16xi32>
    %shift_left3A_2867 = arith.constant 6 : i32
    %shift_left3A_2868 = vector.broadcast %shift_left3A_2867 : i32 to vector<16xi32>
    %shift_left3A_2869 = arith.shli %and3A_2866, %shift_left3A_2868 : vector<16xi32>
    %shift_right_arithmetic3A_2870 = arith.constant 12 : i32
    %shift_right_arithmetic3A_2871 = vector.broadcast %shift_right_arithmetic3A_2870 : i32 to vector<16xi32>
    %shift_right_arithmetic3A_2872 = arith.shrsi %get3A_2845, %shift_right_arithmetic3A_2871 : vector<16xi32>
    %and3A_2873 = arith.constant 1 : i32
    %and3A_2874 = vector.broadcast %and3A_2873 : i32 to vector<16xi32>
    %and3A_2875 = arith.andi %shift_right_arithmetic3A_2872, %and3A_2874 : vector<16xi32>
    %eq3A_2876 = arith.constant 1 : i32
    %eq3A_2877 = vector.broadcast %eq3A_2876 : i32 to vector<16xi32>
    %eq3A_2878 = arith.cmpi eq, %and3A_2875, %eq3A_2877 : vector<16xi32>
    %shift_right_arithmetic3A_2879 = arith.constant 12 : i32
    %shift_right_arithmetic3A_2880 = vector.broadcast %shift_right_arithmetic3A_2879 : i32 to vector<16xi32>
    %shift_right_arithmetic3A_2881 = arith.shrsi %get3A_2851, %shift_right_arithmetic3A_2880 : vector<16xi32>
    %and3A_2882 = arith.constant 1 : i32
    %and3A_2883 = vector.broadcast %and3A_2882 : i32 to vector<16xi32>
    %and3A_2884 = arith.andi %shift_right_arithmetic3A_2881, %and3A_2883 : vector<16xi32>
    %eq3A_2885 = arith.constant 1 : i32
    %eq3A_2886 = vector.broadcast %eq3A_2885 : i32 to vector<16xi32>
    %eq3A_2887 = arith.cmpi eq, %and3A_2884, %eq3A_2886 : vector<16xi32>
    %get3A_2888 = arith.constant 64 : index
    %get3A_2889 = tpu.vector_load %arg15[%get3A_2888] {strides = array<i32>} : memref<128xf32, #tpu.memory_space<vmem>>, vector<16xf32>,
    %get3A_2890 = arith.constant 64 : index
    %get3A_2891 = tpu.vector_load %arg16[%get3A_2890] {strides = array<i32>} : memref<128xf32, #tpu.memory_space<vmem>>, vector<16xf32>,
    %add3A_2892 = arith.addf %get3A_2889, %get3A_2891 : vector<16xf32>
    %scan3A_2893 = arith.constant 0 : i32
    %scan3A_2894 = arith.constant 64 : i32
    %scan3A_2895 = arith.addi %scan3A_2893, %scan3A_2894 : i32
    %scan3A_2896 = arith.constant 1 : i32
    %scan3A_2897 = scf.for %scan3A_3659 = %scan3A_2893 to %scan3A_2895 step %scan3A_2896 iter_args(%scan3A_3660 = %add3A_2892) -> (vector<16xf32>)  : i32 {
      %add3A_3661 = vector.broadcast %scan3A_3659 : i32 to vector<16xi32>
      %add3A_3662 = arith.addi %shift_left3A_2860, %add3A_3661 : vector<16xi32>
      %gather3A = tpu.vector_load_idx %arg13[%add3A_2839, %add3A_3662] : memref<128x128xi32, #tpu.memory_space<vmem>>[vector<16xi32>, vector<16xi32>], vector<16xi32>,
      %add3A_3663 = vector.broadcast %scan3A_3659 : i32 to vector<16xi32>
      %add3A_3664 = arith.addi %shift_left3A_2869, %add3A_3663 : vector<16xi32>
      %gather3A_3665 = tpu.vector_load_idx %arg14[%add3A_2839, %add3A_3664] : memref<128x128xi32, #tpu.memory_space<vmem>>[vector<16xi32>, vector<16xi32>], vector<16xi32>,
      %bitcast3A = vector.bitcast %gather3A : vector<16xi32> to vector<32xbf16>
      %unpack3A = tpu.unpack_subelements %bitcast3A, 0 {pack_format = #tpu.pack_format<interleaved>} : vector<32xbf16> -> vector<16xf32>
      %unpack3A_3666 = tpu.unpack_subelements %bitcast3A, 1 {pack_format = #tpu.pack_format<interleaved>} : vector<32xbf16> -> vector<16xf32>
      %bitcast3A_3667 = vector.bitcast %gather3A_3665 : vector<16xi32> to vector<32xbf16>
      %unpack3A_3668 = tpu.unpack_subelements %bitcast3A_3667, 0 {pack_format = #tpu.pack_format<interleaved>} : vector<32xbf16> -> vector<16xf32>
      %unpack3A_3669 = tpu.unpack_subelements %bitcast3A_3667, 1 {pack_format = #tpu.pack_format<interleaved>} : vector<32xbf16> -> vector<16xf32>
      %select_n3A = arith.select %eq3A_2878, %unpack3A_3666, %unpack3A : vector<16xi1>, vector<16xf32>
      %select_n3A_3670 = arith.select %eq3A_2887, %unpack3A_3669, %unpack3A_3668 : vector<16xi1>, vector<16xf32>
      %mul3A_3671 = arith.mulf %select_n3A, %select_n3A_3670 : vector<16xf32>
      %add3A_3672 = arith.addf %scan3A_3660, %mul3A_3671 : vector<16xf32>
      scf.yield %add3A_3672 : vector<16xf32>
    }
    %scan3A_2898 = arith.constant 64 : i32
    %swap3A_2899 = arith.constant 320 : index
    %swap3A_2900 = tpu.vector_load %arg17[%swap3A_2899] {strides = array<i32>} : memref<512xf32, #tpu.memory_space<vmem>>, vector<16xf32>,
    tpu.vector_store %arg17[%swap3A_2899], %scan3A_2897 {strides = array<i32>} : memref<512xf32, #tpu.memory_space<vmem>>, vector<16xf32>,
    %add3A_2901 = arith.constant 80 : i32
    %add3A_2902 = vector.broadcast %add3A_2901 : i32 to vector<16xi32>
    %add3A_2903 = arith.addi %add3A_2902, %iota3A : vector<16xi32>
    %get3A_2904 = arith.constant 2 : i32
    %get3A_2905 = arith.constant 0 : i32
    %get3A_2906 = tpu.memref_slice %arg9[%get3A_2904, %get3A_2905] : memref<4x128xi32, #tpu.memory_space<vmem>> -> memref<1x128xi32, #tpu.memory_space<vmem>>
    %get3A_2907 = tpu.memref_squeeze %get3A_2906 : memref<1x128xi32, #tpu.memory_space<vmem>> -> memref<128xi32, #tpu.memory_space<vmem>>
    %get3A_2908 = arith.constant 80 : index
    %get3A_2909 = tpu.vector_load %get3A_2907[%get3A_2908] {strides = array<i32>} : memref<128xi32, #tpu.memory_space<vmem>>, vector<16xi32>,
    %get3A_2910 = arith.constant 2 : i32
    %get3A_2911 = arith.constant 0 : i32
    %get3A_2912 = tpu.memref_slice %arg10[%get3A_2910, %get3A_2911] : memref<4x128xi32, #tpu.memory_space<vmem>> -> memref<1x128xi32, #tpu.memory_space<vmem>>
    %get3A_2913 = tpu.memref_squeeze %get3A_2912 : memref<1x128xi32, #tpu.memory_space<vmem>> -> memref<128xi32, #tpu.memory_space<vmem>>
    %get3A_2914 = arith.constant 80 : index
    %get3A_2915 = tpu.vector_load %get3A_2913[%get3A_2914] {strides = array<i32>} : memref<128xi32, #tpu.memory_space<vmem>>, vector<16xi32>,
    %shift_right_arithmetic3A_2916 = arith.constant 13 : i32
    %shift_right_arithmetic3A_2917 = vector.broadcast %shift_right_arithmetic3A_2916 : i32 to vector<16xi32>
    %shift_right_arithmetic3A_2918 = arith.shrsi %get3A_2909, %shift_right_arithmetic3A_2917 : vector<16xi32>
    %and3A_2919 = arith.constant 1 : i32
    %and3A_2920 = vector.broadcast %and3A_2919 : i32 to vector<16xi32>
    %and3A_2921 = arith.andi %shift_right_arithmetic3A_2918, %and3A_2920 : vector<16xi32>
    %shift_left3A_2922 = arith.constant 6 : i32
    %shift_left3A_2923 = vector.broadcast %shift_left3A_2922 : i32 to vector<16xi32>
    %shift_left3A_2924 = arith.shli %and3A_2921, %shift_left3A_2923 : vector<16xi32>
    %shift_right_arithmetic3A_2925 = arith.constant 13 : i32
    %shift_right_arithmetic3A_2926 = vector.broadcast %shift_right_arithmetic3A_2925 : i32 to vector<16xi32>
    %shift_right_arithmetic3A_2927 = arith.shrsi %get3A_2915, %shift_right_arithmetic3A_2926 : vector<16xi32>
    %and3A_2928 = arith.constant 1 : i32
    %and3A_2929 = vector.broadcast %and3A_2928 : i32 to vector<16xi32>
    %and3A_2930 = arith.andi %shift_right_arithmetic3A_2927, %and3A_2929 : vector<16xi32>
    %shift_left3A_2931 = arith.constant 6 : i32
    %shift_left3A_2932 = vector.broadcast %shift_left3A_2931 : i32 to vector<16xi32>
    %shift_left3A_2933 = arith.shli %and3A_2930, %shift_left3A_2932 : vector<16xi32>
    %shift_right_arithmetic3A_2934 = arith.constant 12 : i32
    %shift_right_arithmetic3A_2935 = vector.broadcast %shift_right_arithmetic3A_2934 : i32 to vector<16xi32>
    %shift_right_arithmetic3A_2936 = arith.shrsi %get3A_2909, %shift_right_arithmetic3A_2935 : vector<16xi32>
    %and3A_2937 = arith.constant 1 : i32
    %and3A_2938 = vector.broadcast %and3A_2937 : i32 to vector<16xi32>
    %and3A_2939 = arith.andi %shift_right_arithmetic3A_2936, %and3A_2938 : vector<16xi32>
    %eq3A_2940 = arith.constant 1 : i32
    %eq3A_2941 = vector.broadcast %eq3A_2940 : i32 to vector<16xi32>
    %eq3A_2942 = arith.cmpi eq, %and3A_2939, %eq3A_2941 : vector<16xi32>
    %shift_right_arithmetic3A_2943 = arith.constant 12 : i32
    %shift_right_arithmetic3A_2944 = vector.broadcast %shift_right_arithmetic3A_2943 : i32 to vector<16xi32>
    %shift_right_arithmetic3A_2945 = arith.shrsi %get3A_2915, %shift_right_arithmetic3A_2944 : vector<16xi32>
    %and3A_2946 = arith.constant 1 : i32
    %and3A_2947 = vector.broadcast %and3A_2946 : i32 to vector<16xi32>
    %and3A_2948 = arith.andi %shift_right_arithmetic3A_2945, %and3A_2947 : vector<16xi32>
    %eq3A_2949 = arith.constant 1 : i32
    %eq3A_2950 = vector.broadcast %eq3A_2949 : i32 to vector<16xi32>
    %eq3A_2951 = arith.cmpi eq, %and3A_2948, %eq3A_2950 : vector<16xi32>
    %get3A_2952 = arith.constant 80 : index
    %get3A_2953 = tpu.vector_load %arg15[%get3A_2952] {strides = array<i32>} : memref<128xf32, #tpu.memory_space<vmem>>, vector<16xf32>,
    %get3A_2954 = arith.constant 80 : index
    %get3A_2955 = tpu.vector_load %arg16[%get3A_2954] {strides = array<i32>} : memref<128xf32, #tpu.memory_space<vmem>>, vector<16xf32>,
    %add3A_2956 = arith.addf %get3A_2953, %get3A_2955 : vector<16xf32>
    %scan3A_2957 = arith.constant 0 : i32
    %scan3A_2958 = arith.constant 64 : i32
    %scan3A_2959 = arith.addi %scan3A_2957, %scan3A_2958 : i32
    %scan3A_2960 = arith.constant 1 : i32
    %scan3A_2961 = scf.for %scan3A_3659 = %scan3A_2957 to %scan3A_2959 step %scan3A_2960 iter_args(%scan3A_3660 = %add3A_2956) -> (vector<16xf32>)  : i32 {
      %add3A_3661 = vector.broadcast %scan3A_3659 : i32 to vector<16xi32>
      %add3A_3662 = arith.addi %shift_left3A_2924, %add3A_3661 : vector<16xi32>
      %gather3A = tpu.vector_load_idx %arg13[%add3A_2903, %add3A_3662] : memref<128x128xi32, #tpu.memory_space<vmem>>[vector<16xi32>, vector<16xi32>], vector<16xi32>,
      %add3A_3663 = vector.broadcast %scan3A_3659 : i32 to vector<16xi32>
      %add3A_3664 = arith.addi %shift_left3A_2933, %add3A_3663 : vector<16xi32>
      %gather3A_3665 = tpu.vector_load_idx %arg14[%add3A_2903, %add3A_3664] : memref<128x128xi32, #tpu.memory_space<vmem>>[vector<16xi32>, vector<16xi32>], vector<16xi32>,
      %bitcast3A = vector.bitcast %gather3A : vector<16xi32> to vector<32xbf16>
      %unpack3A = tpu.unpack_subelements %bitcast3A, 0 {pack_format = #tpu.pack_format<interleaved>} : vector<32xbf16> -> vector<16xf32>
      %unpack3A_3666 = tpu.unpack_subelements %bitcast3A, 1 {pack_format = #tpu.pack_format<interleaved>} : vector<32xbf16> -> vector<16xf32>
      %bitcast3A_3667 = vector.bitcast %gather3A_3665 : vector<16xi32> to vector<32xbf16>
      %unpack3A_3668 = tpu.unpack_subelements %bitcast3A_3667, 0 {pack_format = #tpu.pack_format<interleaved>} : vector<32xbf16> -> vector<16xf32>
      %unpack3A_3669 = tpu.unpack_subelements %bitcast3A_3667, 1 {pack_format = #tpu.pack_format<interleaved>} : vector<32xbf16> -> vector<16xf32>
      %select_n3A = arith.select %eq3A_2942, %unpack3A_3666, %unpack3A : vector<16xi1>, vector<16xf32>
      %select_n3A_3670 = arith.select %eq3A_2951, %unpack3A_3669, %unpack3A_3668 : vector<16xi1>, vector<16xf32>
      %mul3A_3671 = arith.mulf %select_n3A, %select_n3A_3670 : vector<16xf32>
      %add3A_3672 = arith.addf %scan3A_3660, %mul3A_3671 : vector<16xf32>
      scf.yield %add3A_3672 : vector<16xf32>
    }
    %scan3A_2962 = arith.constant 64 : i32
    %swap3A_2963 = arith.constant 336 : index
    %swap3A_2964 = tpu.vector_load %arg17[%swap3A_2963] {strides = array<i32>} : memref<512xf32, #tpu.memory_space<vmem>>, vector<16xf32>,
    tpu.vector_store %arg17[%swap3A_2963], %scan3A_2961 {strides = array<i32>} : memref<512xf32, #tpu.memory_space<vmem>>, vector<16xf32>,
    %add3A_2965 = arith.constant 96 : i32
    %add3A_2966 = vector.broadcast %add3A_2965 : i32 to vector<16xi32>
    %add3A_2967 = arith.addi %add3A_2966, %iota3A : vector<16xi32>
    %get3A_2968 = arith.constant 2 : i32
    %get3A_2969 = arith.constant 0 : i32
    %get3A_2970 = tpu.memref_slice %arg9[%get3A_2968, %get3A_2969] : memref<4x128xi32, #tpu.memory_space<vmem>> -> memref<1x128xi32, #tpu.memory_space<vmem>>
    %get3A_2971 = tpu.memref_squeeze %get3A_2970 : memref<1x128xi32, #tpu.memory_space<vmem>> -> memref<128xi32, #tpu.memory_space<vmem>>
    %get3A_2972 = arith.constant 96 : index
    %get3A_2973 = tpu.vector_load %get3A_2971[%get3A_2972] {strides = array<i32>} : memref<128xi32, #tpu.memory_space<vmem>>, vector<16xi32>,
    %get3A_2974 = arith.constant 2 : i32
    %get3A_2975 = arith.constant 0 : i32
    %get3A_2976 = tpu.memref_slice %arg10[%get3A_2974, %get3A_2975] : memref<4x128xi32, #tpu.memory_space<vmem>> -> memref<1x128xi32, #tpu.memory_space<vmem>>
    %get3A_2977 = tpu.memref_squeeze %get3A_2976 : memref<1x128xi32, #tpu.memory_space<vmem>> -> memref<128xi32, #tpu.memory_space<vmem>>
    %get3A_2978 = arith.constant 96 : index
    %get3A_2979 = tpu.vector_load %get3A_2977[%get3A_2978] {strides = array<i32>} : memref<128xi32, #tpu.memory_space<vmem>>, vector<16xi32>,
    %shift_right_arithmetic3A_2980 = arith.constant 13 : i32
    %shift_right_arithmetic3A_2981 = vector.broadcast %shift_right_arithmetic3A_2980 : i32 to vector<16xi32>
    %shift_right_arithmetic3A_2982 = arith.shrsi %get3A_2973, %shift_right_arithmetic3A_2981 : vector<16xi32>
    %and3A_2983 = arith.constant 1 : i32
    %and3A_2984 = vector.broadcast %and3A_2983 : i32 to vector<16xi32>
    %and3A_2985 = arith.andi %shift_right_arithmetic3A_2982, %and3A_2984 : vector<16xi32>
    %shift_left3A_2986 = arith.constant 6 : i32
    %shift_left3A_2987 = vector.broadcast %shift_left3A_2986 : i32 to vector<16xi32>
    %shift_left3A_2988 = arith.shli %and3A_2985, %shift_left3A_2987 : vector<16xi32>
    %shift_right_arithmetic3A_2989 = arith.constant 13 : i32
    %shift_right_arithmetic3A_2990 = vector.broadcast %shift_right_arithmetic3A_2989 : i32 to vector<16xi32>
    %shift_right_arithmetic3A_2991 = arith.shrsi %get3A_2979, %shift_right_arithmetic3A_2990 : vector<16xi32>
    %and3A_2992 = arith.constant 1 : i32
    %and3A_2993 = vector.broadcast %and3A_2992 : i32 to vector<16xi32>
    %and3A_2994 = arith.andi %shift_right_arithmetic3A_2991, %and3A_2993 : vector<16xi32>
    %shift_left3A_2995 = arith.constant 6 : i32
    %shift_left3A_2996 = vector.broadcast %shift_left3A_2995 : i32 to vector<16xi32>
    %shift_left3A_2997 = arith.shli %and3A_2994, %shift_left3A_2996 : vector<16xi32>
    %shift_right_arithmetic3A_2998 = arith.constant 12 : i32
    %shift_right_arithmetic3A_2999 = vector.broadcast %shift_right_arithmetic3A_2998 : i32 to vector<16xi32>
    %shift_right_arithmetic3A_3000 = arith.shrsi %get3A_2973, %shift_right_arithmetic3A_2999 : vector<16xi32>
    %and3A_3001 = arith.constant 1 : i32
    %and3A_3002 = vector.broadcast %and3A_3001 : i32 to vector<16xi32>
    %and3A_3003 = arith.andi %shift_right_arithmetic3A_3000, %and3A_3002 : vector<16xi32>
    %eq3A_3004 = arith.constant 1 : i32
    %eq3A_3005 = vector.broadcast %eq3A_3004 : i32 to vector<16xi32>
    %eq3A_3006 = arith.cmpi eq, %and3A_3003, %eq3A_3005 : vector<16xi32>
    %shift_right_arithmetic3A_3007 = arith.constant 12 : i32
    %shift_right_arithmetic3A_3008 = vector.broadcast %shift_right_arithmetic3A_3007 : i32 to vector<16xi32>
    %shift_right_arithmetic3A_3009 = arith.shrsi %get3A_2979, %shift_right_arithmetic3A_3008 : vector<16xi32>
    %and3A_3010 = arith.constant 1 : i32
    %and3A_3011 = vector.broadcast %and3A_3010 : i32 to vector<16xi32>
    %and3A_3012 = arith.andi %shift_right_arithmetic3A_3009, %and3A_3011 : vector<16xi32>
    %eq3A_3013 = arith.constant 1 : i32
    %eq3A_3014 = vector.broadcast %eq3A_3013 : i32 to vector<16xi32>
    %eq3A_3015 = arith.cmpi eq, %and3A_3012, %eq3A_3014 : vector<16xi32>
    %get3A_3016 = arith.constant 96 : index
    %get3A_3017 = tpu.vector_load %arg15[%get3A_3016] {strides = array<i32>} : memref<128xf32, #tpu.memory_space<vmem>>, vector<16xf32>,
    %get3A_3018 = arith.constant 96 : index
    %get3A_3019 = tpu.vector_load %arg16[%get3A_3018] {strides = array<i32>} : memref<128xf32, #tpu.memory_space<vmem>>, vector<16xf32>,
    %add3A_3020 = arith.addf %get3A_3017, %get3A_3019 : vector<16xf32>
    %scan3A_3021 = arith.constant 0 : i32
    %scan3A_3022 = arith.constant 64 : i32
    %scan3A_3023 = arith.addi %scan3A_3021, %scan3A_3022 : i32
    %scan3A_3024 = arith.constant 1 : i32
    %scan3A_3025 = scf.for %scan3A_3659 = %scan3A_3021 to %scan3A_3023 step %scan3A_3024 iter_args(%scan3A_3660 = %add3A_3020) -> (vector<16xf32>)  : i32 {
      %add3A_3661 = vector.broadcast %scan3A_3659 : i32 to vector<16xi32>
      %add3A_3662 = arith.addi %shift_left3A_2988, %add3A_3661 : vector<16xi32>
      %gather3A = tpu.vector_load_idx %arg13[%add3A_2967, %add3A_3662] : memref<128x128xi32, #tpu.memory_space<vmem>>[vector<16xi32>, vector<16xi32>], vector<16xi32>,
      %add3A_3663 = vector.broadcast %scan3A_3659 : i32 to vector<16xi32>
      %add3A_3664 = arith.addi %shift_left3A_2997, %add3A_3663 : vector<16xi32>
      %gather3A_3665 = tpu.vector_load_idx %arg14[%add3A_2967, %add3A_3664] : memref<128x128xi32, #tpu.memory_space<vmem>>[vector<16xi32>, vector<16xi32>], vector<16xi32>,
      %bitcast3A = vector.bitcast %gather3A : vector<16xi32> to vector<32xbf16>
      %unpack3A = tpu.unpack_subelements %bitcast3A, 0 {pack_format = #tpu.pack_format<interleaved>} : vector<32xbf16> -> vector<16xf32>
      %unpack3A_3666 = tpu.unpack_subelements %bitcast3A, 1 {pack_format = #tpu.pack_format<interleaved>} : vector<32xbf16> -> vector<16xf32>
      %bitcast3A_3667 = vector.bitcast %gather3A_3665 : vector<16xi32> to vector<32xbf16>
      %unpack3A_3668 = tpu.unpack_subelements %bitcast3A_3667, 0 {pack_format = #tpu.pack_format<interleaved>} : vector<32xbf16> -> vector<16xf32>
      %unpack3A_3669 = tpu.unpack_subelements %bitcast3A_3667, 1 {pack_format = #tpu.pack_format<interleaved>} : vector<32xbf16> -> vector<16xf32>
      %select_n3A = arith.select %eq3A_3006, %unpack3A_3666, %unpack3A : vector<16xi1>, vector<16xf32>
      %select_n3A_3670 = arith.select %eq3A_3015, %unpack3A_3669, %unpack3A_3668 : vector<16xi1>, vector<16xf32>
      %mul3A_3671 = arith.mulf %select_n3A, %select_n3A_3670 : vector<16xf32>
      %add3A_3672 = arith.addf %scan3A_3660, %mul3A_3671 : vector<16xf32>
      scf.yield %add3A_3672 : vector<16xf32>
    }
    %scan3A_3026 = arith.constant 64 : i32
    %swap3A_3027 = arith.constant 352 : index
    %swap3A_3028 = tpu.vector_load %arg17[%swap3A_3027] {strides = array<i32>} : memref<512xf32, #tpu.memory_space<vmem>>, vector<16xf32>,
    tpu.vector_store %arg17[%swap3A_3027], %scan3A_3025 {strides = array<i32>} : memref<512xf32, #tpu.memory_space<vmem>>, vector<16xf32>,
    %add3A_3029 = arith.constant 112 : i32
    %add3A_3030 = vector.broadcast %add3A_3029 : i32 to vector<16xi32>
    %add3A_3031 = arith.addi %add3A_3030, %iota3A : vector<16xi32>
    %get3A_3032 = arith.constant 2 : i32
    %get3A_3033 = arith.constant 0 : i32
    %get3A_3034 = tpu.memref_slice %arg9[%get3A_3032, %get3A_3033] : memref<4x128xi32, #tpu.memory_space<vmem>> -> memref<1x128xi32, #tpu.memory_space<vmem>>
    %get3A_3035 = tpu.memref_squeeze %get3A_3034 : memref<1x128xi32, #tpu.memory_space<vmem>> -> memref<128xi32, #tpu.memory_space<vmem>>
    %get3A_3036 = arith.constant 112 : index
    %get3A_3037 = tpu.vector_load %get3A_3035[%get3A_3036] {strides = array<i32>} : memref<128xi32, #tpu.memory_space<vmem>>, vector<16xi32>,
    %get3A_3038 = arith.constant 2 : i32
    %get3A_3039 = arith.constant 0 : i32
    %get3A_3040 = tpu.memref_slice %arg10[%get3A_3038, %get3A_3039] : memref<4x128xi32, #tpu.memory_space<vmem>> -> memref<1x128xi32, #tpu.memory_space<vmem>>
    %get3A_3041 = tpu.memref_squeeze %get3A_3040 : memref<1x128xi32, #tpu.memory_space<vmem>> -> memref<128xi32, #tpu.memory_space<vmem>>
    %get3A_3042 = arith.constant 112 : index
    %get3A_3043 = tpu.vector_load %get3A_3041[%get3A_3042] {strides = array<i32>} : memref<128xi32, #tpu.memory_space<vmem>>, vector<16xi32>,
    %shift_right_arithmetic3A_3044 = arith.constant 13 : i32
    %shift_right_arithmetic3A_3045 = vector.broadcast %shift_right_arithmetic3A_3044 : i32 to vector<16xi32>
    %shift_right_arithmetic3A_3046 = arith.shrsi %get3A_3037, %shift_right_arithmetic3A_3045 : vector<16xi32>
    %and3A_3047 = arith.constant 1 : i32
    %and3A_3048 = vector.broadcast %and3A_3047 : i32 to vector<16xi32>
    %and3A_3049 = arith.andi %shift_right_arithmetic3A_3046, %and3A_3048 : vector<16xi32>
    %shift_left3A_3050 = arith.constant 6 : i32
    %shift_left3A_3051 = vector.broadcast %shift_left3A_3050 : i32 to vector<16xi32>
    %shift_left3A_3052 = arith.shli %and3A_3049, %shift_left3A_3051 : vector<16xi32>
    %shift_right_arithmetic3A_3053 = arith.constant 13 : i32
    %shift_right_arithmetic3A_3054 = vector.broadcast %shift_right_arithmetic3A_3053 : i32 to vector<16xi32>
    %shift_right_arithmetic3A_3055 = arith.shrsi %get3A_3043, %shift_right_arithmetic3A_3054 : vector<16xi32>
    %and3A_3056 = arith.constant 1 : i32
    %and3A_3057 = vector.broadcast %and3A_3056 : i32 to vector<16xi32>
    %and3A_3058 = arith.andi %shift_right_arithmetic3A_3055, %and3A_3057 : vector<16xi32>
    %shift_left3A_3059 = arith.constant 6 : i32
    %shift_left3A_3060 = vector.broadcast %shift_left3A_3059 : i32 to vector<16xi32>
    %shift_left3A_3061 = arith.shli %and3A_3058, %shift_left3A_3060 : vector<16xi32>
    %shift_right_arithmetic3A_3062 = arith.constant 12 : i32
    %shift_right_arithmetic3A_3063 = vector.broadcast %shift_right_arithmetic3A_3062 : i32 to vector<16xi32>
    %shift_right_arithmetic3A_3064 = arith.shrsi %get3A_3037, %shift_right_arithmetic3A_3063 : vector<16xi32>
    %and3A_3065 = arith.constant 1 : i32
    %and3A_3066 = vector.broadcast %and3A_3065 : i32 to vector<16xi32>
    %and3A_3067 = arith.andi %shift_right_arithmetic3A_3064, %and3A_3066 : vector<16xi32>
    %eq3A_3068 = arith.constant 1 : i32
    %eq3A_3069 = vector.broadcast %eq3A_3068 : i32 to vector<16xi32>
    %eq3A_3070 = arith.cmpi eq, %and3A_3067, %eq3A_3069 : vector<16xi32>
    %shift_right_arithmetic3A_3071 = arith.constant 12 : i32
    %shift_right_arithmetic3A_3072 = vector.broadcast %shift_right_arithmetic3A_3071 : i32 to vector<16xi32>
    %shift_right_arithmetic3A_3073 = arith.shrsi %get3A_3043, %shift_right_arithmetic3A_3072 : vector<16xi32>
    %and3A_3074 = arith.constant 1 : i32
    %and3A_3075 = vector.broadcast %and3A_3074 : i32 to vector<16xi32>
    %and3A_3076 = arith.andi %shift_right_arithmetic3A_3073, %and3A_3075 : vector<16xi32>
    %eq3A_3077 = arith.constant 1 : i32
    %eq3A_3078 = vector.broadcast %eq3A_3077 : i32 to vector<16xi32>
    %eq3A_3079 = arith.cmpi eq, %and3A_3076, %eq3A_3078 : vector<16xi32>
    %get3A_3080 = arith.constant 112 : index
    %get3A_3081 = tpu.vector_load %arg15[%get3A_3080] {strides = array<i32>} : memref<128xf32, #tpu.memory_space<vmem>>, vector<16xf32>,
    %get3A_3082 = arith.constant 112 : index
    %get3A_3083 = tpu.vector_load %arg16[%get3A_3082] {strides = array<i32>} : memref<128xf32, #tpu.memory_space<vmem>>, vector<16xf32>,
    %add3A_3084 = arith.addf %get3A_3081, %get3A_3083 : vector<16xf32>
    %scan3A_3085 = arith.constant 0 : i32
    %scan3A_3086 = arith.constant 64 : i32
    %scan3A_3087 = arith.addi %scan3A_3085, %scan3A_3086 : i32
    %scan3A_3088 = arith.constant 1 : i32
    %scan3A_3089 = scf.for %scan3A_3659 = %scan3A_3085 to %scan3A_3087 step %scan3A_3088 iter_args(%scan3A_3660 = %add3A_3084) -> (vector<16xf32>)  : i32 {
      %add3A_3661 = vector.broadcast %scan3A_3659 : i32 to vector<16xi32>
      %add3A_3662 = arith.addi %shift_left3A_3052, %add3A_3661 : vector<16xi32>
      %gather3A = tpu.vector_load_idx %arg13[%add3A_3031, %add3A_3662] : memref<128x128xi32, #tpu.memory_space<vmem>>[vector<16xi32>, vector<16xi32>], vector<16xi32>,
      %add3A_3663 = vector.broadcast %scan3A_3659 : i32 to vector<16xi32>
      %add3A_3664 = arith.addi %shift_left3A_3061, %add3A_3663 : vector<16xi32>
      %gather3A_3665 = tpu.vector_load_idx %arg14[%add3A_3031, %add3A_3664] : memref<128x128xi32, #tpu.memory_space<vmem>>[vector<16xi32>, vector<16xi32>], vector<16xi32>,
      %bitcast3A = vector.bitcast %gather3A : vector<16xi32> to vector<32xbf16>
      %unpack3A = tpu.unpack_subelements %bitcast3A, 0 {pack_format = #tpu.pack_format<interleaved>} : vector<32xbf16> -> vector<16xf32>
      %unpack3A_3666 = tpu.unpack_subelements %bitcast3A, 1 {pack_format = #tpu.pack_format<interleaved>} : vector<32xbf16> -> vector<16xf32>
      %bitcast3A_3667 = vector.bitcast %gather3A_3665 : vector<16xi32> to vector<32xbf16>
      %unpack3A_3668 = tpu.unpack_subelements %bitcast3A_3667, 0 {pack_format = #tpu.pack_format<interleaved>} : vector<32xbf16> -> vector<16xf32>
      %unpack3A_3669 = tpu.unpack_subelements %bitcast3A_3667, 1 {pack_format = #tpu.pack_format<interleaved>} : vector<32xbf16> -> vector<16xf32>
      %select_n3A = arith.select %eq3A_3070, %unpack3A_3666, %unpack3A : vector<16xi1>, vector<16xf32>
      %select_n3A_3670 = arith.select %eq3A_3079, %unpack3A_3669, %unpack3A_3668 : vector<16xi1>, vector<16xf32>
      %mul3A_3671 = arith.mulf %select_n3A, %select_n3A_3670 : vector<16xf32>
      %add3A_3672 = arith.addf %scan3A_3660, %mul3A_3671 : vector<16xf32>
      scf.yield %add3A_3672 : vector<16xf32>
    }
    %scan3A_3090 = arith.constant 64 : i32
    %swap3A_3091 = arith.constant 368 : index
    %swap3A_3092 = tpu.vector_load %arg17[%swap3A_3091] {strides = array<i32>} : memref<512xf32, #tpu.memory_space<vmem>>, vector<16xf32>,
    tpu.vector_store %arg17[%swap3A_3091], %scan3A_3089 {strides = array<i32>} : memref<512xf32, #tpu.memory_space<vmem>>, vector<16xf32>,
    %dma_start3A_3093 = arith.constant 3 : i32
    %dma_start3A_3094 = arith.constant 0 : i32
    %dma_start3A_3095 = tpu.memref_slice %arg11[%dma_start3A_3093, %dma_start3A_3094] : memref<4x128xi32, #tpu.memory_space<vmem>> -> memref<1x128xi32, #tpu.memory_space<vmem>>
    %dma_start3A_3096 = tpu.memref_squeeze %dma_start3A_3095 : memref<1x128xi32, #tpu.memory_space<vmem>> -> memref<128xi32, #tpu.memory_space<vmem>>
    %dma_start3A_3097 = arith.constant 0 : i32
    %dma_start3A_3098 = arith.constant 0 : i32
    %dma_start3A_3099 = tpu.memref_slice %arg4[%dma_start3A_3097, %dma_start3A_3098] : memref<253952x128xi32, #tpu.memory_space<hbm>> -> memref<253952x128xi32, #tpu.memory_space<hbm>>
    tpu.enqueue_indirect_dma source(%dma_start3A_3099 : memref<253952x128xi32, #tpu.memory_space<hbm>>) target(%arg13 : memref<128x128xi32, #tpu.memory_space<vmem>>) offsets(%dma_start3A_3096 : memref<128xi32, #tpu.memory_space<vmem>>) semaphore(%arg18 : memref<!tpu.dma_semaphore, #tpu.memory_space<semaphore_mem>>)
    %dma_start3A_3100 = arith.constant 3 : i32
    %dma_start3A_3101 = arith.constant 0 : i32
    %dma_start3A_3102 = tpu.memref_slice %arg12[%dma_start3A_3100, %dma_start3A_3101] : memref<4x128xi32, #tpu.memory_space<vmem>> -> memref<1x128xi32, #tpu.memory_space<vmem>>
    %dma_start3A_3103 = tpu.memref_squeeze %dma_start3A_3102 : memref<1x128xi32, #tpu.memory_space<vmem>> -> memref<128xi32, #tpu.memory_space<vmem>>
    %dma_start3A_3104 = arith.constant 0 : i32
    %dma_start3A_3105 = arith.constant 0 : i32
    %dma_start3A_3106 = tpu.memref_slice %arg5[%dma_start3A_3104, %dma_start3A_3105] : memref<253952x128xi32, #tpu.memory_space<hbm>> -> memref<253952x128xi32, #tpu.memory_space<hbm>>
    tpu.enqueue_indirect_dma source(%dma_start3A_3106 : memref<253952x128xi32, #tpu.memory_space<hbm>>) target(%arg14 : memref<128x128xi32, #tpu.memory_space<vmem>>) offsets(%dma_start3A_3103 : memref<128xi32, #tpu.memory_space<vmem>>) semaphore(%arg18 : memref<!tpu.dma_semaphore, #tpu.memory_space<semaphore_mem>>)
    %dma_start3A_3107 = arith.constant 3 : i32
    %dma_start3A_3108 = arith.constant 0 : i32
    %dma_start3A_3109 = tpu.memref_slice %arg9[%dma_start3A_3107, %dma_start3A_3108] : memref<4x128xi32, #tpu.memory_space<vmem>> -> memref<1x128xi32, #tpu.memory_space<vmem>>
    %dma_start3A_3110 = tpu.memref_squeeze %dma_start3A_3109 : memref<1x128xi32, #tpu.memory_space<vmem>> -> memref<128xi32, #tpu.memory_space<vmem>>
    %dma_start3A_3111 = arith.constant 0 : i32
    %dma_start3A_3112 = tpu.memref_slice %arg6[%dma_start3A_3111] : memref<1000000xf32, #tpu.memory_space<hbm>> -> memref<1000000xf32, #tpu.memory_space<hbm>>
    tpu.enqueue_indirect_dma source(%dma_start3A_3112 : memref<1000000xf32, #tpu.memory_space<hbm>>) target(%arg15 : memref<128xf32, #tpu.memory_space<vmem>>) offsets(%dma_start3A_3110 : memref<128xi32, #tpu.memory_space<vmem>>) semaphore(%arg18 : memref<!tpu.dma_semaphore, #tpu.memory_space<semaphore_mem>>)
    %dma_start3A_3113 = arith.constant 3 : i32
    %dma_start3A_3114 = arith.constant 0 : i32
    %dma_start3A_3115 = tpu.memref_slice %arg10[%dma_start3A_3113, %dma_start3A_3114] : memref<4x128xi32, #tpu.memory_space<vmem>> -> memref<1x128xi32, #tpu.memory_space<vmem>>
    %dma_start3A_3116 = tpu.memref_squeeze %dma_start3A_3115 : memref<1x128xi32, #tpu.memory_space<vmem>> -> memref<128xi32, #tpu.memory_space<vmem>>
    %dma_start3A_3117 = arith.constant 0 : i32
    %dma_start3A_3118 = tpu.memref_slice %arg7[%dma_start3A_3117] : memref<1000000xf32, #tpu.memory_space<hbm>> -> memref<1000000xf32, #tpu.memory_space<hbm>>
    tpu.enqueue_indirect_dma source(%dma_start3A_3118 : memref<1000000xf32, #tpu.memory_space<hbm>>) target(%arg16 : memref<128xf32, #tpu.memory_space<vmem>>) offsets(%dma_start3A_3116 : memref<128xi32, #tpu.memory_space<vmem>>) semaphore(%arg18 : memref<!tpu.dma_semaphore, #tpu.memory_space<semaphore_mem>>)
    %dma_wait3A_3119 = arith.constant 3 : i32
    %dma_wait3A_3120 = arith.constant 0 : i32
    %dma_wait3A_3121 = tpu.memref_slice %arg11[%dma_wait3A_3119, %dma_wait3A_3120] : memref<4x128xi32, #tpu.memory_space<vmem>> -> memref<1x128xi32, #tpu.memory_space<vmem>>
    %dma_wait3A_3122 = tpu.memref_squeeze %dma_wait3A_3121 : memref<1x128xi32, #tpu.memory_space<vmem>> -> memref<128xi32, #tpu.memory_space<vmem>>
    %dma_wait3A_3123 = arith.constant 0 : i32
    %dma_wait3A_3124 = arith.constant 0 : i32
    %dma_wait3A_3125 = tpu.memref_slice %arg4[%dma_wait3A_3123, %dma_wait3A_3124] : memref<253952x128xi32, #tpu.memory_space<hbm>> -> memref<253952x128xi32, #tpu.memory_space<hbm>>
    tpu.wait_indirect_dma semaphore(%arg18 : memref<!tpu.dma_semaphore, #tpu.memory_space<semaphore_mem>>) src(%dma_wait3A_3125 : memref<253952x128xi32, #tpu.memory_space<hbm>>) dst(%arg13 : memref<128x128xi32, #tpu.memory_space<vmem>>)
    %dma_wait3A_3126 = arith.constant 3 : i32
    %dma_wait3A_3127 = arith.constant 0 : i32
    %dma_wait3A_3128 = tpu.memref_slice %arg12[%dma_wait3A_3126, %dma_wait3A_3127] : memref<4x128xi32, #tpu.memory_space<vmem>> -> memref<1x128xi32, #tpu.memory_space<vmem>>
    %dma_wait3A_3129 = tpu.memref_squeeze %dma_wait3A_3128 : memref<1x128xi32, #tpu.memory_space<vmem>> -> memref<128xi32, #tpu.memory_space<vmem>>
    %dma_wait3A_3130 = arith.constant 0 : i32
    %dma_wait3A_3131 = arith.constant 0 : i32
    %dma_wait3A_3132 = tpu.memref_slice %arg5[%dma_wait3A_3130, %dma_wait3A_3131] : memref<253952x128xi32, #tpu.memory_space<hbm>> -> memref<253952x128xi32, #tpu.memory_space<hbm>>
    tpu.wait_indirect_dma semaphore(%arg18 : memref<!tpu.dma_semaphore, #tpu.memory_space<semaphore_mem>>) src(%dma_wait3A_3132 : memref<253952x128xi32, #tpu.memory_space<hbm>>) dst(%arg14 : memref<128x128xi32, #tpu.memory_space<vmem>>)
    %dma_wait3A_3133 = arith.constant 3 : i32
    %dma_wait3A_3134 = arith.constant 0 : i32
    %dma_wait3A_3135 = tpu.memref_slice %arg9[%dma_wait3A_3133, %dma_wait3A_3134] : memref<4x128xi32, #tpu.memory_space<vmem>> -> memref<1x128xi32, #tpu.memory_space<vmem>>
    %dma_wait3A_3136 = tpu.memref_squeeze %dma_wait3A_3135 : memref<1x128xi32, #tpu.memory_space<vmem>> -> memref<128xi32, #tpu.memory_space<vmem>>
    %dma_wait3A_3137 = arith.constant 0 : i32
    %dma_wait3A_3138 = tpu.memref_slice %arg6[%dma_wait3A_3137] : memref<1000000xf32, #tpu.memory_space<hbm>> -> memref<1000000xf32, #tpu.memory_space<hbm>>
    tpu.wait_indirect_dma semaphore(%arg18 : memref<!tpu.dma_semaphore, #tpu.memory_space<semaphore_mem>>) src(%dma_wait3A_3138 : memref<1000000xf32, #tpu.memory_space<hbm>>) dst(%arg15 : memref<128xf32, #tpu.memory_space<vmem>>)
    %dma_wait3A_3139 = arith.constant 3 : i32
    %dma_wait3A_3140 = arith.constant 0 : i32
    %dma_wait3A_3141 = tpu.memref_slice %arg10[%dma_wait3A_3139, %dma_wait3A_3140] : memref<4x128xi32, #tpu.memory_space<vmem>> -> memref<1x128xi32, #tpu.memory_space<vmem>>
    %dma_wait3A_3142 = tpu.memref_squeeze %dma_wait3A_3141 : memref<1x128xi32, #tpu.memory_space<vmem>> -> memref<128xi32, #tpu.memory_space<vmem>>
    %dma_wait3A_3143 = arith.constant 0 : i32
    %dma_wait3A_3144 = tpu.memref_slice %arg7[%dma_wait3A_3143] : memref<1000000xf32, #tpu.memory_space<hbm>> -> memref<1000000xf32, #tpu.memory_space<hbm>>
    tpu.wait_indirect_dma semaphore(%arg18 : memref<!tpu.dma_semaphore, #tpu.memory_space<semaphore_mem>>) src(%dma_wait3A_3144 : memref<1000000xf32, #tpu.memory_space<hbm>>) dst(%arg16 : memref<128xf32, #tpu.memory_space<vmem>>)
    %add3A_3145 = arith.constant 0 : i32
    %add3A_3146 = vector.broadcast %add3A_3145 : i32 to vector<16xi32>
    %add3A_3147 = arith.addi %add3A_3146, %iota3A : vector<16xi32>
    %get3A_3148 = arith.constant 3 : i32
    %get3A_3149 = arith.constant 0 : i32
    %get3A_3150 = tpu.memref_slice %arg9[%get3A_3148, %get3A_3149] : memref<4x128xi32, #tpu.memory_space<vmem>> -> memref<1x128xi32, #tpu.memory_space<vmem>>
    %get3A_3151 = tpu.memref_squeeze %get3A_3150 : memref<1x128xi32, #tpu.memory_space<vmem>> -> memref<128xi32, #tpu.memory_space<vmem>>
    %get3A_3152 = arith.constant 0 : index
    %get3A_3153 = tpu.vector_load %get3A_3151[%get3A_3152] {strides = array<i32>} : memref<128xi32, #tpu.memory_space<vmem>>, vector<16xi32>,
    %get3A_3154 = arith.constant 3 : i32
    %get3A_3155 = arith.constant 0 : i32
    %get3A_3156 = tpu.memref_slice %arg10[%get3A_3154, %get3A_3155] : memref<4x128xi32, #tpu.memory_space<vmem>> -> memref<1x128xi32, #tpu.memory_space<vmem>>
    %get3A_3157 = tpu.memref_squeeze %get3A_3156 : memref<1x128xi32, #tpu.memory_space<vmem>> -> memref<128xi32, #tpu.memory_space<vmem>>
    %get3A_3158 = arith.constant 0 : index
    %get3A_3159 = tpu.vector_load %get3A_3157[%get3A_3158] {strides = array<i32>} : memref<128xi32, #tpu.memory_space<vmem>>, vector<16xi32>,
    %shift_right_arithmetic3A_3160 = arith.constant 13 : i32
    %shift_right_arithmetic3A_3161 = vector.broadcast %shift_right_arithmetic3A_3160 : i32 to vector<16xi32>
    %shift_right_arithmetic3A_3162 = arith.shrsi %get3A_3153, %shift_right_arithmetic3A_3161 : vector<16xi32>
    %and3A_3163 = arith.constant 1 : i32
    %and3A_3164 = vector.broadcast %and3A_3163 : i32 to vector<16xi32>
    %and3A_3165 = arith.andi %shift_right_arithmetic3A_3162, %and3A_3164 : vector<16xi32>
    %shift_left3A_3166 = arith.constant 6 : i32
    %shift_left3A_3167 = vector.broadcast %shift_left3A_3166 : i32 to vector<16xi32>
    %shift_left3A_3168 = arith.shli %and3A_3165, %shift_left3A_3167 : vector<16xi32>
    %shift_right_arithmetic3A_3169 = arith.constant 13 : i32
    %shift_right_arithmetic3A_3170 = vector.broadcast %shift_right_arithmetic3A_3169 : i32 to vector<16xi32>
    %shift_right_arithmetic3A_3171 = arith.shrsi %get3A_3159, %shift_right_arithmetic3A_3170 : vector<16xi32>
    %and3A_3172 = arith.constant 1 : i32
    %and3A_3173 = vector.broadcast %and3A_3172 : i32 to vector<16xi32>
    %and3A_3174 = arith.andi %shift_right_arithmetic3A_3171, %and3A_3173 : vector<16xi32>
    %shift_left3A_3175 = arith.constant 6 : i32
    %shift_left3A_3176 = vector.broadcast %shift_left3A_3175 : i32 to vector<16xi32>
    %shift_left3A_3177 = arith.shli %and3A_3174, %shift_left3A_3176 : vector<16xi32>
    %shift_right_arithmetic3A_3178 = arith.constant 12 : i32
    %shift_right_arithmetic3A_3179 = vector.broadcast %shift_right_arithmetic3A_3178 : i32 to vector<16xi32>
    %shift_right_arithmetic3A_3180 = arith.shrsi %get3A_3153, %shift_right_arithmetic3A_3179 : vector<16xi32>
    %and3A_3181 = arith.constant 1 : i32
    %and3A_3182 = vector.broadcast %and3A_3181 : i32 to vector<16xi32>
    %and3A_3183 = arith.andi %shift_right_arithmetic3A_3180, %and3A_3182 : vector<16xi32>
    %eq3A_3184 = arith.constant 1 : i32
    %eq3A_3185 = vector.broadcast %eq3A_3184 : i32 to vector<16xi32>
    %eq3A_3186 = arith.cmpi eq, %and3A_3183, %eq3A_3185 : vector<16xi32>
    %shift_right_arithmetic3A_3187 = arith.constant 12 : i32
    %shift_right_arithmetic3A_3188 = vector.broadcast %shift_right_arithmetic3A_3187 : i32 to vector<16xi32>
    %shift_right_arithmetic3A_3189 = arith.shrsi %get3A_3159, %shift_right_arithmetic3A_3188 : vector<16xi32>
    %and3A_3190 = arith.constant 1 : i32
    %and3A_3191 = vector.broadcast %and3A_3190 : i32 to vector<16xi32>
    %and3A_3192 = arith.andi %shift_right_arithmetic3A_3189, %and3A_3191 : vector<16xi32>
    %eq3A_3193 = arith.constant 1 : i32
    %eq3A_3194 = vector.broadcast %eq3A_3193 : i32 to vector<16xi32>
    %eq3A_3195 = arith.cmpi eq, %and3A_3192, %eq3A_3194 : vector<16xi32>
    %get3A_3196 = arith.constant 0 : index
    %get3A_3197 = tpu.vector_load %arg15[%get3A_3196] {strides = array<i32>} : memref<128xf32, #tpu.memory_space<vmem>>, vector<16xf32>,
    %get3A_3198 = arith.constant 0 : index
    %get3A_3199 = tpu.vector_load %arg16[%get3A_3198] {strides = array<i32>} : memref<128xf32, #tpu.memory_space<vmem>>, vector<16xf32>,
    %add3A_3200 = arith.addf %get3A_3197, %get3A_3199 : vector<16xf32>
    %scan3A_3201 = arith.constant 0 : i32
    %scan3A_3202 = arith.constant 64 : i32
    %scan3A_3203 = arith.addi %scan3A_3201, %scan3A_3202 : i32
    %scan3A_3204 = arith.constant 1 : i32
    %scan3A_3205 = scf.for %scan3A_3659 = %scan3A_3201 to %scan3A_3203 step %scan3A_3204 iter_args(%scan3A_3660 = %add3A_3200) -> (vector<16xf32>)  : i32 {
      %add3A_3661 = vector.broadcast %scan3A_3659 : i32 to vector<16xi32>
      %add3A_3662 = arith.addi %shift_left3A_3168, %add3A_3661 : vector<16xi32>
      %gather3A = tpu.vector_load_idx %arg13[%add3A_3147, %add3A_3662] : memref<128x128xi32, #tpu.memory_space<vmem>>[vector<16xi32>, vector<16xi32>], vector<16xi32>,
      %add3A_3663 = vector.broadcast %scan3A_3659 : i32 to vector<16xi32>
      %add3A_3664 = arith.addi %shift_left3A_3177, %add3A_3663 : vector<16xi32>
      %gather3A_3665 = tpu.vector_load_idx %arg14[%add3A_3147, %add3A_3664] : memref<128x128xi32, #tpu.memory_space<vmem>>[vector<16xi32>, vector<16xi32>], vector<16xi32>,
      %bitcast3A = vector.bitcast %gather3A : vector<16xi32> to vector<32xbf16>
      %unpack3A = tpu.unpack_subelements %bitcast3A, 0 {pack_format = #tpu.pack_format<interleaved>} : vector<32xbf16> -> vector<16xf32>
      %unpack3A_3666 = tpu.unpack_subelements %bitcast3A, 1 {pack_format = #tpu.pack_format<interleaved>} : vector<32xbf16> -> vector<16xf32>
      %bitcast3A_3667 = vector.bitcast %gather3A_3665 : vector<16xi32> to vector<32xbf16>
      %unpack3A_3668 = tpu.unpack_subelements %bitcast3A_3667, 0 {pack_format = #tpu.pack_format<interleaved>} : vector<32xbf16> -> vector<16xf32>
      %unpack3A_3669 = tpu.unpack_subelements %bitcast3A_3667, 1 {pack_format = #tpu.pack_format<interleaved>} : vector<32xbf16> -> vector<16xf32>
      %select_n3A = arith.select %eq3A_3186, %unpack3A_3666, %unpack3A : vector<16xi1>, vector<16xf32>
      %select_n3A_3670 = arith.select %eq3A_3195, %unpack3A_3669, %unpack3A_3668 : vector<16xi1>, vector<16xf32>
      %mul3A_3671 = arith.mulf %select_n3A, %select_n3A_3670 : vector<16xf32>
      %add3A_3672 = arith.addf %scan3A_3660, %mul3A_3671 : vector<16xf32>
      scf.yield %add3A_3672 : vector<16xf32>
    }
    %scan3A_3206 = arith.constant 64 : i32
    %swap3A_3207 = arith.constant 384 : index
    %swap3A_3208 = tpu.vector_load %arg17[%swap3A_3207] {strides = array<i32>} : memref<512xf32, #tpu.memory_space<vmem>>, vector<16xf32>,
    tpu.vector_store %arg17[%swap3A_3207], %scan3A_3205 {strides = array<i32>} : memref<512xf32, #tpu.memory_space<vmem>>, vector<16xf32>,
    %add3A_3209 = arith.constant 16 : i32
    %add3A_3210 = vector.broadcast %add3A_3209 : i32 to vector<16xi32>
    %add3A_3211 = arith.addi %add3A_3210, %iota3A : vector<16xi32>
    %get3A_3212 = arith.constant 3 : i32
    %get3A_3213 = arith.constant 0 : i32
    %get3A_3214 = tpu.memref_slice %arg9[%get3A_3212, %get3A_3213] : memref<4x128xi32, #tpu.memory_space<vmem>> -> memref<1x128xi32, #tpu.memory_space<vmem>>
    %get3A_3215 = tpu.memref_squeeze %get3A_3214 : memref<1x128xi32, #tpu.memory_space<vmem>> -> memref<128xi32, #tpu.memory_space<vmem>>
    %get3A_3216 = arith.constant 16 : index
    %get3A_3217 = tpu.vector_load %get3A_3215[%get3A_3216] {strides = array<i32>} : memref<128xi32, #tpu.memory_space<vmem>>, vector<16xi32>,
    %get3A_3218 = arith.constant 3 : i32
    %get3A_3219 = arith.constant 0 : i32
    %get3A_3220 = tpu.memref_slice %arg10[%get3A_3218, %get3A_3219] : memref<4x128xi32, #tpu.memory_space<vmem>> -> memref<1x128xi32, #tpu.memory_space<vmem>>
    %get3A_3221 = tpu.memref_squeeze %get3A_3220 : memref<1x128xi32, #tpu.memory_space<vmem>> -> memref<128xi32, #tpu.memory_space<vmem>>
    %get3A_3222 = arith.constant 16 : index
    %get3A_3223 = tpu.vector_load %get3A_3221[%get3A_3222] {strides = array<i32>} : memref<128xi32, #tpu.memory_space<vmem>>, vector<16xi32>,
    %shift_right_arithmetic3A_3224 = arith.constant 13 : i32
    %shift_right_arithmetic3A_3225 = vector.broadcast %shift_right_arithmetic3A_3224 : i32 to vector<16xi32>
    %shift_right_arithmetic3A_3226 = arith.shrsi %get3A_3217, %shift_right_arithmetic3A_3225 : vector<16xi32>
    %and3A_3227 = arith.constant 1 : i32
    %and3A_3228 = vector.broadcast %and3A_3227 : i32 to vector<16xi32>
    %and3A_3229 = arith.andi %shift_right_arithmetic3A_3226, %and3A_3228 : vector<16xi32>
    %shift_left3A_3230 = arith.constant 6 : i32
    %shift_left3A_3231 = vector.broadcast %shift_left3A_3230 : i32 to vector<16xi32>
    %shift_left3A_3232 = arith.shli %and3A_3229, %shift_left3A_3231 : vector<16xi32>
    %shift_right_arithmetic3A_3233 = arith.constant 13 : i32
    %shift_right_arithmetic3A_3234 = vector.broadcast %shift_right_arithmetic3A_3233 : i32 to vector<16xi32>
    %shift_right_arithmetic3A_3235 = arith.shrsi %get3A_3223, %shift_right_arithmetic3A_3234 : vector<16xi32>
    %and3A_3236 = arith.constant 1 : i32
    %and3A_3237 = vector.broadcast %and3A_3236 : i32 to vector<16xi32>
    %and3A_3238 = arith.andi %shift_right_arithmetic3A_3235, %and3A_3237 : vector<16xi32>
    %shift_left3A_3239 = arith.constant 6 : i32
    %shift_left3A_3240 = vector.broadcast %shift_left3A_3239 : i32 to vector<16xi32>
    %shift_left3A_3241 = arith.shli %and3A_3238, %shift_left3A_3240 : vector<16xi32>
    %shift_right_arithmetic3A_3242 = arith.constant 12 : i32
    %shift_right_arithmetic3A_3243 = vector.broadcast %shift_right_arithmetic3A_3242 : i32 to vector<16xi32>
    %shift_right_arithmetic3A_3244 = arith.shrsi %get3A_3217, %shift_right_arithmetic3A_3243 : vector<16xi32>
    %and3A_3245 = arith.constant 1 : i32
    %and3A_3246 = vector.broadcast %and3A_3245 : i32 to vector<16xi32>
    %and3A_3247 = arith.andi %shift_right_arithmetic3A_3244, %and3A_3246 : vector<16xi32>
    %eq3A_3248 = arith.constant 1 : i32
    %eq3A_3249 = vector.broadcast %eq3A_3248 : i32 to vector<16xi32>
    %eq3A_3250 = arith.cmpi eq, %and3A_3247, %eq3A_3249 : vector<16xi32>
    %shift_right_arithmetic3A_3251 = arith.constant 12 : i32
    %shift_right_arithmetic3A_3252 = vector.broadcast %shift_right_arithmetic3A_3251 : i32 to vector<16xi32>
    %shift_right_arithmetic3A_3253 = arith.shrsi %get3A_3223, %shift_right_arithmetic3A_3252 : vector<16xi32>
    %and3A_3254 = arith.constant 1 : i32
    %and3A_3255 = vector.broadcast %and3A_3254 : i32 to vector<16xi32>
    %and3A_3256 = arith.andi %shift_right_arithmetic3A_3253, %and3A_3255 : vector<16xi32>
    %eq3A_3257 = arith.constant 1 : i32
    %eq3A_3258 = vector.broadcast %eq3A_3257 : i32 to vector<16xi32>
    %eq3A_3259 = arith.cmpi eq, %and3A_3256, %eq3A_3258 : vector<16xi32>
    %get3A_3260 = arith.constant 16 : index
    %get3A_3261 = tpu.vector_load %arg15[%get3A_3260] {strides = array<i32>} : memref<128xf32, #tpu.memory_space<vmem>>, vector<16xf32>,
    %get3A_3262 = arith.constant 16 : index
    %get3A_3263 = tpu.vector_load %arg16[%get3A_3262] {strides = array<i32>} : memref<128xf32, #tpu.memory_space<vmem>>, vector<16xf32>,
    %add3A_3264 = arith.addf %get3A_3261, %get3A_3263 : vector<16xf32>
    %scan3A_3265 = arith.constant 0 : i32
    %scan3A_3266 = arith.constant 64 : i32
    %scan3A_3267 = arith.addi %scan3A_3265, %scan3A_3266 : i32
    %scan3A_3268 = arith.constant 1 : i32
    %scan3A_3269 = scf.for %scan3A_3659 = %scan3A_3265 to %scan3A_3267 step %scan3A_3268 iter_args(%scan3A_3660 = %add3A_3264) -> (vector<16xf32>)  : i32 {
      %add3A_3661 = vector.broadcast %scan3A_3659 : i32 to vector<16xi32>
      %add3A_3662 = arith.addi %shift_left3A_3232, %add3A_3661 : vector<16xi32>
      %gather3A = tpu.vector_load_idx %arg13[%add3A_3211, %add3A_3662] : memref<128x128xi32, #tpu.memory_space<vmem>>[vector<16xi32>, vector<16xi32>], vector<16xi32>,
      %add3A_3663 = vector.broadcast %scan3A_3659 : i32 to vector<16xi32>
      %add3A_3664 = arith.addi %shift_left3A_3241, %add3A_3663 : vector<16xi32>
      %gather3A_3665 = tpu.vector_load_idx %arg14[%add3A_3211, %add3A_3664] : memref<128x128xi32, #tpu.memory_space<vmem>>[vector<16xi32>, vector<16xi32>], vector<16xi32>,
      %bitcast3A = vector.bitcast %gather3A : vector<16xi32> to vector<32xbf16>
      %unpack3A = tpu.unpack_subelements %bitcast3A, 0 {pack_format = #tpu.pack_format<interleaved>} : vector<32xbf16> -> vector<16xf32>
      %unpack3A_3666 = tpu.unpack_subelements %bitcast3A, 1 {pack_format = #tpu.pack_format<interleaved>} : vector<32xbf16> -> vector<16xf32>
      %bitcast3A_3667 = vector.bitcast %gather3A_3665 : vector<16xi32> to vector<32xbf16>
      %unpack3A_3668 = tpu.unpack_subelements %bitcast3A_3667, 0 {pack_format = #tpu.pack_format<interleaved>} : vector<32xbf16> -> vector<16xf32>
      %unpack3A_3669 = tpu.unpack_subelements %bitcast3A_3667, 1 {pack_format = #tpu.pack_format<interleaved>} : vector<32xbf16> -> vector<16xf32>
      %select_n3A = arith.select %eq3A_3250, %unpack3A_3666, %unpack3A : vector<16xi1>, vector<16xf32>
      %select_n3A_3670 = arith.select %eq3A_3259, %unpack3A_3669, %unpack3A_3668 : vector<16xi1>, vector<16xf32>
      %mul3A_3671 = arith.mulf %select_n3A, %select_n3A_3670 : vector<16xf32>
      %add3A_3672 = arith.addf %scan3A_3660, %mul3A_3671 : vector<16xf32>
      scf.yield %add3A_3672 : vector<16xf32>
    }
    %scan3A_3270 = arith.constant 64 : i32
    %swap3A_3271 = arith.constant 400 : index
    %swap3A_3272 = tpu.vector_load %arg17[%swap3A_3271] {strides = array<i32>} : memref<512xf32, #tpu.memory_space<vmem>>, vector<16xf32>,
    tpu.vector_store %arg17[%swap3A_3271], %scan3A_3269 {strides = array<i32>} : memref<512xf32, #tpu.memory_space<vmem>>, vector<16xf32>,
    %add3A_3273 = arith.constant 32 : i32
    %add3A_3274 = vector.broadcast %add3A_3273 : i32 to vector<16xi32>
    %add3A_3275 = arith.addi %add3A_3274, %iota3A : vector<16xi32>
    %get3A_3276 = arith.constant 3 : i32
    %get3A_3277 = arith.constant 0 : i32
    %get3A_3278 = tpu.memref_slice %arg9[%get3A_3276, %get3A_3277] : memref<4x128xi32, #tpu.memory_space<vmem>> -> memref<1x128xi32, #tpu.memory_space<vmem>>
    %get3A_3279 = tpu.memref_squeeze %get3A_3278 : memref<1x128xi32, #tpu.memory_space<vmem>> -> memref<128xi32, #tpu.memory_space<vmem>>
    %get3A_3280 = arith.constant 32 : index
    %get3A_3281 = tpu.vector_load %get3A_3279[%get3A_3280] {strides = array<i32>} : memref<128xi32, #tpu.memory_space<vmem>>, vector<16xi32>,
    %get3A_3282 = arith.constant 3 : i32
    %get3A_3283 = arith.constant 0 : i32
    %get3A_3284 = tpu.memref_slice %arg10[%get3A_3282, %get3A_3283] : memref<4x128xi32, #tpu.memory_space<vmem>> -> memref<1x128xi32, #tpu.memory_space<vmem>>
    %get3A_3285 = tpu.memref_squeeze %get3A_3284 : memref<1x128xi32, #tpu.memory_space<vmem>> -> memref<128xi32, #tpu.memory_space<vmem>>
    %get3A_3286 = arith.constant 32 : index
    %get3A_3287 = tpu.vector_load %get3A_3285[%get3A_3286] {strides = array<i32>} : memref<128xi32, #tpu.memory_space<vmem>>, vector<16xi32>,
    %shift_right_arithmetic3A_3288 = arith.constant 13 : i32
    %shift_right_arithmetic3A_3289 = vector.broadcast %shift_right_arithmetic3A_3288 : i32 to vector<16xi32>
    %shift_right_arithmetic3A_3290 = arith.shrsi %get3A_3281, %shift_right_arithmetic3A_3289 : vector<16xi32>
    %and3A_3291 = arith.constant 1 : i32
    %and3A_3292 = vector.broadcast %and3A_3291 : i32 to vector<16xi32>
    %and3A_3293 = arith.andi %shift_right_arithmetic3A_3290, %and3A_3292 : vector<16xi32>
    %shift_left3A_3294 = arith.constant 6 : i32
    %shift_left3A_3295 = vector.broadcast %shift_left3A_3294 : i32 to vector<16xi32>
    %shift_left3A_3296 = arith.shli %and3A_3293, %shift_left3A_3295 : vector<16xi32>
    %shift_right_arithmetic3A_3297 = arith.constant 13 : i32
    %shift_right_arithmetic3A_3298 = vector.broadcast %shift_right_arithmetic3A_3297 : i32 to vector<16xi32>
    %shift_right_arithmetic3A_3299 = arith.shrsi %get3A_3287, %shift_right_arithmetic3A_3298 : vector<16xi32>
    %and3A_3300 = arith.constant 1 : i32
    %and3A_3301 = vector.broadcast %and3A_3300 : i32 to vector<16xi32>
    %and3A_3302 = arith.andi %shift_right_arithmetic3A_3299, %and3A_3301 : vector<16xi32>
    %shift_left3A_3303 = arith.constant 6 : i32
    %shift_left3A_3304 = vector.broadcast %shift_left3A_3303 : i32 to vector<16xi32>
    %shift_left3A_3305 = arith.shli %and3A_3302, %shift_left3A_3304 : vector<16xi32>
    %shift_right_arithmetic3A_3306 = arith.constant 12 : i32
    %shift_right_arithmetic3A_3307 = vector.broadcast %shift_right_arithmetic3A_3306 : i32 to vector<16xi32>
    %shift_right_arithmetic3A_3308 = arith.shrsi %get3A_3281, %shift_right_arithmetic3A_3307 : vector<16xi32>
    %and3A_3309 = arith.constant 1 : i32
    %and3A_3310 = vector.broadcast %and3A_3309 : i32 to vector<16xi32>
    %and3A_3311 = arith.andi %shift_right_arithmetic3A_3308, %and3A_3310 : vector<16xi32>
    %eq3A_3312 = arith.constant 1 : i32
    %eq3A_3313 = vector.broadcast %eq3A_3312 : i32 to vector<16xi32>
    %eq3A_3314 = arith.cmpi eq, %and3A_3311, %eq3A_3313 : vector<16xi32>
    %shift_right_arithmetic3A_3315 = arith.constant 12 : i32
    %shift_right_arithmetic3A_3316 = vector.broadcast %shift_right_arithmetic3A_3315 : i32 to vector<16xi32>
    %shift_right_arithmetic3A_3317 = arith.shrsi %get3A_3287, %shift_right_arithmetic3A_3316 : vector<16xi32>
    %and3A_3318 = arith.constant 1 : i32
    %and3A_3319 = vector.broadcast %and3A_3318 : i32 to vector<16xi32>
    %and3A_3320 = arith.andi %shift_right_arithmetic3A_3317, %and3A_3319 : vector<16xi32>
    %eq3A_3321 = arith.constant 1 : i32
    %eq3A_3322 = vector.broadcast %eq3A_3321 : i32 to vector<16xi32>
    %eq3A_3323 = arith.cmpi eq, %and3A_3320, %eq3A_3322 : vector<16xi32>
    %get3A_3324 = arith.constant 32 : index
    %get3A_3325 = tpu.vector_load %arg15[%get3A_3324] {strides = array<i32>} : memref<128xf32, #tpu.memory_space<vmem>>, vector<16xf32>,
    %get3A_3326 = arith.constant 32 : index
    %get3A_3327 = tpu.vector_load %arg16[%get3A_3326] {strides = array<i32>} : memref<128xf32, #tpu.memory_space<vmem>>, vector<16xf32>,
    %add3A_3328 = arith.addf %get3A_3325, %get3A_3327 : vector<16xf32>
    %scan3A_3329 = arith.constant 0 : i32
    %scan3A_3330 = arith.constant 64 : i32
    %scan3A_3331 = arith.addi %scan3A_3329, %scan3A_3330 : i32
    %scan3A_3332 = arith.constant 1 : i32
    %scan3A_3333 = scf.for %scan3A_3659 = %scan3A_3329 to %scan3A_3331 step %scan3A_3332 iter_args(%scan3A_3660 = %add3A_3328) -> (vector<16xf32>)  : i32 {
      %add3A_3661 = vector.broadcast %scan3A_3659 : i32 to vector<16xi32>
      %add3A_3662 = arith.addi %shift_left3A_3296, %add3A_3661 : vector<16xi32>
      %gather3A = tpu.vector_load_idx %arg13[%add3A_3275, %add3A_3662] : memref<128x128xi32, #tpu.memory_space<vmem>>[vector<16xi32>, vector<16xi32>], vector<16xi32>,
      %add3A_3663 = vector.broadcast %scan3A_3659 : i32 to vector<16xi32>
      %add3A_3664 = arith.addi %shift_left3A_3305, %add3A_3663 : vector<16xi32>
      %gather3A_3665 = tpu.vector_load_idx %arg14[%add3A_3275, %add3A_3664] : memref<128x128xi32, #tpu.memory_space<vmem>>[vector<16xi32>, vector<16xi32>], vector<16xi32>,
      %bitcast3A = vector.bitcast %gather3A : vector<16xi32> to vector<32xbf16>
      %unpack3A = tpu.unpack_subelements %bitcast3A, 0 {pack_format = #tpu.pack_format<interleaved>} : vector<32xbf16> -> vector<16xf32>
      %unpack3A_3666 = tpu.unpack_subelements %bitcast3A, 1 {pack_format = #tpu.pack_format<interleaved>} : vector<32xbf16> -> vector<16xf32>
      %bitcast3A_3667 = vector.bitcast %gather3A_3665 : vector<16xi32> to vector<32xbf16>
      %unpack3A_3668 = tpu.unpack_subelements %bitcast3A_3667, 0 {pack_format = #tpu.pack_format<interleaved>} : vector<32xbf16> -> vector<16xf32>
      %unpack3A_3669 = tpu.unpack_subelements %bitcast3A_3667, 1 {pack_format = #tpu.pack_format<interleaved>} : vector<32xbf16> -> vector<16xf32>
      %select_n3A = arith.select %eq3A_3314, %unpack3A_3666, %unpack3A : vector<16xi1>, vector<16xf32>
      %select_n3A_3670 = arith.select %eq3A_3323, %unpack3A_3669, %unpack3A_3668 : vector<16xi1>, vector<16xf32>
      %mul3A_3671 = arith.mulf %select_n3A, %select_n3A_3670 : vector<16xf32>
      %add3A_3672 = arith.addf %scan3A_3660, %mul3A_3671 : vector<16xf32>
      scf.yield %add3A_3672 : vector<16xf32>
    }
    %scan3A_3334 = arith.constant 64 : i32
    %swap3A_3335 = arith.constant 416 : index
    %swap3A_3336 = tpu.vector_load %arg17[%swap3A_3335] {strides = array<i32>} : memref<512xf32, #tpu.memory_space<vmem>>, vector<16xf32>,
    tpu.vector_store %arg17[%swap3A_3335], %scan3A_3333 {strides = array<i32>} : memref<512xf32, #tpu.memory_space<vmem>>, vector<16xf32>,
    %add3A_3337 = arith.constant 48 : i32
    %add3A_3338 = vector.broadcast %add3A_3337 : i32 to vector<16xi32>
    %add3A_3339 = arith.addi %add3A_3338, %iota3A : vector<16xi32>
    %get3A_3340 = arith.constant 3 : i32
    %get3A_3341 = arith.constant 0 : i32
    %get3A_3342 = tpu.memref_slice %arg9[%get3A_3340, %get3A_3341] : memref<4x128xi32, #tpu.memory_space<vmem>> -> memref<1x128xi32, #tpu.memory_space<vmem>>
    %get3A_3343 = tpu.memref_squeeze %get3A_3342 : memref<1x128xi32, #tpu.memory_space<vmem>> -> memref<128xi32, #tpu.memory_space<vmem>>
    %get3A_3344 = arith.constant 48 : index
    %get3A_3345 = tpu.vector_load %get3A_3343[%get3A_3344] {strides = array<i32>} : memref<128xi32, #tpu.memory_space<vmem>>, vector<16xi32>,
    %get3A_3346 = arith.constant 3 : i32
    %get3A_3347 = arith.constant 0 : i32
    %get3A_3348 = tpu.memref_slice %arg10[%get3A_3346, %get3A_3347] : memref<4x128xi32, #tpu.memory_space<vmem>> -> memref<1x128xi32, #tpu.memory_space<vmem>>
    %get3A_3349 = tpu.memref_squeeze %get3A_3348 : memref<1x128xi32, #tpu.memory_space<vmem>> -> memref<128xi32, #tpu.memory_space<vmem>>
    %get3A_3350 = arith.constant 48 : index
    %get3A_3351 = tpu.vector_load %get3A_3349[%get3A_3350] {strides = array<i32>} : memref<128xi32, #tpu.memory_space<vmem>>, vector<16xi32>,
    %shift_right_arithmetic3A_3352 = arith.constant 13 : i32
    %shift_right_arithmetic3A_3353 = vector.broadcast %shift_right_arithmetic3A_3352 : i32 to vector<16xi32>
    %shift_right_arithmetic3A_3354 = arith.shrsi %get3A_3345, %shift_right_arithmetic3A_3353 : vector<16xi32>
    %and3A_3355 = arith.constant 1 : i32
    %and3A_3356 = vector.broadcast %and3A_3355 : i32 to vector<16xi32>
    %and3A_3357 = arith.andi %shift_right_arithmetic3A_3354, %and3A_3356 : vector<16xi32>
    %shift_left3A_3358 = arith.constant 6 : i32
    %shift_left3A_3359 = vector.broadcast %shift_left3A_3358 : i32 to vector<16xi32>
    %shift_left3A_3360 = arith.shli %and3A_3357, %shift_left3A_3359 : vector<16xi32>
    %shift_right_arithmetic3A_3361 = arith.constant 13 : i32
    %shift_right_arithmetic3A_3362 = vector.broadcast %shift_right_arithmetic3A_3361 : i32 to vector<16xi32>
    %shift_right_arithmetic3A_3363 = arith.shrsi %get3A_3351, %shift_right_arithmetic3A_3362 : vector<16xi32>
    %and3A_3364 = arith.constant 1 : i32
    %and3A_3365 = vector.broadcast %and3A_3364 : i32 to vector<16xi32>
    %and3A_3366 = arith.andi %shift_right_arithmetic3A_3363, %and3A_3365 : vector<16xi32>
    %shift_left3A_3367 = arith.constant 6 : i32
    %shift_left3A_3368 = vector.broadcast %shift_left3A_3367 : i32 to vector<16xi32>
    %shift_left3A_3369 = arith.shli %and3A_3366, %shift_left3A_3368 : vector<16xi32>
    %shift_right_arithmetic3A_3370 = arith.constant 12 : i32
    %shift_right_arithmetic3A_3371 = vector.broadcast %shift_right_arithmetic3A_3370 : i32 to vector<16xi32>
    %shift_right_arithmetic3A_3372 = arith.shrsi %get3A_3345, %shift_right_arithmetic3A_3371 : vector<16xi32>
    %and3A_3373 = arith.constant 1 : i32
    %and3A_3374 = vector.broadcast %and3A_3373 : i32 to vector<16xi32>
    %and3A_3375 = arith.andi %shift_right_arithmetic3A_3372, %and3A_3374 : vector<16xi32>
    %eq3A_3376 = arith.constant 1 : i32
    %eq3A_3377 = vector.broadcast %eq3A_3376 : i32 to vector<16xi32>
    %eq3A_3378 = arith.cmpi eq, %and3A_3375, %eq3A_3377 : vector<16xi32>
    %shift_right_arithmetic3A_3379 = arith.constant 12 : i32
    %shift_right_arithmetic3A_3380 = vector.broadcast %shift_right_arithmetic3A_3379 : i32 to vector<16xi32>
    %shift_right_arithmetic3A_3381 = arith.shrsi %get3A_3351, %shift_right_arithmetic3A_3380 : vector<16xi32>
    %and3A_3382 = arith.constant 1 : i32
    %and3A_3383 = vector.broadcast %and3A_3382 : i32 to vector<16xi32>
    %and3A_3384 = arith.andi %shift_right_arithmetic3A_3381, %and3A_3383 : vector<16xi32>
    %eq3A_3385 = arith.constant 1 : i32
    %eq3A_3386 = vector.broadcast %eq3A_3385 : i32 to vector<16xi32>
    %eq3A_3387 = arith.cmpi eq, %and3A_3384, %eq3A_3386 : vector<16xi32>
    %get3A_3388 = arith.constant 48 : index
    %get3A_3389 = tpu.vector_load %arg15[%get3A_3388] {strides = array<i32>} : memref<128xf32, #tpu.memory_space<vmem>>, vector<16xf32>,
    %get3A_3390 = arith.constant 48 : index
    %get3A_3391 = tpu.vector_load %arg16[%get3A_3390] {strides = array<i32>} : memref<128xf32, #tpu.memory_space<vmem>>, vector<16xf32>,
    %add3A_3392 = arith.addf %get3A_3389, %get3A_3391 : vector<16xf32>
    %scan3A_3393 = arith.constant 0 : i32
    %scan3A_3394 = arith.constant 64 : i32
    %scan3A_3395 = arith.addi %scan3A_3393, %scan3A_3394 : i32
    %scan3A_3396 = arith.constant 1 : i32
    %scan3A_3397 = scf.for %scan3A_3659 = %scan3A_3393 to %scan3A_3395 step %scan3A_3396 iter_args(%scan3A_3660 = %add3A_3392) -> (vector<16xf32>)  : i32 {
      %add3A_3661 = vector.broadcast %scan3A_3659 : i32 to vector<16xi32>
      %add3A_3662 = arith.addi %shift_left3A_3360, %add3A_3661 : vector<16xi32>
      %gather3A = tpu.vector_load_idx %arg13[%add3A_3339, %add3A_3662] : memref<128x128xi32, #tpu.memory_space<vmem>>[vector<16xi32>, vector<16xi32>], vector<16xi32>,
      %add3A_3663 = vector.broadcast %scan3A_3659 : i32 to vector<16xi32>
      %add3A_3664 = arith.addi %shift_left3A_3369, %add3A_3663 : vector<16xi32>
      %gather3A_3665 = tpu.vector_load_idx %arg14[%add3A_3339, %add3A_3664] : memref<128x128xi32, #tpu.memory_space<vmem>>[vector<16xi32>, vector<16xi32>], vector<16xi32>,
      %bitcast3A = vector.bitcast %gather3A : vector<16xi32> to vector<32xbf16>
      %unpack3A = tpu.unpack_subelements %bitcast3A, 0 {pack_format = #tpu.pack_format<interleaved>} : vector<32xbf16> -> vector<16xf32>
      %unpack3A_3666 = tpu.unpack_subelements %bitcast3A, 1 {pack_format = #tpu.pack_format<interleaved>} : vector<32xbf16> -> vector<16xf32>
      %bitcast3A_3667 = vector.bitcast %gather3A_3665 : vector<16xi32> to vector<32xbf16>
      %unpack3A_3668 = tpu.unpack_subelements %bitcast3A_3667, 0 {pack_format = #tpu.pack_format<interleaved>} : vector<32xbf16> -> vector<16xf32>
      %unpack3A_3669 = tpu.unpack_subelements %bitcast3A_3667, 1 {pack_format = #tpu.pack_format<interleaved>} : vector<32xbf16> -> vector<16xf32>
      %select_n3A = arith.select %eq3A_3378, %unpack3A_3666, %unpack3A : vector<16xi1>, vector<16xf32>
      %select_n3A_3670 = arith.select %eq3A_3387, %unpack3A_3669, %unpack3A_3668 : vector<16xi1>, vector<16xf32>
      %mul3A_3671 = arith.mulf %select_n3A, %select_n3A_3670 : vector<16xf32>
      %add3A_3672 = arith.addf %scan3A_3660, %mul3A_3671 : vector<16xf32>
      scf.yield %add3A_3672 : vector<16xf32>
    }
    %scan3A_3398 = arith.constant 64 : i32
    %swap3A_3399 = arith.constant 432 : index
    %swap3A_3400 = tpu.vector_load %arg17[%swap3A_3399] {strides = array<i32>} : memref<512xf32, #tpu.memory_space<vmem>>, vector<16xf32>,
    tpu.vector_store %arg17[%swap3A_3399], %scan3A_3397 {strides = array<i32>} : memref<512xf32, #tpu.memory_space<vmem>>, vector<16xf32>,
    %add3A_3401 = arith.constant 64 : i32
    %add3A_3402 = vector.broadcast %add3A_3401 : i32 to vector<16xi32>
    %add3A_3403 = arith.addi %add3A_3402, %iota3A : vector<16xi32>
    %get3A_3404 = arith.constant 3 : i32
    %get3A_3405 = arith.constant 0 : i32
    %get3A_3406 = tpu.memref_slice %arg9[%get3A_3404, %get3A_3405] : memref<4x128xi32, #tpu.memory_space<vmem>> -> memref<1x128xi32, #tpu.memory_space<vmem>>
    %get3A_3407 = tpu.memref_squeeze %get3A_3406 : memref<1x128xi32, #tpu.memory_space<vmem>> -> memref<128xi32, #tpu.memory_space<vmem>>
    %get3A_3408 = arith.constant 64 : index
    %get3A_3409 = tpu.vector_load %get3A_3407[%get3A_3408] {strides = array<i32>} : memref<128xi32, #tpu.memory_space<vmem>>, vector<16xi32>,
    %get3A_3410 = arith.constant 3 : i32
    %get3A_3411 = arith.constant 0 : i32
    %get3A_3412 = tpu.memref_slice %arg10[%get3A_3410, %get3A_3411] : memref<4x128xi32, #tpu.memory_space<vmem>> -> memref<1x128xi32, #tpu.memory_space<vmem>>
    %get3A_3413 = tpu.memref_squeeze %get3A_3412 : memref<1x128xi32, #tpu.memory_space<vmem>> -> memref<128xi32, #tpu.memory_space<vmem>>
    %get3A_3414 = arith.constant 64 : index
    %get3A_3415 = tpu.vector_load %get3A_3413[%get3A_3414] {strides = array<i32>} : memref<128xi32, #tpu.memory_space<vmem>>, vector<16xi32>,
    %shift_right_arithmetic3A_3416 = arith.constant 13 : i32
    %shift_right_arithmetic3A_3417 = vector.broadcast %shift_right_arithmetic3A_3416 : i32 to vector<16xi32>
    %shift_right_arithmetic3A_3418 = arith.shrsi %get3A_3409, %shift_right_arithmetic3A_3417 : vector<16xi32>
    %and3A_3419 = arith.constant 1 : i32
    %and3A_3420 = vector.broadcast %and3A_3419 : i32 to vector<16xi32>
    %and3A_3421 = arith.andi %shift_right_arithmetic3A_3418, %and3A_3420 : vector<16xi32>
    %shift_left3A_3422 = arith.constant 6 : i32
    %shift_left3A_3423 = vector.broadcast %shift_left3A_3422 : i32 to vector<16xi32>
    %shift_left3A_3424 = arith.shli %and3A_3421, %shift_left3A_3423 : vector<16xi32>
    %shift_right_arithmetic3A_3425 = arith.constant 13 : i32
    %shift_right_arithmetic3A_3426 = vector.broadcast %shift_right_arithmetic3A_3425 : i32 to vector<16xi32>
    %shift_right_arithmetic3A_3427 = arith.shrsi %get3A_3415, %shift_right_arithmetic3A_3426 : vector<16xi32>
    %and3A_3428 = arith.constant 1 : i32
    %and3A_3429 = vector.broadcast %and3A_3428 : i32 to vector<16xi32>
    %and3A_3430 = arith.andi %shift_right_arithmetic3A_3427, %and3A_3429 : vector<16xi32>
    %shift_left3A_3431 = arith.constant 6 : i32
    %shift_left3A_3432 = vector.broadcast %shift_left3A_3431 : i32 to vector<16xi32>
    %shift_left3A_3433 = arith.shli %and3A_3430, %shift_left3A_3432 : vector<16xi32>
    %shift_right_arithmetic3A_3434 = arith.constant 12 : i32
    %shift_right_arithmetic3A_3435 = vector.broadcast %shift_right_arithmetic3A_3434 : i32 to vector<16xi32>
    %shift_right_arithmetic3A_3436 = arith.shrsi %get3A_3409, %shift_right_arithmetic3A_3435 : vector<16xi32>
    %and3A_3437 = arith.constant 1 : i32
    %and3A_3438 = vector.broadcast %and3A_3437 : i32 to vector<16xi32>
    %and3A_3439 = arith.andi %shift_right_arithmetic3A_3436, %and3A_3438 : vector<16xi32>
    %eq3A_3440 = arith.constant 1 : i32
    %eq3A_3441 = vector.broadcast %eq3A_3440 : i32 to vector<16xi32>
    %eq3A_3442 = arith.cmpi eq, %and3A_3439, %eq3A_3441 : vector<16xi32>
    %shift_right_arithmetic3A_3443 = arith.constant 12 : i32
    %shift_right_arithmetic3A_3444 = vector.broadcast %shift_right_arithmetic3A_3443 : i32 to vector<16xi32>
    %shift_right_arithmetic3A_3445 = arith.shrsi %get3A_3415, %shift_right_arithmetic3A_3444 : vector<16xi32>
    %and3A_3446 = arith.constant 1 : i32
    %and3A_3447 = vector.broadcast %and3A_3446 : i32 to vector<16xi32>
    %and3A_3448 = arith.andi %shift_right_arithmetic3A_3445, %and3A_3447 : vector<16xi32>
    %eq3A_3449 = arith.constant 1 : i32
    %eq3A_3450 = vector.broadcast %eq3A_3449 : i32 to vector<16xi32>
    %eq3A_3451 = arith.cmpi eq, %and3A_3448, %eq3A_3450 : vector<16xi32>
    %get3A_3452 = arith.constant 64 : index
    %get3A_3453 = tpu.vector_load %arg15[%get3A_3452] {strides = array<i32>} : memref<128xf32, #tpu.memory_space<vmem>>, vector<16xf32>,
    %get3A_3454 = arith.constant 64 : index
    %get3A_3455 = tpu.vector_load %arg16[%get3A_3454] {strides = array<i32>} : memref<128xf32, #tpu.memory_space<vmem>>, vector<16xf32>,
    %add3A_3456 = arith.addf %get3A_3453, %get3A_3455 : vector<16xf32>
    %scan3A_3457 = arith.constant 0 : i32
    %scan3A_3458 = arith.constant 64 : i32
    %scan3A_3459 = arith.addi %scan3A_3457, %scan3A_3458 : i32
    %scan3A_3460 = arith.constant 1 : i32
    %scan3A_3461 = scf.for %scan3A_3659 = %scan3A_3457 to %scan3A_3459 step %scan3A_3460 iter_args(%scan3A_3660 = %add3A_3456) -> (vector<16xf32>)  : i32 {
      %add3A_3661 = vector.broadcast %scan3A_3659 : i32 to vector<16xi32>
      %add3A_3662 = arith.addi %shift_left3A_3424, %add3A_3661 : vector<16xi32>
      %gather3A = tpu.vector_load_idx %arg13[%add3A_3403, %add3A_3662] : memref<128x128xi32, #tpu.memory_space<vmem>>[vector<16xi32>, vector<16xi32>], vector<16xi32>,
      %add3A_3663 = vector.broadcast %scan3A_3659 : i32 to vector<16xi32>
      %add3A_3664 = arith.addi %shift_left3A_3433, %add3A_3663 : vector<16xi32>
      %gather3A_3665 = tpu.vector_load_idx %arg14[%add3A_3403, %add3A_3664] : memref<128x128xi32, #tpu.memory_space<vmem>>[vector<16xi32>, vector<16xi32>], vector<16xi32>,
      %bitcast3A = vector.bitcast %gather3A : vector<16xi32> to vector<32xbf16>
      %unpack3A = tpu.unpack_subelements %bitcast3A, 0 {pack_format = #tpu.pack_format<interleaved>} : vector<32xbf16> -> vector<16xf32>
      %unpack3A_3666 = tpu.unpack_subelements %bitcast3A, 1 {pack_format = #tpu.pack_format<interleaved>} : vector<32xbf16> -> vector<16xf32>
      %bitcast3A_3667 = vector.bitcast %gather3A_3665 : vector<16xi32> to vector<32xbf16>
      %unpack3A_3668 = tpu.unpack_subelements %bitcast3A_3667, 0 {pack_format = #tpu.pack_format<interleaved>} : vector<32xbf16> -> vector<16xf32>
      %unpack3A_3669 = tpu.unpack_subelements %bitcast3A_3667, 1 {pack_format = #tpu.pack_format<interleaved>} : vector<32xbf16> -> vector<16xf32>
      %select_n3A = arith.select %eq3A_3442, %unpack3A_3666, %unpack3A : vector<16xi1>, vector<16xf32>
      %select_n3A_3670 = arith.select %eq3A_3451, %unpack3A_3669, %unpack3A_3668 : vector<16xi1>, vector<16xf32>
      %mul3A_3671 = arith.mulf %select_n3A, %select_n3A_3670 : vector<16xf32>
      %add3A_3672 = arith.addf %scan3A_3660, %mul3A_3671 : vector<16xf32>
      scf.yield %add3A_3672 : vector<16xf32>
    }
    %scan3A_3462 = arith.constant 64 : i32
    %swap3A_3463 = arith.constant 448 : index
    %swap3A_3464 = tpu.vector_load %arg17[%swap3A_3463] {strides = array<i32>} : memref<512xf32, #tpu.memory_space<vmem>>, vector<16xf32>,
    tpu.vector_store %arg17[%swap3A_3463], %scan3A_3461 {strides = array<i32>} : memref<512xf32, #tpu.memory_space<vmem>>, vector<16xf32>,
    %add3A_3465 = arith.constant 80 : i32
    %add3A_3466 = vector.broadcast %add3A_3465 : i32 to vector<16xi32>
    %add3A_3467 = arith.addi %add3A_3466, %iota3A : vector<16xi32>
    %get3A_3468 = arith.constant 3 : i32
    %get3A_3469 = arith.constant 0 : i32
    %get3A_3470 = tpu.memref_slice %arg9[%get3A_3468, %get3A_3469] : memref<4x128xi32, #tpu.memory_space<vmem>> -> memref<1x128xi32, #tpu.memory_space<vmem>>
    %get3A_3471 = tpu.memref_squeeze %get3A_3470 : memref<1x128xi32, #tpu.memory_space<vmem>> -> memref<128xi32, #tpu.memory_space<vmem>>
    %get3A_3472 = arith.constant 80 : index
    %get3A_3473 = tpu.vector_load %get3A_3471[%get3A_3472] {strides = array<i32>} : memref<128xi32, #tpu.memory_space<vmem>>, vector<16xi32>,
    %get3A_3474 = arith.constant 3 : i32
    %get3A_3475 = arith.constant 0 : i32
    %get3A_3476 = tpu.memref_slice %arg10[%get3A_3474, %get3A_3475] : memref<4x128xi32, #tpu.memory_space<vmem>> -> memref<1x128xi32, #tpu.memory_space<vmem>>
    %get3A_3477 = tpu.memref_squeeze %get3A_3476 : memref<1x128xi32, #tpu.memory_space<vmem>> -> memref<128xi32, #tpu.memory_space<vmem>>
    %get3A_3478 = arith.constant 80 : index
    %get3A_3479 = tpu.vector_load %get3A_3477[%get3A_3478] {strides = array<i32>} : memref<128xi32, #tpu.memory_space<vmem>>, vector<16xi32>,
    %shift_right_arithmetic3A_3480 = arith.constant 13 : i32
    %shift_right_arithmetic3A_3481 = vector.broadcast %shift_right_arithmetic3A_3480 : i32 to vector<16xi32>
    %shift_right_arithmetic3A_3482 = arith.shrsi %get3A_3473, %shift_right_arithmetic3A_3481 : vector<16xi32>
    %and3A_3483 = arith.constant 1 : i32
    %and3A_3484 = vector.broadcast %and3A_3483 : i32 to vector<16xi32>
    %and3A_3485 = arith.andi %shift_right_arithmetic3A_3482, %and3A_3484 : vector<16xi32>
    %shift_left3A_3486 = arith.constant 6 : i32
    %shift_left3A_3487 = vector.broadcast %shift_left3A_3486 : i32 to vector<16xi32>
    %shift_left3A_3488 = arith.shli %and3A_3485, %shift_left3A_3487 : vector<16xi32>
    %shift_right_arithmetic3A_3489 = arith.constant 13 : i32
    %shift_right_arithmetic3A_3490 = vector.broadcast %shift_right_arithmetic3A_3489 : i32 to vector<16xi32>
    %shift_right_arithmetic3A_3491 = arith.shrsi %get3A_3479, %shift_right_arithmetic3A_3490 : vector<16xi32>
    %and3A_3492 = arith.constant 1 : i32
    %and3A_3493 = vector.broadcast %and3A_3492 : i32 to vector<16xi32>
    %and3A_3494 = arith.andi %shift_right_arithmetic3A_3491, %and3A_3493 : vector<16xi32>
    %shift_left3A_3495 = arith.constant 6 : i32
    %shift_left3A_3496 = vector.broadcast %shift_left3A_3495 : i32 to vector<16xi32>
    %shift_left3A_3497 = arith.shli %and3A_3494, %shift_left3A_3496 : vector<16xi32>
    %shift_right_arithmetic3A_3498 = arith.constant 12 : i32
    %shift_right_arithmetic3A_3499 = vector.broadcast %shift_right_arithmetic3A_3498 : i32 to vector<16xi32>
    %shift_right_arithmetic3A_3500 = arith.shrsi %get3A_3473, %shift_right_arithmetic3A_3499 : vector<16xi32>
    %and3A_3501 = arith.constant 1 : i32
    %and3A_3502 = vector.broadcast %and3A_3501 : i32 to vector<16xi32>
    %and3A_3503 = arith.andi %shift_right_arithmetic3A_3500, %and3A_3502 : vector<16xi32>
    %eq3A_3504 = arith.constant 1 : i32
    %eq3A_3505 = vector.broadcast %eq3A_3504 : i32 to vector<16xi32>
    %eq3A_3506 = arith.cmpi eq, %and3A_3503, %eq3A_3505 : vector<16xi32>
    %shift_right_arithmetic3A_3507 = arith.constant 12 : i32
    %shift_right_arithmetic3A_3508 = vector.broadcast %shift_right_arithmetic3A_3507 : i32 to vector<16xi32>
    %shift_right_arithmetic3A_3509 = arith.shrsi %get3A_3479, %shift_right_arithmetic3A_3508 : vector<16xi32>
    %and3A_3510 = arith.constant 1 : i32
    %and3A_3511 = vector.broadcast %and3A_3510 : i32 to vector<16xi32>
    %and3A_3512 = arith.andi %shift_right_arithmetic3A_3509, %and3A_3511 : vector<16xi32>
    %eq3A_3513 = arith.constant 1 : i32
    %eq3A_3514 = vector.broadcast %eq3A_3513 : i32 to vector<16xi32>
    %eq3A_3515 = arith.cmpi eq, %and3A_3512, %eq3A_3514 : vector<16xi32>
    %get3A_3516 = arith.constant 80 : index
    %get3A_3517 = tpu.vector_load %arg15[%get3A_3516] {strides = array<i32>} : memref<128xf32, #tpu.memory_space<vmem>>, vector<16xf32>,
    %get3A_3518 = arith.constant 80 : index
    %get3A_3519 = tpu.vector_load %arg16[%get3A_3518] {strides = array<i32>} : memref<128xf32, #tpu.memory_space<vmem>>, vector<16xf32>,
    %add3A_3520 = arith.addf %get3A_3517, %get3A_3519 : vector<16xf32>
    %scan3A_3521 = arith.constant 0 : i32
    %scan3A_3522 = arith.constant 64 : i32
    %scan3A_3523 = arith.addi %scan3A_3521, %scan3A_3522 : i32
    %scan3A_3524 = arith.constant 1 : i32
    %scan3A_3525 = scf.for %scan3A_3659 = %scan3A_3521 to %scan3A_3523 step %scan3A_3524 iter_args(%scan3A_3660 = %add3A_3520) -> (vector<16xf32>)  : i32 {
      %add3A_3661 = vector.broadcast %scan3A_3659 : i32 to vector<16xi32>
      %add3A_3662 = arith.addi %shift_left3A_3488, %add3A_3661 : vector<16xi32>
      %gather3A = tpu.vector_load_idx %arg13[%add3A_3467, %add3A_3662] : memref<128x128xi32, #tpu.memory_space<vmem>>[vector<16xi32>, vector<16xi32>], vector<16xi32>,
      %add3A_3663 = vector.broadcast %scan3A_3659 : i32 to vector<16xi32>
      %add3A_3664 = arith.addi %shift_left3A_3497, %add3A_3663 : vector<16xi32>
      %gather3A_3665 = tpu.vector_load_idx %arg14[%add3A_3467, %add3A_3664] : memref<128x128xi32, #tpu.memory_space<vmem>>[vector<16xi32>, vector<16xi32>], vector<16xi32>,
      %bitcast3A = vector.bitcast %gather3A : vector<16xi32> to vector<32xbf16>
      %unpack3A = tpu.unpack_subelements %bitcast3A, 0 {pack_format = #tpu.pack_format<interleaved>} : vector<32xbf16> -> vector<16xf32>
      %unpack3A_3666 = tpu.unpack_subelements %bitcast3A, 1 {pack_format = #tpu.pack_format<interleaved>} : vector<32xbf16> -> vector<16xf32>
      %bitcast3A_3667 = vector.bitcast %gather3A_3665 : vector<16xi32> to vector<32xbf16>
      %unpack3A_3668 = tpu.unpack_subelements %bitcast3A_3667, 0 {pack_format = #tpu.pack_format<interleaved>} : vector<32xbf16> -> vector<16xf32>
      %unpack3A_3669 = tpu.unpack_subelements %bitcast3A_3667, 1 {pack_format = #tpu.pack_format<interleaved>} : vector<32xbf16> -> vector<16xf32>
      %select_n3A = arith.select %eq3A_3506, %unpack3A_3666, %unpack3A : vector<16xi1>, vector<16xf32>
      %select_n3A_3670 = arith.select %eq3A_3515, %unpack3A_3669, %unpack3A_3668 : vector<16xi1>, vector<16xf32>
      %mul3A_3671 = arith.mulf %select_n3A, %select_n3A_3670 : vector<16xf32>
      %add3A_3672 = arith.addf %scan3A_3660, %mul3A_3671 : vector<16xf32>
      scf.yield %add3A_3672 : vector<16xf32>
    }
    %scan3A_3526 = arith.constant 64 : i32
    %swap3A_3527 = arith.constant 464 : index
    %swap3A_3528 = tpu.vector_load %arg17[%swap3A_3527] {strides = array<i32>} : memref<512xf32, #tpu.memory_space<vmem>>, vector<16xf32>,
    tpu.vector_store %arg17[%swap3A_3527], %scan3A_3525 {strides = array<i32>} : memref<512xf32, #tpu.memory_space<vmem>>, vector<16xf32>,
    %add3A_3529 = arith.constant 96 : i32
    %add3A_3530 = vector.broadcast %add3A_3529 : i32 to vector<16xi32>
    %add3A_3531 = arith.addi %add3A_3530, %iota3A : vector<16xi32>
    %get3A_3532 = arith.constant 3 : i32
    %get3A_3533 = arith.constant 0 : i32
    %get3A_3534 = tpu.memref_slice %arg9[%get3A_3532, %get3A_3533] : memref<4x128xi32, #tpu.memory_space<vmem>> -> memref<1x128xi32, #tpu.memory_space<vmem>>
    %get3A_3535 = tpu.memref_squeeze %get3A_3534 : memref<1x128xi32, #tpu.memory_space<vmem>> -> memref<128xi32, #tpu.memory_space<vmem>>
    %get3A_3536 = arith.constant 96 : index
    %get3A_3537 = tpu.vector_load %get3A_3535[%get3A_3536] {strides = array<i32>} : memref<128xi32, #tpu.memory_space<vmem>>, vector<16xi32>,
    %get3A_3538 = arith.constant 3 : i32
    %get3A_3539 = arith.constant 0 : i32
    %get3A_3540 = tpu.memref_slice %arg10[%get3A_3538, %get3A_3539] : memref<4x128xi32, #tpu.memory_space<vmem>> -> memref<1x128xi32, #tpu.memory_space<vmem>>
    %get3A_3541 = tpu.memref_squeeze %get3A_3540 : memref<1x128xi32, #tpu.memory_space<vmem>> -> memref<128xi32, #tpu.memory_space<vmem>>
    %get3A_3542 = arith.constant 96 : index
    %get3A_3543 = tpu.vector_load %get3A_3541[%get3A_3542] {strides = array<i32>} : memref<128xi32, #tpu.memory_space<vmem>>, vector<16xi32>,
    %shift_right_arithmetic3A_3544 = arith.constant 13 : i32
    %shift_right_arithmetic3A_3545 = vector.broadcast %shift_right_arithmetic3A_3544 : i32 to vector<16xi32>
    %shift_right_arithmetic3A_3546 = arith.shrsi %get3A_3537, %shift_right_arithmetic3A_3545 : vector<16xi32>
    %and3A_3547 = arith.constant 1 : i32
    %and3A_3548 = vector.broadcast %and3A_3547 : i32 to vector<16xi32>
    %and3A_3549 = arith.andi %shift_right_arithmetic3A_3546, %and3A_3548 : vector<16xi32>
    %shift_left3A_3550 = arith.constant 6 : i32
    %shift_left3A_3551 = vector.broadcast %shift_left3A_3550 : i32 to vector<16xi32>
    %shift_left3A_3552 = arith.shli %and3A_3549, %shift_left3A_3551 : vector<16xi32>
    %shift_right_arithmetic3A_3553 = arith.constant 13 : i32
    %shift_right_arithmetic3A_3554 = vector.broadcast %shift_right_arithmetic3A_3553 : i32 to vector<16xi32>
    %shift_right_arithmetic3A_3555 = arith.shrsi %get3A_3543, %shift_right_arithmetic3A_3554 : vector<16xi32>
    %and3A_3556 = arith.constant 1 : i32
    %and3A_3557 = vector.broadcast %and3A_3556 : i32 to vector<16xi32>
    %and3A_3558 = arith.andi %shift_right_arithmetic3A_3555, %and3A_3557 : vector<16xi32>
    %shift_left3A_3559 = arith.constant 6 : i32
    %shift_left3A_3560 = vector.broadcast %shift_left3A_3559 : i32 to vector<16xi32>
    %shift_left3A_3561 = arith.shli %and3A_3558, %shift_left3A_3560 : vector<16xi32>
    %shift_right_arithmetic3A_3562 = arith.constant 12 : i32
    %shift_right_arithmetic3A_3563 = vector.broadcast %shift_right_arithmetic3A_3562 : i32 to vector<16xi32>
    %shift_right_arithmetic3A_3564 = arith.shrsi %get3A_3537, %shift_right_arithmetic3A_3563 : vector<16xi32>
    %and3A_3565 = arith.constant 1 : i32
    %and3A_3566 = vector.broadcast %and3A_3565 : i32 to vector<16xi32>
    %and3A_3567 = arith.andi %shift_right_arithmetic3A_3564, %and3A_3566 : vector<16xi32>
    %eq3A_3568 = arith.constant 1 : i32
    %eq3A_3569 = vector.broadcast %eq3A_3568 : i32 to vector<16xi32>
    %eq3A_3570 = arith.cmpi eq, %and3A_3567, %eq3A_3569 : vector<16xi32>
    %shift_right_arithmetic3A_3571 = arith.constant 12 : i32
    %shift_right_arithmetic3A_3572 = vector.broadcast %shift_right_arithmetic3A_3571 : i32 to vector<16xi32>
    %shift_right_arithmetic3A_3573 = arith.shrsi %get3A_3543, %shift_right_arithmetic3A_3572 : vector<16xi32>
    %and3A_3574 = arith.constant 1 : i32
    %and3A_3575 = vector.broadcast %and3A_3574 : i32 to vector<16xi32>
    %and3A_3576 = arith.andi %shift_right_arithmetic3A_3573, %and3A_3575 : vector<16xi32>
    %eq3A_3577 = arith.constant 1 : i32
    %eq3A_3578 = vector.broadcast %eq3A_3577 : i32 to vector<16xi32>
    %eq3A_3579 = arith.cmpi eq, %and3A_3576, %eq3A_3578 : vector<16xi32>
    %get3A_3580 = arith.constant 96 : index
    %get3A_3581 = tpu.vector_load %arg15[%get3A_3580] {strides = array<i32>} : memref<128xf32, #tpu.memory_space<vmem>>, vector<16xf32>,
    %get3A_3582 = arith.constant 96 : index
    %get3A_3583 = tpu.vector_load %arg16[%get3A_3582] {strides = array<i32>} : memref<128xf32, #tpu.memory_space<vmem>>, vector<16xf32>,
    %add3A_3584 = arith.addf %get3A_3581, %get3A_3583 : vector<16xf32>
    %scan3A_3585 = arith.constant 0 : i32
    %scan3A_3586 = arith.constant 64 : i32
    %scan3A_3587 = arith.addi %scan3A_3585, %scan3A_3586 : i32
    %scan3A_3588 = arith.constant 1 : i32
    %scan3A_3589 = scf.for %scan3A_3659 = %scan3A_3585 to %scan3A_3587 step %scan3A_3588 iter_args(%scan3A_3660 = %add3A_3584) -> (vector<16xf32>)  : i32 {
      %add3A_3661 = vector.broadcast %scan3A_3659 : i32 to vector<16xi32>
      %add3A_3662 = arith.addi %shift_left3A_3552, %add3A_3661 : vector<16xi32>
      %gather3A = tpu.vector_load_idx %arg13[%add3A_3531, %add3A_3662] : memref<128x128xi32, #tpu.memory_space<vmem>>[vector<16xi32>, vector<16xi32>], vector<16xi32>,
      %add3A_3663 = vector.broadcast %scan3A_3659 : i32 to vector<16xi32>
      %add3A_3664 = arith.addi %shift_left3A_3561, %add3A_3663 : vector<16xi32>
      %gather3A_3665 = tpu.vector_load_idx %arg14[%add3A_3531, %add3A_3664] : memref<128x128xi32, #tpu.memory_space<vmem>>[vector<16xi32>, vector<16xi32>], vector<16xi32>,
      %bitcast3A = vector.bitcast %gather3A : vector<16xi32> to vector<32xbf16>
      %unpack3A = tpu.unpack_subelements %bitcast3A, 0 {pack_format = #tpu.pack_format<interleaved>} : vector<32xbf16> -> vector<16xf32>
      %unpack3A_3666 = tpu.unpack_subelements %bitcast3A, 1 {pack_format = #tpu.pack_format<interleaved>} : vector<32xbf16> -> vector<16xf32>
      %bitcast3A_3667 = vector.bitcast %gather3A_3665 : vector<16xi32> to vector<32xbf16>
      %unpack3A_3668 = tpu.unpack_subelements %bitcast3A_3667, 0 {pack_format = #tpu.pack_format<interleaved>} : vector<32xbf16> -> vector<16xf32>
      %unpack3A_3669 = tpu.unpack_subelements %bitcast3A_3667, 1 {pack_format = #tpu.pack_format<interleaved>} : vector<32xbf16> -> vector<16xf32>
      %select_n3A = arith.select %eq3A_3570, %unpack3A_3666, %unpack3A : vector<16xi1>, vector<16xf32>
      %select_n3A_3670 = arith.select %eq3A_3579, %unpack3A_3669, %unpack3A_3668 : vector<16xi1>, vector<16xf32>
      %mul3A_3671 = arith.mulf %select_n3A, %select_n3A_3670 : vector<16xf32>
      %add3A_3672 = arith.addf %scan3A_3660, %mul3A_3671 : vector<16xf32>
      scf.yield %add3A_3672 : vector<16xf32>
    }
    %scan3A_3590 = arith.constant 64 : i32
    %swap3A_3591 = arith.constant 480 : index
    %swap3A_3592 = tpu.vector_load %arg17[%swap3A_3591] {strides = array<i32>} : memref<512xf32, #tpu.memory_space<vmem>>, vector<16xf32>,
    tpu.vector_store %arg17[%swap3A_3591], %scan3A_3589 {strides = array<i32>} : memref<512xf32, #tpu.memory_space<vmem>>, vector<16xf32>,
    %add3A_3593 = arith.constant 112 : i32
    %add3A_3594 = vector.broadcast %add3A_3593 : i32 to vector<16xi32>
    %add3A_3595 = arith.addi %add3A_3594, %iota3A : vector<16xi32>
    %get3A_3596 = arith.constant 3 : i32
    %get3A_3597 = arith.constant 0 : i32
    %get3A_3598 = tpu.memref_slice %arg9[%get3A_3596, %get3A_3597] : memref<4x128xi32, #tpu.memory_space<vmem>> -> memref<1x128xi32, #tpu.memory_space<vmem>>
    %get3A_3599 = tpu.memref_squeeze %get3A_3598 : memref<1x128xi32, #tpu.memory_space<vmem>> -> memref<128xi32, #tpu.memory_space<vmem>>
    %get3A_3600 = arith.constant 112 : index
    %get3A_3601 = tpu.vector_load %get3A_3599[%get3A_3600] {strides = array<i32>} : memref<128xi32, #tpu.memory_space<vmem>>, vector<16xi32>,
    %get3A_3602 = arith.constant 3 : i32
    %get3A_3603 = arith.constant 0 : i32
    %get3A_3604 = tpu.memref_slice %arg10[%get3A_3602, %get3A_3603] : memref<4x128xi32, #tpu.memory_space<vmem>> -> memref<1x128xi32, #tpu.memory_space<vmem>>
    %get3A_3605 = tpu.memref_squeeze %get3A_3604 : memref<1x128xi32, #tpu.memory_space<vmem>> -> memref<128xi32, #tpu.memory_space<vmem>>
    %get3A_3606 = arith.constant 112 : index
    %get3A_3607 = tpu.vector_load %get3A_3605[%get3A_3606] {strides = array<i32>} : memref<128xi32, #tpu.memory_space<vmem>>, vector<16xi32>,
    %shift_right_arithmetic3A_3608 = arith.constant 13 : i32
    %shift_right_arithmetic3A_3609 = vector.broadcast %shift_right_arithmetic3A_3608 : i32 to vector<16xi32>
    %shift_right_arithmetic3A_3610 = arith.shrsi %get3A_3601, %shift_right_arithmetic3A_3609 : vector<16xi32>
    %and3A_3611 = arith.constant 1 : i32
    %and3A_3612 = vector.broadcast %and3A_3611 : i32 to vector<16xi32>
    %and3A_3613 = arith.andi %shift_right_arithmetic3A_3610, %and3A_3612 : vector<16xi32>
    %shift_left3A_3614 = arith.constant 6 : i32
    %shift_left3A_3615 = vector.broadcast %shift_left3A_3614 : i32 to vector<16xi32>
    %shift_left3A_3616 = arith.shli %and3A_3613, %shift_left3A_3615 : vector<16xi32>
    %shift_right_arithmetic3A_3617 = arith.constant 13 : i32
    %shift_right_arithmetic3A_3618 = vector.broadcast %shift_right_arithmetic3A_3617 : i32 to vector<16xi32>
    %shift_right_arithmetic3A_3619 = arith.shrsi %get3A_3607, %shift_right_arithmetic3A_3618 : vector<16xi32>
    %and3A_3620 = arith.constant 1 : i32
    %and3A_3621 = vector.broadcast %and3A_3620 : i32 to vector<16xi32>
    %and3A_3622 = arith.andi %shift_right_arithmetic3A_3619, %and3A_3621 : vector<16xi32>
    %shift_left3A_3623 = arith.constant 6 : i32
    %shift_left3A_3624 = vector.broadcast %shift_left3A_3623 : i32 to vector<16xi32>
    %shift_left3A_3625 = arith.shli %and3A_3622, %shift_left3A_3624 : vector<16xi32>
    %shift_right_arithmetic3A_3626 = arith.constant 12 : i32
    %shift_right_arithmetic3A_3627 = vector.broadcast %shift_right_arithmetic3A_3626 : i32 to vector<16xi32>
    %shift_right_arithmetic3A_3628 = arith.shrsi %get3A_3601, %shift_right_arithmetic3A_3627 : vector<16xi32>
    %and3A_3629 = arith.constant 1 : i32
    %and3A_3630 = vector.broadcast %and3A_3629 : i32 to vector<16xi32>
    %and3A_3631 = arith.andi %shift_right_arithmetic3A_3628, %and3A_3630 : vector<16xi32>
    %eq3A_3632 = arith.constant 1 : i32
    %eq3A_3633 = vector.broadcast %eq3A_3632 : i32 to vector<16xi32>
    %eq3A_3634 = arith.cmpi eq, %and3A_3631, %eq3A_3633 : vector<16xi32>
    %shift_right_arithmetic3A_3635 = arith.constant 12 : i32
    %shift_right_arithmetic3A_3636 = vector.broadcast %shift_right_arithmetic3A_3635 : i32 to vector<16xi32>
    %shift_right_arithmetic3A_3637 = arith.shrsi %get3A_3607, %shift_right_arithmetic3A_3636 : vector<16xi32>
    %and3A_3638 = arith.constant 1 : i32
    %and3A_3639 = vector.broadcast %and3A_3638 : i32 to vector<16xi32>
    %and3A_3640 = arith.andi %shift_right_arithmetic3A_3637, %and3A_3639 : vector<16xi32>
    %eq3A_3641 = arith.constant 1 : i32
    %eq3A_3642 = vector.broadcast %eq3A_3641 : i32 to vector<16xi32>
    %eq3A_3643 = arith.cmpi eq, %and3A_3640, %eq3A_3642 : vector<16xi32>
    %get3A_3644 = arith.constant 112 : index
    %get3A_3645 = tpu.vector_load %arg15[%get3A_3644] {strides = array<i32>} : memref<128xf32, #tpu.memory_space<vmem>>, vector<16xf32>,
    %get3A_3646 = arith.constant 112 : index
    %get3A_3647 = tpu.vector_load %arg16[%get3A_3646] {strides = array<i32>} : memref<128xf32, #tpu.memory_space<vmem>>, vector<16xf32>,
    %add3A_3648 = arith.addf %get3A_3645, %get3A_3647 : vector<16xf32>
    %scan3A_3649 = arith.constant 0 : i32
    %scan3A_3650 = arith.constant 64 : i32
    %scan3A_3651 = arith.addi %scan3A_3649, %scan3A_3650 : i32
    %scan3A_3652 = arith.constant 1 : i32
    %scan3A_3653 = scf.for %scan3A_3659 = %scan3A_3649 to %scan3A_3651 step %scan3A_3652 iter_args(%scan3A_3660 = %add3A_3648) -> (vector<16xf32>)  : i32 {
      %add3A_3661 = vector.broadcast %scan3A_3659 : i32 to vector<16xi32>
      %add3A_3662 = arith.addi %shift_left3A_3616, %add3A_3661 : vector<16xi32>
      %gather3A = tpu.vector_load_idx %arg13[%add3A_3595, %add3A_3662] : memref<128x128xi32, #tpu.memory_space<vmem>>[vector<16xi32>, vector<16xi32>], vector<16xi32>,
      %add3A_3663 = vector.broadcast %scan3A_3659 : i32 to vector<16xi32>
      %add3A_3664 = arith.addi %shift_left3A_3625, %add3A_3663 : vector<16xi32>
      %gather3A_3665 = tpu.vector_load_idx %arg14[%add3A_3595, %add3A_3664] : memref<128x128xi32, #tpu.memory_space<vmem>>[vector<16xi32>, vector<16xi32>], vector<16xi32>,
      %bitcast3A = vector.bitcast %gather3A : vector<16xi32> to vector<32xbf16>
      %unpack3A = tpu.unpack_subelements %bitcast3A, 0 {pack_format = #tpu.pack_format<interleaved>} : vector<32xbf16> -> vector<16xf32>
      %unpack3A_3666 = tpu.unpack_subelements %bitcast3A, 1 {pack_format = #tpu.pack_format<interleaved>} : vector<32xbf16> -> vector<16xf32>
      %bitcast3A_3667 = vector.bitcast %gather3A_3665 : vector<16xi32> to vector<32xbf16>
      %unpack3A_3668 = tpu.unpack_subelements %bitcast3A_3667, 0 {pack_format = #tpu.pack_format<interleaved>} : vector<32xbf16> -> vector<16xf32>
      %unpack3A_3669 = tpu.unpack_subelements %bitcast3A_3667, 1 {pack_format = #tpu.pack_format<interleaved>} : vector<32xbf16> -> vector<16xf32>
      %select_n3A = arith.select %eq3A_3634, %unpack3A_3666, %unpack3A : vector<16xi1>, vector<16xf32>
      %select_n3A_3670 = arith.select %eq3A_3643, %unpack3A_3669, %unpack3A_3668 : vector<16xi1>, vector<16xf32>
      %mul3A_3671 = arith.mulf %select_n3A, %select_n3A_3670 : vector<16xf32>
      %add3A_3672 = arith.addf %scan3A_3660, %mul3A_3671 : vector<16xf32>
      scf.yield %add3A_3672 : vector<16xf32>
    }
    %scan3A_3654 = arith.constant 64 : i32
    %swap3A_3655 = arith.constant 496 : index
    %swap3A_3656 = tpu.vector_load %arg17[%swap3A_3655] {strides = array<i32>} : memref<512xf32, #tpu.memory_space<vmem>>, vector<16xf32>,
    tpu.vector_store %arg17[%swap3A_3655], %scan3A_3653 {strides = array<i32>} : memref<512xf32, #tpu.memory_space<vmem>>, vector<16xf32>,
    %mul3A_3657 = arith.constant 512 : i32
    %mul3A_3658 = arith.muli %add3A, %mul3A_3657 : i32
    "tpu.region"() ({
      %run_scoped3A = tpu.sem_alloc : memref<!tpu.dma_semaphore, #tpu.memory_space<semaphore_mem>>
      %dma_start3A_3659 = tpu.memref_slice %arg8[%mul3A_3658] : memref<16384xf32, #tpu.memory_space<hbm>> -> memref<512xf32, #tpu.memory_space<hbm>>
      %dma_start3A_3660 = tpu.memref_slice %arg8[%mul3A_3658] : memref<16384xf32, #tpu.memory_space<hbm>> -> memref<512xf32, #tpu.memory_space<hbm>>
      tpu.enqueue_dma source(%arg17 : memref<512xf32, #tpu.memory_space<vmem>>) target(%dma_start3A_3660 : memref<512xf32, #tpu.memory_space<hbm>>) target_semaphore(%run_scoped3A : memref<!tpu.dma_semaphore, #tpu.memory_space<semaphore_mem>>)
      %dma_wait3A_3661 = tpu.memref_slice %arg8[%mul3A_3658] : memref<16384xf32, #tpu.memory_space<hbm>> -> memref<512xf32, #tpu.memory_space<hbm>>
      %dma_wait3A_3662 = tpu.memref_slice %arg8[%mul3A_3658] : memref<16384xf32, #tpu.memory_space<hbm>> -> memref<512xf32, #tpu.memory_space<hbm>>
      tpu.wait_dma2 semaphore(%run_scoped3A : memref<!tpu.dma_semaphore, #tpu.memory_space<semaphore_mem>>) src(%arg17 : memref<512xf32, #tpu.memory_space<vmem>>) dst(%dma_wait3A_3662 : memref<512xf32, #tpu.memory_space<hbm>>)
      tpu.yield
    }) : () -> ()
    return
  }
}

</mosaic_0001>

<sc_bundles>
// kernel: _run.3.cloned.1.call-start
scs
__scs_entry_jumppad:
0x0: {  	(pc) =	sbr.rel $0x88, $3  }
0x1: {  	(tag) =	ssettag $0x0;
	lr =	simm.s32 $0x1  }
0x2: {  	[smem:$0x3F9B] =	sst lr;
	_ =	strace $0xD0000000  }
0x3: {  	_ = 	snop  }
0x4: {  	_ = 	snop  }
0x5: {  	_ = 	snop  }
0x6: {  	_ = 	snop  }
0x7: {  	_ = 	snop  }
__scs_overlays_trampoline_lowered:
0x8: {  	[smem:$0x3FAA] =	sst s0  }
0x9: {  	[smem:$0x3FAB] =	sst s1  }
0xa: {  	[smem:$0x3FAC] =	sst s2  }
0xb: {  	[smem:$0x3FAD] =	sst s3  }
0xc: {  	[smem:$0x3FAE] =	sst s4  }
0xd: {  	[smem:$0x3FAF] =	sst s5  }
0xe: {  	[smem:$0x3FB0] =	sst s6  }
0xf: {  	[smem:$0x3FB1] =	sst s7  }
0x10: {  	[smem:$0x3FB2] =	sst s8  }
0x11: {  	[smem:$0x3FB3] =	sst s9;
	s0 =	simm.s32 @!p0 $0x0  }
0x12: {  	s1 =	sld [smem:$0x3F99];
	s0 =	simm.s32 @p0 $0x1  }
0x13: {  	[smem:$0x3FB4] =	sst s0;
	s0 =	simm.s32 @!p1 $0x0  }
0x14: {  	s2 =	sld [smem:$0x3F98];
	s0 =	simm.s32 @p1 $0x1  }
0x15: {  	[smem:$0x3FB5] =	sst s0;
	s0 =	simm.s32 @!p2 $0x0  }
0x16: {  	s3 =	sld [smem:$0x3FDB];
	s0 =	simm.s32 @p2 $0x1  }
0x17: {  	s4 =	simm.s32 $0x1BF5;
	[smem:$0x3FB7] =	sst s0  }
0x18: {  	s0 =	sld [smem:$0x3F9A];
	_ =	swait.ge [sflag:s4], $0x0  }
0x19: {  	s7 =	sld [smem:$0x3F9B]  }
0x1a: {  	s8 =	sadd.s32 $0xFFFFE003, lr  }
0x1b: {  	s9 =	sadd.s32 $0xFFFFFEF7, lr;
	s5 =	simm.s32 $0xFFFFFFFF;
	p2 =	slt.u32 s8, $0xFFFFF086  }
0x1c: {  	p1 =	slt.u32 s9, $0xF7A;
	s5 =	simm.s32 @!p2 $0x0  }
0x1d: {  	s5 =	simm.s32 @p1 $0x1;
	p0 =	seq.s32 s7, s2  }
0x1e: {  	s7 =	smul.u32 @!p0 $0xF7A, s2;
	p2 =	seq.s32 @!p0 s5, $0x0  }
0x1f: {  	s9 =	smul.u32 $0xF7A, s1;
	s8 =	simm.s32 @!p0 $0x1BF5;
	p2 =	por !p2, p0  }
0x20: {  	[sflag:s8] =	ssyncset.s32 @!p0 $0xFFFFF086;
	s6 =	sadd.s32 @!p0 s3, s7;
	s7 =	simm.s32 @!p0 $0x108  }
0x21: {  	s3 =	sadd.s32 s3, s9;
	s6 =	sadd.s32 @!p0 $0x88, s6;
	s7 =	simm.s32 @p2 $0x1082  }
0x22: {  	[simem:s7], [sflag:s8] =	dma.local @!p0 [hbm:s6], $0xF7A  }
0x23: {  	s9 =	sor.u32 $0xD0000000, s2;
	s6 =	simm.s32 $0x108;
	_ =	swait.ge @!p0 [sflag:s8], $0x0  }
0x24: {  	s3 =	sadd.s32 $0x88, s3;
	s6 =	simm.s32 @!p1 $0x1082;
	[sflag:s4] =	ssyncset.s32 $0xFFFFF086  }
0x25: {  	[simem:s6], [sflag:s4] =	dma.local [hbm:s3], $0xF7A  }
0x26: {  	[smem:$0x3F9B] =	sst s1;
	(tag) =	ssettag s2;
	_ =	strace s9  }
0x27: {  	s1 =	sld [smem:$0x3FAB]  }
0x28: {  	s2 =	sld [smem:$0x3FAC]  }
0x29: {  	s4 =	sld [smem:$0x3FAE]  }
0x2a: {  	p0 =	seq.s32 s5, $0x0;
	s5 =	sld [smem:$0x3FAF]  }
0x2b: {  	s6 =	sld [smem:$0x3FB0]  }
0x2c: {  	s7 =	sld [smem:$0x3FB1]  }
0x2d: {  	s3 =	simm.s32 $0x108;
	s8 =	sld [smem:$0x3FB2]  }
0x2e: {  	s3 =	simm.s32 @!p0 $0x1082;
	s9 =	sld [smem:$0x3FB3]  }
0x2f: {  	lr =	sadd.s32 s0, s3;
	s0 =	sld [smem:$0x3FAA]  }
0x30: {  	s3 =	sld [smem:$0x3FAD]  }
0x31: {  	[smem:$0x3FB6] =	sst s10  }
0x32: {  	s10 =	sld [smem:$0x3FB4];
	_ =	sdelay $0x3  }
0x33: {  	p0 =	seq.s32 s10, $0x1;
	s10 =	sld [smem:$0x3FB6];
	_ =	sdelay $0x3  }
0x34: {  	[smem:$0x3FB6] =	sst s10  }
0x35: {  	s10 =	sld [smem:$0x3FB5];
	_ =	sdelay $0x3  }
0x36: {  	p1 =	seq.s32 s10, $0x1;
	s10 =	sld [smem:$0x3FB6];
	_ =	sdelay $0x3  }
0x37: {  	[smem:$0x3FB6] =	sst s10  }
0x38: {  	s10 =	sld [smem:$0x3FB7]  }
0x39: {  	_ = 	snop;
	(pc) =	sbr.ind lr, $3  }
0x3a: {  	_ = 	snop  }
0x3b: {  	_ = 	snop  }
0x3c: {  	p2 =	seq.s32 s10, $0x1;
	s10 =	sld [smem:$0x3FB6]  }
0x3d: {  	_ =	shalt  }
0x3e: {  	_ =	shalt  }
0x3f: {  	_ =	shalt  }
0x40: {  	_ =	shalt  }
0x41: {  	_ =	shalt  }
0x42: {  	_ =	shalt  }
0x43: {  	_ =	shalt  }
0x44: {  	_ =	shalt  }
0x45: {  	_ =	shalt  }
0x46: {  	_ =	shalt  }
0x47: {  	_ =	shalt  }
0x48: {  	_ =	shalt  }
0x49: {  	_ =	shalt  }
0x4a: {  	_ =	shalt  }
0x4b: {  	_ =	shalt  }
0x4c: {  	_ =	shalt  }
0x4d: {  	_ =	shalt  }
0x4e: {  	_ =	shalt  }
0x4f: {  	_ =	shalt  }
0x50: {  	_ =	shalt  }
0x51: {  	_ =	shalt  }
0x52: {  	_ =	shalt  }
0x53: {  	_ =	shalt  }
0x54: {  	_ =	shalt  }
0x55: {  	_ =	shalt  }
0x56: {  	_ =	shalt  }
0x57: {  	_ =	shalt  }
0x58: {  	_ =	shalt  }
0x59: {  	_ =	shalt  }
0x5a: {  	_ =	shalt  }
0x5b: {  	_ =	shalt  }
0x5c: {  	_ =	shalt  }
0x5d: {  	_ =	shalt  }
0x5e: {  	_ =	shalt  }
0x5f: {  	_ =	shalt  }
0x60: {  	_ =	shalt  }
0x61: {  	_ =	shalt  }
0x62: {  	_ =	shalt  }
0x63: {  	_ =	shalt  }
0x64: {  	_ =	shalt  }
0x65: {  	_ =	shalt  }
0x66: {  	_ =	shalt  }
0x67: {  	_ =	shalt  }
0x68: {  	_ =	shalt  }
0x69: {  	_ =	shalt  }
0x6a: {  	_ =	shalt  }
0x6b: {  	_ =	shalt  }
0x6c: {  	_ =	shalt  }
0x6d: {  	_ =	shalt  }
0x6e: {  	_ =	shalt  }
0x6f: {  	_ =	shalt  }
0x70: {  	_ =	shalt  }
0x71: {  	_ =	shalt  }
0x72: {  	_ =	shalt  }
0x73: {  	_ =	shalt  }
0x74: {  	_ =	shalt  }
0x75: {  	_ =	shalt  }
0x76: {  	_ =	shalt  }
0x77: {  	_ =	shalt  }
0x78: {  	_ =	shalt  }
0x79: {  	_ =	shalt  }
0x7a: {  	_ =	shalt  }
0x7b: {  	_ =	shalt  }
0x7c: {  	_ =	shalt  }
0x7d: {  	_ =	shalt  }
0x7e: {  	_ =	shalt  }
0x7f: {  	_ =	shalt  }
0x80: {  	_ =	shalt  }
0x81: {  	_ =	shalt  }
0x82: {  	_ =	shalt  }
0x83: {  	_ =	shalt  }
0x84: {  	_ =	shalt  }
0x85: {  	_ =	shalt  }
0x86: {  	_ =	shalt  }
0x87: {  	_ =	shalt  }
.Lfunc_end0:
.L_simem_size_0:
called_computation_lowered:
.L_overlay_start_0:
0x88: {  	s2 =	sld [smem:$0x3FD9]  }
0x89: {  	s3 =	sld [smem:$0x3FFE];
	_ =	sdelay $0x1  }
0x8a: {  	s1 =	srdreg.scid  }
0x8b: {  	s0 =	sand.u32 $0x1, s1  }
0x8c: {  	s18 =	sshll.u32 s0, $0xA;
	s2 =	sadd.s32 s3, s2  }
0x8d: {  	s2 =	sadd.s32 s2, s18  }
0x8e: {  	[smem:$0x3FC2] =	sst s2  }
0x8f: {  	_ = 	snop  }
0x90: {  	s2 =	sld [smem:$0x3FC9]  }
0x91: {  	s19 =	sld [smem:$0x3FC8]  }
0x92: {  	s4 =	sld [smem:$0x3FC7]  }
0x93: {  	s5 =	sld [smem:$0x3FC6]  }
0x94: {  	s6 =	sld [smem:$0x3FC5]  }
0x95: {  	s7 =	sld [smem:$0x3FC4]  }
0x96: {  	s8 =	sld [smem:$0x3FD0];
	(tm) =	ssettm $0x1  }
0x97: {  	s9 =	sld [smem:$0x3FFB];
	_ =	sdelay $0x3  }
0x98: {  	_ =	strace s9  }
0x99: {  	s9 =	sld [smem:$0x3FFC];
	_ =	sdelay $0x3  }
0x9a: {  	_ =	strace s9  }
0x9b: {  	s9 =	sld [smem:$0x3FFD];
	_ =	sdelay $0x3  }
0x9c: {  	_ =	strace s9  }
0x9d: {  	_ =	strace $0x8FFFFFFF  }
0x9e: {  	s20 =	sld [smem:$0x3FDB];
	_ =	sdelay $0x1  }
0x9f: {  	s10 =	simm.s32 $_scs_section_size  }
0xa0: {  	s11 =	simm.s32 $_size__tile_overlayer_lowered;
	s12 =	simm.s32 $_tile_overlayer_lowered  }
0xa1: {  	s23 =	simm.s32 $0x1BFF;
	s22 =	sshll.u32 s12, $0x1;
	s9 =	sadd.s32 s10, s20  }
0xa2: {  	s13 =	simm.s32 $0x0;
	s21 =	sshll.u32 s11, $0x1;
	s11 =	sadd.s32 s22, s9  }
0xa3: {  	[timem:s13], [sflag:s23] =	dma.local [hbm:s11], s21  }
0xa4: {  	_ =	swait.ge [sflag:s23], s21  }
0xa5: {  	s10 =	ssub.s32 $0x0, s21;
	[sflag:s23] =	ssyncset.done $0x0  }
0xa6: {  	[sflag:s23] =	ssyncadd.s32 s10;
	_ =	sdelay $0x1  }
0xa7: {  	s24 =	simm.s32 $0x1B8B  }
0xa8: {  	_ =	swait.ge [sflag:s24], $0x1  }
0xa9: {  	[sflag:s24] =	ssyncset.done $0x0  }
0xaa: {  	s25 =	simm.s32 $0x1B8E;
	[sflag:s24] =	ssyncadd.s32 $0xFFFFFFFF  }
0xab: {  	s26 =	simm.s32 $execute0_lowered;
	[smem:$0x3FD2] =	sst s25  }
0xac: {  	s10 =	sshll.u32 s26, $0x1;
	_ =	strace $0x80000046;
	[dreg:$0x1] =	wrdreg $0xFFFFFFFF  }
0xad: {  	s28 =	simm.s32 $_size_execute0_lowered;
	s9 =	sadd.s32 s9, s10;
	[dreg:$0x0] =	wrdreg $0x0  }
0xae: {  	s10 =	sshll.u32 s28, $0x1;
	[dreg:$0x2] =	wrdreg s9  }
0xaf: {  	[dreg:$0x3] =	wrdreg s10  }
0xb0: {  	[dreg:$0x4] =	wrdreg $0xC0  }
0xb1: {  	_ =	task [dreg:s13], $0x5FFFF  }
0xb2: {  	[dreg:$0x1] =	wrdreg $0xFFFFFFFF  }
0xb3: {  	[dreg:$0x0] =	wrdreg $0x60  }
0xb4: {  	[dreg:$0x2] =	wrdreg s2  }
0xb5: {  	[dreg:$0x3] =	wrdreg s19  }
0xb6: {  	[dreg:$0x4] =	wrdreg s4  }
0xb7: {  	[dreg:$0x5] =	wrdreg s5  }
0xb8: {  	[dreg:$0x6] =	wrdreg s6  }
0xb9: {  	[dreg:$0x7] =	wrdreg s7  }
0xba: {  	[dreg:$0x8] =	wrdreg s8  }
0xbb: {  	[dreg:$0x9] =	wrdreg $0x9  }
0xbc: {  	_ =	task.clear_ibuf [dreg:s13], $0xAFFFF;
	_ =	strace $0x90000046  }
0xbd: {  	s29 =	simm.s32 $0x9;
	_ =	strace $0x80000048  }
0xbe: {  	_ =	swait.ge [sflag:s29], $0x1  }
0xbf: {  	[sflag:s29] =	ssyncadd.s32 $0xFFFFFFFF  }
0xc0: {  	_ =	strace $0x90000048  }
0xc1: {  	_ =	sfence  }
0xc2: {  	s30 =	sld [smem:$0x0];
	_ =	sdelay $0x2  }
0xc3: {  	s31 =	sshll.u32 s1, $0xD;
	s1 =	sshrl.u32 s1, $0x2  }
0xc4: {  	s3 =	sand.u32 $0x4000, s31;
	s1 =	sadd.s32 s1, s30  }
0xc5: {  	s0 =	sor.u32 s3, s0;
	s1 =	sshll.u32 s1, $0x11  }
0xc6: {  	s0 =	sor.u32 s1, s0  }
0xc7: {  	s0 =	sadd.s32 $0x8F2B, s0  }
0xc8: {  	[sflag:s0] =	ssyncadd.remote.s32 $0x1  }
0xc9: {  	_ =	sfence.sel $0xFFFF  }
0xca: {  	[dreg:$0x0] =	wrdreg $0xFFFFFFFF;
	(pc) =	sbr.abs _section_cstart, $3  }
0xcb: {  	[dreg:$0x1] =	wrdreg $0xFFFFFFFF  }
0xcc: {  	_ =	task.clear_ibuf [dreg:s13], $0x2FFFF;
	_ =	strace $0x9FFFFFFF  }
0xcd: {  	(tm) =	ssettm $0x7FFFFFFF  }
tec
execute0_lowered:
.L_overlay_start_1:
0x0: {  	(tag) =	ssettag $0x1  }
0x1: {  	s0 =	rddreg [dreg:$0x0]  }
0x2: {  	s6 =	rddreg [dreg:$0x1]  }
0x3: {  	s1 =	rddreg [dreg:$0x2]  }
0x4: {  	s2 =	rddreg [dreg:$0x3]  }
0x5: {  	s3 =	rddreg [dreg:$0x4]  }
0x6: {  	s4 =	rddreg [dreg:$0x5]  }
0x7: {  	s7 =	rddreg [dreg:$0x6];
	s5 =	simm.s32 $0x0;
	s8 =	srdreg.scid  }
0x8: {  	s11 =	stileid.u32;
	s13 =	simm.s32 $0x80;
	s15 =	simm.s32 $0x800  }
0x9: {  	s17 =	simm.s32 $0x4800;
	s18 =	simm.s32 $0x8800;
	s19 =	simm.s32 $0x8880  }
0xa: {  	s20 =	simm.s32 $0x1;
	s21 =	simm.s32 $0x480;
	s22 =	simm.s32 $0x680  }
0xb: {  	s23 =	simm.s32 $0x280;
	s24 =	simm.s32 $0x500;
	s25 =	simm.s32 $0x700  }
0xc: {  	s28 =	simm.s32 $0x300;
	s29 =	simm.s32 $0x580;
	s30 =	simm.s32 $0x780  }
0xd: {  	s31 =	simm.s32 $0x180;
	s14 =	simm.s32 $0x0;
	s8 =	sand.u32 $0x1, s8  }
0xe: {  	[smem:$0x7FF] =	sst s5;
	s11 =	sshll.u32 s11, $0x7;
	s9 =	ssub.s32 $0x2, s8  }
0xf: {  	_ =	strace $0x80000047;
	s8 =	sshll.u32 s8, $0x6;
	s10 =	sshrl.u32 s9, $0x1  }
0x10: {  	s26 =	sor.u32 s8, s11;
	s12 =	sadd.s32 s7, s8;
	s10 =	ssub.s32 s9, s10  }
0x11: {  	s7 =	sadd.s32 s0, s26;
	s8 =	sadd.s32 s6, s26;
	s9 =	sadd.s32 s11, s12  }
0x12: {  	v0 =	vlaneseq.u32;
	s11 =	simm.s32 $0x2;
	s12 =	simm.s32 $0x200;
	s26 =	simm.s32 $0x100  }
0x13: {  	v0 =	vmul.u32 $0x80, v0;
	s0 =	simm.s32 $0x380;
	s6 =	simm.s32 $0x8900;
	s10 =	smax.u32 s10, $0x1  }
.LBB2_1:
0x14: {  	[tilespmem:s5], [sflag:$0x2] =	stream.linear.gather [hbm4b:s7+s5], $0x200, $0x38;
	[tilespmem:$0x8B00] =	vst v63  }
0x15: {  	_ =	swait.ge [sflag:s11], $0x200  }
0x16: {  	[sflag:s11] =	ssyncset.done $0x0  }
0x17: {  	[sflag:s11] =	ssyncadd.s32 $0xFFFFFE00  }
0x18: {  	[tilespmem:s12], [sflag:$0x2] =	stream.linear.gather [hbm4b:s8+s5], $0x200, $0x38;
	[tilespmem:$0x8B00] =	vst v63  }
0x19: {  	_ =	swait.ge [sflag:s11], $0x200  }
0x1a: {  	[sflag:s11] =	ssyncset.done $0x0  }
0x1b: {  	[sflag:s11] =	ssyncadd.s32 $0xFFFFFE00  }
0x1c: {  	v1 =	vld [tilespmem:$0x0]  }
0x1d: {  	v2 =	vld [tilespmem:$0x200]  }
0x1e: {  	v4 =	vld [tilespmem:$0x210]  }
0x1f: {  	v6 =	vld [tilespmem:$0x20]  }
0x20: {  	v10 =	vld [tilespmem:$0x230]  }
0x21: {  	v11 =	vld [tilespmem:$0x40]  }
0x22: {  	v35 =	vld [tilespmem:$0x240]  }
0x23: {  	v13 =	vld [tilespmem:$0x50]  }
0x24: {  	v14 =	vld [tilespmem:$0x250]  }
0x25: {  	v38 =	vld [tilespmem:$0x60]  }
0x26: {  	v16 =	vld [tilespmem:$0x260]  }
0x27: {  	v17 =	vld [tilespmem:$0x70]  }
0x28: {  	v43 =	vld [tilespmem:$0x270]  }
0x29: {  	v19 =	vld [tilespmem:$0x80]  }
0x2a: {  	v20 =	vld [tilespmem:$0x280]  }
0x2b: {  	v48 =	vld [tilespmem:$0x90];
	v5 =	vshra.s32 v1, $0x2;
	v7 =	vshra.s32 v2, $0x2  }
0x2c: {  	v22 =	vld [tilespmem:$0x290];
	v1 =	vand.u32 $0xFFF, v1;
	v2 =	vand.u32 $0xFFF, v2;
	v9 =	vshra.s32 v4, $0x2  }
0x2d: {  	v53 =	vld [tilespmem:$0x2A0];
	v34 =	vshra.s32 v6, $0x2;
	v4 =	vand.u32 $0xFFF, v4;
	v6 =	vand.u32 $0xFFF, v6  }
0x2e: {  	v24 =	vld [tilespmem:$0xB0];
	v36 =	vshra.s32 v10, $0x2;
	v10 =	vand.u32 $0xFFF, v10;
	v37 =	vshra.s32 v11, $0x2  }
0x2f: {  	v59 =	vld [tilespmem:$0x2B0];
	v11 =	vand.u32 $0xFFF, v11;
	v15 =	vshra.s32 v35, $0x2;
	v40 =	vshra.s32 v13, $0x2  }
0x30: {  	v60 =	vld [tilespmem:$0xC0];
	v13 =	vand.u32 $0xFFF, v13;
	v42 =	vshra.s32 v14, $0x2;
	v14 =	vand.u32 $0xFFF, v14  }
0x31: {  	v62 =	vld [tilespmem:$0x2C0];
	v18 =	vshra.s32 v38, $0x2;
	v45 =	vshra.s32 v16, $0x2;
	v16 =	vand.u32 $0xFFF, v16  }
0x32: {  	v47 =	vshra.s32 v17, $0x2;
	v17 =	vand.u32 $0xFFF, v17;
	v21 =	vshra.s32 v43, $0x2  }
0x33: {  	v50 =	vshra.s32 v19, $0x2;
	v19 =	vand.u32 $0xFFF, v19;
	v52 =	vshra.s32 v20, $0x2  }
0x34: {  	v54 =	vand.u32 $0xFFF, v20;
	v55 =	vshra.s32 v48, $0x2;
	v56 =	vshra.s32 v22, $0x2  }
0x35: {  	v27 =	vld [tilespmem:$0xE0];
	v58 =	vand.u32 $0xFFF, v22;
	v61 =	vshra.s32 v53, $0x2;
	v63 =	vand.u32 $0xFFF, v24  }
0x36: {  	v32 =	vld [tilespmem:$0x2E0];
	v25 =	vand.u32 $0xFFF, v59;
	v26 =	vshra.s32 v60, $0x2;
	v29 =	vshra.s32 v62, $0x2  }
0x37: {  	v3 =	vld [tilespmem:$0x10];
	v30 =	vand.u32 $0xFFF, v60;
	v31 =	vand.u32 $0xFFF, v62;
	v5 =	vand.u32 $0xFFFFF000, v5  }
0x38: {  	v7 =	vand.u32 $0xFFFFF000, v7;
	v39 =	vand.u32 $0xFFFFF000, v15;
	v15 =	vand.u32 $0xFFFFF000, v40  }
0x39: {  	v44 =	vand.u32 $0xFFFFF000, v18;
	v18 =	vand.u32 $0xFFFFF000, v45;
	v49 =	vand.u32 $0xFFFFF000, v21  }
0x3a: {  	v21 =	vand.u32 $0xFFFFF000, v50;
	v57 =	vand.u32 $0xFFFFF000, v56;
	v28 =	vand.u32 $0xFFFFF000, v26  }
0x3b: {  	v40 =	vand.u32 $0xFFF, v27;
	v45 =	vand.u32 $0xFFF, v32;
	v1 =	vor.u32 v1, v5  }
0x3c: {  	v2 =	vor.u32 v2, v7;
	v5 =	vshra.s32 v3, $0x2;
	v3 =	vand.u32 $0xFFF, v3  }
0x3d: {  	v41 =	vor.u32 v13, v15;
	v13 =	vand.u32 $0xFFFFF000, v42;
	v46 =	vor.u32 v16, v18  }
0x3e: {  	v8 =	vld [tilespmem:$0x220];
	v16 =	vand.u32 $0xFFFFF000, v47;
	v15 =	vand.u32 $0xFFF, v43;
	v51 =	vor.u32 v19, v21  }
0x3f: {  	v43 =	vshra.s32 v32, $0x2;
	v5 =	vand.u32 $0xFFFFF000, v5;
	v13 =	vor.u32 v14, v13  }
0x40: {  	v23 =	vld [tilespmem:$0xA0];
	v16 =	vor.u32 v17, v16;
	v15 =	vor.u32 v15, v49;
	[tilespmem:$0x400] =	vst v1;
	v1 =	vand.u32 $0xFFFFF000, v52  }
0x41: {  	v60 =	vld [tilespmem:$0x130];
	[tilespmem:$0x600] =	vst v2;
	v2 =	vand.u32 $0xFFFFF000, v55;
	v3 =	vor.u32 v3, v5;
	v5 =	vand.u32 $0xFFFFF000, v9  }
0x42: {  	v7 =	vld [tilespmem:$0x30];
	v9 =	vand.u32 $0xFFFFF000, v34;
	v1 =	vor.u32 v54, v1;
	v4 =	vor.u32 v4, v5  }
0x43: {  	[tilespmem:$0x450] =	vst v41;
	v5 =	vor.u32 v6, v9;
	v6 =	vshra.s32 v8, $0x2;
	v8 =	vand.u32 $0xFFF, v8  }
0x44: {  	v47 =	vld [tilespmem:$0x110];
	v9 =	vand.u32 $0xFFF, v35;
	[tilespmem:$0x410] =	vst v3;
	v3 =	vand.u32 $0xFFF, v48;
	v6 =	vand.u32 $0xFFFFF000, v6  }
0x45: {  	v9 =	vor.u32 v9, v39;
	[tilespmem:$0x610] =	vst v4;
	v2 =	vor.u32 v3, v2;
	v3 =	vor.u32 v58, v57  }
0x46: {  	v41 =	vld [tilespmem:$0x100];
	v4 =	vshra.s32 v23, $0x2;
	[tilespmem:$0x420] =	vst v5;
	v5 =	vand.u32 $0xFFF, v23;
	v39 =	vshra.s32 v27, $0x2  }
0x47: {  	v52 =	vld [tilespmem:$0x310];
	v27 =	vshra.s32 v60, $0x2;
	v12 =	vshra.s32 v7, $0x2;
	v6 =	vor.u32 v8, v6  }
0x48: {  	v7 =	vand.u32 $0xFFF, v7;
	v4 =	vand.u32 $0xFFFFF000, v4;
	[tilespmem:$0x640] =	vst v9;
	v9 =	vor.u32 v30, v28  }
0x49: {  	v34 =	vld [tilespmem:$0xF0];
	v14 =	vand.u32 $0xFFFFF000, v39;
	v58 =	vshra.s32 v47, $0x2;
	v8 =	vand.u32 $0xFFFFF000, v12  }
0x4a: {  	[tilespmem:$0x660] =	vst v46;
	v54 =	vld [tilespmem:$0x120];
	v12 =	vand.u32 $0xFFFFF000, v36;
	v4 =	vor.u32 v5, v4;
	v5 =	vand.u32 $0xFFFFF000, v61  }
0x4b: {  	v20 =	vld [tilespmem:$0x140];
	[tilespmem:$0x620] =	vst v6;
	v6 =	vshra.s32 v24, $0x2;
	v42 =	vor.u32 v40, v14;
	v14 =	vand.u32 $0xFFFFF000, v43  }
0x4c: {  	[tilespmem:$0x650] =	vst v13;
	v55 =	vand.u32 $0xFFF, v41;
	v13 =	vand.u32 $0xFFFFF000, v58;
	v62 =	vand.u32 $0xFFF, v52  }
0x4d: {  	[tilespmem:$0x480] =	vst v51;
	v7 =	vor.u32 v7, v8;
	v8 =	vor.u32 v10, v12;
	v10 =	vand.u32 $0xFFFFF000, v37  }
0x4e: {  	[tilespmem:$0x680] =	vst v1;
	v12 =	vand.u32 $0xFFF, v38;
	v6 =	vand.u32 $0xFFFFF000, v6;
	v46 =	vshra.s32 v34, $0x2  }
0x4f: {  	[tilespmem:$0x490] =	vst v2;
	v1 =	vor.u32 v45, v14;
	v2 =	vand.u32 $0xFFF, v34;
	v23 =	vand.u32 $0xFFF, v54  }
0x50: {  	[tilespmem:$0x470] =	vst v16;
	v57 =	vld [tilespmem:$0x320];
	v34 =	vand.u32 $0xFFF, v20;
	v10 =	vor.u32 v11, v10;
	v12 =	vor.u32 v12, v44  }
0x51: {  	v28 =	vld [tilespmem:$0x150];
	[tilespmem:$0x430] =	vst v7;
	v7 =	vand.u32 $0xFFF, v53;
	v6 =	vor.u32 v63, v6;
	v48 =	vand.u32 $0xFFFFF000, v46  }
0x52: {  	[tilespmem:$0x670] =	vst v15;
	v24 =	vld [tilespmem:$0xD0];
	v53 =	vshra.s32 v41, $0x2;
	v63 =	vshra.s32 v54, $0x2;
	v5 =	vor.u32 v7, v5  }
0x53: {  	v61 =	vld [tilespmem:$0x330];
	v7 =	vshra.s32 v59, $0x2;
	[tilespmem:$0x440] =	vst v10;
	v10 =	vand.u32 $0xFFFFF000, v29;
	v2 =	vor.u32 v2, v48  }
0x54: {  	v40 =	vld [tilespmem:$0x170];
	[tilespmem:$0x4A0] =	vst v4;
	v4 =	vand.u32 $0xFFFFF000, v53;
	v59 =	vand.u32 $0xFFF, v47;
	v21 =	vand.u32 $0xFFFFF000, v63  }
0x55: {  	[tilespmem:$0x690] =	vst v3;
	v37 =	vld [tilespmem:$0x2F0];
	v22 =	vshra.s32 v57, $0x2;
	v29 =	vand.u32 $0xFFF, v60;
	v7 =	vand.u32 $0xFFFFF000, v7  }
0x56: {  	[tilespmem:$0x4C0] =	vst v9;
	v10 =	vor.u32 v31, v10;
	v4 =	vor.u32 v55, v4;
	v39 =	vshra.s32 v28, $0x2  }
0x57: {  	[tilespmem:$0x630] =	vst v8;
	v7 =	vor.u32 v25, v7;
	v33 =	vshra.s32 v24, $0x2;
	v35 =	vand.u32 $0xFFF, v24  }
0x58: {  	v8 =	vld [tilespmem:$0x2D0];
	[tilespmem:$0x6C0] =	vst v10;
	v10 =	vand.u32 $0xFFFFF000, v22;
	v24 =	vand.u32 $0xFFF, v57;
	v30 =	vshra.s32 v61, $0x2  }
0x59: {  	v44 =	vld [tilespmem:$0x300];
	[tilespmem:$0x4F0] =	vst v2;
	v2 =	vand.u32 $0xFFF, v61;
	v47 =	vshra.s32 v40, $0x2;
	v48 =	vand.u32 $0xFFF, v40  }
0x5a: {  	[tilespmem:$0x4E0] =	vst v42;
	v11 =	vand.u32 $0xFFFFF000, v33;
	v49 =	vshra.s32 v37, $0x2;
	v51 =	vand.u32 $0xFFF, v37  }
0x5b: {  	v46 =	vld [tilespmem:$0x380];
	[tilespmem:$0x6B0] =	vst v7;
	v7 =	vshra.s32 v52, $0x2;
	v26 =	vor.u32 v24, v10;
	v10 =	vand.u32 $0xFFFFF000, v27  }
0x5c: {  	[tilespmem:$0x6E0] =	vst v1;
	v32 =	vand.u32 $0xFFFFF000, v30;
	v33 =	vshra.s32 v20, $0x2;
	v9 =	vand.u32 $0xFFFFF000, v47  }
0x5d: {  	[tilespmem:$0x460] =	vst v12;
	v36 =	vshra.s32 v8, $0x2;
	v11 =	vor.u32 v35, v11;
	v8 =	vand.u32 $0xFFF, v8  }
0x5e: {  	[tilespmem:$0x4B0] =	vst v6;
	v31 =	vld [tilespmem:$0x350];
	v50 =	vand.u32 $0xFFFFF000, v49;
	v56 =	vshra.s32 v44, $0x2;
	v6 =	vand.u32 $0xFFF, v44  }
0x5f: {  	[tilespmem:$0x6A0] =	vst v5;
	v25 =	vld [tilespmem:$0x340];
	v7 =	vand.u32 $0xFFFFF000, v7;
	v1 =	vor.u32 v29, v10;
	v12 =	vand.u32 $0xFFFFF000, v33  }
0x60: {  	[tilespmem:$0x500] =	vst v4;
	v2 =	vor.u32 v2, v32;
	v53 =	vand.u32 $0xFFF, v46;
	v38 =	vand.u32 $0xFFFFF000, v36  }
0x61: {  	v37 =	vld [tilespmem:$0x360];
	v3 =	vor.u32 v51, v50;
	v5 =	vand.u32 $0xFFFFF000, v56;
	v7 =	vor.u32 v62, v7;
	[tilespmem:$0x730] =	vst v2  }
0x62: {  	v52 =	vld [tilespmem:$0x1A0];
	v2 =	vor.u32 v48, v9;
	v8 =	vor.u32 v8, v38;
	v5 =	vor.u32 v6, v5;
	[tilespmem:$0x6F0] =	vst v3  }
0x63: {  	v35 =	vld [tilespmem:$0x160];
	v6 =	vor.u32 v59, v13;
	v3 =	vor.u32 v34, v12;
	v41 =	vshra.s32 v31, $0x2;
	[tilespmem:$0x6D0] =	vst v8  }
0x64: {  	v44 =	vld [tilespmem:$0x180];
	v42 =	vand.u32 $0xFFF, v31;
	v8 =	vor.u32 v23, v21;
	v36 =	vshra.s32 v25, $0x2;
	[tilespmem:$0x700] =	vst v5  }
0x65: {  	v43 =	vld [tilespmem:$0x370];
	v38 =	vand.u32 $0xFFF, v25;
	v5 =	vand.u32 $0xFFFFF000, v39;
	[tilespmem:$0x510] =	vst v6;
	v6 =	vand.u32 $0xFFF, v28  }
0x66: {  	v49 =	vld [tilespmem:$0x190];
	[tilespmem:$0x530] =	vst v1;
	v10 =	vand.u32 $0xFFFFF000, v41;
	v4 =	vand.u32 $0xFFFFF000, v36;
	v5 =	vor.u32 v6, v5  }
0x67: {  	[tilespmem:$0x710] =	vst v7;
	v6 =	vor.u32 v42, v10;
	v45 =	vshra.s32 v37, $0x2;
	v1 =	vand.u32 $0xFFF, v37  }
0x68: {  	[tilespmem:$0x540] =	vst v3;
	v57 =	vand.u32 $0xFFF, v52;
	v4 =	vor.u32 v38, v4;
	v7 =	vshra.s32 v35, $0x2  }
0x69: {  	v50 =	vld [tilespmem:$0x390];
	[tilespmem:$0x520] =	vst v8;
	v8 =	vand.u32 $0xFFF, v35;
	v51 =	vshra.s32 v44, $0x2;
	v7 =	vand.u32 $0xFFFFF000, v7  }
0x6a: {  	[tilespmem:$0x550] =	vst v5;
	v5 =	vand.u32 $0xFFF, v44;
	v7 =	vor.u32 v8, v7;
	v8 =	vand.u32 $0xFFFFF000, v45  }
0x6b: {  	[tilespmem:$0x750] =	vst v6;
	v6 =	vshra.s32 v49, $0x2;
	v1 =	vor.u32 v1, v8;
	v8 =	vshra.s32 v43, $0x2  }
0x6c: {  	v54 =	vld [tilespmem:$0x3A0];
	[tilespmem:$0x740] =	vst v4;
	v4 =	vand.u32 $0xFFFFF000, v51;
	v3 =	vand.u32 $0xFFFFF000, v8;
	v8 =	vand.u32 $0xFFF, v43  }
0x6d: {  	[tilespmem:$0x720] =	vst v26;
	v6 =	vand.u32 $0xFFFFF000, v6;
	v3 =	vor.u32 v8, v3;
	v8 =	vshra.s32 v46, $0x2  }
0x6e: {  	v56 =	vld [tilespmem:$0x3B0];
	[tilespmem:$0x570] =	vst v2;
	v55 =	vshra.s32 v50, $0x2;
	v2 =	vand.u32 $0xFFF, v50;
	v8 =	vand.u32 $0xFFFFF000, v8  }
0x6f: {  	v4 =	vor.u32 v5, v4;
	[tilespmem:$0x560] =	vst v7;
	v7 =	vand.u32 $0xFFF, v49;
	v5 =	vor.u32 v53, v8;
	v8 =	vld [tilespmem:$0x1B0]  }
0x70: {  	[tilespmem:$0x760] =	vst v1;
	v1 =	vor.u32 v7, v6;
	v6 =	vand.u32 $0xFFFFF000, v55;
	v7 =	vshra.s32 v52, $0x2  }
0x71: {  	v58 =	vld [tilespmem:$0x1C0];
	[tilespmem:$0x580] =	vst v4;
	v7 =	vand.u32 $0xFFFFF000, v7;
	v2 =	vor.u32 v2, v6;
	v6 =	vshra.s32 v54, $0x2  }
0x72: {  	[tilespmem:$0x770] =	vst v3;
	v3 =	vor.u32 v57, v7;
	v7 =	vld [tilespmem:$0x3C0];
	v4 =	vand.u32 $0xFFFFF000, v6;
	v6 =	vand.u32 $0xFFF, v54  }
0x73: {  	v60 =	vld [tilespmem:$0x1D0];
	[tilespmem:$0x4D0] =	vst v11;
	v4 =	vor.u32 v6, v4;
	v6 =	vshra.s32 v56, $0x2  }
0x74: {  	[tilespmem:$0x590] =	vst v1;
	v6 =	vand.u32 $0xFFFFF000, v6;
	v59 =	vshra.s32 v8, $0x2  }
0x75: {  	v61 =	vld [tilespmem:$0x3D0];
	[tilespmem:$0x780] =	vst v5;
	v1 =	vand.u32 $0xFFF, v8;
	v8 =	vand.u32 $0xFFF, v56;
	v5 =	vand.u32 $0xFFFFF000, v59  }
0x76: {  	[tilespmem:$0x790] =	vst v2;
	v2 =	vor.u32 v8, v6;
	v6 =	vld [tilespmem:$0x1E0];
	v1 =	vor.u32 v1, v5;
	v5 =	vshra.s32 v58, $0x2  }
0x77: {  	v62 =	vld [tilespmem:$0x3E0];
	[tilespmem:$0x5A0] =	vst v3;
	v8 =	vshra.s32 v7, $0x2;
	v3 =	vand.u32 $0xFFFFF000, v5;
	v5 =	vand.u32 $0xFFF, v58  }
0x78: {  	[tilespmem:$0x7A0] =	vst v4;
	v4 =	vand.u32 $0xFFFFF000, v8;
	v3 =	vor.u32 v5, v3;
	v5 =	vshra.s32 v60, $0x2  }
0x79: {  	v8 =	vld [tilespmem:$0x1F0];
	[tilespmem:$0x5B0] =	vst v1;
	v1 =	vand.u32 $0xFFF, v7;
	v7 =	vand.u32 $0xFFF, v60;
	v5 =	vand.u32 $0xFFFFF000, v5  }
0x7a: {  	[tilespmem:$0x7B0] =	vst v2;
	v1 =	vor.u32 v1, v4;
	v4 =	vshra.s32 v61, $0x2;
	v2 =	vor.u32 v7, v5;
	v5 =	vld [tilespmem:$0x3F0]  }
0x7b: {  	[tilespmem:$0x5C0] =	vst v3;
	v3 =	vand.u32 $0xFFFFF000, v4;
	v4 =	vand.u32 $0xFFF, v61;
	v7 =	vshra.s32 v6, $0x2  }
0x7c: {  	[tilespmem:$0x7C0] =	vst v1;
	v1 =	vor.u32 v4, v3;
	v4 =	vshra.s32 v62, $0x2;
	v3 =	vand.u32 $0xFFFFF000, v7  }
0x7d: {  	[tilespmem:$0x5D0] =	vst v2;
	v2 =	vand.u32 $0xFFF, v6;
	v4 =	vand.u32 $0xFFFFF000, v4;
	v6 =	vand.u32 $0xFFF, v62  }
0x7e: {  	[tilespmem:$0x7D0] =	vst v1;
	v1 =	vor.u32 v2, v3;
	v2 =	vor.u32 v6, v4;
	v3 =	vshra.s32 v8, $0x2  }
0x7f: {  	[tilespmem:$0x5E0] =	vst v1;
	v1 =	vand.u32 $0xFFFFF000, v3;
	v3 =	vand.u32 $0xFFF, v8;
	v4 =	vshra.s32 v5, $0x2  }
0x80: {  	[tilespmem:$0x7E0] =	vst v2;
	v1 =	vor.u32 v3, v1;
	v3 =	vand.u32 $0xFFF, v5;
	v2 =	vand.u32 $0xFFFFF000, v4  }
0x81: {  	[tilespmem:$0x5F0] =	vst v1;
	v1 =	vor.u32 v3, v2  }
0x82: {  	s16 =	simm.s32 $0x400;
	[tilespmem:$0x7F0] =	vst v1  }
0x83: {  	[tilespmem:s15], [sflag:$0x1] =	stream.indirect.gather [hbm4b:s1+s13], $0x80, s16, s13, $0xb8;
	[tilespmem:$0x8B00] =	vst v63  }
0x84: {  	s16 =	simm.s32 $0x600  }
0x85: {  	[tilespmem:s17], [sflag:$0x1] =	stream.indirect.gather [hbm4b:s2+s13], $0x80, s16, s13, $0xb8;
	[tilespmem:$0x8B00] =	vst v63  }
0x86: {  	_ = 	snop  }
0x87: {  	[tilespmem:s18], [sflag:$0x1] =	stream.indirect.gather [hbm4b:s3+s13], $0x1, s5, s13, $0xb8;
	[tilespmem:$0x8B00] =	vst v63  }
0x88: {  	_ = 	snop  }
0x89: {  	[tilespmem:s19], [sflag:$0x1] =	stream.indirect.gather [hbm4b:s4+s13], $0x1, s12, s13, $0xb8;
	[tilespmem:$0x8B00] =	vst v63  }
0x8a: {  	_ =	swait.ge [sflag:s20], $0x4000  }
0x8b: {  	[sflag:s20] =	ssyncset.done $0x0  }
0x8c: {  	[sflag:s20] =	ssyncadd.s32 $0xFFFFC000  }
0x8d: {  	_ =	swait.ge [sflag:s20], $0x4000  }
0x8e: {  	[sflag:s20] =	ssyncset.done $0x0  }
0x8f: {  	[sflag:s20] =	ssyncadd.s32 $0xFFFFC000  }
0x90: {  	_ =	swait.ge [sflag:s20], $0x80  }
0x91: {  	[sflag:s20] =	ssyncset.done $0x0  }
0x92: {  	[sflag:s20] =	ssyncadd.s32 $0xFFFFFF80  }
0x93: {  	_ =	swait.ge [sflag:s20], $0x80  }
0x94: {  	[sflag:s20] =	ssyncset.done $0x0  }
0x95: {  	[sflag:s20] =	ssyncadd.s32 $0xFFFFFF80  }
0x96: {  	v4 =	vld [tilespmem:$0x0]  }
0x97: {  	v1 =	vld [tilespmem:$0x200];
	_ =	sdelay $0x3  }
0x98: {  	v2 =	vshrl.u32 v4, $0x7  }
0x99: {  	v3 =	vshrl.u32 v1, $0x7;
	v2 =	vand.u32 $0x40, v2  }
0x9a: {  	v5 =	vld [tilespmem:$0x8800];
	v3 =	vand.u32 $0x40, v3;
	v2 =	vor.u32 v0, v2  }
0x9b: {  	v6 =	vld [tilespmem:$0x8880];
	v3 =	vor.u32 v0, v3;
	v7 =	vor.u32 s5, v2  }
0x9c: {  	v8 =	vor.u32 s5, v3;
	_ =	sdelay $0x2  }
0x9d: {  	s16 =	simm.s32 $0x1;
	v63 =	vand.u32 $0x1000, v1  }
0x9e: {  	v1 =	vadd.f32 v6, v5;
	v5 =	vand.u32 $0x1000, v4;
	v6 =	vor.u32 s16, v2;
	v4 =	vld.idx.msk [tilespmem:v7+s15+$0x0], $0xffff  }
0x9f: {  	vm1 =	veq.s32 v5, $0x0;
	v5 =	vld.idx.msk [tilespmem:v8+s17+$0x0], $0xffff;
	v7 =	vor.u32 s16, v3;
	_ =	sdelay $0x2  }
0xa0: {  	vm0 =	veq.s32 v63, $0x0;
	s16 =	simm.s32 $0x2  }
.LBB2_2:
0xa1: {  	v8 =	vunpack.i.u.bf16.f32 v4;
	v9 =	vmov v4;
	v4 =	vld.idx.msk [tilespmem:v6+s15+$0x0], $0xffff;
	v6 =	vor.u32 s16, v2;
	p0 =	sne.s32 s16, $0x3F  }
.Ltmp0:
0xa2: {  	v10 =	vunpack.i.u.bf16.f32 v5;
	v11 =	vunpack.i.l.bf16.f32 v5;
	v9 =	vunpack.i.l.bf16.f32 v9;
	v5 =	vld.idx.msk [tilespmem:v7+s17+$0x0], $0xffff;
	(pc) =	sbr.rel @p0 .LBB2_2-.Ltmp0, $3  }
0xa3: {  	v7 =	vor.u32 s16, v3;
	s16 =	sadd.s32 $0x1, s16;
	v8 =	vsel vm1, v9, v8;
	v9 =	vsel vm0, v11, v10  }
0xa4: {  	v8 =	vmul.f32 v9, v8;
	_ =	sdelay $0x1  }
0xa5: {  	v1 =	vadd.f32 v8, v1  }
0xa6: {  	_ =	sdelay $0x3  }
0xa7: {  	v2 =	vld.idx.msk [tilespmem:v6+s15+$0x0], $0xffff;
	v3 =	vunpack.i.u.bf16.f32 v4  }
0xa8: {  	v6 =	vld.idx.msk [tilespmem:v7+s17+$0x0], $0xffff;
	v4 =	vunpack.i.l.bf16.f32 v4;
	v7 =	vunpack.i.u.bf16.f32 v5;
	v5 =	vunpack.i.l.bf16.f32 v5  }
0xa9: {  	v3 =	vsel vm1, v4, v3;
	v4 =	vsel vm0, v5, v7;
	v5 =	vld [tilespmem:$0x10]  }
0xaa: {  	v7 =	vld [tilespmem:$0x210];
	v3 =	vmul.f32 v4, v3;
	_ =	sdelay $0x1  }
0xab: {  	v8 =	vadd.f32 v3, v1  }
0xac: {  	v1 =	vunpack.i.u.bf16.f32 v2;
	v2 =	vunpack.i.l.bf16.f32 v2;
	v3 =	vunpack.i.u.bf16.f32 v6  }
0xad: {  	v4 =	vunpack.i.l.bf16.f32 v6;
	v2 =	vsel vm1, v2, v1;
	v1 =	vshrl.u32 v5, $0x7  }
0xae: {  	v9 =	vshrl.u32 v7, $0x7;
	v6 =	vand.u32 $0x40, v1;
	v1 =	vor.u32 $0x800, v0  }
0xaf: {  	v10 =	vld [tilespmem:$0x8810];
	s16 =	simm.s32 $0x0;
	v4 =	vsel vm0, v4, v3;
	v9 =	vand.u32 $0x40, v9;
	v3 =	vor.u32 v1, v6  }
0xb0: {  	v2 =	vmul.f32 v4, v2;
	v6 =	vld [tilespmem:$0x8890];
	v4 =	vor.u32 v1, v9;
	v9 =	vor.u32 s16, v3  }
0xb1: {  	v11 =	vor.u32 s16, v4  }
0xb2: {  	v2 =	vadd.f32 v2, v8  }
0xb3: {  	v7 =	vand.u32 $0x1000, v7  }
0xb4: {  	vm0 =	veq.s32 v7, $0x0;
	s16 =	simm.s32 $0x1;
	[tilespmem:$0x8900] =	vst v2  }
0xb5: {  	v7 =	vor.u32 s16, v3;
	v2 =	vadd.f32 v6, v10;
	v6 =	vand.u32 $0x1000, v5;
	v5 =	vld.idx.msk [tilespmem:v9+s15+$0x0], $0xffff  }
0xb6: {  	v8 =	vor.u32 s16, v4;
	vm1 =	veq.s32 v6, $0x0;
	v6 =	vld.idx.msk [tilespmem:v11+s17+$0x0], $0xffff;
	_ =	sdelay $0x2  }
0xb7: {  	s16 =	simm.s32 $0x2  }
.LBB2_4:
0xb8: {  	v9 =	vunpack.i.u.bf16.f32 v5;
	v10 =	vmov v5;
	v5 =	vld.idx.msk [tilespmem:v7+s15+$0x0], $0xffff;
	v7 =	vor.u32 s16, v3;
	p0 =	sne.s32 s16, $0x3F  }
.Ltmp1:
0xb9: {  	v11 =	vunpack.i.u.bf16.f32 v6;
	v12 =	vunpack.i.l.bf16.f32 v6;
	v10 =	vunpack.i.l.bf16.f32 v10;
	v6 =	vld.idx.msk [tilespmem:v8+s17+$0x0], $0xffff;
	(pc) =	sbr.rel @p0 .LBB2_4-.Ltmp1, $3  }
0xba: {  	v8 =	vor.u32 s16, v4;
	s16 =	sadd.s32 $0x1, s16;
	v9 =	vsel vm1, v10, v9;
	v10 =	vsel vm0, v12, v11  }
0xbb: {  	v9 =	vmul.f32 v10, v9;
	_ =	sdelay $0x1  }
0xbc: {  	v2 =	vadd.f32 v9, v2  }
0xbd: {  	_ =	sdelay $0x3  }
0xbe: {  	v3 =	vld.idx.msk [tilespmem:v7+s15+$0x0], $0xffff;
	v4 =	vunpack.i.u.bf16.f32 v5  }
0xbf: {  	v7 =	vld.idx.msk [tilespmem:v8+s17+$0x0], $0xffff;
	v5 =	vunpack.i.l.bf16.f32 v5;
	v8 =	vunpack.i.u.bf16.f32 v6;
	v6 =	vunpack.i.l.bf16.f32 v6  }
0xc0: {  	v4 =	vsel vm1, v5, v4;
	v5 =	vsel vm0, v6, v8;
	v6 =	vld [tilespmem:$0x20]  }
0xc1: {  	v8 =	vld [tilespmem:$0x220];
	v4 =	vmul.f32 v5, v4;
	_ =	sdelay $0x1  }
0xc2: {  	v9 =	vadd.f32 v4, v2  }
0xc3: {  	v2 =	vunpack.i.u.bf16.f32 v3;
	v3 =	vunpack.i.l.bf16.f32 v3;
	v4 =	vunpack.i.u.bf16.f32 v7  }
0xc4: {  	v5 =	vunpack.i.l.bf16.f32 v7;
	v3 =	vsel vm1, v3, v2;
	v2 =	vshrl.u32 v6, $0x7  }
0xc5: {  	v10 =	vshrl.u32 v8, $0x7;
	v7 =	vand.u32 $0x40, v2;
	v2 =	vor.u32 $0x1000, v0  }
0xc6: {  	v11 =	vld [tilespmem:$0x8820];
	s16 =	simm.s32 $0x0;
	v5 =	vsel vm0, v5, v4;
	v10 =	vand.u32 $0x40, v10;
	v4 =	vor.u32 v2, v7  }
0xc7: {  	v3 =	vmul.f32 v5, v3;
	v7 =	vld [tilespmem:$0x88A0];
	v5 =	vor.u32 v2, v10;
	v10 =	vor.u32 s16, v4  }
0xc8: {  	v12 =	vor.u32 s16, v5  }
0xc9: {  	v3 =	vadd.f32 v3, v9  }
0xca: {  	v8 =	vand.u32 $0x1000, v8  }
0xcb: {  	vm0 =	veq.s32 v8, $0x0;
	s16 =	simm.s32 $0x1;
	[tilespmem:$0x8910] =	vst v3  }
0xcc: {  	v8 =	vor.u32 s16, v4;
	v3 =	vadd.f32 v7, v11;
	v7 =	vand.u32 $0x1000, v6;
	v6 =	vld.idx.msk [tilespmem:v10+s15+$0x0], $0xffff  }
0xcd: {  	v9 =	vor.u32 s16, v5;
	vm1 =	veq.s32 v7, $0x0;
	v7 =	vld.idx.msk [tilespmem:v12+s17+$0x0], $0xffff;
	_ =	sdelay $0x2  }
0xce: {  	s16 =	simm.s32 $0x2  }
.LBB2_6:
0xcf: {  	v10 =	vunpack.i.u.bf16.f32 v6;
	v11 =	vmov v6;
	v6 =	vld.idx.msk [tilespmem:v8+s15+$0x0], $0xffff;
	v8 =	vor.u32 s16, v4;
	p0 =	sne.s32 s16, $0x3F  }
.Ltmp2:
0xd0: {  	v12 =	vunpack.i.u.bf16.f32 v7;
	v13 =	vunpack.i.l.bf16.f32 v7;
	v11 =	vunpack.i.l.bf16.f32 v11;
	v7 =	vld.idx.msk [tilespmem:v9+s17+$0x0], $0xffff;
	(pc) =	sbr.rel @p0 .LBB2_6-.Ltmp2, $3  }
0xd1: {  	v9 =	vor.u32 s16, v5;
	s16 =	sadd.s32 $0x1, s16;
	v10 =	vsel vm1, v11, v10;
	v11 =	vsel vm0, v13, v12  }
0xd2: {  	v10 =	vmul.f32 v11, v10;
	_ =	sdelay $0x1  }
0xd3: {  	v3 =	vadd.f32 v10, v3  }
0xd4: {  	_ =	sdelay $0x3  }
0xd5: {  	v4 =	vld.idx.msk [tilespmem:v8+s15+$0x0], $0xffff;
	v5 =	vunpack.i.u.bf16.f32 v6  }
0xd6: {  	v8 =	vld.idx.msk [tilespmem:v9+s17+$0x0], $0xffff;
	v6 =	vunpack.i.l.bf16.f32 v6;
	v9 =	vunpack.i.u.bf16.f32 v7;
	v7 =	vunpack.i.l.bf16.f32 v7  }
0xd7: {  	v5 =	vsel vm1, v6, v5;
	v6 =	vsel vm0, v7, v9;
	v7 =	vld [tilespmem:$0x30]  }
0xd8: {  	v9 =	vld [tilespmem:$0x230];
	v5 =	vmul.f32 v6, v5;
	_ =	sdelay $0x1  }
0xd9: {  	v10 =	vadd.f32 v5, v3  }
0xda: {  	v3 =	vunpack.i.u.bf16.f32 v4;
	v4 =	vunpack.i.l.bf16.f32 v4;
	v5 =	vunpack.i.u.bf16.f32 v8  }
0xdb: {  	v6 =	vunpack.i.l.bf16.f32 v8;
	v4 =	vsel vm1, v4, v3;
	v3 =	vshrl.u32 v7, $0x7  }
0xdc: {  	v11 =	vshrl.u32 v9, $0x7;
	v8 =	vand.u32 $0x40, v3;
	v3 =	vor.u32 $0x1800, v0  }
0xdd: {  	v12 =	vld [tilespmem:$0x8830];
	s16 =	simm.s32 $0x0;
	v6 =	vsel vm0, v6, v5;
	v11 =	vand.u32 $0x40, v11;
	v5 =	vor.u32 v3, v8  }
0xde: {  	v4 =	vmul.f32 v6, v4;
	v8 =	vld [tilespmem:$0x88B0];
	v6 =	vor.u32 v3, v11;
	v11 =	vor.u32 s16, v5  }
0xdf: {  	v13 =	vor.u32 s16, v6  }
0xe0: {  	v4 =	vadd.f32 v4, v10  }
0xe1: {  	v9 =	vand.u32 $0x1000, v9  }
0xe2: {  	vm0 =	veq.s32 v9, $0x0;
	s16 =	simm.s32 $0x1;
	[tilespmem:$0x8920] =	vst v4  }
0xe3: {  	v9 =	vor.u32 s16, v5;
	v4 =	vadd.f32 v8, v12;
	v8 =	vand.u32 $0x1000, v7;
	v7 =	vld.idx.msk [tilespmem:v11+s15+$0x0], $0xffff  }
0xe4: {  	v10 =	vor.u32 s16, v6;
	vm1 =	veq.s32 v8, $0x0;
	v8 =	vld.idx.msk [tilespmem:v13+s17+$0x0], $0xffff;
	_ =	sdelay $0x2  }
0xe5: {  	s16 =	simm.s32 $0x2  }
.LBB2_8:
0xe6: {  	v11 =	vunpack.i.u.bf16.f32 v7;
	v12 =	vmov v7;
	v7 =	vld.idx.msk [tilespmem:v9+s15+$0x0], $0xffff;
	v9 =	vor.u32 s16, v5;
	p0 =	sne.s32 s16, $0x3F  }
.Ltmp3:
0xe7: {  	v13 =	vunpack.i.u.bf16.f32 v8;
	v14 =	vunpack.i.l.bf16.f32 v8;
	v12 =	vunpack.i.l.bf16.f32 v12;
	v8 =	vld.idx.msk [tilespmem:v10+s17+$0x0], $0xffff;
	(pc) =	sbr.rel @p0 .LBB2_8-.Ltmp3, $3  }
0xe8: {  	v10 =	vor.u32 s16, v6;
	s16 =	sadd.s32 $0x1, s16;
	v11 =	vsel vm1, v12, v11;
	v12 =	vsel vm0, v14, v13  }
0xe9: {  	v11 =	vmul.f32 v12, v11;
	_ =	sdelay $0x1  }
0xea: {  	v4 =	vadd.f32 v11, v4  }
0xeb: {  	_ =	sdelay $0x3  }
0xec: {  	v5 =	vld.idx.msk [tilespmem:v9+s15+$0x0], $0xffff;
	v6 =	vunpack.i.u.bf16.f32 v7  }
0xed: {  	v9 =	vld.idx.msk [tilespmem:v10+s17+$0x0], $0xffff;
	v7 =	vunpack.i.l.bf16.f32 v7;
	v10 =	vunpack.i.u.bf16.f32 v8;
	v8 =	vunpack.i.l.bf16.f32 v8  }
0xee: {  	v6 =	vsel vm1, v7, v6;
	v7 =	vsel vm0, v8, v10;
	v8 =	vld [tilespmem:$0x40]  }
0xef: {  	v10 =	vld [tilespmem:$0x240];
	v6 =	vmul.f32 v7, v6;
	_ =	sdelay $0x1  }
0xf0: {  	v11 =	vadd.f32 v6, v4  }
0xf1: {  	v4 =	vunpack.i.u.bf16.f32 v5;
	v5 =	vunpack.i.l.bf16.f32 v5;
	v6 =	vunpack.i.u.bf16.f32 v9  }
0xf2: {  	v7 =	vunpack.i.l.bf16.f32 v9;
	v5 =	vsel vm1, v5, v4;
	v4 =	vshrl.u32 v8, $0x7  }
0xf3: {  	v12 =	vshrl.u32 v10, $0x7;
	v9 =	vand.u32 $0x40, v4;
	v4 =	vor.u32 $0x2000, v0  }
0xf4: {  	v13 =	vld [tilespmem:$0x8840];
	s16 =	simm.s32 $0x0;
	v7 =	vsel vm0, v7, v6;
	v12 =	vand.u32 $0x40, v12;
	v6 =	vor.u32 v4, v9  }
0xf5: {  	v5 =	vmul.f32 v7, v5;
	v9 =	vld [tilespmem:$0x88C0];
	v7 =	vor.u32 v4, v12;
	v63 =	vor.u32 s16, v6  }
0xf6: {  	v14 =	vor.u32 s16, v7  }
0xf7: {  	v5 =	vadd.f32 v5, v11  }
0xf8: {  	v10 =	vand.u32 $0x1000, v10  }
0xf9: {  	vm0 =	veq.s32 v10, $0x0;
	s16 =	simm.s32 $0x1;
	[tilespmem:$0x8930] =	vst v5  }
0xfa: {  	v10 =	vor.u32 s16, v6;
	v5 =	vadd.f32 v9, v13;
	v9 =	vand.u32 $0x1000, v8;
	v8 =	vld.idx.msk [tilespmem:v63+s15+$0x0], $0xffff  }
0xfb: {  	v11 =	vor.u32 s16, v7;
	vm1 =	veq.s32 v9, $0x0;
	v9 =	vld.idx.msk [tilespmem:v14+s17+$0x0], $0xffff;
	_ =	sdelay $0x2  }
0xfc: {  	s16 =	simm.s32 $0x2  }
.LBB2_10:
0xfd: {  	v12 =	vunpack.i.u.bf16.f32 v8;
	v13 =	vmov v8;
	v8 =	vld.idx.msk [tilespmem:v10+s15+$0x0], $0xffff;
	v10 =	vor.u32 s16, v6;
	p0 =	sne.s32 s16, $0x3F  }
.Ltmp4:
0xfe: {  	v14 =	vunpack.i.u.bf16.f32 v9;
	v15 =	vunpack.i.l.bf16.f32 v9;
	v13 =	vunpack.i.l.bf16.f32 v13;
	v9 =	vld.idx.msk [tilespmem:v11+s17+$0x0], $0xffff;
	(pc) =	sbr.rel @p0 .LBB2_10-.Ltmp4, $3  }
0xff: {  	v11 =	vor.u32 s16, v7;
	s16 =	sadd.s32 $0x1, s16;
	v12 =	vsel vm1, v13, v12;
	v13 =	vsel vm0, v15, v14  }
0x100: {  	v12 =	vmul.f32 v13, v12;
	_ =	sdelay $0x1  }
0x101: {  	v5 =	vadd.f32 v12, v5  }
0x102: {  	_ =	sdelay $0x3  }
0x103: {  	v6 =	vld.idx.msk [tilespmem:v10+s15+$0x0], $0xffff;
	v7 =	vunpack.i.u.bf16.f32 v8  }
0x104: {  	v10 =	vld.idx.msk [tilespmem:v11+s17+$0x0], $0xffff;
	v8 =	vunpack.i.l.bf16.f32 v8;
	v11 =	vunpack.i.u.bf16.f32 v9;
	v9 =	vunpack.i.l.bf16.f32 v9  }
0x105: {  	v7 =	vsel vm1, v8, v7;
	v8 =	vsel vm0, v9, v11;
	v9 =	vld [tilespmem:$0x50]  }
0x106: {  	v11 =	vld [tilespmem:$0x250];
	v7 =	vmul.f32 v8, v7;
	_ =	sdelay $0x1  }
0x107: {  	v12 =	vadd.f32 v7, v5  }
0x108: {  	v5 =	vunpack.i.u.bf16.f32 v6;
	v6 =	vunpack.i.l.bf16.f32 v6;
	v7 =	vunpack.i.u.bf16.f32 v10  }
0x109: {  	v8 =	vunpack.i.l.bf16.f32 v10;
	v6 =	vsel vm1, v6, v5;
	v5 =	vshrl.u32 v9, $0x7  }
0x10a: {  	v13 =	vshrl.u32 v11, $0x7;
	v10 =	vand.u32 $0x40, v5;
	v5 =	vor.u32 $0x2800, v0  }
0x10b: {  	v14 =	vld [tilespmem:$0x8850];
	s16 =	simm.s32 $0x0;
	v8 =	vsel vm0, v8, v7;
	v13 =	vand.u32 $0x40, v13;
	v7 =	vor.u32 v5, v10  }
0x10c: {  	v6 =	vmul.f32 v8, v6;
	v10 =	vld [tilespmem:$0x88D0];
	v8 =	vor.u32 v5, v13;
	v13 =	vor.u32 s16, v7  }
0x10d: {  	v15 =	vor.u32 s16, v8  }
0x10e: {  	v6 =	vadd.f32 v6, v12  }
0x10f: {  	v11 =	vand.u32 $0x1000, v11  }
0x110: {  	vm0 =	veq.s32 v11, $0x0;
	s16 =	simm.s32 $0x1;
	[tilespmem:$0x8940] =	vst v6  }
0x111: {  	v11 =	vor.u32 s16, v7;
	v6 =	vadd.f32 v10, v14;
	v10 =	vand.u32 $0x1000, v9;
	v9 =	vld.idx.msk [tilespmem:v13+s15+$0x0], $0xffff  }
0x112: {  	v12 =	vor.u32 s16, v8;
	vm1 =	veq.s32 v10, $0x0;
	v10 =	vld.idx.msk [tilespmem:v15+s17+$0x0], $0xffff;
	_ =	sdelay $0x2  }
0x113: {  	s16 =	simm.s32 $0x2  }
.LBB2_12:
0x114: {  	v13 =	vunpack.i.u.bf16.f32 v9;
	v14 =	vmov v9;
	v9 =	vld.idx.msk [tilespmem:v11+s15+$0x0], $0xffff;
	v11 =	vor.u32 s16, v7;
	p0 =	sne.s32 s16, $0x3F  }
.Ltmp5:
0x115: {  	v15 =	vunpack.i.u.bf16.f32 v10;
	v16 =	vunpack.i.l.bf16.f32 v10;
	v14 =	vunpack.i.l.bf16.f32 v14;
	v10 =	vld.idx.msk [tilespmem:v12+s17+$0x0], $0xffff;
	(pc) =	sbr.rel @p0 .LBB2_12-.Ltmp5, $3  }
0x116: {  	v12 =	vor.u32 s16, v8;
	s16 =	sadd.s32 $0x1, s16;
	v13 =	vsel vm1, v14, v13;
	v14 =	vsel vm0, v16, v15  }
0x117: {  	v13 =	vmul.f32 v14, v13;
	_ =	sdelay $0x1  }
0x118: {  	v6 =	vadd.f32 v13, v6  }
0x119: {  	_ =	sdelay $0x3  }
0x11a: {  	v7 =	vld.idx.msk [tilespmem:v11+s15+$0x0], $0xffff;
	v8 =	vunpack.i.u.bf16.f32 v9  }
0x11b: {  	v11 =	vld.idx.msk [tilespmem:v12+s17+$0x0], $0xffff;
	v9 =	vunpack.i.l.bf16.f32 v9;
	v12 =	vunpack.i.u.bf16.f32 v10;
	v10 =	vunpack.i.l.bf16.f32 v10  }
0x11c: {  	v8 =	vsel vm1, v9, v8;
	v9 =	vsel vm0, v10, v12;
	v10 =	vld [tilespmem:$0x60]  }
0x11d: {  	v12 =	vld [tilespmem:$0x260];
	v8 =	vmul.f32 v9, v8;
	_ =	sdelay $0x1  }
0x11e: {  	v13 =	vadd.f32 v8, v6  }
0x11f: {  	v6 =	vunpack.i.u.bf16.f32 v7;
	v7 =	vunpack.i.l.bf16.f32 v7;
	v8 =	vunpack.i.u.bf16.f32 v11  }
0x120: {  	v9 =	vunpack.i.l.bf16.f32 v11;
	v7 =	vsel vm1, v7, v6;
	v6 =	vshrl.u32 v10, $0x7  }
0x121: {  	v14 =	vshrl.u32 v12, $0x7;
	v11 =	vand.u32 $0x40, v6;
	v6 =	vor.u32 $0x3000, v0  }
0x122: {  	v15 =	vld [tilespmem:$0x8860];
	s16 =	simm.s32 $0x0;
	v9 =	vsel vm0, v9, v8;
	v14 =	vand.u32 $0x40, v14;
	v8 =	vor.u32 v6, v11  }
0x123: {  	v7 =	vmul.f32 v9, v7;
	v11 =	vld [tilespmem:$0x88E0];
	v9 =	vor.u32 v6, v14;
	v14 =	vor.u32 s16, v8  }
0x124: {  	v16 =	vor.u32 s16, v9  }
0x125: {  	v7 =	vadd.f32 v7, v13  }
0x126: {  	v12 =	vand.u32 $0x1000, v12  }
0x127: {  	vm0 =	veq.s32 v12, $0x0;
	s16 =	simm.s32 $0x1;
	[tilespmem:$0x8950] =	vst v7  }
0x128: {  	v12 =	vor.u32 s16, v8;
	v7 =	vadd.f32 v11, v15;
	v11 =	vand.u32 $0x1000, v10;
	v10 =	vld.idx.msk [tilespmem:v14+s15+$0x0], $0xffff  }
0x129: {  	v13 =	vor.u32 s16, v9;
	vm1 =	veq.s32 v11, $0x0;
	v11 =	vld.idx.msk [tilespmem:v16+s17+$0x0], $0xffff;
	_ =	sdelay $0x2  }
0x12a: {  	s16 =	simm.s32 $0x2  }
.LBB2_14:
0x12b: {  	v14 =	vunpack.i.u.bf16.f32 v10;
	v15 =	vmov v10;
	v10 =	vld.idx.msk [tilespmem:v12+s15+$0x0], $0xffff;
	v12 =	vor.u32 s16, v8;
	p0 =	sne.s32 s16, $0x3F  }
.Ltmp6:
0x12c: {  	v16 =	vunpack.i.u.bf16.f32 v11;
	v17 =	vunpack.i.l.bf16.f32 v11;
	v15 =	vunpack.i.l.bf16.f32 v15;
	v11 =	vld.idx.msk [tilespmem:v13+s17+$0x0], $0xffff;
	(pc) =	sbr.rel @p0 .LBB2_14-.Ltmp6, $3  }
0x12d: {  	v13 =	vor.u32 s16, v9;
	s16 =	sadd.s32 $0x1, s16;
	v14 =	vsel vm1, v15, v14;
	v15 =	vsel vm0, v17, v16  }
0x12e: {  	v14 =	vmul.f32 v15, v14;
	_ =	sdelay $0x1  }
0x12f: {  	v7 =	vadd.f32 v14, v7  }
0x130: {  	_ =	sdelay $0x3  }
0x131: {  	v8 =	vld.idx.msk [tilespmem:v12+s15+$0x0], $0xffff;
	v9 =	vunpack.i.u.bf16.f32 v10  }
0x132: {  	v12 =	vld.idx.msk [tilespmem:v13+s17+$0x0], $0xffff;
	v10 =	vunpack.i.l.bf16.f32 v10;
	v13 =	vunpack.i.u.bf16.f32 v11;
	v11 =	vunpack.i.l.bf16.f32 v11  }
0x133: {  	v9 =	vsel vm1, v10, v9;
	v10 =	vsel vm0, v11, v13;
	v11 =	vld [tilespmem:$0x70]  }
0x134: {  	v13 =	vld [tilespmem:$0x270];
	v9 =	vmul.f32 v10, v9;
	_ =	sdelay $0x1  }
0x135: {  	v14 =	vadd.f32 v9, v7  }
0x136: {  	v7 =	vunpack.i.u.bf16.f32 v8;
	v8 =	vunpack.i.l.bf16.f32 v8;
	v9 =	vunpack.i.u.bf16.f32 v12  }
0x137: {  	v10 =	vunpack.i.l.bf16.f32 v12;
	v8 =	vsel vm1, v8, v7;
	v7 =	vshrl.u32 v11, $0x7  }
0x138: {  	v15 =	vshrl.u32 v13, $0x7;
	v12 =	vand.u32 $0x40, v7;
	v7 =	vor.u32 $0x3800, v0  }
0x139: {  	v16 =	vld [tilespmem:$0x8870];
	s16 =	simm.s32 $0x0;
	v10 =	vsel vm0, v10, v9;
	v15 =	vand.u32 $0x40, v15;
	v9 =	vor.u32 v7, v12  }
0x13a: {  	v8 =	vmul.f32 v10, v8;
	v12 =	vld [tilespmem:$0x88F0];
	v10 =	vor.u32 v7, v15;
	v15 =	vor.u32 s16, v9  }
0x13b: {  	v17 =	vor.u32 s16, v10  }
0x13c: {  	v8 =	vadd.f32 v8, v14  }
0x13d: {  	v13 =	vand.u32 $0x1000, v13  }
0x13e: {  	vm0 =	veq.s32 v13, $0x0;
	s16 =	simm.s32 $0x1;
	[tilespmem:$0x8960] =	vst v8  }
0x13f: {  	v13 =	vor.u32 s16, v9;
	v8 =	vadd.f32 v12, v16;
	v12 =	vand.u32 $0x1000, v11;
	v11 =	vld.idx.msk [tilespmem:v15+s15+$0x0], $0xffff  }
0x140: {  	v14 =	vor.u32 s16, v10;
	vm1 =	veq.s32 v12, $0x0;
	v12 =	vld.idx.msk [tilespmem:v17+s17+$0x0], $0xffff;
	_ =	sdelay $0x2  }
0x141: {  	s16 =	simm.s32 $0x2  }
.LBB2_16:
0x142: {  	v15 =	vunpack.i.u.bf16.f32 v11;
	v16 =	vmov v11;
	v11 =	vld.idx.msk [tilespmem:v13+s15+$0x0], $0xffff;
	v13 =	vor.u32 s16, v9;
	p0 =	sne.s32 s16, $0x3F  }
.Ltmp7:
0x143: {  	v17 =	vunpack.i.u.bf16.f32 v12;
	v18 =	vunpack.i.l.bf16.f32 v12;
	v16 =	vunpack.i.l.bf16.f32 v16;
	v12 =	vld.idx.msk [tilespmem:v14+s17+$0x0], $0xffff;
	(pc) =	sbr.rel @p0 .LBB2_16-.Ltmp7, $3  }
0x144: {  	v14 =	vor.u32 s16, v10;
	s16 =	sadd.s32 $0x1, s16;
	v15 =	vsel vm1, v16, v15;
	v16 =	vsel vm0, v18, v17  }
0x145: {  	v15 =	vmul.f32 v16, v15;
	_ =	sdelay $0x1  }
0x146: {  	v8 =	vadd.f32 v15, v8  }
0x147: {  	_ =	sdelay $0x3  }
0x148: {  	v9 =	vld.idx.msk [tilespmem:v13+s15+$0x0], $0xffff  }
0x149: {  	v10 =	vld.idx.msk [tilespmem:v14+s17+$0x0], $0xffff  }
0x14a: {  	v13 =	vunpack.i.u.bf16.f32 v11  }
0x14b: {  	v11 =	vunpack.i.l.bf16.f32 v11;
	v14 =	vunpack.i.u.bf16.f32 v12;
	v12 =	vunpack.i.l.bf16.f32 v12  }
0x14c: {  	v11 =	vsel vm1, v11, v13;
	v12 =	vsel vm0, v12, v14  }
0x14d: {  	v11 =	vmul.f32 v12, v11;
	v12 =	vunpack.i.u.bf16.f32 v9  }
0x14e: {  	v9 =	vunpack.i.l.bf16.f32 v9;
	v13 =	vunpack.i.u.bf16.f32 v10;
	v10 =	vunpack.i.l.bf16.f32 v10  }
0x14f: {  	v9 =	vsel vm1, v9, v12;
	v10 =	vsel vm0, v10, v13  }
0x150: {  	v8 =	vadd.f32 v11, v8;
	v9 =	vmul.f32 v10, v9;
	_ =	sdelay $0x1  }
0x151: {  	v8 =	vadd.f32 v9, v8;
	_ =	sdelay $0x1  }
0x152: {  	[tilespmem:$0x8970] =	vst v8  }
0x153: {  	[tilespmem:s15], [sflag:$0x1] =	stream.indirect.gather [hbm4b:s1+s13], $0x80, s21, s13, $0xb8;
	[tilespmem:$0x8B00] =	vst v63  }
0x154: {  	_ = 	snop  }
0x155: {  	[tilespmem:s17], [sflag:$0x1] =	stream.indirect.gather [hbm4b:s2+s13], $0x80, s22, s13, $0xb8;
	[tilespmem:$0x8B00] =	vst v63  }
0x156: {  	_ = 	snop  }
0x157: {  	[tilespmem:s18], [sflag:$0x1] =	stream.indirect.gather [hbm4b:s3+s13], $0x1, s13, s13, $0xb8;
	[tilespmem:$0x8B00] =	vst v63  }
0x158: {  	_ = 	snop  }
0x159: {  	[tilespmem:s19], [sflag:$0x1] =	stream.indirect.gather [hbm4b:s4+s13], $0x1, s23, s13, $0xb8;
	[tilespmem:$0x8B00] =	vst v63  }
0x15a: {  	_ =	swait.ge [sflag:s20], $0x4000  }
0x15b: {  	[sflag:s20] =	ssyncset.done $0x0  }
0x15c: {  	[sflag:s20] =	ssyncadd.s32 $0xFFFFC000  }
0x15d: {  	_ =	swait.ge [sflag:s20], $0x4000  }
0x15e: {  	[sflag:s20] =	ssyncset.done $0x0  }
0x15f: {  	[sflag:s20] =	ssyncadd.s32 $0xFFFFC000  }
0x160: {  	_ =	swait.ge [sflag:s20], $0x80  }
0x161: {  	[sflag:s20] =	ssyncset.done $0x0  }
0x162: {  	[sflag:s20] =	ssyncadd.s32 $0xFFFFFF80  }
0x163: {  	_ =	swait.ge [sflag:s20], $0x80  }
0x164: {  	[sflag:s20] =	ssyncset.done $0x0  }
0x165: {  	[sflag:s20] =	ssyncadd.s32 $0xFFFFFF80  }
0x166: {  	v11 =	vld [tilespmem:$0x80]  }
0x167: {  	v8 =	vld [tilespmem:$0x280];
	_ =	sdelay $0x3  }
0x168: {  	v9 =	vshrl.u32 v11, $0x7  }
0x169: {  	v10 =	vshrl.u32 v8, $0x7;
	v9 =	vand.u32 $0x40, v9  }
0x16a: {  	s16 =	simm.s32 $0x0;
	v12 =	vld [tilespmem:$0x8800];
	v10 =	vand.u32 $0x40, v10;
	v9 =	vor.u32 v0, v9  }
0x16b: {  	v13 =	vld [tilespmem:$0x8880];
	v10 =	vor.u32 v0, v10;
	v14 =	vor.u32 s16, v9  }
0x16c: {  	v15 =	vor.u32 s16, v10;
	_ =	sdelay $0x2  }
0x16d: {  	v16 =	vand.u32 $0x1000, v8;
	s16 =	simm.s32 $0x1  }
0x16e: {  	v8 =	vadd.f32 v13, v12;
	v12 =	vand.u32 $0x1000, v11;
	v13 =	vor.u32 s16, v9;
	v11 =	vld.idx.msk [tilespmem:v14+s15+$0x0], $0xffff  }
0x16f: {  	vm1 =	veq.s32 v12, $0x0;
	v12 =	vld.idx.msk [tilespmem:v15+s17+$0x0], $0xffff;
	v14 =	vor.u32 s16, v10;
	_ =	sdelay $0x2  }
0x170: {  	vm0 =	veq.s32 v16, $0x0;
	s16 =	simm.s32 $0x2  }
.LBB2_18:
0x171: {  	v15 =	vunpack.i.u.bf16.f32 v11;
	v16 =	vmov v11;
	v11 =	vld.idx.msk [tilespmem:v13+s15+$0x0], $0xffff;
	v13 =	vor.u32 s16, v9;
	p0 =	sne.s32 s16, $0x3F  }
.Ltmp8:
0x172: {  	v17 =	vunpack.i.u.bf16.f32 v12;
	v18 =	vunpack.i.l.bf16.f32 v12;
	v16 =	vunpack.i.l.bf16.f32 v16;
	v12 =	vld.idx.msk [tilespmem:v14+s17+$0x0], $0xffff;
	(pc) =	sbr.rel @p0 .LBB2_18-.Ltmp8, $3  }
0x173: {  	v14 =	vor.u32 s16, v10;
	s16 =	sadd.s32 $0x1, s16;
	v15 =	vsel vm1, v16, v15;
	v16 =	vsel vm0, v18, v17  }
0x174: {  	v15 =	vmul.f32 v16, v15;
	_ =	sdelay $0x1  }
0x175: {  	v8 =	vadd.f32 v15, v8  }
0x176: {  	_ =	sdelay $0x3  }
0x177: {  	v9 =	vld.idx.msk [tilespmem:v13+s15+$0x0], $0xffff  }
0x178: {  	v10 =	vunpack.i.u.bf16.f32 v11;
	v13 =	vld.idx.msk [tilespmem:v14+s17+$0x0], $0xffff  }
0x179: {  	v11 =	vunpack.i.l.bf16.f32 v11;
	v14 =	vunpack.i.u.bf16.f32 v12;
	v12 =	vunpack.i.l.bf16.f32 v12;
	v15 =	vld [tilespmem:$0x90]  }
0x17a: {  	v10 =	vsel vm1, v11, v10;
	v11 =	vsel vm0, v12, v14;
	v12 =	vld [tilespmem:$0x290]  }
0x17b: {  	v10 =	vmul.f32 v11, v10;
	_ =	sdelay $0x1  }
0x17c: {  	v8 =	vadd.f32 v10, v8;
	v10 =	vunpack.i.u.bf16.f32 v9;
	v9 =	vunpack.i.l.bf16.f32 v9  }
0x17d: {  	v11 =	vunpack.i.u.bf16.f32 v13;
	v13 =	vunpack.i.l.bf16.f32 v13;
	v14 =	vshrl.u32 v15, $0x7  }
0x17e: {  	v10 =	vsel vm1, v9, v10;
	v9 =	vand.u32 $0x40, v14;
	v14 =	vshrl.u32 v12, $0x7  }
0x17f: {  	s16 =	simm.s32 $0x0;
	v11 =	vsel vm0, v13, v11;
	v13 =	vand.u32 $0x40, v14;
	v9 =	vor.u32 v1, v9  }
0x180: {  	v16 =	vld [tilespmem:$0x8890];
	v11 =	vmul.f32 v11, v10;
	v10 =	vor.u32 v1, v13;
	v13 =	vor.u32 s16, v9  }
0x181: {  	v14 =	vld [tilespmem:$0x8810];
	v17 =	vor.u32 s16, v10  }
0x182: {  	v8 =	vadd.f32 v11, v8;
	_ =	sdelay $0x1  }
0x183: {  	v11 =	vand.u32 $0x1000, v12;
	s16 =	simm.s32 $0x1;
	[tilespmem:$0x8980] =	vst v8  }
0x184: {  	v12 =	vand.u32 $0x1000, v15;
	vm0 =	veq.s32 v11, $0x0;
	v11 =	vld.idx.msk [tilespmem:v13+s15+$0x0], $0xffff;
	v13 =	vor.u32 s16, v9  }
0x185: {  	vm1 =	veq.s32 v12, $0x0;
	v8 =	vadd.f32 v16, v14;
	v14 =	vor.u32 s16, v10;
	v12 =	vld.idx.msk [tilespmem:v17+s17+$0x0], $0xffff;
	_ =	sdelay $0x2  }
0x186: {  	s16 =	simm.s32 $0x2  }
.LBB2_20:
0x187: {  	v15 =	vunpack.i.u.bf16.f32 v11;
	v16 =	vmov v11;
	v11 =	vld.idx.msk [tilespmem:v13+s15+$0x0], $0xffff;
	v13 =	vor.u32 s16, v9;
	p0 =	sne.s32 s16, $0x3F  }
.Ltmp9:
0x188: {  	v17 =	vunpack.i.u.bf16.f32 v12;
	v18 =	vunpack.i.l.bf16.f32 v12;
	v16 =	vunpack.i.l.bf16.f32 v16;
	v12 =	vld.idx.msk [tilespmem:v14+s17+$0x0], $0xffff;
	(pc) =	sbr.rel @p0 .LBB2_20-.Ltmp9, $3  }
0x189: {  	v14 =	vor.u32 s16, v10;
	s16 =	sadd.s32 $0x1, s16;
	v15 =	vsel vm1, v16, v15;
	v16 =	vsel vm0, v18, v17  }
0x18a: {  	v15 =	vmul.f32 v16, v15;
	_ =	sdelay $0x1  }
0x18b: {  	v8 =	vadd.f32 v15, v8  }
0x18c: {  	_ =	sdelay $0x3  }
0x18d: {  	v9 =	vld.idx.msk [tilespmem:v13+s15+$0x0], $0xffff  }
0x18e: {  	v10 =	vunpack.i.u.bf16.f32 v11;
	v13 =	vld.idx.msk [tilespmem:v14+s17+$0x0], $0xffff  }
0x18f: {  	v11 =	vunpack.i.l.bf16.f32 v11;
	v14 =	vunpack.i.u.bf16.f32 v12;
	v12 =	vunpack.i.l.bf16.f32 v12;
	v15 =	vld [tilespmem:$0xA0]  }
0x190: {  	v10 =	vsel vm1, v11, v10;
	v11 =	vsel vm0, v12, v14;
	v12 =	vld [tilespmem:$0x2A0]  }
0x191: {  	v10 =	vmul.f32 v11, v10;
	_ =	sdelay $0x1  }
0x192: {  	v8 =	vadd.f32 v10, v8;
	v10 =	vunpack.i.u.bf16.f32 v9;
	v9 =	vunpack.i.l.bf16.f32 v9  }
0x193: {  	v11 =	vunpack.i.u.bf16.f32 v13;
	v13 =	vunpack.i.l.bf16.f32 v13;
	v14 =	vshrl.u32 v15, $0x7  }
0x194: {  	v10 =	vsel vm1, v9, v10;
	v9 =	vand.u32 $0x40, v14;
	v14 =	vshrl.u32 v12, $0x7  }
0x195: {  	s16 =	simm.s32 $0x0;
	v11 =	vsel vm0, v13, v11;
	v13 =	vand.u32 $0x40, v14;
	v9 =	vor.u32 v2, v9  }
0x196: {  	v16 =	vld [tilespmem:$0x88A0];
	v11 =	vmul.f32 v11, v10;
	v10 =	vor.u32 v2, v13;
	v13 =	vor.u32 s16, v9  }
0x197: {  	v14 =	vld [tilespmem:$0x8820];
	v17 =	vor.u32 s16, v10  }
0x198: {  	v8 =	vadd.f32 v11, v8;
	_ =	sdelay $0x1  }
0x199: {  	v11 =	vand.u32 $0x1000, v12;
	s16 =	simm.s32 $0x1;
	[tilespmem:$0x8990] =	vst v8  }
0x19a: {  	v12 =	vand.u32 $0x1000, v15;
	vm0 =	veq.s32 v11, $0x0;
	v11 =	vld.idx.msk [tilespmem:v13+s15+$0x0], $0xffff;
	v13 =	vor.u32 s16, v9  }
0x19b: {  	vm1 =	veq.s32 v12, $0x0;
	v8 =	vadd.f32 v16, v14;
	v14 =	vor.u32 s16, v10;
	v12 =	vld.idx.msk [tilespmem:v17+s17+$0x0], $0xffff;
	_ =	sdelay $0x2  }
0x19c: {  	s16 =	simm.s32 $0x2  }
.LBB2_22:
0x19d: {  	v15 =	vunpack.i.u.bf16.f32 v11;
	v16 =	vmov v11;
	v11 =	vld.idx.msk [tilespmem:v13+s15+$0x0], $0xffff;
	v13 =	vor.u32 s16, v9;
	p0 =	sne.s32 s16, $0x3F  }
.Ltmp10:
0x19e: {  	v17 =	vunpack.i.u.bf16.f32 v12;
	v18 =	vunpack.i.l.bf16.f32 v12;
	v16 =	vunpack.i.l.bf16.f32 v16;
	v12 =	vld.idx.msk [tilespmem:v14+s17+$0x0], $0xffff;
	(pc) =	sbr.rel @p0 .LBB2_22-.Ltmp10, $3  }
0x19f: {  	v14 =	vor.u32 s16, v10;
	s16 =	sadd.s32 $0x1, s16;
	v15 =	vsel vm1, v16, v15;
	v16 =	vsel vm0, v18, v17  }
0x1a0: {  	v15 =	vmul.f32 v16, v15;
	_ =	sdelay $0x1  }
0x1a1: {  	v8 =	vadd.f32 v15, v8  }
0x1a2: {  	_ =	sdelay $0x3  }
0x1a3: {  	v9 =	vld.idx.msk [tilespmem:v13+s15+$0x0], $0xffff  }
0x1a4: {  	v10 =	vunpack.i.u.bf16.f32 v11;
	v13 =	vld.idx.msk [tilespmem:v14+s17+$0x0], $0xffff  }
0x1a5: {  	v11 =	vunpack.i.l.bf16.f32 v11;
	v14 =	vunpack.i.u.bf16.f32 v12;
	v12 =	vunpack.i.l.bf16.f32 v12;
	v15 =	vld [tilespmem:$0xB0]  }
0x1a6: {  	v10 =	vsel vm1, v11, v10;
	v11 =	vsel vm0, v12, v14;
	v12 =	vld [tilespmem:$0x2B0]  }
0x1a7: {  	v10 =	vmul.f32 v11, v10;
	_ =	sdelay $0x1  }
0x1a8: {  	v8 =	vadd.f32 v10, v8;
	v10 =	vunpack.i.u.bf16.f32 v9;
	v9 =	vunpack.i.l.bf16.f32 v9  }
0x1a9: {  	v11 =	vunpack.i.u.bf16.f32 v13;
	v13 =	vunpack.i.l.bf16.f32 v13;
	v14 =	vshrl.u32 v15, $0x7  }
0x1aa: {  	v10 =	vsel vm1, v9, v10;
	v9 =	vand.u32 $0x40, v14;
	v14 =	vshrl.u32 v12, $0x7  }
0x1ab: {  	s16 =	simm.s32 $0x0;
	v11 =	vsel vm0, v13, v11;
	v13 =	vand.u32 $0x40, v14;
	v9 =	vor.u32 v3, v9  }
0x1ac: {  	v16 =	vld [tilespmem:$0x88B0];
	v11 =	vmul.f32 v11, v10;
	v10 =	vor.u32 v3, v13;
	v13 =	vor.u32 s16, v9  }
0x1ad: {  	v14 =	vld [tilespmem:$0x8830];
	v17 =	vor.u32 s16, v10  }
0x1ae: {  	v8 =	vadd.f32 v11, v8;
	_ =	sdelay $0x1  }
0x1af: {  	v11 =	vand.u32 $0x1000, v12;
	s16 =	simm.s32 $0x1;
	[tilespmem:$0x89A0] =	vst v8  }
0x1b0: {  	v12 =	vand.u32 $0x1000, v15;
	vm0 =	veq.s32 v11, $0x0;
	v11 =	vld.idx.msk [tilespmem:v13+s15+$0x0], $0xffff;
	v13 =	vor.u32 s16, v9  }
0x1b1: {  	vm1 =	veq.s32 v12, $0x0;
	v8 =	vadd.f32 v16, v14;
	v14 =	vor.u32 s16, v10;
	v12 =	vld.idx.msk [tilespmem:v17+s17+$0x0], $0xffff;
	_ =	sdelay $0x2  }
0x1b2: {  	s16 =	simm.s32 $0x2  }
.LBB2_24:
0x1b3: {  	v15 =	vunpack.i.u.bf16.f32 v11;
	v16 =	vmov v11;
	v11 =	vld.idx.msk [tilespmem:v13+s15+$0x0], $0xffff;
	v13 =	vor.u32 s16, v9;
	p0 =	sne.s32 s16, $0x3F  }
.Ltmp11:
0x1b4: {  	v17 =	vunpack.i.u.bf16.f32 v12;
	v18 =	vunpack.i.l.bf16.f32 v12;
	v16 =	vunpack.i.l.bf16.f32 v16;
	v12 =	vld.idx.msk [tilespmem:v14+s17+$0x0], $0xffff;
	(pc) =	sbr.rel @p0 .LBB2_24-.Ltmp11, $3  }
0x1b5: {  	v14 =	vor.u32 s16, v10;
	s16 =	sadd.s32 $0x1, s16;
	v15 =	vsel vm1, v16, v15;
	v16 =	vsel vm0, v18, v17  }
0x1b6: {  	v15 =	vmul.f32 v16, v15;
	_ =	sdelay $0x1  }
0x1b7: {  	v8 =	vadd.f32 v15, v8  }
0x1b8: {  	_ =	sdelay $0x3  }
0x1b9: {  	v9 =	vld.idx.msk [tilespmem:v13+s15+$0x0], $0xffff  }
0x1ba: {  	v10 =	vunpack.i.u.bf16.f32 v11;
	v13 =	vld.idx.msk [tilespmem:v14+s17+$0x0], $0xffff  }
0x1bb: {  	v11 =	vunpack.i.l.bf16.f32 v11;
	v14 =	vunpack.i.u.bf16.f32 v12;
	v12 =	vunpack.i.l.bf16.f32 v12;
	v15 =	vld [tilespmem:$0xC0]  }
0x1bc: {  	v10 =	vsel vm1, v11, v10;
	v11 =	vsel vm0, v12, v14;
	v12 =	vld [tilespmem:$0x2C0]  }
0x1bd: {  	v10 =	vmul.f32 v11, v10;
	_ =	sdelay $0x1  }
0x1be: {  	v8 =	vadd.f32 v10, v8;
	v10 =	vunpack.i.u.bf16.f32 v9;
	v9 =	vunpack.i.l.bf16.f32 v9  }
0x1bf: {  	v11 =	vunpack.i.u.bf16.f32 v13;
	v13 =	vunpack.i.l.bf16.f32 v13;
	v14 =	vshrl.u32 v15, $0x7  }
0x1c0: {  	v10 =	vsel vm1, v9, v10;
	v9 =	vand.u32 $0x40, v14;
	v14 =	vshrl.u32 v12, $0x7  }
0x1c1: {  	s16 =	simm.s32 $0x0;
	v11 =	vsel vm0, v13, v11;
	v13 =	vand.u32 $0x40, v14;
	v9 =	vor.u32 v4, v9  }
0x1c2: {  	v16 =	vld [tilespmem:$0x88C0];
	v11 =	vmul.f32 v11, v10;
	v10 =	vor.u32 v4, v13;
	v13 =	vor.u32 s16, v9  }
0x1c3: {  	v14 =	vld [tilespmem:$0x8840];
	v17 =	vor.u32 s16, v10  }
0x1c4: {  	v8 =	vadd.f32 v11, v8;
	_ =	sdelay $0x1  }
0x1c5: {  	v11 =	vand.u32 $0x1000, v12;
	s16 =	simm.s32 $0x1;
	[tilespmem:$0x89B0] =	vst v8  }
0x1c6: {  	v12 =	vand.u32 $0x1000, v15;
	vm0 =	veq.s32 v11, $0x0;
	v11 =	vld.idx.msk [tilespmem:v13+s15+$0x0], $0xffff;
	v13 =	vor.u32 s16, v9  }
0x1c7: {  	vm1 =	veq.s32 v12, $0x0;
	v8 =	vadd.f32 v16, v14;
	v14 =	vor.u32 s16, v10;
	v12 =	vld.idx.msk [tilespmem:v17+s17+$0x0], $0xffff;
	_ =	sdelay $0x2  }
0x1c8: {  	s16 =	simm.s32 $0x2  }
.LBB2_26:
0x1c9: {  	v15 =	vunpack.i.u.bf16.f32 v11;
	v16 =	vmov v11;
	v11 =	vld.idx.msk [tilespmem:v13+s15+$0x0], $0xffff;
	v13 =	vor.u32 s16, v9;
	p0 =	sne.s32 s16, $0x3F  }
.Ltmp12:
0x1ca: {  	v17 =	vunpack.i.u.bf16.f32 v12;
	v18 =	vunpack.i.l.bf16.f32 v12;
	v16 =	vunpack.i.l.bf16.f32 v16;
	v12 =	vld.idx.msk [tilespmem:v14+s17+$0x0], $0xffff;
	(pc) =	sbr.rel @p0 .LBB2_26-.Ltmp12, $3  }
0x1cb: {  	v14 =	vor.u32 s16, v10;
	s16 =	sadd.s32 $0x1, s16;
	v15 =	vsel vm1, v16, v15;
	v16 =	vsel vm0, v18, v17  }
0x1cc: {  	v15 =	vmul.f32 v16, v15;
	_ =	sdelay $0x1  }
0x1cd: {  	v8 =	vadd.f32 v15, v8  }
0x1ce: {  	_ =	sdelay $0x3  }
0x1cf: {  	v9 =	vld.idx.msk [tilespmem:v13+s15+$0x0], $0xffff  }
0x1d0: {  	v10 =	vunpack.i.u.bf16.f32 v11;
	v13 =	vld.idx.msk [tilespmem:v14+s17+$0x0], $0xffff  }
0x1d1: {  	v11 =	vunpack.i.l.bf16.f32 v11;
	v14 =	vunpack.i.u.bf16.f32 v12;
	v12 =	vunpack.i.l.bf16.f32 v12;
	v15 =	vld [tilespmem:$0xD0]  }
0x1d2: {  	v10 =	vsel vm1, v11, v10;
	v11 =	vsel vm0, v12, v14;
	v12 =	vld [tilespmem:$0x2D0]  }
0x1d3: {  	v10 =	vmul.f32 v11, v10;
	_ =	sdelay $0x1  }
0x1d4: {  	v8 =	vadd.f32 v10, v8;
	v10 =	vunpack.i.u.bf16.f32 v9;
	v9 =	vunpack.i.l.bf16.f32 v9  }
0x1d5: {  	v11 =	vunpack.i.u.bf16.f32 v13;
	v13 =	vunpack.i.l.bf16.f32 v13;
	v14 =	vshrl.u32 v15, $0x7  }
0x1d6: {  	v10 =	vsel vm1, v9, v10;
	v9 =	vand.u32 $0x40, v14;
	v14 =	vshrl.u32 v12, $0x7  }
0x1d7: {  	s16 =	simm.s32 $0x0;
	v11 =	vsel vm0, v13, v11;
	v13 =	vand.u32 $0x40, v14;
	v9 =	vor.u32 v5, v9  }
0x1d8: {  	v16 =	vld [tilespmem:$0x88D0];
	v11 =	vmul.f32 v11, v10;
	v10 =	vor.u32 v5, v13;
	v13 =	vor.u32 s16, v9  }
0x1d9: {  	v14 =	vld [tilespmem:$0x8850];
	v17 =	vor.u32 s16, v10  }
0x1da: {  	v8 =	vadd.f32 v11, v8;
	_ =	sdelay $0x1  }
0x1db: {  	v11 =	vand.u32 $0x1000, v12;
	s16 =	simm.s32 $0x1;
	[tilespmem:$0x89C0] =	vst v8  }
0x1dc: {  	v12 =	vand.u32 $0x1000, v15;
	vm0 =	veq.s32 v11, $0x0;
	v11 =	vld.idx.msk [tilespmem:v13+s15+$0x0], $0xffff;
	v13 =	vor.u32 s16, v9  }
0x1dd: {  	vm1 =	veq.s32 v12, $0x0;
	v8 =	vadd.f32 v16, v14;
	v14 =	vor.u32 s16, v10;
	v12 =	vld.idx.msk [tilespmem:v17+s17+$0x0], $0xffff;
	_ =	sdelay $0x2  }
0x1de: {  	s16 =	simm.s32 $0x2  }
.LBB2_28:
0x1df: {  	v15 =	vunpack.i.u.bf16.f32 v11;
	v16 =	vmov v11;
	v11 =	vld.idx.msk [tilespmem:v13+s15+$0x0], $0xffff;
	v13 =	vor.u32 s16, v9;
	p0 =	sne.s32 s16, $0x3F  }
.Ltmp13:
0x1e0: {  	v17 =	vunpack.i.u.bf16.f32 v12;
	v18 =	vunpack.i.l.bf16.f32 v12;
	v16 =	vunpack.i.l.bf16.f32 v16;
	v12 =	vld.idx.msk [tilespmem:v14+s17+$0x0], $0xffff;
	(pc) =	sbr.rel @p0 .LBB2_28-.Ltmp13, $3  }
0x1e1: {  	v14 =	vor.u32 s16, v10;
	s16 =	sadd.s32 $0x1, s16;
	v15 =	vsel vm1, v16, v15;
	v16 =	vsel vm0, v18, v17  }
0x1e2: {  	v15 =	vmul.f32 v16, v15;
	_ =	sdelay $0x1  }
0x1e3: {  	v8 =	vadd.f32 v15, v8  }
0x1e4: {  	_ =	sdelay $0x3  }
0x1e5: {  	v9 =	vld.idx.msk [tilespmem:v13+s15+$0x0], $0xffff  }
0x1e6: {  	v10 =	vunpack.i.u.bf16.f32 v11;
	v13 =	vld.idx.msk [tilespmem:v14+s17+$0x0], $0xffff  }
0x1e7: {  	v11 =	vunpack.i.l.bf16.f32 v11;
	v14 =	vunpack.i.u.bf16.f32 v12;
	v12 =	vunpack.i.l.bf16.f32 v12;
	v15 =	vld [tilespmem:$0xE0]  }
0x1e8: {  	v10 =	vsel vm1, v11, v10;
	v11 =	vsel vm0, v12, v14;
	v12 =	vld [tilespmem:$0x2E0]  }
0x1e9: {  	v10 =	vmul.f32 v11, v10;
	_ =	sdelay $0x1  }
0x1ea: {  	v8 =	vadd.f32 v10, v8;
	v10 =	vunpack.i.u.bf16.f32 v9;
	v9 =	vunpack.i.l.bf16.f32 v9  }
0x1eb: {  	v11 =	vunpack.i.u.bf16.f32 v13;
	v13 =	vunpack.i.l.bf16.f32 v13;
	v14 =	vshrl.u32 v15, $0x7  }
0x1ec: {  	v10 =	vsel vm1, v9, v10;
	v9 =	vand.u32 $0x40, v14;
	v14 =	vshrl.u32 v12, $0x7  }
0x1ed: {  	s16 =	simm.s32 $0x0;
	v11 =	vsel vm0, v13, v11;
	v13 =	vand.u32 $0x40, v14;
	v9 =	vor.u32 v6, v9  }
0x1ee: {  	v16 =	vld [tilespmem:$0x88E0];
	v11 =	vmul.f32 v11, v10;
	v10 =	vor.u32 v6, v13;
	v13 =	vor.u32 s16, v9  }
0x1ef: {  	v14 =	vld [tilespmem:$0x8860];
	v17 =	vor.u32 s16, v10  }
0x1f0: {  	v8 =	vadd.f32 v11, v8;
	_ =	sdelay $0x1  }
0x1f1: {  	v11 =	vand.u32 $0x1000, v12;
	s16 =	simm.s32 $0x1;
	[tilespmem:$0x89D0] =	vst v8  }
0x1f2: {  	v12 =	vand.u32 $0x1000, v15;
	vm0 =	veq.s32 v11, $0x0;
	v11 =	vld.idx.msk [tilespmem:v13+s15+$0x0], $0xffff;
	v13 =	vor.u32 s16, v9  }
0x1f3: {  	vm1 =	veq.s32 v12, $0x0;
	v8 =	vadd.f32 v16, v14;
	v14 =	vor.u32 s16, v10;
	v12 =	vld.idx.msk [tilespmem:v17+s17+$0x0], $0xffff;
	_ =	sdelay $0x2  }
0x1f4: {  	s16 =	simm.s32 $0x2  }
.LBB2_30:
0x1f5: {  	v15 =	vunpack.i.u.bf16.f32 v11;
	v16 =	vmov v11;
	v11 =	vld.idx.msk [tilespmem:v13+s15+$0x0], $0xffff;
	v13 =	vor.u32 s16, v9;
	p0 =	sne.s32 s16, $0x3F  }
.Ltmp14:
0x1f6: {  	v17 =	vunpack.i.u.bf16.f32 v12;
	v18 =	vunpack.i.l.bf16.f32 v12;
	v16 =	vunpack.i.l.bf16.f32 v16;
	v12 =	vld.idx.msk [tilespmem:v14+s17+$0x0], $0xffff;
	(pc) =	sbr.rel @p0 .LBB2_30-.Ltmp14, $3  }
0x1f7: {  	v14 =	vor.u32 s16, v10;
	s16 =	sadd.s32 $0x1, s16;
	v15 =	vsel vm1, v16, v15;
	v16 =	vsel vm0, v18, v17  }
0x1f8: {  	v15 =	vmul.f32 v16, v15;
	_ =	sdelay $0x1  }
0x1f9: {  	v8 =	vadd.f32 v15, v8  }
0x1fa: {  	_ =	sdelay $0x3  }
0x1fb: {  	v9 =	vld.idx.msk [tilespmem:v13+s15+$0x0], $0xffff  }
0x1fc: {  	v10 =	vunpack.i.u.bf16.f32 v11;
	v13 =	vld.idx.msk [tilespmem:v14+s17+$0x0], $0xffff  }
0x1fd: {  	v11 =	vunpack.i.l.bf16.f32 v11;
	v14 =	vunpack.i.u.bf16.f32 v12;
	v12 =	vunpack.i.l.bf16.f32 v12;
	v15 =	vld [tilespmem:$0xF0]  }
0x1fe: {  	v10 =	vsel vm1, v11, v10;
	v11 =	vsel vm0, v12, v14;
	v12 =	vld [tilespmem:$0x2F0]  }
0x1ff: {  	v10 =	vmul.f32 v11, v10;
	_ =	sdelay $0x1  }
0x200: {  	v8 =	vadd.f32 v10, v8;
	v10 =	vunpack.i.u.bf16.f32 v9;
	v9 =	vunpack.i.l.bf16.f32 v9  }
0x201: {  	v11 =	vunpack.i.u.bf16.f32 v13;
	v13 =	vunpack.i.l.bf16.f32 v13;
	v14 =	vshrl.u32 v15, $0x7  }
0x202: {  	v10 =	vsel vm1, v9, v10;
	v9 =	vand.u32 $0x40, v14;
	v14 =	vshrl.u32 v12, $0x7  }
0x203: {  	s16 =	simm.s32 $0x0;
	v11 =	vsel vm0, v13, v11;
	v13 =	vand.u32 $0x40, v14;
	v9 =	vor.u32 v7, v9  }
0x204: {  	v16 =	vld [tilespmem:$0x88F0];
	v11 =	vmul.f32 v11, v10;
	v10 =	vor.u32 v7, v13;
	v13 =	vor.u32 s16, v9  }
0x205: {  	v14 =	vld [tilespmem:$0x8870];
	v17 =	vor.u32 s16, v10  }
0x206: {  	v8 =	vadd.f32 v11, v8;
	_ =	sdelay $0x1  }
0x207: {  	v11 =	vand.u32 $0x1000, v12;
	s16 =	simm.s32 $0x1;
	[tilespmem:$0x89E0] =	vst v8  }
0x208: {  	v12 =	vand.u32 $0x1000, v15;
	vm0 =	veq.s32 v11, $0x0;
	v11 =	vld.idx.msk [tilespmem:v13+s15+$0x0], $0xffff;
	v13 =	vor.u32 s16, v9  }
0x209: {  	vm1 =	veq.s32 v12, $0x0;
	v8 =	vadd.f32 v16, v14;
	v14 =	vor.u32 s16, v10;
	v12 =	vld.idx.msk [tilespmem:v17+s17+$0x0], $0xffff;
	_ =	sdelay $0x2  }
0x20a: {  	s16 =	simm.s32 $0x2  }
.LBB2_32:
0x20b: {  	v15 =	vunpack.i.u.bf16.f32 v11;
	v16 =	vmov v11;
	v11 =	vld.idx.msk [tilespmem:v13+s15+$0x0], $0xffff;
	v13 =	vor.u32 s16, v9;
	p0 =	sne.s32 s16, $0x3F  }
.Ltmp15:
0x20c: {  	v17 =	vunpack.i.u.bf16.f32 v12;
	v18 =	vunpack.i.l.bf16.f32 v12;
	v16 =	vunpack.i.l.bf16.f32 v16;
	v12 =	vld.idx.msk [tilespmem:v14+s17+$0x0], $0xffff;
	(pc) =	sbr.rel @p0 .LBB2_32-.Ltmp15, $3  }
0x20d: {  	v14 =	vor.u32 s16, v10;
	s16 =	sadd.s32 $0x1, s16;
	v15 =	vsel vm1, v16, v15;
	v16 =	vsel vm0, v18, v17  }
0x20e: {  	v15 =	vmul.f32 v16, v15;
	_ =	sdelay $0x1  }
0x20f: {  	v8 =	vadd.f32 v15, v8  }
0x210: {  	_ =	sdelay $0x3  }
0x211: {  	v9 =	vld.idx.msk [tilespmem:v13+s15+$0x0], $0xffff  }
0x212: {  	v10 =	vld.idx.msk [tilespmem:v14+s17+$0x0], $0xffff  }
0x213: {  	v13 =	vunpack.i.u.bf16.f32 v11  }
0x214: {  	v11 =	vunpack.i.l.bf16.f32 v11;
	v14 =	vunpack.i.u.bf16.f32 v12;
	v12 =	vunpack.i.l.bf16.f32 v12  }
0x215: {  	v11 =	vsel vm1, v11, v13;
	v12 =	vsel vm0, v12, v14  }
0x216: {  	v11 =	vmul.f32 v12, v11;
	v12 =	vunpack.i.u.bf16.f32 v9  }
0x217: {  	v9 =	vunpack.i.l.bf16.f32 v9;
	v13 =	vunpack.i.u.bf16.f32 v10;
	v10 =	vunpack.i.l.bf16.f32 v10  }
0x218: {  	v9 =	vsel vm1, v9, v12;
	v10 =	vsel vm0, v10, v13  }
0x219: {  	v8 =	vadd.f32 v11, v8;
	v9 =	vmul.f32 v10, v9;
	_ =	sdelay $0x1  }
0x21a: {  	v8 =	vadd.f32 v9, v8;
	_ =	sdelay $0x1  }
0x21b: {  	[tilespmem:$0x89F0] =	vst v8  }
0x21c: {  	[tilespmem:s15], [sflag:$0x1] =	stream.indirect.gather [hbm4b:s1+s13], $0x80, s24, s13, $0xb8;
	[tilespmem:$0x8B00] =	vst v63  }
0x21d: {  	_ = 	snop  }
0x21e: {  	[tilespmem:s17], [sflag:$0x1] =	stream.indirect.gather [hbm4b:s2+s13], $0x80, s25, s13, $0xb8;
	[tilespmem:$0x8B00] =	vst v63  }
0x21f: {  	_ = 	snop  }
0x220: {  	[tilespmem:s18], [sflag:$0x1] =	stream.indirect.gather [hbm4b:s3+s13], $0x1, s26, s13, $0xb8;
	[tilespmem:$0x8B00] =	vst v63  }
0x221: {  	_ = 	snop  }
0x222: {  	[tilespmem:s19], [sflag:$0x1] =	stream.indirect.gather [hbm4b:s4+s13], $0x1, s28, s13, $0xb8;
	[tilespmem:$0x8B00] =	vst v63  }
0x223: {  	_ =	swait.ge [sflag:s20], $0x4000  }
0x224: {  	[sflag:s20] =	ssyncset.done $0x0  }
0x225: {  	[sflag:s20] =	ssyncadd.s32 $0xFFFFC000  }
0x226: {  	_ =	swait.ge [sflag:s20], $0x4000  }
0x227: {  	[sflag:s20] =	ssyncset.done $0x0  }
0x228: {  	[sflag:s20] =	ssyncadd.s32 $0xFFFFC000  }
0x229: {  	_ =	swait.ge [sflag:s20], $0x80  }
0x22a: {  	[sflag:s20] =	ssyncset.done $0x0  }
0x22b: {  	[sflag:s20] =	ssyncadd.s32 $0xFFFFFF80  }
0x22c: {  	_ =	swait.ge [sflag:s20], $0x80  }
0x22d: {  	[sflag:s20] =	ssyncset.done $0x0  }
0x22e: {  	[sflag:s20] =	ssyncadd.s32 $0xFFFFFF80  }
0x22f: {  	v8 =	vld [tilespmem:$0x100]  }
0x230: {  	v12 =	vld [tilespmem:$0x300];
	_ =	sdelay $0x3  }
0x231: {  	v9 =	vshrl.u32 v8, $0x7  }
0x232: {  	v10 =	vshrl.u32 v12, $0x7;
	v9 =	vand.u32 $0x40, v9  }
0x233: {  	s16 =	simm.s32 $0x0;
	v13 =	vld [tilespmem:$0x8800];
	v10 =	vand.u32 $0x40, v10;
	v9 =	vor.u32 v0, v9  }
0x234: {  	v14 =	vld [tilespmem:$0x8880];
	v10 =	vor.u32 v0, v10;
	v15 =	vor.u32 s16, v9  }
0x235: {  	v16 =	vor.u32 s16, v10;
	_ =	sdelay $0x2  }
0x236: {  	v11 =	vand.u32 $0x1000, v8;
	s16 =	simm.s32 $0x1  }
0x237: {  	v17 =	vand.u32 $0x1000, v12;
	v8 =	vadd.f32 v14, v13;
	v14 =	vor.u32 s16, v9;
	v12 =	vld.idx.msk [tilespmem:v15+s15+$0x0], $0xffff  }
0x238: {  	v13 =	vld.idx.msk [tilespmem:v16+s17+$0x0], $0xffff;
	v15 =	vor.u32 s16, v10;
	_ =	sdelay $0x2  }
0x239: {  	vm0 =	veq.s32 v17, $0x0;
	s16 =	simm.s32 $0x2  }
.LBB2_34:
0x23a: {  	vm1 =	veq.s32 v11, $0x0;
	v16 =	vunpack.i.u.bf16.f32 v12;
	v17 =	vmovc v12;
	v12 =	vld.idx.msk [tilespmem:v14+s15+$0x0], $0xffff;
	v14 =	vor.u32 s16, v9;
	p0 =	sne.s32 s16, $0x3F  }
.Ltmp16:
0x23b: {  	v18 =	vunpack.i.u.bf16.f32 v13;
	v19 =	vunpack.i.l.bf16.f32 v13;
	v17 =	vunpack.i.l.bf16.f32 v17;
	v13 =	vld.idx.msk [tilespmem:v15+s17+$0x0], $0xffff;
	(pc) =	sbr.rel @p0 .LBB2_34-.Ltmp16, $3  }
0x23c: {  	v15 =	vor.u32 s16, v10;
	s16 =	sadd.s32 $0x1, s16;
	v16 =	vsel vm1, v17, v16;
	v17 =	vsel vm0, v19, v18  }
0x23d: {  	v16 =	vmul.f32 v17, v16;
	_ =	sdelay $0x1  }
0x23e: {  	v8 =	vadd.f32 v16, v8  }
0x23f: {  	_ =	sdelay $0x3  }
0x240: {  	v9 =	vld.idx.msk [tilespmem:v14+s15+$0x0], $0xffff  }
0x241: {  	v10 =	vunpack.i.u.bf16.f32 v12;
	v11 =	vld.idx.msk [tilespmem:v15+s17+$0x0], $0xffff  }
0x242: {  	v12 =	vunpack.i.l.bf16.f32 v12;
	v14 =	vunpack.i.u.bf16.f32 v13;
	v13 =	vunpack.i.l.bf16.f32 v13;
	v15 =	vld [tilespmem:$0x110]  }
0x243: {  	v10 =	vsel vm1, v12, v10;
	v12 =	vsel vm0, v13, v14;
	v13 =	vld [tilespmem:$0x310]  }
0x244: {  	v10 =	vmul.f32 v12, v10;
	_ =	sdelay $0x1  }
0x245: {  	v8 =	vadd.f32 v10, v8;
	v10 =	vunpack.i.u.bf16.f32 v9;
	v9 =	vunpack.i.l.bf16.f32 v9  }
0x246: {  	v12 =	vunpack.i.u.bf16.f32 v11;
	v11 =	vunpack.i.l.bf16.f32 v11;
	v14 =	vshrl.u32 v15, $0x7  }
0x247: {  	v10 =	vsel vm1, v9, v10;
	v9 =	vand.u32 $0x40, v14;
	v14 =	vshrl.u32 v13, $0x7  }
0x248: {  	s16 =	simm.s32 $0x0;
	v16 =	vld [tilespmem:$0x8890];
	v11 =	vsel vm0, v11, v12;
	v12 =	vand.u32 $0x40, v14;
	v9 =	vor.u32 v1, v9  }
0x249: {  	v14 =	vld [tilespmem:$0x8810];
	v11 =	vmul.f32 v11, v10;
	v10 =	vor.u32 v1, v12;
	v12 =	vor.u32 s16, v9  }
0x24a: {  	v17 =	vor.u32 s16, v10  }
0x24b: {  	v8 =	vadd.f32 v11, v8;
	_ =	sdelay $0x1  }
0x24c: {  	s16 =	simm.s32 $0x1;
	[tilespmem:$0x8A00] =	vst v8  }
0x24d: {  	v8 =	vadd.f32 v16, v14;
	v14 =	vor.u32 s16, v9;
	v12 =	vld.idx.msk [tilespmem:v12+s15+$0x0], $0xffff  }
0x24e: {  	v18 =	vand.u32 $0x1000, v13;
	v11 =	vand.u32 $0x1000, v15;
	v15 =	vor.u32 s16, v10;
	v13 =	vld.idx.msk [tilespmem:v17+s17+$0x0], $0xffff;
	_ =	sdelay $0x2  }
0x24f: {  	vm0 =	veq.s32 v18, $0x0;
	s16 =	simm.s32 $0x2  }
.LBB2_36:
0x250: {  	vm1 =	veq.s32 v11, $0x0;
	v16 =	vunpack.i.u.bf16.f32 v12;
	v17 =	vmovc v12;
	v12 =	vld.idx.msk [tilespmem:v14+s15+$0x0], $0xffff;
	v14 =	vor.u32 s16, v9;
	p0 =	sne.s32 s16, $0x3F  }
.Ltmp17:
0x251: {  	v18 =	vunpack.i.u.bf16.f32 v13;
	v19 =	vunpack.i.l.bf16.f32 v13;
	v17 =	vunpack.i.l.bf16.f32 v17;
	v13 =	vld.idx.msk [tilespmem:v15+s17+$0x0], $0xffff;
	(pc) =	sbr.rel @p0 .LBB2_36-.Ltmp17, $3  }
0x252: {  	v15 =	vor.u32 s16, v10;
	s16 =	sadd.s32 $0x1, s16;
	v16 =	vsel vm1, v17, v16;
	v17 =	vsel vm0, v19, v18  }
0x253: {  	v16 =	vmul.f32 v17, v16;
	_ =	sdelay $0x1  }
0x254: {  	v8 =	vadd.f32 v16, v8  }
0x255: {  	_ =	sdelay $0x3  }
0x256: {  	v9 =	vld.idx.msk [tilespmem:v14+s15+$0x0], $0xffff  }
0x257: {  	v10 =	vunpack.i.u.bf16.f32 v12;
	v11 =	vld.idx.msk [tilespmem:v15+s17+$0x0], $0xffff  }
0x258: {  	v12 =	vunpack.i.l.bf16.f32 v12;
	v14 =	vunpack.i.u.bf16.f32 v13;
	v13 =	vunpack.i.l.bf16.f32 v13;
	v15 =	vld [tilespmem:$0x120]  }
0x259: {  	v10 =	vsel vm1, v12, v10;
	v12 =	vsel vm0, v13, v14;
	v13 =	vld [tilespmem:$0x320]  }
0x25a: {  	v10 =	vmul.f32 v12, v10;
	_ =	sdelay $0x1  }
0x25b: {  	v8 =	vadd.f32 v10, v8;
	v10 =	vunpack.i.u.bf16.f32 v9;
	v9 =	vunpack.i.l.bf16.f32 v9  }
0x25c: {  	v12 =	vunpack.i.u.bf16.f32 v11;
	v11 =	vunpack.i.l.bf16.f32 v11;
	v14 =	vshrl.u32 v15, $0x7  }
0x25d: {  	v10 =	vsel vm1, v9, v10;
	v9 =	vand.u32 $0x40, v14;
	v14 =	vshrl.u32 v13, $0x7  }
0x25e: {  	s16 =	simm.s32 $0x0;
	v16 =	vld [tilespmem:$0x88A0];
	v11 =	vsel vm0, v11, v12;
	v12 =	vand.u32 $0x40, v14;
	v9 =	vor.u32 v2, v9  }
0x25f: {  	v14 =	vld [tilespmem:$0x8820];
	v11 =	vmul.f32 v11, v10;
	v10 =	vor.u32 v2, v12;
	v12 =	vor.u32 s16, v9  }
0x260: {  	v17 =	vor.u32 s16, v10  }
0x261: {  	v8 =	vadd.f32 v11, v8;
	_ =	sdelay $0x1  }
0x262: {  	s16 =	simm.s32 $0x1;
	[tilespmem:$0x8A10] =	vst v8  }
0x263: {  	v8 =	vadd.f32 v16, v14;
	v14 =	vor.u32 s16, v9;
	v12 =	vld.idx.msk [tilespmem:v12+s15+$0x0], $0xffff  }
0x264: {  	v18 =	vand.u32 $0x1000, v13;
	v11 =	vand.u32 $0x1000, v15;
	v15 =	vor.u32 s16, v10;
	v13 =	vld.idx.msk [tilespmem:v17+s17+$0x0], $0xffff;
	_ =	sdelay $0x2  }
0x265: {  	vm0 =	veq.s32 v18, $0x0;
	s16 =	simm.s32 $0x2  }
.LBB2_38:
0x266: {  	vm1 =	veq.s32 v11, $0x0;
	v16 =	vunpack.i.u.bf16.f32 v12;
	v17 =	vmovc v12;
	v12 =	vld.idx.msk [tilespmem:v14+s15+$0x0], $0xffff;
	v14 =	vor.u32 s16, v9;
	p0 =	sne.s32 s16, $0x3F  }
.Ltmp18:
0x267: {  	v18 =	vunpack.i.u.bf16.f32 v13;
	v19 =	vunpack.i.l.bf16.f32 v13;
	v17 =	vunpack.i.l.bf16.f32 v17;
	v13 =	vld.idx.msk [tilespmem:v15+s17+$0x0], $0xffff;
	(pc) =	sbr.rel @p0 .LBB2_38-.Ltmp18, $3  }
0x268: {  	v15 =	vor.u32 s16, v10;
	s16 =	sadd.s32 $0x1, s16;
	v16 =	vsel vm1, v17, v16;
	v17 =	vsel vm0, v19, v18  }
0x269: {  	v16 =	vmul.f32 v17, v16;
	_ =	sdelay $0x1  }
0x26a: {  	v8 =	vadd.f32 v16, v8  }
0x26b: {  	_ =	sdelay $0x3  }
0x26c: {  	v9 =	vld.idx.msk [tilespmem:v14+s15+$0x0], $0xffff  }
0x26d: {  	v10 =	vunpack.i.u.bf16.f32 v12;
	v11 =	vld.idx.msk [tilespmem:v15+s17+$0x0], $0xffff  }
0x26e: {  	v12 =	vunpack.i.l.bf16.f32 v12;
	v14 =	vunpack.i.u.bf16.f32 v13;
	v13 =	vunpack.i.l.bf16.f32 v13;
	v15 =	vld [tilespmem:$0x130]  }
0x26f: {  	v10 =	vsel vm1, v12, v10;
	v12 =	vsel vm0, v13, v14;
	v13 =	vld [tilespmem:$0x330]  }
0x270: {  	v10 =	vmul.f32 v12, v10;
	_ =	sdelay $0x1  }
0x271: {  	v8 =	vadd.f32 v10, v8;
	v10 =	vunpack.i.u.bf16.f32 v9;
	v9 =	vunpack.i.l.bf16.f32 v9  }
0x272: {  	v12 =	vunpack.i.u.bf16.f32 v11;
	v11 =	vunpack.i.l.bf16.f32 v11;
	v14 =	vshrl.u32 v15, $0x7  }
0x273: {  	v10 =	vsel vm1, v9, v10;
	v9 =	vand.u32 $0x40, v14;
	v14 =	vshrl.u32 v13, $0x7  }
0x274: {  	s16 =	simm.s32 $0x0;
	v16 =	vld [tilespmem:$0x88B0];
	v11 =	vsel vm0, v11, v12;
	v12 =	vand.u32 $0x40, v14;
	v9 =	vor.u32 v3, v9  }
0x275: {  	v14 =	vld [tilespmem:$0x8830];
	v11 =	vmul.f32 v11, v10;
	v10 =	vor.u32 v3, v12;
	v12 =	vor.u32 s16, v9  }
0x276: {  	v17 =	vor.u32 s16, v10  }
0x277: {  	v8 =	vadd.f32 v11, v8;
	_ =	sdelay $0x1  }
0x278: {  	s16 =	simm.s32 $0x1;
	[tilespmem:$0x8A20] =	vst v8  }
0x279: {  	v8 =	vadd.f32 v16, v14;
	v14 =	vor.u32 s16, v9;
	v12 =	vld.idx.msk [tilespmem:v12+s15+$0x0], $0xffff  }
0x27a: {  	v18 =	vand.u32 $0x1000, v13;
	v11 =	vand.u32 $0x1000, v15;
	v15 =	vor.u32 s16, v10;
	v13 =	vld.idx.msk [tilespmem:v17+s17+$0x0], $0xffff;
	_ =	sdelay $0x2  }
0x27b: {  	vm0 =	veq.s32 v18, $0x0;
	s16 =	simm.s32 $0x2  }
.LBB2_40:
0x27c: {  	vm1 =	veq.s32 v11, $0x0;
	v16 =	vunpack.i.u.bf16.f32 v12;
	v17 =	vmovc v12;
	v12 =	vld.idx.msk [tilespmem:v14+s15+$0x0], $0xffff;
	v14 =	vor.u32 s16, v9;
	p0 =	sne.s32 s16, $0x3F  }
.Ltmp19:
0x27d: {  	v18 =	vunpack.i.u.bf16.f32 v13;
	v19 =	vunpack.i.l.bf16.f32 v13;
	v17 =	vunpack.i.l.bf16.f32 v17;
	v13 =	vld.idx.msk [tilespmem:v15+s17+$0x0], $0xffff;
	(pc) =	sbr.rel @p0 .LBB2_40-.Ltmp19, $3  }
0x27e: {  	v15 =	vor.u32 s16, v10;
	s16 =	sadd.s32 $0x1, s16;
	v16 =	vsel vm1, v17, v16;
	v17 =	vsel vm0, v19, v18  }
0x27f: {  	v16 =	vmul.f32 v17, v16;
	_ =	sdelay $0x1  }
0x280: {  	v8 =	vadd.f32 v16, v8  }
0x281: {  	_ =	sdelay $0x3  }
0x282: {  	v9 =	vld.idx.msk [tilespmem:v14+s15+$0x0], $0xffff  }
0x283: {  	v10 =	vunpack.i.u.bf16.f32 v12;
	v11 =	vld.idx.msk [tilespmem:v15+s17+$0x0], $0xffff  }
0x284: {  	v12 =	vunpack.i.l.bf16.f32 v12;
	v14 =	vunpack.i.u.bf16.f32 v13;
	v13 =	vunpack.i.l.bf16.f32 v13;
	v15 =	vld [tilespmem:$0x140]  }
0x285: {  	v10 =	vsel vm1, v12, v10;
	v12 =	vsel vm0, v13, v14;
	v13 =	vld [tilespmem:$0x340]  }
0x286: {  	v10 =	vmul.f32 v12, v10;
	_ =	sdelay $0x1  }
0x287: {  	v8 =	vadd.f32 v10, v8;
	v10 =	vunpack.i.u.bf16.f32 v9;
	v9 =	vunpack.i.l.bf16.f32 v9  }
0x288: {  	v12 =	vunpack.i.u.bf16.f32 v11;
	v11 =	vunpack.i.l.bf16.f32 v11;
	v14 =	vshrl.u32 v15, $0x7  }
0x289: {  	v10 =	vsel vm1, v9, v10;
	v9 =	vand.u32 $0x40, v14;
	v14 =	vshrl.u32 v13, $0x7  }
0x28a: {  	s16 =	simm.s32 $0x0;
	v16 =	vld [tilespmem:$0x88C0];
	v11 =	vsel vm0, v11, v12;
	v12 =	vand.u32 $0x40, v14;
	v9 =	vor.u32 v4, v9  }
0x28b: {  	v14 =	vld [tilespmem:$0x8840];
	v11 =	vmul.f32 v11, v10;
	v10 =	vor.u32 v4, v12;
	v12 =	vor.u32 s16, v9  }
0x28c: {  	v17 =	vor.u32 s16, v10  }
0x28d: {  	v8 =	vadd.f32 v11, v8;
	_ =	sdelay $0x1  }
0x28e: {  	s16 =	simm.s32 $0x1;
	[tilespmem:$0x8A30] =	vst v8  }
0x28f: {  	v8 =	vadd.f32 v16, v14;
	v14 =	vor.u32 s16, v9;
	v12 =	vld.idx.msk [tilespmem:v12+s15+$0x0], $0xffff  }
0x290: {  	v18 =	vand.u32 $0x1000, v13;
	v11 =	vand.u32 $0x1000, v15;
	v15 =	vor.u32 s16, v10;
	v13 =	vld.idx.msk [tilespmem:v17+s17+$0x0], $0xffff;
	_ =	sdelay $0x2  }
0x291: {  	vm0 =	veq.s32 v18, $0x0;
	s16 =	simm.s32 $0x2  }
.LBB2_42:
0x292: {  	vm1 =	veq.s32 v11, $0x0;
	v16 =	vunpack.i.u.bf16.f32 v12;
	v17 =	vmovc v12;
	v12 =	vld.idx.msk [tilespmem:v14+s15+$0x0], $0xffff;
	v14 =	vor.u32 s16, v9;
	p0 =	sne.s32 s16, $0x3F  }
.Ltmp20:
0x293: {  	v18 =	vunpack.i.u.bf16.f32 v13;
	v19 =	vunpack.i.l.bf16.f32 v13;
	v17 =	vunpack.i.l.bf16.f32 v17;
	v13 =	vld.idx.msk [tilespmem:v15+s17+$0x0], $0xffff;
	(pc) =	sbr.rel @p0 .LBB2_42-.Ltmp20, $3  }
0x294: {  	v15 =	vor.u32 s16, v10;
	s16 =	sadd.s32 $0x1, s16;
	v16 =	vsel vm1, v17, v16;
	v17 =	vsel vm0, v19, v18  }
0x295: {  	v16 =	vmul.f32 v17, v16;
	_ =	sdelay $0x1  }
0x296: {  	v8 =	vadd.f32 v16, v8  }
0x297: {  	_ =	sdelay $0x3  }
0x298: {  	v9 =	vld.idx.msk [tilespmem:v14+s15+$0x0], $0xffff  }
0x299: {  	v10 =	vunpack.i.u.bf16.f32 v12;
	v11 =	vld.idx.msk [tilespmem:v15+s17+$0x0], $0xffff  }
0x29a: {  	v12 =	vunpack.i.l.bf16.f32 v12;
	v14 =	vunpack.i.u.bf16.f32 v13;
	v13 =	vunpack.i.l.bf16.f32 v13;
	v15 =	vld [tilespmem:$0x150]  }
0x29b: {  	v10 =	vsel vm1, v12, v10;
	v12 =	vsel vm0, v13, v14;
	v13 =	vld [tilespmem:$0x350]  }
0x29c: {  	v10 =	vmul.f32 v12, v10;
	_ =	sdelay $0x1  }
0x29d: {  	v8 =	vadd.f32 v10, v8;
	v10 =	vunpack.i.u.bf16.f32 v9;
	v9 =	vunpack.i.l.bf16.f32 v9  }
0x29e: {  	v12 =	vunpack.i.u.bf16.f32 v11;
	v11 =	vunpack.i.l.bf16.f32 v11;
	v14 =	vshrl.u32 v15, $0x7  }
0x29f: {  	v10 =	vsel vm1, v9, v10;
	v9 =	vand.u32 $0x40, v14;
	v14 =	vshrl.u32 v13, $0x7  }
0x2a0: {  	s16 =	simm.s32 $0x0;
	v16 =	vld [tilespmem:$0x88D0];
	v11 =	vsel vm0, v11, v12;
	v12 =	vand.u32 $0x40, v14;
	v9 =	vor.u32 v5, v9  }
0x2a1: {  	v14 =	vld [tilespmem:$0x8850];
	v11 =	vmul.f32 v11, v10;
	v10 =	vor.u32 v5, v12;
	v12 =	vor.u32 s16, v9  }
0x2a2: {  	v17 =	vor.u32 s16, v10  }
0x2a3: {  	v8 =	vadd.f32 v11, v8;
	_ =	sdelay $0x1  }
0x2a4: {  	s16 =	simm.s32 $0x1;
	[tilespmem:$0x8A40] =	vst v8  }
0x2a5: {  	v8 =	vadd.f32 v16, v14;
	v14 =	vor.u32 s16, v9;
	v12 =	vld.idx.msk [tilespmem:v12+s15+$0x0], $0xffff  }
0x2a6: {  	v18 =	vand.u32 $0x1000, v13;
	v11 =	vand.u32 $0x1000, v15;
	v15 =	vor.u32 s16, v10;
	v13 =	vld.idx.msk [tilespmem:v17+s17+$0x0], $0xffff;
	_ =	sdelay $0x2  }
0x2a7: {  	vm0 =	veq.s32 v18, $0x0;
	s16 =	simm.s32 $0x2  }
.LBB2_44:
0x2a8: {  	vm1 =	veq.s32 v11, $0x0;
	v16 =	vunpack.i.u.bf16.f32 v12;
	v17 =	vmovc v12;
	v12 =	vld.idx.msk [tilespmem:v14+s15+$0x0], $0xffff;
	v14 =	vor.u32 s16, v9;
	p0 =	sne.s32 s16, $0x3F  }
.Ltmp21:
0x2a9: {  	v18 =	vunpack.i.u.bf16.f32 v13;
	v19 =	vunpack.i.l.bf16.f32 v13;
	v17 =	vunpack.i.l.bf16.f32 v17;
	v13 =	vld.idx.msk [tilespmem:v15+s17+$0x0], $0xffff;
	(pc) =	sbr.rel @p0 .LBB2_44-.Ltmp21, $3  }
0x2aa: {  	v15 =	vor.u32 s16, v10;
	s16 =	sadd.s32 $0x1, s16;
	v16 =	vsel vm1, v17, v16;
	v17 =	vsel vm0, v19, v18  }
0x2ab: {  	v16 =	vmul.f32 v17, v16;
	_ =	sdelay $0x1  }
0x2ac: {  	v8 =	vadd.f32 v16, v8  }
0x2ad: {  	_ =	sdelay $0x3  }
0x2ae: {  	v9 =	vld.idx.msk [tilespmem:v14+s15+$0x0], $0xffff  }
0x2af: {  	v10 =	vunpack.i.u.bf16.f32 v12;
	v11 =	vld.idx.msk [tilespmem:v15+s17+$0x0], $0xffff  }
0x2b0: {  	v12 =	vunpack.i.l.bf16.f32 v12;
	v14 =	vunpack.i.u.bf16.f32 v13;
	v13 =	vunpack.i.l.bf16.f32 v13;
	v15 =	vld [tilespmem:$0x160]  }
0x2b1: {  	v10 =	vsel vm1, v12, v10;
	v12 =	vsel vm0, v13, v14;
	v13 =	vld [tilespmem:$0x360]  }
0x2b2: {  	v10 =	vmul.f32 v12, v10;
	_ =	sdelay $0x1  }
0x2b3: {  	v8 =	vadd.f32 v10, v8;
	v10 =	vunpack.i.u.bf16.f32 v9;
	v9 =	vunpack.i.l.bf16.f32 v9  }
0x2b4: {  	v12 =	vunpack.i.u.bf16.f32 v11;
	v11 =	vunpack.i.l.bf16.f32 v11;
	v14 =	vshrl.u32 v15, $0x7  }
0x2b5: {  	v10 =	vsel vm1, v9, v10;
	v9 =	vand.u32 $0x40, v14;
	v14 =	vshrl.u32 v13, $0x7  }
0x2b6: {  	s16 =	simm.s32 $0x0;
	v16 =	vld [tilespmem:$0x88E0];
	v11 =	vsel vm0, v11, v12;
	v12 =	vand.u32 $0x40, v14;
	v9 =	vor.u32 v6, v9  }
0x2b7: {  	v14 =	vld [tilespmem:$0x8860];
	v11 =	vmul.f32 v11, v10;
	v10 =	vor.u32 v6, v12;
	v12 =	vor.u32 s16, v9  }
0x2b8: {  	v17 =	vor.u32 s16, v10  }
0x2b9: {  	v8 =	vadd.f32 v11, v8;
	_ =	sdelay $0x1  }
0x2ba: {  	s16 =	simm.s32 $0x1;
	[tilespmem:$0x8A50] =	vst v8  }
0x2bb: {  	v8 =	vadd.f32 v16, v14;
	v14 =	vor.u32 s16, v9;
	v12 =	vld.idx.msk [tilespmem:v12+s15+$0x0], $0xffff  }
0x2bc: {  	v18 =	vand.u32 $0x1000, v13;
	v11 =	vand.u32 $0x1000, v15;
	v15 =	vor.u32 s16, v10;
	v13 =	vld.idx.msk [tilespmem:v17+s17+$0x0], $0xffff;
	_ =	sdelay $0x2  }
0x2bd: {  	vm0 =	veq.s32 v18, $0x0;
	s16 =	simm.s32 $0x2  }
.LBB2_46:
0x2be: {  	vm1 =	veq.s32 v11, $0x0;
	v16 =	vunpack.i.u.bf16.f32 v12;
	v17 =	vmovc v12;
	v12 =	vld.idx.msk [tilespmem:v14+s15+$0x0], $0xffff;
	v14 =	vor.u32 s16, v9;
	p0 =	sne.s32 s16, $0x3F  }
.Ltmp22:
0x2bf: {  	v18 =	vunpack.i.u.bf16.f32 v13;
	v19 =	vunpack.i.l.bf16.f32 v13;
	v17 =	vunpack.i.l.bf16.f32 v17;
	v13 =	vld.idx.msk [tilespmem:v15+s17+$0x0], $0xffff;
	(pc) =	sbr.rel @p0 .LBB2_46-.Ltmp22, $3  }
0x2c0: {  	v15 =	vor.u32 s16, v10;
	s16 =	sadd.s32 $0x1, s16;
	v16 =	vsel vm1, v17, v16;
	v17 =	vsel vm0, v19, v18  }
0x2c1: {  	v16 =	vmul.f32 v17, v16;
	_ =	sdelay $0x1  }
0x2c2: {  	v8 =	vadd.f32 v16, v8  }
0x2c3: {  	_ =	sdelay $0x3  }
0x2c4: {  	v9 =	vld.idx.msk [tilespmem:v14+s15+$0x0], $0xffff  }
0x2c5: {  	v10 =	vunpack.i.u.bf16.f32 v12;
	v11 =	vld.idx.msk [tilespmem:v15+s17+$0x0], $0xffff  }
0x2c6: {  	v12 =	vunpack.i.l.bf16.f32 v12;
	v14 =	vunpack.i.u.bf16.f32 v13;
	v13 =	vunpack.i.l.bf16.f32 v13;
	v15 =	vld [tilespmem:$0x170]  }
0x2c7: {  	v10 =	vsel vm1, v12, v10;
	v12 =	vsel vm0, v13, v14;
	v13 =	vld [tilespmem:$0x370]  }
0x2c8: {  	v10 =	vmul.f32 v12, v10;
	_ =	sdelay $0x1  }
0x2c9: {  	v8 =	vadd.f32 v10, v8;
	v10 =	vunpack.i.u.bf16.f32 v9;
	v9 =	vunpack.i.l.bf16.f32 v9  }
0x2ca: {  	v12 =	vunpack.i.u.bf16.f32 v11;
	v11 =	vunpack.i.l.bf16.f32 v11;
	v14 =	vshrl.u32 v15, $0x7  }
0x2cb: {  	v10 =	vsel vm1, v9, v10;
	v9 =	vand.u32 $0x40, v14;
	v14 =	vshrl.u32 v13, $0x7  }
0x2cc: {  	s16 =	simm.s32 $0x0;
	v16 =	vld [tilespmem:$0x88F0];
	v11 =	vsel vm0, v11, v12;
	v12 =	vand.u32 $0x40, v14;
	v9 =	vor.u32 v7, v9  }
0x2cd: {  	v14 =	vld [tilespmem:$0x8870];
	v11 =	vmul.f32 v11, v10;
	v10 =	vor.u32 v7, v12;
	v12 =	vor.u32 s16, v9  }
0x2ce: {  	v17 =	vor.u32 s16, v10  }
0x2cf: {  	v8 =	vadd.f32 v11, v8;
	_ =	sdelay $0x1  }
0x2d0: {  	s16 =	simm.s32 $0x1;
	[tilespmem:$0x8A60] =	vst v8  }
0x2d1: {  	v8 =	vadd.f32 v16, v14;
	v14 =	vor.u32 s16, v9;
	v12 =	vld.idx.msk [tilespmem:v12+s15+$0x0], $0xffff  }
0x2d2: {  	v18 =	vand.u32 $0x1000, v13;
	v11 =	vand.u32 $0x1000, v15;
	v15 =	vor.u32 s16, v10;
	v13 =	vld.idx.msk [tilespmem:v17+s17+$0x0], $0xffff;
	_ =	sdelay $0x2  }
0x2d3: {  	vm0 =	veq.s32 v18, $0x0;
	s16 =	simm.s32 $0x2  }
.LBB2_48:
0x2d4: {  	vm1 =	veq.s32 v11, $0x0;
	v16 =	vunpack.i.u.bf16.f32 v12;
	v17 =	vmovc v12;
	v12 =	vld.idx.msk [tilespmem:v14+s15+$0x0], $0xffff;
	v14 =	vor.u32 s16, v9;
	p0 =	sne.s32 s16, $0x3F  }
.Ltmp23:
0x2d5: {  	v18 =	vunpack.i.u.bf16.f32 v13;
	v19 =	vunpack.i.l.bf16.f32 v13;
	v17 =	vunpack.i.l.bf16.f32 v17;
	v13 =	vld.idx.msk [tilespmem:v15+s17+$0x0], $0xffff;
	(pc) =	sbr.rel @p0 .LBB2_48-.Ltmp23, $3  }
0x2d6: {  	v15 =	vor.u32 s16, v10;
	s16 =	sadd.s32 $0x1, s16;
	v16 =	vsel vm1, v17, v16;
	v17 =	vsel vm0, v19, v18  }
0x2d7: {  	v16 =	vmul.f32 v17, v16;
	_ =	sdelay $0x1  }
0x2d8: {  	v8 =	vadd.f32 v16, v8  }
0x2d9: {  	_ =	sdelay $0x3  }
0x2da: {  	v9 =	vld.idx.msk [tilespmem:v14+s15+$0x0], $0xffff  }
0x2db: {  	v10 =	vld.idx.msk [tilespmem:v15+s17+$0x0], $0xffff  }
0x2dc: {  	v11 =	vunpack.i.u.bf16.f32 v12  }
0x2dd: {  	v12 =	vunpack.i.l.bf16.f32 v12;
	v14 =	vunpack.i.u.bf16.f32 v13;
	v13 =	vunpack.i.l.bf16.f32 v13  }
0x2de: {  	v11 =	vsel vm1, v12, v11;
	v12 =	vsel vm0, v13, v14  }
0x2df: {  	v11 =	vmul.f32 v12, v11;
	v12 =	vunpack.i.u.bf16.f32 v9  }
0x2e0: {  	v9 =	vunpack.i.l.bf16.f32 v9;
	v13 =	vunpack.i.u.bf16.f32 v10;
	v10 =	vunpack.i.l.bf16.f32 v10  }
0x2e1: {  	v9 =	vsel vm1, v9, v12;
	v10 =	vsel vm0, v10, v13  }
0x2e2: {  	v8 =	vadd.f32 v11, v8;
	v9 =	vmul.f32 v10, v9;
	_ =	sdelay $0x1  }
0x2e3: {  	v8 =	vadd.f32 v9, v8;
	_ =	sdelay $0x1  }
0x2e4: {  	[tilespmem:$0x8A70] =	vst v8  }
0x2e5: {  	[tilespmem:s15], [sflag:$0x1] =	stream.indirect.gather [hbm4b:s1+s13], $0x80, s29, s13, $0xb8;
	[tilespmem:$0x8B00] =	vst v63  }
0x2e6: {  	_ = 	snop  }
0x2e7: {  	[tilespmem:s17], [sflag:$0x1] =	stream.indirect.gather [hbm4b:s2+s13], $0x80, s30, s13, $0xb8;
	[tilespmem:$0x8B00] =	vst v63  }
0x2e8: {  	_ = 	snop  }
0x2e9: {  	[tilespmem:s18], [sflag:$0x1] =	stream.indirect.gather [hbm4b:s3+s13], $0x1, s31, s13, $0xb8;
	[tilespmem:$0x8B00] =	vst v63  }
0x2ea: {  	_ = 	snop  }
0x2eb: {  	[tilespmem:s19], [sflag:$0x1] =	stream.indirect.gather [hbm4b:s4+s13], $0x1, s0, s13, $0xb8;
	[tilespmem:$0x8B00] =	vst v63  }
0x2ec: {  	_ =	swait.ge [sflag:s20], $0x4000  }
0x2ed: {  	[sflag:s20] =	ssyncset.done $0x0  }
0x2ee: {  	[sflag:s20] =	ssyncadd.s32 $0xFFFFC000  }
0x2ef: {  	_ =	swait.ge [sflag:s20], $0x4000  }
0x2f0: {  	[sflag:s20] =	ssyncset.done $0x0  }
0x2f1: {  	[sflag:s20] =	ssyncadd.s32 $0xFFFFC000  }
0x2f2: {  	_ =	swait.ge [sflag:s20], $0x80  }
0x2f3: {  	[sflag:s20] =	ssyncset.done $0x0  }
0x2f4: {  	[sflag:s20] =	ssyncadd.s32 $0xFFFFFF80  }
0x2f5: {  	_ =	swait.ge [sflag:s20], $0x80  }
0x2f6: {  	[sflag:s20] =	ssyncset.done $0x0  }
0x2f7: {  	[sflag:s20] =	ssyncadd.s32 $0xFFFFFF80  }
0x2f8: {  	v8 =	vld [tilespmem:$0x180]  }
0x2f9: {  	v12 =	vld [tilespmem:$0x380];
	_ =	sdelay $0x3  }
0x2fa: {  	v9 =	vshrl.u32 v8, $0x7  }
0x2fb: {  	v10 =	vshrl.u32 v12, $0x7;
	v9 =	vand.u32 $0x40, v9  }
0x2fc: {  	s16 =	simm.s32 $0x0;
	v13 =	vld [tilespmem:$0x8800];
	v10 =	vand.u32 $0x40, v10;
	v9 =	vor.u32 v0, v9  }
0x2fd: {  	v14 =	vld [tilespmem:$0x8880];
	v10 =	vor.u32 v0, v10;
	v15 =	vor.u32 s16, v9  }
0x2fe: {  	v16 =	vor.u32 s16, v10;
	_ =	sdelay $0x2  }
0x2ff: {  	v11 =	vand.u32 $0x1000, v8;
	s16 =	simm.s32 $0x1  }
0x300: {  	v17 =	vand.u32 $0x1000, v12;
	v8 =	vadd.f32 v14, v13;
	v14 =	vor.u32 s16, v9;
	v12 =	vld.idx.msk [tilespmem:v15+s15+$0x0], $0xffff  }
0x301: {  	v13 =	vld.idx.msk [tilespmem:v16+s17+$0x0], $0xffff;
	v15 =	vor.u32 s16, v10;
	_ =	sdelay $0x2  }
0x302: {  	vm0 =	veq.s32 v17, $0x0;
	s16 =	simm.s32 $0x2  }
.LBB2_50:
0x303: {  	vm1 =	veq.s32 v11, $0x0;
	v16 =	vunpack.i.u.bf16.f32 v12;
	v17 =	vmovc v12;
	v12 =	vld.idx.msk [tilespmem:v14+s15+$0x0], $0xffff;
	v14 =	vor.u32 s16, v9;
	p0 =	sne.s32 s16, $0x3F  }
.Ltmp24:
0x304: {  	v18 =	vunpack.i.u.bf16.f32 v13;
	v19 =	vunpack.i.l.bf16.f32 v13;
	v17 =	vunpack.i.l.bf16.f32 v17;
	v13 =	vld.idx.msk [tilespmem:v15+s17+$0x0], $0xffff;
	(pc) =	sbr.rel @p0 .LBB2_50-.Ltmp24, $3  }
0x305: {  	v15 =	vor.u32 s16, v10;
	s16 =	sadd.s32 $0x1, s16;
	v16 =	vsel vm1, v17, v16;
	v17 =	vsel vm0, v19, v18  }
0x306: {  	v16 =	vmul.f32 v17, v16;
	_ =	sdelay $0x1  }
0x307: {  	v8 =	vadd.f32 v16, v8  }
0x308: {  	_ =	sdelay $0x3  }
0x309: {  	v9 =	vld.idx.msk [tilespmem:v14+s15+$0x0], $0xffff  }
0x30a: {  	v10 =	vunpack.i.u.bf16.f32 v12;
	v11 =	vld.idx.msk [tilespmem:v15+s17+$0x0], $0xffff  }
0x30b: {  	v12 =	vunpack.i.l.bf16.f32 v12;
	v14 =	vunpack.i.u.bf16.f32 v13;
	v13 =	vunpack.i.l.bf16.f32 v13;
	v15 =	vld [tilespmem:$0x190]  }
0x30c: {  	v10 =	vsel vm1, v12, v10;
	v12 =	vsel vm0, v13, v14;
	v13 =	vld [tilespmem:$0x390]  }
0x30d: {  	v10 =	vmul.f32 v12, v10;
	_ =	sdelay $0x1  }
0x30e: {  	v10 =	vadd.f32 v10, v8;
	v8 =	vunpack.i.u.bf16.f32 v9;
	v9 =	vunpack.i.l.bf16.f32 v9  }
0x30f: {  	v12 =	vunpack.i.u.bf16.f32 v11;
	v9 =	vsel vm1, v9, v8;
	v8 =	vshrl.u32 v15, $0x7  }
0x310: {  	v11 =	vunpack.i.l.bf16.f32 v11;
	v14 =	vshrl.u32 v13, $0x7;
	v8 =	vand.u32 $0x40, v8  }
0x311: {  	s16 =	simm.s32 $0x0;
	v11 =	vsel vm0, v11, v12;
	v12 =	vand.u32 $0x40, v14;
	v8 =	vor.u32 v1, v8  }
0x312: {  	v16 =	vld [tilespmem:$0x8890];
	v11 =	vmul.f32 v11, v9;
	v9 =	vor.u32 v1, v12;
	v12 =	vor.u32 s16, v8  }
0x313: {  	v14 =	vld [tilespmem:$0x8810];
	v17 =	vor.u32 s16, v9  }
0x314: {  	v1 =	vadd.f32 v11, v10;
	_ =	sdelay $0x1  }
0x315: {  	s16 =	simm.s32 $0x1;
	[tilespmem:$0x8A80] =	vst v1  }
0x316: {  	v10 =	vand.u32 $0x1000, v15;
	v15 =	vand.u32 $0x1000, v13;
	v13 =	vor.u32 s16, v8;
	v11 =	vld.idx.msk [tilespmem:v12+s15+$0x0], $0xffff  }
0x317: {  	v1 =	vadd.f32 v16, v14;
	v14 =	vor.u32 s16, v9;
	v12 =	vld.idx.msk [tilespmem:v17+s17+$0x0], $0xffff;
	_ =	sdelay $0x2  }
0x318: {  	vm0 =	veq.s32 v15, $0x0;
	s16 =	simm.s32 $0x2  }
.LBB2_52:
0x319: {  	vm1 =	veq.s32 v10, $0x0;
	v15 =	vunpack.i.u.bf16.f32 v11;
	v16 =	vmovc v11;
	v11 =	vld.idx.msk [tilespmem:v13+s15+$0x0], $0xffff;
	v13 =	vor.u32 s16, v8;
	p0 =	sne.s32 s16, $0x3F  }
.Ltmp25:
0x31a: {  	v17 =	vunpack.i.u.bf16.f32 v12;
	v18 =	vunpack.i.l.bf16.f32 v12;
	v16 =	vunpack.i.l.bf16.f32 v16;
	v12 =	vld.idx.msk [tilespmem:v14+s17+$0x0], $0xffff;
	(pc) =	sbr.rel @p0 .LBB2_52-.Ltmp25, $3  }
0x31b: {  	v14 =	vor.u32 s16, v9;
	s16 =	sadd.s32 $0x1, s16;
	v15 =	vsel vm1, v16, v15;
	v16 =	vsel vm0, v18, v17  }
0x31c: {  	v15 =	vmul.f32 v16, v15;
	_ =	sdelay $0x1  }
0x31d: {  	v1 =	vadd.f32 v15, v1  }
0x31e: {  	_ =	sdelay $0x3  }
0x31f: {  	v8 =	vld.idx.msk [tilespmem:v13+s15+$0x0], $0xffff  }
0x320: {  	v9 =	vunpack.i.u.bf16.f32 v11;
	v10 =	vld.idx.msk [tilespmem:v14+s17+$0x0], $0xffff  }
0x321: {  	v11 =	vunpack.i.l.bf16.f32 v11;
	v13 =	vunpack.i.u.bf16.f32 v12;
	v12 =	vunpack.i.l.bf16.f32 v12;
	v14 =	vld [tilespmem:$0x1A0]  }
0x322: {  	v9 =	vsel vm1, v11, v9;
	v11 =	vsel vm0, v12, v13;
	v12 =	vld [tilespmem:$0x3A0]  }
0x323: {  	v9 =	vmul.f32 v11, v9;
	_ =	sdelay $0x1  }
0x324: {  	v1 =	vadd.f32 v9, v1;
	v9 =	vunpack.i.u.bf16.f32 v8;
	v8 =	vunpack.i.l.bf16.f32 v8  }
0x325: {  	v11 =	vunpack.i.u.bf16.f32 v10;
	v9 =	vsel vm1, v8, v9;
	v8 =	vshrl.u32 v14, $0x7  }
0x326: {  	v10 =	vunpack.i.l.bf16.f32 v10;
	v13 =	vshrl.u32 v12, $0x7;
	v8 =	vand.u32 $0x40, v8  }
0x327: {  	s16 =	simm.s32 $0x0;
	v10 =	vsel vm0, v10, v11;
	v11 =	vand.u32 $0x40, v13;
	v13 =	vld [tilespmem:$0x8820];
	v8 =	vor.u32 v2, v8  }
0x328: {  	v9 =	vmul.f32 v10, v9;
	v10 =	vld [tilespmem:$0x88A0];
	v2 =	vor.u32 v2, v11;
	v11 =	vor.u32 s16, v8  }
0x329: {  	v15 =	vor.u32 s16, v2  }
0x32a: {  	v1 =	vadd.f32 v9, v1;
	_ =	sdelay $0x1  }
0x32b: {  	v9 =	vand.u32 $0x1000, v14;
	s16 =	simm.s32 $0x1;
	[tilespmem:$0x8A90] =	vst v1  }
0x32c: {  	v14 =	vand.u32 $0x1000, v12;
	v12 =	vor.u32 s16, v8;
	v1 =	vadd.f32 v10, v13;
	v10 =	vld.idx.msk [tilespmem:v11+s15+$0x0], $0xffff  }
0x32d: {  	v13 =	vor.u32 s16, v2;
	v11 =	vld.idx.msk [tilespmem:v15+s17+$0x0], $0xffff;
	_ =	sdelay $0x2  }
0x32e: {  	vm0 =	veq.s32 v14, $0x0;
	s16 =	simm.s32 $0x2  }
.LBB2_54:
0x32f: {  	vm1 =	veq.s32 v9, $0x0;
	v14 =	vunpack.i.u.bf16.f32 v10;
	v15 =	vmovc v10;
	v10 =	vld.idx.msk [tilespmem:v12+s15+$0x0], $0xffff;
	v12 =	vor.u32 s16, v8;
	p0 =	sne.s32 s16, $0x3F  }
.Ltmp26:
0x330: {  	v16 =	vunpack.i.u.bf16.f32 v11;
	v17 =	vunpack.i.l.bf16.f32 v11;
	v15 =	vunpack.i.l.bf16.f32 v15;
	v11 =	vld.idx.msk [tilespmem:v13+s17+$0x0], $0xffff;
	(pc) =	sbr.rel @p0 .LBB2_54-.Ltmp26, $3  }
0x331: {  	v13 =	vor.u32 s16, v2;
	s16 =	sadd.s32 $0x1, s16;
	v14 =	vsel vm1, v15, v14;
	v15 =	vsel vm0, v17, v16  }
0x332: {  	v14 =	vmul.f32 v15, v14;
	_ =	sdelay $0x1  }
0x333: {  	v1 =	vadd.f32 v14, v1  }
0x334: {  	_ =	sdelay $0x3  }
0x335: {  	v2 =	vld.idx.msk [tilespmem:v12+s15+$0x0], $0xffff  }
0x336: {  	v8 =	vunpack.i.u.bf16.f32 v10;
	v9 =	vld.idx.msk [tilespmem:v13+s17+$0x0], $0xffff  }
0x337: {  	v10 =	vunpack.i.l.bf16.f32 v10;
	v12 =	vunpack.i.u.bf16.f32 v11;
	v11 =	vunpack.i.l.bf16.f32 v11;
	v13 =	vld [tilespmem:$0x1B0]  }
0x338: {  	v8 =	vsel vm1, v10, v8;
	v10 =	vsel vm0, v11, v12;
	v11 =	vld [tilespmem:$0x3B0]  }
0x339: {  	v8 =	vmul.f32 v10, v8;
	_ =	sdelay $0x1  }
0x33a: {  	v1 =	vadd.f32 v8, v1;
	v8 =	vunpack.i.u.bf16.f32 v2;
	v2 =	vunpack.i.l.bf16.f32 v2  }
0x33b: {  	v10 =	vunpack.i.u.bf16.f32 v9;
	v8 =	vsel vm1, v2, v8;
	v2 =	vshrl.u32 v13, $0x7  }
0x33c: {  	v9 =	vunpack.i.l.bf16.f32 v9;
	v12 =	vshrl.u32 v11, $0x7;
	v2 =	vand.u32 $0x40, v2  }
0x33d: {  	s16 =	simm.s32 $0x0;
	v9 =	vsel vm0, v9, v10;
	v10 =	vand.u32 $0x40, v12;
	v12 =	vld [tilespmem:$0x8830];
	v2 =	vor.u32 v3, v2  }
0x33e: {  	v8 =	vmul.f32 v9, v8;
	v9 =	vld [tilespmem:$0x88B0];
	v3 =	vor.u32 v3, v10;
	v10 =	vor.u32 s16, v2  }
0x33f: {  	v14 =	vor.u32 s16, v3  }
0x340: {  	v1 =	vadd.f32 v8, v1;
	_ =	sdelay $0x1  }
0x341: {  	v8 =	vand.u32 $0x1000, v13;
	s16 =	simm.s32 $0x1;
	[tilespmem:$0x8AA0] =	vst v1  }
0x342: {  	v13 =	vand.u32 $0x1000, v11;
	v11 =	vor.u32 s16, v2;
	v1 =	vadd.f32 v9, v12;
	v9 =	vld.idx.msk [tilespmem:v10+s15+$0x0], $0xffff  }
0x343: {  	v12 =	vor.u32 s16, v3;
	v10 =	vld.idx.msk [tilespmem:v14+s17+$0x0], $0xffff;
	_ =	sdelay $0x2  }
0x344: {  	vm0 =	veq.s32 v13, $0x0;
	s16 =	simm.s32 $0x2  }
.LBB2_56:
0x345: {  	vm1 =	veq.s32 v8, $0x0;
	v13 =	vunpack.i.u.bf16.f32 v9;
	v14 =	vmovc v9;
	v9 =	vld.idx.msk [tilespmem:v11+s15+$0x0], $0xffff;
	v11 =	vor.u32 s16, v2;
	p0 =	sne.s32 s16, $0x3F  }
.Ltmp27:
0x346: {  	v15 =	vunpack.i.u.bf16.f32 v10;
	v16 =	vunpack.i.l.bf16.f32 v10;
	v14 =	vunpack.i.l.bf16.f32 v14;
	v10 =	vld.idx.msk [tilespmem:v12+s17+$0x0], $0xffff;
	(pc) =	sbr.rel @p0 .LBB2_56-.Ltmp27, $3  }
0x347: {  	v12 =	vor.u32 s16, v3;
	s16 =	sadd.s32 $0x1, s16;
	v13 =	vsel vm1, v14, v13;
	v14 =	vsel vm0, v16, v15  }
0x348: {  	v13 =	vmul.f32 v14, v13;
	_ =	sdelay $0x1  }
0x349: {  	v1 =	vadd.f32 v13, v1  }
0x34a: {  	_ =	sdelay $0x3  }
0x34b: {  	v2 =	vld.idx.msk [tilespmem:v11+s15+$0x0], $0xffff  }
0x34c: {  	v3 =	vunpack.i.u.bf16.f32 v9;
	v8 =	vld.idx.msk [tilespmem:v12+s17+$0x0], $0xffff  }
0x34d: {  	v9 =	vunpack.i.l.bf16.f32 v9;
	v11 =	vunpack.i.u.bf16.f32 v10;
	v10 =	vunpack.i.l.bf16.f32 v10;
	v62 =	vld [tilespmem:$0x1C0]  }
0x34e: {  	v3 =	vsel vm1, v9, v3;
	v9 =	vsel vm0, v10, v11;
	v10 =	vld [tilespmem:$0x3C0]  }
0x34f: {  	v3 =	vmul.f32 v9, v3;
	_ =	sdelay $0x1  }
0x350: {  	v1 =	vadd.f32 v3, v1;
	v3 =	vunpack.i.u.bf16.f32 v2;
	v2 =	vunpack.i.l.bf16.f32 v2  }
0x351: {  	v9 =	vunpack.i.u.bf16.f32 v8;
	v3 =	vsel vm1, v2, v3;
	v2 =	vshrl.u32 v62, $0x7  }
0x352: {  	v8 =	vunpack.i.l.bf16.f32 v8;
	v11 =	vshrl.u32 v10, $0x7;
	v2 =	vand.u32 $0x40, v2  }
0x353: {  	s16 =	simm.s32 $0x0;
	v8 =	vsel vm0, v8, v9;
	v9 =	vand.u32 $0x40, v11;
	v2 =	vor.u32 v4, v2  }
0x354: {  	v13 =	vld [tilespmem:$0x88C0];
	v8 =	vmul.f32 v8, v3;
	v3 =	vor.u32 v4, v9;
	v9 =	vor.u32 s16, v2  }
0x355: {  	v11 =	vld [tilespmem:$0x8840];
	v14 =	vor.u32 s16, v3  }
0x356: {  	v1 =	vadd.f32 v8, v1;
	_ =	sdelay $0x1  }
0x357: {  	s16 =	simm.s32 $0x1;
	[tilespmem:$0x8AB0] =	vst v1  }
0x358: {  	v63 =	vand.u32 $0x1000, v10;
	v10 =	vor.u32 s16, v2;
	v8 =	vld.idx.msk [tilespmem:v9+s15+$0x0], $0xffff  }
0x359: {  	v1 =	vadd.f32 v13, v11;
	v11 =	vor.u32 s16, v3;
	v9 =	vld.idx.msk [tilespmem:v14+s17+$0x0], $0xffff;
	_ =	sdelay $0x2  }
0x35a: {  	vm0 =	veq.s32 v63, $0x0;
	v4 =	vand.u32 $0x1000, v62;
	s16 =	simm.s32 $0x2  }
.LBB2_58:
0x35b: {  	vm1 =	veq.s32 v4, $0x0;
	v12 =	vunpack.i.u.bf16.f32 v8;
	v13 =	vmovc v8;
	v8 =	vld.idx.msk [tilespmem:v10+s15+$0x0], $0xffff;
	v10 =	vor.u32 s16, v2;
	p0 =	sne.s32 s16, $0x3F  }
.Ltmp28:
0x35c: {  	v14 =	vunpack.i.u.bf16.f32 v9;
	v15 =	vunpack.i.l.bf16.f32 v9;
	v13 =	vunpack.i.l.bf16.f32 v13;
	v9 =	vld.idx.msk [tilespmem:v11+s17+$0x0], $0xffff;
	(pc) =	sbr.rel @p0 .LBB2_58-.Ltmp28, $3  }
0x35d: {  	v11 =	vor.u32 s16, v3;
	s16 =	sadd.s32 $0x1, s16;
	v12 =	vsel vm1, v13, v12;
	v13 =	vsel vm0, v15, v14  }
0x35e: {  	v12 =	vmul.f32 v13, v12;
	_ =	sdelay $0x1  }
0x35f: {  	v1 =	vadd.f32 v12, v1  }
0x360: {  	_ =	sdelay $0x3  }
0x361: {  	v2 =	vld.idx.msk [tilespmem:v10+s15+$0x0], $0xffff  }
0x362: {  	v3 =	vunpack.i.u.bf16.f32 v8;
	v4 =	vld.idx.msk [tilespmem:v11+s17+$0x0], $0xffff  }
0x363: {  	v8 =	vunpack.i.l.bf16.f32 v8;
	v10 =	vunpack.i.u.bf16.f32 v9;
	v9 =	vunpack.i.l.bf16.f32 v9;
	v11 =	vld [tilespmem:$0x1D0]  }
0x364: {  	v3 =	vsel vm1, v8, v3;
	v8 =	vsel vm0, v9, v10;
	v9 =	vld [tilespmem:$0x3D0]  }
0x365: {  	v3 =	vmul.f32 v8, v3;
	_ =	sdelay $0x1  }
0x366: {  	v1 =	vadd.f32 v3, v1;
	v3 =	vunpack.i.u.bf16.f32 v2;
	v2 =	vunpack.i.l.bf16.f32 v2  }
0x367: {  	v8 =	vunpack.i.u.bf16.f32 v4;
	v3 =	vsel vm1, v2, v3;
	v2 =	vshrl.u32 v11, $0x7  }
0x368: {  	v4 =	vunpack.i.l.bf16.f32 v4;
	v10 =	vshrl.u32 v9, $0x7;
	v2 =	vand.u32 $0x40, v2  }
0x369: {  	s16 =	simm.s32 $0x0;
	v4 =	vsel vm0, v4, v8;
	v8 =	vand.u32 $0x40, v10;
	v2 =	vor.u32 v5, v2  }
0x36a: {  	v12 =	vld [tilespmem:$0x88D0];
	v4 =	vmul.f32 v4, v3;
	v3 =	vor.u32 v5, v8;
	v5 =	vor.u32 s16, v2  }
0x36b: {  	v10 =	vld [tilespmem:$0x8850];
	v8 =	vor.u32 s16, v3  }
0x36c: {  	v1 =	vadd.f32 v4, v1;
	_ =	sdelay $0x1  }
0x36d: {  	s16 =	simm.s32 $0x1;
	[tilespmem:$0x8AC0] =	vst v1  }
0x36e: {  	v4 =	vand.u32 $0x1000, v11;
	v11 =	vand.u32 $0x1000, v9;
	v9 =	vor.u32 s16, v2;
	v5 =	vld.idx.msk [tilespmem:v5+s15+$0x0], $0xffff  }
0x36f: {  	v1 =	vadd.f32 v12, v10;
	v10 =	vor.u32 s16, v3;
	v8 =	vld.idx.msk [tilespmem:v8+s17+$0x0], $0xffff;
	_ =	sdelay $0x2  }
0x370: {  	vm0 =	veq.s32 v11, $0x0;
	s16 =	simm.s32 $0x2  }
.LBB2_60:
0x371: {  	vm1 =	veq.s32 v4, $0x0;
	v11 =	vunpack.i.u.bf16.f32 v5;
	v12 =	vmovc v5;
	v5 =	vld.idx.msk [tilespmem:v9+s15+$0x0], $0xffff;
	v9 =	vor.u32 s16, v2;
	p0 =	sne.s32 s16, $0x3F  }
.Ltmp29:
0x372: {  	v13 =	vunpack.i.u.bf16.f32 v8;
	v14 =	vunpack.i.l.bf16.f32 v8;
	v12 =	vunpack.i.l.bf16.f32 v12;
	v8 =	vld.idx.msk [tilespmem:v10+s17+$0x0], $0xffff;
	(pc) =	sbr.rel @p0 .LBB2_60-.Ltmp29, $3  }
0x373: {  	v10 =	vor.u32 s16, v3;
	s16 =	sadd.s32 $0x1, s16;
	v11 =	vsel vm1, v12, v11;
	v12 =	vsel vm0, v14, v13  }
0x374: {  	v11 =	vmul.f32 v12, v11;
	_ =	sdelay $0x1  }
0x375: {  	v1 =	vadd.f32 v11, v1  }
0x376: {  	_ =	sdelay $0x3  }
0x377: {  	v2 =	vld.idx.msk [tilespmem:v9+s15+$0x0], $0xffff  }
0x378: {  	v3 =	vunpack.i.u.bf16.f32 v5;
	v4 =	vld.idx.msk [tilespmem:v10+s17+$0x0], $0xffff  }
0x379: {  	v5 =	vunpack.i.l.bf16.f32 v5;
	v9 =	vunpack.i.u.bf16.f32 v8;
	v8 =	vunpack.i.l.bf16.f32 v8;
	v10 =	vld [tilespmem:$0x1E0]  }
0x37a: {  	v3 =	vsel vm1, v5, v3;
	v5 =	vsel vm0, v8, v9;
	v8 =	vld [tilespmem:$0x3E0]  }
0x37b: {  	v3 =	vmul.f32 v5, v3;
	_ =	sdelay $0x1  }
0x37c: {  	v1 =	vadd.f32 v3, v1;
	v3 =	vunpack.i.u.bf16.f32 v2;
	v2 =	vunpack.i.l.bf16.f32 v2  }
0x37d: {  	v5 =	vunpack.i.u.bf16.f32 v4;
	v3 =	vsel vm1, v2, v3;
	v2 =	vshrl.u32 v10, $0x7  }
0x37e: {  	v4 =	vunpack.i.l.bf16.f32 v4;
	v9 =	vshrl.u32 v8, $0x7;
	v2 =	vand.u32 $0x40, v2  }
0x37f: {  	s16 =	simm.s32 $0x0;
	v4 =	vsel vm0, v4, v5;
	v5 =	vand.u32 $0x40, v9;
	v2 =	vor.u32 v6, v2  }
0x380: {  	v11 =	vld [tilespmem:$0x88E0];
	v4 =	vmul.f32 v4, v3;
	v3 =	vor.u32 v6, v5;
	v5 =	vor.u32 s16, v2  }
0x381: {  	v9 =	vld [tilespmem:$0x8860];
	v6 =	vor.u32 s16, v3  }
0x382: {  	v1 =	vadd.f32 v4, v1;
	_ =	sdelay $0x1  }
0x383: {  	s16 =	simm.s32 $0x1;
	[tilespmem:$0x8AD0] =	vst v1  }
0x384: {  	v4 =	vand.u32 $0x1000, v10;
	v10 =	vand.u32 $0x1000, v8;
	v8 =	vor.u32 s16, v2;
	v5 =	vld.idx.msk [tilespmem:v5+s15+$0x0], $0xffff  }
0x385: {  	v1 =	vadd.f32 v11, v9;
	v9 =	vor.u32 s16, v3;
	v6 =	vld.idx.msk [tilespmem:v6+s17+$0x0], $0xffff;
	_ =	sdelay $0x2  }
0x386: {  	vm0 =	veq.s32 v10, $0x0;
	s16 =	simm.s32 $0x2  }
.LBB2_62:
0x387: {  	vm1 =	veq.s32 v4, $0x0;
	v10 =	vunpack.i.u.bf16.f32 v5;
	v11 =	vmovc v5;
	v5 =	vld.idx.msk [tilespmem:v8+s15+$0x0], $0xffff;
	v8 =	vor.u32 s16, v2;
	p0 =	sne.s32 s16, $0x3F  }
.Ltmp30:
0x388: {  	v12 =	vunpack.i.u.bf16.f32 v6;
	v13 =	vunpack.i.l.bf16.f32 v6;
	v11 =	vunpack.i.l.bf16.f32 v11;
	v6 =	vld.idx.msk [tilespmem:v9+s17+$0x0], $0xffff;
	(pc) =	sbr.rel @p0 .LBB2_62-.Ltmp30, $3  }
0x389: {  	v9 =	vor.u32 s16, v3;
	s16 =	sadd.s32 $0x1, s16;
	v10 =	vsel vm1, v11, v10;
	v11 =	vsel vm0, v13, v12  }
0x38a: {  	v10 =	vmul.f32 v11, v10;
	_ =	sdelay $0x1  }
0x38b: {  	v1 =	vadd.f32 v10, v1  }
0x38c: {  	_ =	sdelay $0x3  }
0x38d: {  	v2 =	vld.idx.msk [tilespmem:v8+s15+$0x0], $0xffff  }
0x38e: {  	v3 =	vunpack.i.u.bf16.f32 v5;
	v4 =	vld.idx.msk [tilespmem:v9+s17+$0x0], $0xffff  }
0x38f: {  	v5 =	vunpack.i.l.bf16.f32 v5;
	v8 =	vunpack.i.u.bf16.f32 v6;
	v6 =	vunpack.i.l.bf16.f32 v6;
	v9 =	vld [tilespmem:$0x1F0]  }
0x390: {  	v3 =	vsel vm1, v5, v3;
	v5 =	vsel vm0, v6, v8;
	v6 =	vld [tilespmem:$0x3F0]  }
0x391: {  	v3 =	vmul.f32 v5, v3;
	_ =	sdelay $0x1  }
0x392: {  	v1 =	vadd.f32 v3, v1;
	v3 =	vunpack.i.u.bf16.f32 v2;
	v2 =	vunpack.i.l.bf16.f32 v2  }
0x393: {  	v5 =	vunpack.i.u.bf16.f32 v4;
	v3 =	vsel vm1, v2, v3;
	v2 =	vshrl.u32 v9, $0x7  }
0x394: {  	v4 =	vunpack.i.l.bf16.f32 v4;
	v8 =	vshrl.u32 v6, $0x7;
	v2 =	vand.u32 $0x40, v2  }
0x395: {  	s16 =	simm.s32 $0x0;
	v4 =	vsel vm0, v4, v5;
	v5 =	vand.u32 $0x40, v8;
	v2 =	vor.u32 v7, v2  }
0x396: {  	v10 =	vld [tilespmem:$0x88F0];
	v4 =	vmul.f32 v4, v3;
	v3 =	vor.u32 v7, v5;
	v5 =	vor.u32 s16, v2  }
0x397: {  	v8 =	vld [tilespmem:$0x8870];
	v11 =	vor.u32 s16, v3  }
0x398: {  	v1 =	vadd.f32 v4, v1;
	_ =	sdelay $0x1  }
0x399: {  	s16 =	simm.s32 $0x1;
	[tilespmem:$0x8AE0] =	vst v1  }
0x39a: {  	v4 =	vand.u32 $0x1000, v9;
	v7 =	vor.u32 s16, v2;
	v5 =	vld.idx.msk [tilespmem:v5+s15+$0x0], $0xffff  }
0x39b: {  	v9 =	vand.u32 $0x1000, v6;
	v1 =	vadd.f32 v10, v8;
	v8 =	vor.u32 s16, v3;
	v6 =	vld.idx.msk [tilespmem:v11+s17+$0x0], $0xffff;
	_ =	sdelay $0x2  }
0x39c: {  	vm0 =	veq.s32 v9, $0x0;
	s16 =	simm.s32 $0x2  }
.LBB2_64:
0x39d: {  	vm1 =	veq.s32 v4, $0x0;
	v9 =	vunpack.i.u.bf16.f32 v5;
	v10 =	vmovc v5;
	v5 =	vld.idx.msk [tilespmem:v7+s15+$0x0], $0xffff;
	v7 =	vor.u32 s16, v2;
	p0 =	sne.s32 s16, $0x3F  }
.Ltmp31:
0x39e: {  	v11 =	vunpack.i.u.bf16.f32 v6;
	v12 =	vunpack.i.l.bf16.f32 v6;
	v10 =	vunpack.i.l.bf16.f32 v10;
	v6 =	vld.idx.msk [tilespmem:v8+s17+$0x0], $0xffff;
	(pc) =	sbr.rel @p0 .LBB2_64-.Ltmp31, $3  }
0x39f: {  	v8 =	vor.u32 s16, v3;
	s16 =	sadd.s32 $0x1, s16;
	v9 =	vsel vm1, v10, v9;
	v10 =	vsel vm0, v12, v11  }
0x3a0: {  	v9 =	vmul.f32 v10, v9;
	_ =	sdelay $0x1  }
0x3a1: {  	v1 =	vadd.f32 v9, v1  }
0x3a2: {  	_ =	sdelay $0x3  }
0x3a3: {  	v2 =	vld.idx.msk [tilespmem:v7+s15+$0x0], $0xffff  }
0x3a4: {  	v3 =	vld.idx.msk [tilespmem:v8+s17+$0x0], $0xffff  }
0x3a5: {  	v4 =	vunpack.i.u.bf16.f32 v5  }
0x3a6: {  	v58 =	vunpack.i.l.bf16.f32 v5;
	v59 =	vunpack.i.u.bf16.f32 v6;
	v60 =	vunpack.i.l.bf16.f32 v6  }
0x3a7: {  	v4 =	vsel vm1, v58, v4;
	v61 =	vsel vm0, v60, v59  }
0x3a8: {  	v4 =	vmul.f32 v61, v4;
	v62 =	vunpack.i.u.bf16.f32 v2  }
0x3a9: {  	v2 =	vunpack.i.l.bf16.f32 v2;
	v63 =	vunpack.i.u.bf16.f32 v3;
	v3 =	vunpack.i.l.bf16.f32 v3  }
0x3aa: {  	v2 =	vsel vm1, v2, v62;
	v3 =	vsel vm0, v3, v63  }
0x3ab: {  	v1 =	vadd.f32 v4, v1;
	v2 =	vmul.f32 v3, v2;
	_ =	sdelay $0x1  }
0x3ac: {  	s14 =	sadd.s32 $0x1, s14;
	v1 =	vadd.f32 v2, v1  }
0x3ad: {  	p0 =	sne.s32 s14, s10  }
.Ltmp32:
0x3ae: {  	[tilespmem:$0x8AF0] =	vst v1;
	(pc) =	sbr.rel @p0 .LBB2_1-.Ltmp32, $4  }
0x3af: {  	[hbm4b:s9+s5] =	stream.linear.scatter [tilespmem:s6], [sflag:$0x2], $0x200, $0x38;
	[tilespmem:$0x8B00] =	vst v63  }
0x3b0: {  	_ =	swait.ge [sflag:s11], $0x200  }
0x3b1: {  	[sflag:s11] =	ssyncset.done $0x0  }
0x3b2: {  	[sflag:s11] =	ssyncadd.s32 $0xFFFFFE00  }
0x3b3: {  	_ =	sfence.sel $0x180000  }
0x3b4: {  	[bflag:$0x0] =	sbarrier.arrive $0xFFFF  }
0x3b5: {  	_ =	strace $0x90000047  }
0x3b6: {  	s0 =	stileid.u32;
	[bflag:$0x2] =	sbarrier.arrive $0xFFFF  }
0x3b7: {  	p0 =	sne.s32 s0, $0x0;
	s0 =	rddreg [dreg:$0x7]  }
0x3b8: {  	s0 =	sadd.s32 @!p0 $0x100000, s0  }
0x3b9: {  	[sflag:s0] =	ssyncadd.tile.s32 @!p0 $0x1;
	_ =	shalt  }
.Lfunc_end2:
_tile_overlayer_lowered:
.L_overlay_start_2:
0x3ba: {  	(tag) =	ssettag $0x2  }
0x3bb: {  	s0 =	rddreg [dreg:$0x0];
	s2 =	stileid.u32  }
0x3bc: {  	s1 =	rddreg [dreg:$0x1];
	p0 =	sne.s32 s2, $0x0  }
0x3bd: {  	s3 =	rddreg [dreg:$0x2];
	[bflag:$0x3] =	sbarrier.arrive $0xFFFF;
	s2 =	simm.s32 @!p0 $0x1C02  }
0x3be: {  	[timem:s3], [sflag:s2] =	dma.local @!p0 [hbm:s0], s1  }
0x3bf: {  	s0 =	simm.s32 @!p0 $0x2  }
0x3c0: {  	_ =	swait.ge @!p0 [sflag:s0], s1  }
0x3c1: {  	s1 =	ssub.s32 @!p0 $0x0, s1;
	[sflag:s0] =	ssyncset.done @!p0 $0x0  }
0x3c2: {  	[sflag:s0] =	ssyncadd.s32 @!p0 s1  }
0x3c3: {  	[bflag:$0x3] =	sbarrier.arrive $0xFFFF  }
0x3c4: {  	_ =	shalt  }

</sc_bundles>
